<compile_context>
chip_gen: v7x
topology: tpu7x:2x2x1
jax: 0.10.2.dev20260603
libtpu: 0.0.44.dev20260713+nightly
codegen_flags: <defaults>
</compile_context>

<pallas_src>
import functools

import jax
import jax.numpy as jnp
from jax.experimental import pallas as pl
from jax.experimental.pallas import tpu as pltpu
from jax.experimental.pallas import tpu_sc as plsc

STATE_DIM = 128
B = 8
N = 1250
K = 32
EPS = 1e-5

NPAD = 1280
ROWBLK = 128
NODESPAD = B * NPAD
NODEBLK = 128

NCHUNK = 4
BPC = B // NCHUNK
CHUNK_NODES = BPC * NPAD
CHUNK_EDGES = CHUNK_NODES * K
CHUNK_BLKS = CHUNK_NODES // NODEBLK


def _full_spec(shape):
    nd = len(shape)
    return pl.BlockSpec(shape, lambda *_: (0,) * nd)



def _knn_body(b_base, cands_ref, rows_ref, nbr_ref):
    r = pl.program_id(1)
    cands = cands_ref[0]
    rows = rows_ref[0]
    d = None
    for c in range(3):
        diff = cands[:, c:c + 1] - rows[c:c + 1, :]
        sq = diff * diff
        d = sq if d is None else d + sq
    cand_iota = jax.lax.broadcasted_iota(jnp.int32, (NPAD, ROWBLK), 0)
    row_glob = jax.lax.broadcasted_iota(jnp.int32, (NPAD, ROWBLK), 1) + r * ROWBLK
    d = jnp.where(cand_iota == row_glob, d + 1e10, d)
    k_iota = jax.lax.broadcasted_iota(jnp.int32, (K, ROWBLK), 0)

    acc = jnp.zeros((K, ROWBLK), jnp.int32)
    for k in range(K):
        m = jnp.min(d, axis=0, keepdims=True)
        ism = d == m
        idx = jnp.min(jnp.where(ism, cand_iota, jnp.int32(2 ** 30)), axis=0,
                      keepdims=True)
        d = jnp.where(cand_iota == idx, jnp.float32(3e38), d)
        acc = jnp.where(k_iota == k, idx, acc)
    b = pl.program_id(0) + b_base
    nbr_ref[0] = acc + b * NPAD


def _knn_call(pos_pad, pos_t, chunk):
    b0 = chunk * BPC
    return pl.pallas_call(
        functools.partial(_knn_body, b0),
        grid=(BPC, NPAD // ROWBLK),
        in_specs=[
            pl.BlockSpec((1, NPAD, 3), lambda b, r: (b + b0, 0, 0)),
            pl.BlockSpec((1, 3, ROWBLK), lambda b, r: (b + b0, 0, r)),
        ],
        out_specs=pl.BlockSpec((1, K, ROWBLK), lambda b, r: (b, 0, r)),
        out_shape=jax.ShapeDtypeStruct((BPC, K, NPAD), jnp.int32),
        compiler_params=pltpu.CompilerParams(
            dimension_semantics=("arbitrary", "arbitrary")),
    )(pos_pad, pos_t)



def _node_body(s_ref, pos_ref, wh1, bh1, wh2, bh2, wh3, bh3, ws, wp, b1,
               a_ref, c_ref):
    s = s_ref[...]
    pos = pos_ref[...]
    dot = functools.partial(jnp.dot, preferred_element_type=jnp.float32)
    h = jnp.maximum(dot(s, wh1[...]) + bh1[...], 0.0)
    h = jnp.maximum(dot(h, wh2[...]) + bh2[...], 0.0)
    dx = dot(h, wh3[...]) + bh3[...]
    av = dot(s, ws[...]) + dot(pos, wp[...])
    a_ref[...] = jnp.concatenate(
        [av, jnp.zeros((NODEBLK, 64), jnp.float32)], axis=1)
    c_ref[...] = b1[...] - dot(pos + dx, wp[...])


def _node_call(s_pad, pos_pad2, hw, f_ws, f_wp, f_b1):
    (wh1, bh1), (wh2, bh2), (wh3, bh3) = hw
    args = (s_pad, pos_pad2, wh1, bh1, wh2, bh2, wh3, bh3, f_ws, f_wp, f_b1)
    in_specs = [
        pl.BlockSpec((NODEBLK, STATE_DIM), lambda i: (i, 0)),
        pl.BlockSpec((NODEBLK, 3), lambda i: (i, 0)),
    ] + [_full_spec(a.shape) for a in args[2:]]
    return pl.pallas_call(
        _node_body,
        grid=(NODESPAD // NODEBLK,),
        in_specs=in_specs,
        out_specs=[
            pl.BlockSpec((NODEBLK, 128), lambda i: (i, 0)),
            pl.BlockSpec((NODEBLK, 64), lambda i: (i, 0)),
        ],
        out_shape=[
            jax.ShapeDtypeStruct((NODESPAD, 128), jnp.float32),
            jax.ShapeDtypeStruct((NODESPAD, 64), jnp.float32),
        ],
        compiler_params=pltpu.CompilerParams(
            dimension_semantics=("arbitrary",)),
    )(*args)



SC_CORES = 2
SC_SUBCORES = 16
SC_WORKERS = SC_CORES * SC_SUBCORES
SC_CHUNK = 128


def _sc_gather(a, idx):
    width = a.shape[1]
    n_idx = idx.shape[0]
    b_per_w = n_idx // SC_WORKERS
    mesh = plsc.VectorSubcoreMesh(core_axis_name="c", subcore_axis_name="s")

    @functools.partial(
        pl.kernel, mesh=mesh,
        out_type=jax.ShapeDtypeStruct((n_idx, width), a.dtype),
        scratch_types=[
            pltpu.VMEM((SC_CHUNK,), jnp.int32),
            pltpu.VMEM((SC_CHUNK, width), a.dtype),
            pltpu.SemaphoreType.DMA,
        ],
    )
    def gather_kernel(a_hbm, idx_hbm, out_hbm, idx_v, rows_v, sem):
        wid = jax.lax.axis_index("s") * SC_CORES + jax.lax.axis_index("c")
        base = wid * b_per_w

        @pl.loop(0, b_per_w, step=SC_CHUNK)
        def _(off):
            pltpu.sync_copy(idx_hbm.at[pl.ds(base + off, SC_CHUNK)], idx_v)
            pltpu.async_copy(a_hbm.at[idx_v], rows_v, sem).wait()
            pltpu.sync_copy(rows_v, out_hbm.at[pl.ds(base + off, SC_CHUNK)])

    return gather_kernel(a, idx)



def _edge_body(ag_ref, c_ref, s_ref, w2, b2, w3, b3,
               wg1, bg1, wg2, bg2, wg3, bg3,
               wc1, bc1, wc2, bc2, wr1, br1, wr2, br2, wf1, wf2, bf,
               out_ref):
    dot = functools.partial(jnp.dot, preferred_element_type=jnp.float32)
    ag = ag_ref[...][:, :64]
    c = c_ref[...]
    crep = jnp.broadcast_to(c[:, None, :], (NODEBLK, K, 64))
    crep = crep.reshape(NODEBLK * K, 64)
    h1 = jnp.maximum(ag + crep, 0.0)
    h2 = jnp.maximum(dot(h1, w2[...]) + b2[...], 0.0)
    e = dot(h2, w3[...]) + b3[...]
    agg = jnp.max(e.reshape(NODEBLK, K, STATE_DIM), axis=1)
    g = jnp.maximum(dot(agg, wg1[...]) + bg1[...], 0.0)
    g = jnp.maximum(dot(g, wg2[...]) + bg2[...], 0.0)
    x = s_ref[...] + dot(g, wg3[...]) + bg3[...]

    def inorm(v):
        m = jnp.mean(v, axis=-1, keepdims=True)
        var = jnp.mean((v - m) * (v - m), axis=-1, keepdims=True)
        return (v - m) / jnp.sqrt(var + EPS)

    y = x
    for w, b in ((wc1, bc1), (wc2, bc2)):
        y = jnp.maximum(inorm(dot(y, w[...]) + b[...]), 0.0)
    z = x
    for w, b in ((wr1, br1), (wr2, br2)):
        z = jnp.maximum(inorm(dot(z, w[...]) + b[...]), 0.0)
    out_ref[...] = dot(y, wf1[...]) + dot(z, wf2[...]) + bf[...]


def _edge_call(ag, c, s_pad, weights, chunk):
    blk0 = chunk * CHUNK_BLKS
    args = (ag, c, s_pad) + tuple(weights)
    in_specs = [
        pl.BlockSpec((NODEBLK * K, 128), lambda i: (i, 0)),
        pl.BlockSpec((NODEBLK, 64), lambda i: (i + blk0, 0)),
        pl.BlockSpec((NODEBLK, STATE_DIM), lambda i: (i + blk0, 0)),
    ] + [_full_spec(a.shape) for a in args[3:]]
    return pl.pallas_call(
        _edge_body,
        grid=(CHUNK_BLKS,),
        in_specs=in_specs,
        out_specs=pl.BlockSpec((NODEBLK, 8), lambda i: (i, 0)),
        out_shape=jax.ShapeDtypeStruct((CHUNK_NODES, 8), jnp.float32),
        compiler_params=pltpu.CompilerParams(
            dimension_semantics=("arbitrary",)),
    )(*args)



def _as2d(b):
    return b.reshape(1, -1)


def kernel(pooled_features, rois, roi_labels, params):
    del roi_labels
    pos_b = rois[..., :3]
    s_b = pooled_features

    pos_pad = jnp.pad(pos_b, ((0, 0), (0, NPAD - N), (0, 0)),
                      constant_values=1e9)
    pos_t = jnp.transpose(pos_pad, (0, 2, 1))
    s_pad = jnp.pad(s_b, ((0, 0), (0, NPAD - N), (0, 0))
                    ).reshape(NODESPAD, STATE_DIM)
    pos_pad2 = pos_pad.reshape(NODESPAD, 3)

    layer = params['layers'][2]
    hw = [(w, _as2d(b)) for (w, b) in layer['h']]
    (wf1, bf1), (wf2, bf2), (wf3, bf3) = layer['f']
    f_wp = wf1[:3]
    f_ws = wf1[3:]
    a, c = _node_call(s_pad, pos_pad2, hw, f_ws, f_wp, _as2d(bf1))

    (wg1, bg1), (wg2, bg2), (wg3, bg3) = layer['g']
    (wc1, bc1), (wc2, bc2) = params['cls_blocks']
    (wr1, br1), (wr2, br2) = params['reg_blocks']
    cfw, cfb = params['cls_final']
    rfw, rfb = params['reg_final']
    wfin1 = jnp.concatenate([cfw, jnp.zeros((STATE_DIM, 7), jnp.float32)], axis=1)
    wfin2 = jnp.concatenate([jnp.zeros((STATE_DIM, 1), jnp.float32), rfw], axis=1)
    bfin = _as2d(jnp.concatenate([cfb, rfb]))
    weights = (wf2, _as2d(bf2), wf3, _as2d(bf3),
               wg1, _as2d(bg1), wg2, _as2d(bg2), wg3, _as2d(bg3),
               wc1, _as2d(bc1), wc2, _as2d(bc2),
               wr1, _as2d(br1), wr2, _as2d(br2), wfin1, wfin2, bfin)

    outs = []
    for chunk in range(NCHUNK):
        nbr = _knn_call(pos_pad, pos_t, chunk)
        src = nbr.transpose(0, 2, 1).reshape(-1)
        ag = _sc_gather(a, src)
        outs.append(_edge_call(ag, c, s_pad, weights, chunk))

    out8 = jnp.concatenate(outs, axis=0)
    out8 = out8.reshape(B, NPAD, 8)[:, :N].reshape(B * N, 8)
    rcnn_cls = out8[:, :1]
    rcnn_reg = out8[:, 1:8]
    return (rcnn_cls, rcnn_reg)

# --- scband reference (transcript-rebuilt; emitter-appended) ---
"""Pipeline reference for scband-barefiner-47837345743305 (READ-ONLY COPY).

The authoritative reference and input builder live on the scoring server;
editing this copy changes nothing except your own understanding.
"""

import jax, jax.numpy as jnp
import numpy as np

STATE_DIM = 128
B = 8
N = 1250
K = 32
ITER = 3
EPS = 1e-5


def _dense(key, din, dout):
    w = jax.random.normal(key, (din, dout), dtype=jnp.float32) * (1.0 / np.sqrt(din))
    b = jnp.zeros((dout,), dtype=jnp.float32)
    return (w, b)


def _mlp_params(key, dims):
    keys = jax.random.split(key, len(dims) - 1)
    return [_dense(keys[i], dims[i], dims[i + 1]) for i in range(len(dims) - 1)]


def setup_inputs(seed: int = 0):
    key = jax.random.key(seed)
    ks = jax.random.split(key, 16)
    pooled_features = jax.random.normal(ks[0], (B, N, STATE_DIM), dtype=jnp.float32)
    rois = jax.random.uniform(ks[1], (B, N, 7), dtype=jnp.float32) * 50.0
    roi_labels = jax.random.randint(ks[2], (B, N), 1, 4)
    layers = []
    for it in range(ITER):
        kh, kf, kg = jax.random.split(ks[3 + it], 3)
        layers.append({
            'h': _mlp_params(kh, [STATE_DIM, STATE_DIM // 2, STATE_DIM // 4, 3]),
            'f': _mlp_params(kf, [STATE_DIM + 3, STATE_DIM // 2, STATE_DIM // 4, STATE_DIM]),
            'g': _mlp_params(kg, [STATE_DIM, STATE_DIM // 2, STATE_DIM // 4, STATE_DIM]),
        })
    kc1, kc2, kc3 = jax.random.split(ks[10], 3)
    kr1, kr2, kr3 = jax.random.split(ks[11], 3)
    params = {
        'layers': layers,
        'cls_blocks': [_dense(kc1, STATE_DIM, STATE_DIM), _dense(kc2, STATE_DIM, STATE_DIM)],
        'cls_final': _dense(kc3, STATE_DIM, 1),
        'reg_blocks': [_dense(kr1, STATE_DIM, STATE_DIM), _dense(kr2, STATE_DIM, STATE_DIM)],
        'reg_final': _dense(kr3, STATE_DIM, 7),
    }
    return {'pooled_features': pooled_features, 'rois': rois, 'roi_labels': roi_labels, 'params': params}


def _mlp(plist, x):
    n = len(plist)
    for i, (w, b) in enumerate(plist):
        x = x @ w + b
        if i < n - 1:
            x = jax.nn.relu(x)
    return x


def _inorm(x):
    # InstanceNorm1d(affine=False) applied to [1, B*N, D]: normalize over last dim
    m = jnp.mean(x, axis=-1, keepdims=True)
    v = jnp.var(x, axis=-1, keepdims=True)
    return (x - m) / jnp.sqrt(v + EPS)


def _knn_edges(pos):
    # pos: [B*N, 3]; knn_graph per batch, loop=False, flow source_to_target
    pos_b = pos.reshape(B, N, 3)
    diff = pos_b[:, :, None, :] - pos_b[:, None, :, :]
    d = jnp.sum(diff * diff, axis=-1)
    d = d + jnp.eye(N, dtype=d.dtype)[None] * 1e10
    _, nbr = jax.lax.top_k(-d, K)  # [B, N, K]
    offset = (jnp.arange(B) * N)[:, None, None]
    src = (nbr + offset).reshape(-1)  # j (neighbor / source)
    dst = (jnp.broadcast_to(jnp.arange(N)[None, :, None], (B, N, K)) + offset).reshape(-1)  # i (target)
    return src, dst


def _state_conv(s, pos, src, dst, p):
    delta_x_i = _mlp(p['h'], s[dst])
    tmp = jnp.concatenate([pos[src] - pos[dst] - delta_x_i, s[src]], axis=1)
    e_ij = _mlp(p['f'], tmp)
    agg = jax.ops.segment_max(e_ij, dst, num_segments=B * N)
    return s + _mlp(p['g'], agg)


def _head(x, blocks, final):
    for (w, b) in blocks:
        x = jax.nn.relu(_inorm(x @ w + b))
    fw, fb = final
    return x @ fw + fb


def reference(pooled_features, rois, roi_labels, params):
    pos = rois.reshape(B * N, 7)[:, :3]
    s = pooled_features.reshape(B * N, STATE_DIM)
    src, dst = _knn_edges(pos)
    x = s
    for it in range(ITER):
        # faithful to the original: each iteration uses the ORIGINAL pooled_features as s
        x = _state_conv(s, pos, src, dst, params['layers'][it])
    x = x[None]  # unsqueeze(0) -> [1, B*N, D]
    cls_pred = _head(x, params['cls_blocks'], params['cls_final'])
    reg_pred = _head(x, params['reg_blocks'], params['reg_final'])
    rcnn_cls = cls_pred.reshape(B * N, 1)
    rcnn_reg = reg_pred.reshape(B * N, 7)
    return (rcnn_cls, rcnn_reg)

if __name__ == "__main__":
    import jax
    _d = setup_inputs()
    print(jax.jit(kernel)(*tuple(_d.values())))

</pallas_src>

<mosaic_0001>
#map = affine_map<(d0, d1) -> (0, 0)>
#map1 = affine_map<(d0, d1) -> (0)>
module attributes {stable_mosaic.version = 14 : i64} {
  func.func @gather_kernel(%arg0: i32, %arg1: i32, %arg2: memref<10240x128xf32, #tpu.memory_space<hbm>>, %arg3: memref<81920xi32, #tpu.memory_space<hbm>>, %arg4: memref<81920x128xf32, #tpu.memory_space<hbm>>, %arg5: memref<128xi32, #tpu.memory_space<vmem>>, %arg6: memref<128x128xf32, #tpu.memory_space<vmem>>, %arg7: memref<!tpu.dma_semaphore, #tpu.memory_space<semaphore_mem>>) attributes {dimension_semantics = [#tpu.dimension_semantics<core_parallel>, #tpu.dimension_semantics<subcore_parallel>], iteration_bounds = array<i64: 2, 16>, scalar_prefetch = 0 : i64, scratch_operands = 3 : i64, tpu.core_type = #tpu.core_type<sc_vector_subcore>, window_params = [{transform_indices = #map}, {transform_indices = #map1}, {transform_indices = #map}]} {
    %mul3A = arith.constant 2 : i32
    %mul3A_0 = arith.muli %arg1, %mul3A : i32
    %add3A = arith.addi %mul3A_0, %arg0 : i32
    %mul3A_1 = arith.constant 2560 : i32
    %mul3A_2 = arith.muli %add3A, %mul3A_1 : i32
    %scan3A = arith.constant 0 : i32
    %scan3A_3 = arith.constant 20 : i32
    %scan3A_4 = arith.addi %scan3A, %scan3A_3 : i32
    %scan3A_5 = arith.constant 1 : i32
    scf.for %scan3A_7 = %scan3A to %scan3A_4 step %scan3A_5  : i32 {
      %mul3A_8 = arith.constant 128 : i32
      %mul3A_9 = arith.muli %scan3A_7, %mul3A_8 : i32
      %add3A_10 = arith.constant 0 : i32
      %add3A_11 = arith.addi %add3A_10, %mul3A_9 : i32
      %add3A_12 = arith.addi %mul3A_2, %add3A_11 : i32
      "tpu.region"() ({
        %run_scoped3A = tpu.sem_alloc : memref<!tpu.dma_semaphore, #tpu.memory_space<semaphore_mem>>
        %dma_start3A_18 = tpu.memref_slice %arg3[%add3A_12] : memref<81920xi32, #tpu.memory_space<hbm>> -> memref<128xi32, #tpu.memory_space<hbm>>
        %dma_start3A_19 = tpu.memref_slice %arg3[%add3A_12] : memref<81920xi32, #tpu.memory_space<hbm>> -> memref<128xi32, #tpu.memory_space<hbm>>
        tpu.enqueue_dma source(%dma_start3A_19 : memref<128xi32, #tpu.memory_space<hbm>>) target(%arg5 : memref<128xi32, #tpu.memory_space<vmem>>) target_semaphore(%run_scoped3A : memref<!tpu.dma_semaphore, #tpu.memory_space<semaphore_mem>>)
        %dma_wait3A_20 = tpu.memref_slice %arg3[%add3A_12] : memref<81920xi32, #tpu.memory_space<hbm>> -> memref<128xi32, #tpu.memory_space<hbm>>
        %dma_wait3A_21 = tpu.memref_slice %arg3[%add3A_12] : memref<81920xi32, #tpu.memory_space<hbm>> -> memref<128xi32, #tpu.memory_space<hbm>>
        tpu.wait_dma2 semaphore(%run_scoped3A : memref<!tpu.dma_semaphore, #tpu.memory_space<semaphore_mem>>) src(%dma_wait3A_21 : memref<128xi32, #tpu.memory_space<hbm>>) dst(%arg5 : memref<128xi32, #tpu.memory_space<vmem>>)
        tpu.yield
      }) : () -> ()
      %dma_start3A = arith.constant 0 : i32
      %dma_start3A_13 = arith.constant 0 : i32
      %dma_start3A_14 = tpu.memref_slice %arg2[%dma_start3A, %dma_start3A_13] : memref<10240x128xf32, #tpu.memory_space<hbm>> -> memref<10240x128xf32, #tpu.memory_space<hbm>>
      tpu.enqueue_indirect_dma source(%dma_start3A_14 : memref<10240x128xf32, #tpu.memory_space<hbm>>) target(%arg6 : memref<128x128xf32, #tpu.memory_space<vmem>>) offsets(%arg5 : memref<128xi32, #tpu.memory_space<vmem>>) semaphore(%arg7 : memref<!tpu.dma_semaphore, #tpu.memory_space<semaphore_mem>>)
      %dma_wait3A = arith.constant 0 : i32
      %dma_wait3A_15 = arith.constant 0 : i32
      %dma_wait3A_16 = tpu.memref_slice %arg2[%dma_wait3A, %dma_wait3A_15] : memref<10240x128xf32, #tpu.memory_space<hbm>> -> memref<10240x128xf32, #tpu.memory_space<hbm>>
      tpu.wait_indirect_dma semaphore(%arg7 : memref<!tpu.dma_semaphore, #tpu.memory_space<semaphore_mem>>) src(%dma_wait3A_16 : memref<10240x128xf32, #tpu.memory_space<hbm>>) dst(%arg6 : memref<128x128xf32, #tpu.memory_space<vmem>>)
      %add3A_17 = arith.addi %mul3A_2, %add3A_11 : i32
      "tpu.region"() ({
        %run_scoped3A = tpu.sem_alloc : memref<!tpu.dma_semaphore, #tpu.memory_space<semaphore_mem>>
        %dma_start3A_18 = arith.constant 0 : i32
        %dma_start3A_19 = tpu.memref_slice %arg4[%add3A_17, %dma_start3A_18] : memref<81920x128xf32, #tpu.memory_space<hbm>> -> memref<128x128xf32, #tpu.memory_space<hbm>>
        %dma_start3A_20 = arith.constant 0 : i32
        %dma_start3A_21 = tpu.memref_slice %arg4[%add3A_17, %dma_start3A_20] : memref<81920x128xf32, #tpu.memory_space<hbm>> -> memref<128x128xf32, #tpu.memory_space<hbm>>
        tpu.enqueue_dma source(%arg6 : memref<128x128xf32, #tpu.memory_space<vmem>>) target(%dma_start3A_21 : memref<128x128xf32, #tpu.memory_space<hbm>>) target_semaphore(%run_scoped3A : memref<!tpu.dma_semaphore, #tpu.memory_space<semaphore_mem>>)
        %dma_wait3A_22 = arith.constant 0 : i32
        %dma_wait3A_23 = tpu.memref_slice %arg4[%add3A_17, %dma_wait3A_22] : memref<81920x128xf32, #tpu.memory_space<hbm>> -> memref<128x128xf32, #tpu.memory_space<hbm>>
        %dma_wait3A_24 = arith.constant 0 : i32
        %dma_wait3A_25 = tpu.memref_slice %arg4[%add3A_17, %dma_wait3A_24] : memref<81920x128xf32, #tpu.memory_space<hbm>> -> memref<128x128xf32, #tpu.memory_space<hbm>>
        tpu.wait_dma2 semaphore(%run_scoped3A : memref<!tpu.dma_semaphore, #tpu.memory_space<semaphore_mem>>) src(%arg6 : memref<128x128xf32, #tpu.memory_space<vmem>>) dst(%dma_wait3A_25 : memref<128x128xf32, #tpu.memory_space<hbm>>)
        tpu.yield
      }) : () -> ()
    }
    %scan3A_6 = arith.constant 20 : i32
    return
  }
}

#map = affine_map<(d0, d1) -> (0, 0)>
#map1 = affine_map<(d0, d1) -> (0)>
module attributes {stable_mosaic.version = 14 : i64} {
  func.func @gather_kernel(%arg0: i32, %arg1: i32, %arg2: memref<10240x128xf32, #tpu.memory_space<hbm>>, %arg3: memref<81920xi32, #tpu.memory_space<hbm>>, %arg4: memref<81920x128xf32, #tpu.memory_space<hbm>>, %arg5: memref<128xi32, #tpu.memory_space<vmem>>, %arg6: memref<128x128xf32, #tpu.memory_space<vmem>>, %arg7: memref<!tpu.dma_semaphore, #tpu.memory_space<semaphore_mem>>) attributes {dimension_semantics = [#tpu.dimension_semantics<core_parallel>, #tpu.dimension_semantics<subcore_parallel>], iteration_bounds = array<i64: 2, 16>, scalar_prefetch = 0 : i64, scratch_operands = 3 : i64, tpu.core_type = #tpu.core_type<sc_vector_subcore>, window_params = [{transform_indices = #map}, {transform_indices = #map1}, {transform_indices = #map}]} {
    %mul3A = arith.constant 2 : i32
    %mul3A_0 = arith.muli %arg1, %mul3A : i32
    %add3A = arith.addi %mul3A_0, %arg0 : i32
    %mul3A_1 = arith.constant 2560 : i32
    %mul3A_2 = arith.muli %add3A, %mul3A_1 : i32
    %scan3A = arith.constant 0 : i32
    %scan3A_3 = arith.constant 20 : i32
    %scan3A_4 = arith.addi %scan3A, %scan3A_3 : i32
    %scan3A_5 = arith.constant 1 : i32
    scf.for %scan3A_7 = %scan3A to %scan3A_4 step %scan3A_5  : i32 {
      %mul3A_8 = arith.constant 128 : i32
      %mul3A_9 = arith.muli %scan3A_7, %mul3A_8 : i32
      %add3A_10 = arith.constant 0 : i32
      %add3A_11 = arith.addi %add3A_10, %mul3A_9 : i32
      %add3A_12 = arith.addi %mul3A_2, %add3A_11 : i32
      "tpu.region"() ({
        %run_scoped3A = tpu.sem_alloc : memref<!tpu.dma_semaphore, #tpu.memory_space<semaphore_mem>>
        %dma_start3A_18 = tpu.memref_slice %arg3[%add3A_12] : memref<81920xi32, #tpu.memory_space<hbm>> -> memref<128xi32, #tpu.memory_space<hbm>>
        %dma_start3A_19 = tpu.memref_slice %arg3[%add3A_12] : memref<81920xi32, #tpu.memory_space<hbm>> -> memref<128xi32, #tpu.memory_space<hbm>>
        tpu.enqueue_dma source(%dma_start3A_19 : memref<128xi32, #tpu.memory_space<hbm>>) target(%arg5 : memref<128xi32, #tpu.memory_space<vmem>>) target_semaphore(%run_scoped3A : memref<!tpu.dma_semaphore, #tpu.memory_space<semaphore_mem>>)
        %dma_wait3A_20 = tpu.memref_slice %arg3[%add3A_12] : memref<81920xi32, #tpu.memory_space<hbm>> -> memref<128xi32, #tpu.memory_space<hbm>>
        %dma_wait3A_21 = tpu.memref_slice %arg3[%add3A_12] : memref<81920xi32, #tpu.memory_space<hbm>> -> memref<128xi32, #tpu.memory_space<hbm>>
        tpu.wait_dma2 semaphore(%run_scoped3A : memref<!tpu.dma_semaphore, #tpu.memory_space<semaphore_mem>>) src(%dma_wait3A_21 : memref<128xi32, #tpu.memory_space<hbm>>) dst(%arg5 : memref<128xi32, #tpu.memory_space<vmem>>)
        tpu.yield
      }) : () -> ()
      %dma_start3A = arith.constant 0 : i32
      %dma_start3A_13 = arith.constant 0 : i32
      %dma_start3A_14 = tpu.memref_slice %arg2[%dma_start3A, %dma_start3A_13] : memref<10240x128xf32, #tpu.memory_space<hbm>> -> memref<10240x128xf32, #tpu.memory_space<hbm>>
      tpu.enqueue_indirect_dma source(%dma_start3A_14 : memref<10240x128xf32, #tpu.memory_space<hbm>>) target(%arg6 : memref<128x128xf32, #tpu.memory_space<vmem>>) offsets(%arg5 : memref<128xi32, #tpu.memory_space<vmem>>) semaphore(%arg7 : memref<!tpu.dma_semaphore, #tpu.memory_space<semaphore_mem>>)
      %dma_wait3A = arith.constant 0 : i32
      %dma_wait3A_15 = arith.constant 0 : i32
      %dma_wait3A_16 = tpu.memref_slice %arg2[%dma_wait3A, %dma_wait3A_15] : memref<10240x128xf32, #tpu.memory_space<hbm>> -> memref<10240x128xf32, #tpu.memory_space<hbm>>
      tpu.wait_indirect_dma semaphore(%arg7 : memref<!tpu.dma_semaphore, #tpu.memory_space<semaphore_mem>>) src(%dma_wait3A_16 : memref<10240x128xf32, #tpu.memory_space<hbm>>) dst(%arg6 : memref<128x128xf32, #tpu.memory_space<vmem>>)
      %add3A_17 = arith.addi %mul3A_2, %add3A_11 : i32
      "tpu.region"() ({
        %run_scoped3A = tpu.sem_alloc : memref<!tpu.dma_semaphore, #tpu.memory_space<semaphore_mem>>
        %dma_start3A_18 = arith.constant 0 : i32
        %dma_start3A_19 = tpu.memref_slice %arg4[%add3A_17, %dma_start3A_18] : memref<81920x128xf32, #tpu.memory_space<hbm>> -> memref<128x128xf32, #tpu.memory_space<hbm>>
        %dma_start3A_20 = arith.constant 0 : i32
        %dma_start3A_21 = tpu.memref_slice %arg4[%add3A_17, %dma_start3A_20] : memref<81920x128xf32, #tpu.memory_space<hbm>> -> memref<128x128xf32, #tpu.memory_space<hbm>>
        tpu.enqueue_dma source(%arg6 : memref<128x128xf32, #tpu.memory_space<vmem>>) target(%dma_start3A_21 : memref<128x128xf32, #tpu.memory_space<hbm>>) target_semaphore(%run_scoped3A : memref<!tpu.dma_semaphore, #tpu.memory_space<semaphore_mem>>)
        %dma_wait3A_22 = arith.constant 0 : i32
        %dma_wait3A_23 = tpu.memref_slice %arg4[%add3A_17, %dma_wait3A_22] : memref<81920x128xf32, #tpu.memory_space<hbm>> -> memref<128x128xf32, #tpu.memory_space<hbm>>
        %dma_wait3A_24 = arith.constant 0 : i32
        %dma_wait3A_25 = tpu.memref_slice %arg4[%add3A_17, %dma_wait3A_24] : memref<81920x128xf32, #tpu.memory_space<hbm>> -> memref<128x128xf32, #tpu.memory_space<hbm>>
        tpu.wait_dma2 semaphore(%run_scoped3A : memref<!tpu.dma_semaphore, #tpu.memory_space<semaphore_mem>>) src(%arg6 : memref<128x128xf32, #tpu.memory_space<vmem>>) dst(%dma_wait3A_25 : memref<128x128xf32, #tpu.memory_space<hbm>>)
        tpu.yield
      }) : () -> ()
    }
    %scan3A_6 = arith.constant 20 : i32
    return
  }
}

#map = affine_map<(d0, d1) -> (0, 0)>
#map1 = affine_map<(d0, d1) -> (0)>
module attributes {stable_mosaic.version = 14 : i64} {
  func.func @gather_kernel(%arg0: i32, %arg1: i32, %arg2: memref<10240x128xf32, #tpu.memory_space<hbm>>, %arg3: memref<81920xi32, #tpu.memory_space<hbm>>, %arg4: memref<81920x128xf32, #tpu.memory_space<hbm>>, %arg5: memref<128xi32, #tpu.memory_space<vmem>>, %arg6: memref<128x128xf32, #tpu.memory_space<vmem>>, %arg7: memref<!tpu.dma_semaphore, #tpu.memory_space<semaphore_mem>>) attributes {dimension_semantics = [#tpu.dimension_semantics<core_parallel>, #tpu.dimension_semantics<subcore_parallel>], iteration_bounds = array<i64: 2, 16>, scalar_prefetch = 0 : i64, scratch_operands = 3 : i64, tpu.core_type = #tpu.core_type<sc_vector_subcore>, window_params = [{transform_indices = #map}, {transform_indices = #map1}, {transform_indices = #map}]} {
    %mul3A = arith.constant 2 : i32
    %mul3A_0 = arith.muli %arg1, %mul3A : i32
    %add3A = arith.addi %mul3A_0, %arg0 : i32
    %mul3A_1 = arith.constant 2560 : i32
    %mul3A_2 = arith.muli %add3A, %mul3A_1 : i32
    %scan3A = arith.constant 0 : i32
    %scan3A_3 = arith.constant 20 : i32
    %scan3A_4 = arith.addi %scan3A, %scan3A_3 : i32
    %scan3A_5 = arith.constant 1 : i32
    scf.for %scan3A_7 = %scan3A to %scan3A_4 step %scan3A_5  : i32 {
      %mul3A_8 = arith.constant 128 : i32
      %mul3A_9 = arith.muli %scan3A_7, %mul3A_8 : i32
      %add3A_10 = arith.constant 0 : i32
      %add3A_11 = arith.addi %add3A_10, %mul3A_9 : i32
      %add3A_12 = arith.addi %mul3A_2, %add3A_11 : i32
      "tpu.region"() ({
        %run_scoped3A = tpu.sem_alloc : memref<!tpu.dma_semaphore, #tpu.memory_space<semaphore_mem>>
        %dma_start3A_18 = tpu.memref_slice %arg3[%add3A_12] : memref<81920xi32, #tpu.memory_space<hbm>> -> memref<128xi32, #tpu.memory_space<hbm>>
        %dma_start3A_19 = tpu.memref_slice %arg3[%add3A_12] : memref<81920xi32, #tpu.memory_space<hbm>> -> memref<128xi32, #tpu.memory_space<hbm>>
        tpu.enqueue_dma source(%dma_start3A_19 : memref<128xi32, #tpu.memory_space<hbm>>) target(%arg5 : memref<128xi32, #tpu.memory_space<vmem>>) target_semaphore(%run_scoped3A : memref<!tpu.dma_semaphore, #tpu.memory_space<semaphore_mem>>)
        %dma_wait3A_20 = tpu.memref_slice %arg3[%add3A_12] : memref<81920xi32, #tpu.memory_space<hbm>> -> memref<128xi32, #tpu.memory_space<hbm>>
        %dma_wait3A_21 = tpu.memref_slice %arg3[%add3A_12] : memref<81920xi32, #tpu.memory_space<hbm>> -> memref<128xi32, #tpu.memory_space<hbm>>
        tpu.wait_dma2 semaphore(%run_scoped3A : memref<!tpu.dma_semaphore, #tpu.memory_space<semaphore_mem>>) src(%dma_wait3A_21 : memref<128xi32, #tpu.memory_space<hbm>>) dst(%arg5 : memref<128xi32, #tpu.memory_space<vmem>>)
        tpu.yield
      }) : () -> ()
      %dma_start3A = arith.constant 0 : i32
      %dma_start3A_13 = arith.constant 0 : i32
      %dma_start3A_14 = tpu.memref_slice %arg2[%dma_start3A, %dma_start3A_13] : memref<10240x128xf32, #tpu.memory_space<hbm>> -> memref<10240x128xf32, #tpu.memory_space<hbm>>
      tpu.enqueue_indirect_dma source(%dma_start3A_14 : memref<10240x128xf32, #tpu.memory_space<hbm>>) target(%arg6 : memref<128x128xf32, #tpu.memory_space<vmem>>) offsets(%arg5 : memref<128xi32, #tpu.memory_space<vmem>>) semaphore(%arg7 : memref<!tpu.dma_semaphore, #tpu.memory_space<semaphore_mem>>)
      %dma_wait3A = arith.constant 0 : i32
      %dma_wait3A_15 = arith.constant 0 : i32
      %dma_wait3A_16 = tpu.memref_slice %arg2[%dma_wait3A, %dma_wait3A_15] : memref<10240x128xf32, #tpu.memory_space<hbm>> -> memref<10240x128xf32, #tpu.memory_space<hbm>>
      tpu.wait_indirect_dma semaphore(%arg7 : memref<!tpu.dma_semaphore, #tpu.memory_space<semaphore_mem>>) src(%dma_wait3A_16 : memref<10240x128xf32, #tpu.memory_space<hbm>>) dst(%arg6 : memref<128x128xf32, #tpu.memory_space<vmem>>)
      %add3A_17 = arith.addi %mul3A_2, %add3A_11 : i32
      "tpu.region"() ({
        %run_scoped3A = tpu.sem_alloc : memref<!tpu.dma_semaphore, #tpu.memory_space<semaphore_mem>>
        %dma_start3A_18 = arith.constant 0 : i32
        %dma_start3A_19 = tpu.memref_slice %arg4[%add3A_17, %dma_start3A_18] : memref<81920x128xf32, #tpu.memory_space<hbm>> -> memref<128x128xf32, #tpu.memory_space<hbm>>
        %dma_start3A_20 = arith.constant 0 : i32
        %dma_start3A_21 = tpu.memref_slice %arg4[%add3A_17, %dma_start3A_20] : memref<81920x128xf32, #tpu.memory_space<hbm>> -> memref<128x128xf32, #tpu.memory_space<hbm>>
        tpu.enqueue_dma source(%arg6 : memref<128x128xf32, #tpu.memory_space<vmem>>) target(%dma_start3A_21 : memref<128x128xf32, #tpu.memory_space<hbm>>) target_semaphore(%run_scoped3A : memref<!tpu.dma_semaphore, #tpu.memory_space<semaphore_mem>>)
        %dma_wait3A_22 = arith.constant 0 : i32
        %dma_wait3A_23 = tpu.memref_slice %arg4[%add3A_17, %dma_wait3A_22] : memref<81920x128xf32, #tpu.memory_space<hbm>> -> memref<128x128xf32, #tpu.memory_space<hbm>>
        %dma_wait3A_24 = arith.constant 0 : i32
        %dma_wait3A_25 = tpu.memref_slice %arg4[%add3A_17, %dma_wait3A_24] : memref<81920x128xf32, #tpu.memory_space<hbm>> -> memref<128x128xf32, #tpu.memory_space<hbm>>
        tpu.wait_dma2 semaphore(%run_scoped3A : memref<!tpu.dma_semaphore, #tpu.memory_space<semaphore_mem>>) src(%arg6 : memref<128x128xf32, #tpu.memory_space<vmem>>) dst(%dma_wait3A_25 : memref<128x128xf32, #tpu.memory_space<hbm>>)
        tpu.yield
      }) : () -> ()
    }
    %scan3A_6 = arith.constant 20 : i32
    return
  }
}

#map = affine_map<(d0, d1) -> (0, 0)>
#map1 = affine_map<(d0, d1) -> (0)>
module attributes {stable_mosaic.version = 14 : i64} {
  func.func @gather_kernel(%arg0: i32, %arg1: i32, %arg2: memref<10240x128xf32, #tpu.memory_space<hbm>>, %arg3: memref<81920xi32, #tpu.memory_space<hbm>>, %arg4: memref<81920x128xf32, #tpu.memory_space<hbm>>, %arg5: memref<128xi32, #tpu.memory_space<vmem>>, %arg6: memref<128x128xf32, #tpu.memory_space<vmem>>, %arg7: memref<!tpu.dma_semaphore, #tpu.memory_space<semaphore_mem>>) attributes {dimension_semantics = [#tpu.dimension_semantics<core_parallel>, #tpu.dimension_semantics<subcore_parallel>], iteration_bounds = array<i64: 2, 16>, scalar_prefetch = 0 : i64, scratch_operands = 3 : i64, tpu.core_type = #tpu.core_type<sc_vector_subcore>, window_params = [{transform_indices = #map}, {transform_indices = #map1}, {transform_indices = #map}]} {
    %mul3A = arith.constant 2 : i32
    %mul3A_0 = arith.muli %arg1, %mul3A : i32
    %add3A = arith.addi %mul3A_0, %arg0 : i32
    %mul3A_1 = arith.constant 2560 : i32
    %mul3A_2 = arith.muli %add3A, %mul3A_1 : i32
    %scan3A = arith.constant 0 : i32
    %scan3A_3 = arith.constant 20 : i32
    %scan3A_4 = arith.addi %scan3A, %scan3A_3 : i32
    %scan3A_5 = arith.constant 1 : i32
    scf.for %scan3A_7 = %scan3A to %scan3A_4 step %scan3A_5  : i32 {
      %mul3A_8 = arith.constant 128 : i32
      %mul3A_9 = arith.muli %scan3A_7, %mul3A_8 : i32
      %add3A_10 = arith.constant 0 : i32
      %add3A_11 = arith.addi %add3A_10, %mul3A_9 : i32
      %add3A_12 = arith.addi %mul3A_2, %add3A_11 : i32
      "tpu.region"() ({
        %run_scoped3A = tpu.sem_alloc : memref<!tpu.dma_semaphore, #tpu.memory_space<semaphore_mem>>
        %dma_start3A_18 = tpu.memref_slice %arg3[%add3A_12] : memref<81920xi32, #tpu.memory_space<hbm>> -> memref<128xi32, #tpu.memory_space<hbm>>
        %dma_start3A_19 = tpu.memref_slice %arg3[%add3A_12] : memref<81920xi32, #tpu.memory_space<hbm>> -> memref<128xi32, #tpu.memory_space<hbm>>
        tpu.enqueue_dma source(%dma_start3A_19 : memref<128xi32, #tpu.memory_space<hbm>>) target(%arg5 : memref<128xi32, #tpu.memory_space<vmem>>) target_semaphore(%run_scoped3A : memref<!tpu.dma_semaphore, #tpu.memory_space<semaphore_mem>>)
        %dma_wait3A_20 = tpu.memref_slice %arg3[%add3A_12] : memref<81920xi32, #tpu.memory_space<hbm>> -> memref<128xi32, #tpu.memory_space<hbm>>
        %dma_wait3A_21 = tpu.memref_slice %arg3[%add3A_12] : memref<81920xi32, #tpu.memory_space<hbm>> -> memref<128xi32, #tpu.memory_space<hbm>>
        tpu.wait_dma2 semaphore(%run_scoped3A : memref<!tpu.dma_semaphore, #tpu.memory_space<semaphore_mem>>) src(%dma_wait3A_21 : memref<128xi32, #tpu.memory_space<hbm>>) dst(%arg5 : memref<128xi32, #tpu.memory_space<vmem>>)
        tpu.yield
      }) : () -> ()
      %dma_start3A = arith.constant 0 : i32
      %dma_start3A_13 = arith.constant 0 : i32
      %dma_start3A_14 = tpu.memref_slice %arg2[%dma_start3A, %dma_start3A_13] : memref<10240x128xf32, #tpu.memory_space<hbm>> -> memref<10240x128xf32, #tpu.memory_space<hbm>>
      tpu.enqueue_indirect_dma source(%dma_start3A_14 : memref<10240x128xf32, #tpu.memory_space<hbm>>) target(%arg6 : memref<128x128xf32, #tpu.memory_space<vmem>>) offsets(%arg5 : memref<128xi32, #tpu.memory_space<vmem>>) semaphore(%arg7 : memref<!tpu.dma_semaphore, #tpu.memory_space<semaphore_mem>>)
      %dma_wait3A = arith.constant 0 : i32
      %dma_wait3A_15 = arith.constant 0 : i32
      %dma_wait3A_16 = tpu.memref_slice %arg2[%dma_wait3A, %dma_wait3A_15] : memref<10240x128xf32, #tpu.memory_space<hbm>> -> memref<10240x128xf32, #tpu.memory_space<hbm>>
      tpu.wait_indirect_dma semaphore(%arg7 : memref<!tpu.dma_semaphore, #tpu.memory_space<semaphore_mem>>) src(%dma_wait3A_16 : memref<10240x128xf32, #tpu.memory_space<hbm>>) dst(%arg6 : memref<128x128xf32, #tpu.memory_space<vmem>>)
      %add3A_17 = arith.addi %mul3A_2, %add3A_11 : i32
      "tpu.region"() ({
        %run_scoped3A = tpu.sem_alloc : memref<!tpu.dma_semaphore, #tpu.memory_space<semaphore_mem>>
        %dma_start3A_18 = arith.constant 0 : i32
        %dma_start3A_19 = tpu.memref_slice %arg4[%add3A_17, %dma_start3A_18] : memref<81920x128xf32, #tpu.memory_space<hbm>> -> memref<128x128xf32, #tpu.memory_space<hbm>>
        %dma_start3A_20 = arith.constant 0 : i32
        %dma_start3A_21 = tpu.memref_slice %arg4[%add3A_17, %dma_start3A_20] : memref<81920x128xf32, #tpu.memory_space<hbm>> -> memref<128x128xf32, #tpu.memory_space<hbm>>
        tpu.enqueue_dma source(%arg6 : memref<128x128xf32, #tpu.memory_space<vmem>>) target(%dma_start3A_21 : memref<128x128xf32, #tpu.memory_space<hbm>>) target_semaphore(%run_scoped3A : memref<!tpu.dma_semaphore, #tpu.memory_space<semaphore_mem>>)
        %dma_wait3A_22 = arith.constant 0 : i32
        %dma_wait3A_23 = tpu.memref_slice %arg4[%add3A_17, %dma_wait3A_22] : memref<81920x128xf32, #tpu.memory_space<hbm>> -> memref<128x128xf32, #tpu.memory_space<hbm>>
        %dma_wait3A_24 = arith.constant 0 : i32
        %dma_wait3A_25 = tpu.memref_slice %arg4[%add3A_17, %dma_wait3A_24] : memref<81920x128xf32, #tpu.memory_space<hbm>> -> memref<128x128xf32, #tpu.memory_space<hbm>>
        tpu.wait_dma2 semaphore(%run_scoped3A : memref<!tpu.dma_semaphore, #tpu.memory_space<semaphore_mem>>) src(%arg6 : memref<128x128xf32, #tpu.memory_space<vmem>>) dst(%dma_wait3A_25 : memref<128x128xf32, #tpu.memory_space<hbm>>)
        tpu.yield
      }) : () -> ()
    }
    %scan3A_6 = arith.constant 20 : i32
    return
  }
}

module attributes {stable_mosaic.version = 14 : i64} {
  func.func @_knn_body(%arg0: i32, %arg1: i32, %arg2: memref<1x1280x3xf32, #tpu.memory_space<vmem>>, %arg3: memref<1x3x128xf32, #tpu.memory_space<vmem>>, %arg4: memref<1x32x128xi32, #tpu.memory_space<vmem>>) attributes {dimension_semantics = [#tpu.dimension_semantics<arbitrary>, #tpu.dimension_semantics<arbitrary>], iteration_bounds = array<i64: 2, 10>, scalar_prefetch = 0 : i64, scratch_operands = 0 : i64, tpu.core_type = #tpu.core_type<tc>, window_params = [{transform_indices = @transform_0, window_bounds = array<i64: 1, 1280, 3>}, {transform_indices = @transform_1, window_bounds = array<i64: 1, 3, 128>}, {transform_indices = @transform_2, window_bounds = array<i64: 1, 32, 128>}]} {
    %get3A = arith.constant 0 : index
    %get3A_0 = arith.constant 0 : index
    %get3A_1 = arith.constant 0 : index
    %get3A_2 = vector.load %arg2[%get3A, %get3A_0, %get3A_1] : memref<1x1280x3xf32, #tpu.memory_space<vmem>>, vector<1x1280x3xf32>
    %get3A_3 = vector.shape_cast %get3A_2 : vector<1x1280x3xf32> to vector<1280x3xf32>
    %get3A_4 = arith.constant 0 : index
    %get3A_5 = arith.constant 0 : index
    %get3A_6 = arith.constant 0 : index
    %get3A_7 = vector.load %arg3[%get3A_4, %get3A_5, %get3A_6] : memref<1x3x128xf32, #tpu.memory_space<vmem>>, vector<1x3x128xf32>
    %get3A_8 = vector.shape_cast %get3A_7 : vector<1x3x128xf32> to vector<3x128xf32>
    %slice3A = vector.extract_strided_slice %get3A_3 {offsets = [0, 0], sizes = [1280, 1], strides = [1, 1]} : vector<1280x3xf32> to vector<1280x1xf32>
    %slice3A_9 = vector.extract_strided_slice %get3A_8 {offsets = [0, 0], sizes = [1, 128], strides = [1, 1]} : vector<3x128xf32> to vector<1x128xf32>
    %sub3A = vector.broadcast %slice3A : vector<1280x1xf32> to vector<1280x128xf32>
    %sub3A_10 = vector.broadcast %slice3A_9 : vector<1x128xf32> to vector<1280x128xf32>
    %sub3A_11 = arith.subf %sub3A, %sub3A_10 : vector<1280x128xf32>
    %mul3A = arith.mulf %sub3A_11, %sub3A_11 : vector<1280x128xf32>
    %slice3A_12 = vector.extract_strided_slice %get3A_3 {offsets = [0, 1], sizes = [1280, 1], strides = [1, 1]} : vector<1280x3xf32> to vector<1280x1xf32>
    %slice3A_13 = vector.extract_strided_slice %get3A_8 {offsets = [1, 0], sizes = [1, 128], strides = [1, 1]} : vector<3x128xf32> to vector<1x128xf32>
    %sub3A_14 = vector.broadcast %slice3A_12 : vector<1280x1xf32> to vector<1280x128xf32>
    %sub3A_15 = vector.broadcast %slice3A_13 : vector<1x128xf32> to vector<1280x128xf32>
    %sub3A_16 = arith.subf %sub3A_14, %sub3A_15 : vector<1280x128xf32>
    %mul3A_17 = arith.mulf %sub3A_16, %sub3A_16 : vector<1280x128xf32>
    %add3A = arith.addf %mul3A, %mul3A_17 : vector<1280x128xf32>
    %slice3A_18 = vector.extract_strided_slice %get3A_3 {offsets = [0, 2], sizes = [1280, 1], strides = [1, 1]} : vector<1280x3xf32> to vector<1280x1xf32>
    %slice3A_19 = vector.extract_strided_slice %get3A_8 {offsets = [2, 0], sizes = [1, 128], strides = [1, 1]} : vector<3x128xf32> to vector<1x128xf32>
    %sub3A_20 = vector.broadcast %slice3A_18 : vector<1280x1xf32> to vector<1280x128xf32>
    %sub3A_21 = vector.broadcast %slice3A_19 : vector<1x128xf32> to vector<1280x128xf32>
    %sub3A_22 = arith.subf %sub3A_20, %sub3A_21 : vector<1280x128xf32>
    %mul3A_23 = arith.mulf %sub3A_22, %sub3A_22 : vector<1280x128xf32>
    %add3A_24 = arith.addf %add3A, %mul3A_23 : vector<1280x128xf32>
    %iota3A = tpu.iota {dimensions = array<i32: 0>} : vector<1280x128xi32>
    %iota3A_25 = tpu.iota {dimensions = array<i32: 1>} : vector<1280x128xi32>
    %mul3A_26 = arith.constant 128 : i32
    %mul3A_27 = arith.muli %arg1, %mul3A_26 : i32
    %add3A_28 = vector.broadcast %mul3A_27 : i32 to vector<1280x128xi32>
    %add3A_29 = arith.addi %iota3A_25, %add3A_28 : vector<1280x128xi32>
    %eq3A = arith.cmpi eq, %iota3A, %add3A_29 : vector<1280x128xi32>
    %add3A_30 = arith.constant 1.000000e+10 : f32
    %add3A_31 = vector.broadcast %add3A_30 : f32 to vector<1280x128xf32>
    %add3A_32 = arith.addf %add3A_24, %add3A_31 : vector<1280x128xf32>
    %select_n3A = arith.select %eq3A, %add3A_32, %add3A_24 : vector<1280x128xi1>, vector<1280x128xf32>
    %iota3A_33 = tpu.iota {dimensions = array<i32: 0>} : vector<32x128xi32>
    %broadcast_in_dim3A = arith.constant 0 : i32
    %broadcast_in_dim3A_34 = vector.broadcast %broadcast_in_dim3A : i32 to vector<32x128xi32>
    %reduce_min3A = arith.constant dense<0x7F800000> : vector<128xf32>
    %reduce_min3A_35 = vector.multi_reduction <minimumf>, %select_n3A, %reduce_min3A [0] : vector<1280x128xf32> to vector<128xf32>
    %broadcast_in_dim3A_36 = vector.shape_cast %reduce_min3A_35 : vector<128xf32> to vector<1x128xf32>
    %eq3A_37 = vector.broadcast %broadcast_in_dim3A_36 : vector<1x128xf32> to vector<1280x128xf32>
    %eq3A_38 = arith.cmpf oeq, %select_n3A, %eq3A_37 : vector<1280x128xf32>
    %jit3A = arith.constant 1073741824 : i32
    %broadcast_in_dim3A_39 = vector.broadcast %jit3A : i32 to vector<1280x128xi32>
    %select_n3A_40 = arith.select %eq3A_38, %iota3A, %broadcast_in_dim3A_39 : vector<1280x128xi1>, vector<1280x128xi32>
    %reduce_min3A_41 = arith.constant dense<2147483647> : vector<128xi32>
    %reduce_min3A_42 = vector.multi_reduction <minsi>, %select_n3A_40, %reduce_min3A_41 [0] : vector<1280x128xi32> to vector<128xi32>
    %broadcast_in_dim3A_43 = vector.shape_cast %reduce_min3A_42 : vector<128xi32> to vector<1x128xi32>
    %eq3A_44 = vector.broadcast %broadcast_in_dim3A_43 : vector<1x128xi32> to vector<1280x128xi32>
    %eq3A_45 = arith.cmpi eq, %iota3A, %eq3A_44 : vector<1280x128xi32>
    %jit3A_46 = arith.constant 3.000000e+38 : f32
    %broadcast_in_dim3A_47 = vector.broadcast %jit3A_46 : f32 to vector<1280x128xf32>
    %select_n3A_48 = arith.select %eq3A_45, %broadcast_in_dim3A_47, %select_n3A : vector<1280x128xi1>, vector<1280x128xf32>
    %eq3A_49 = arith.constant 0 : i32
    %eq3A_50 = vector.broadcast %eq3A_49 : i32 to vector<32x128xi32>
    %eq3A_51 = arith.cmpi eq, %iota3A_33, %eq3A_50 : vector<32x128xi32>
    %broadcast_in_dim3A_52 = vector.shape_cast %broadcast_in_dim3A_43 : vector<1x128xi32> to vector<1x128xi32>
    %broadcast_in_dim3A_53 = vector.broadcast %broadcast_in_dim3A_52 : vector<1x128xi32> to vector<32x128xi32>
    %select_n3A_54 = arith.select %eq3A_51, %broadcast_in_dim3A_53, %broadcast_in_dim3A_34 : vector<32x128xi1>, vector<32x128xi32>
    %reduce_min3A_55 = arith.constant dense<0x7F800000> : vector<128xf32>
    %reduce_min3A_56 = vector.multi_reduction <minimumf>, %select_n3A_48, %reduce_min3A_55 [0] : vector<1280x128xf32> to vector<128xf32>
    %broadcast_in_dim3A_57 = vector.shape_cast %reduce_min3A_56 : vector<128xf32> to vector<1x128xf32>
    %eq3A_58 = vector.broadcast %broadcast_in_dim3A_57 : vector<1x128xf32> to vector<1280x128xf32>
    %eq3A_59 = arith.cmpf oeq, %select_n3A_48, %eq3A_58 : vector<1280x128xf32>
    %jit3A_60 = arith.constant 1073741824 : i32
    %broadcast_in_dim3A_61 = vector.broadcast %jit3A_60 : i32 to vector<1280x128xi32>
    %select_n3A_62 = arith.select %eq3A_59, %iota3A, %broadcast_in_dim3A_61 : vector<1280x128xi1>, vector<1280x128xi32>
    %reduce_min3A_63 = arith.constant dense<2147483647> : vector<128xi32>
    %reduce_min3A_64 = vector.multi_reduction <minsi>, %select_n3A_62, %reduce_min3A_63 [0] : vector<1280x128xi32> to vector<128xi32>
    %broadcast_in_dim3A_65 = vector.shape_cast %reduce_min3A_64 : vector<128xi32> to vector<1x128xi32>
    %eq3A_66 = vector.broadcast %broadcast_in_dim3A_65 : vector<1x128xi32> to vector<1280x128xi32>
    %eq3A_67 = arith.cmpi eq, %iota3A, %eq3A_66 : vector<1280x128xi32>
    %jit3A_68 = arith.constant 3.000000e+38 : f32
    %broadcast_in_dim3A_69 = vector.broadcast %jit3A_68 : f32 to vector<1280x128xf32>
    %select_n3A_70 = arith.select %eq3A_67, %broadcast_in_dim3A_69, %select_n3A_48 : vector<1280x128xi1>, vector<1280x128xf32>
    %eq3A_71 = arith.constant 1 : i32
    %eq3A_72 = vector.broadcast %eq3A_71 : i32 to vector<32x128xi32>
    %eq3A_73 = arith.cmpi eq, %iota3A_33, %eq3A_72 : vector<32x128xi32>
    %broadcast_in_dim3A_74 = vector.shape_cast %broadcast_in_dim3A_65 : vector<1x128xi32> to vector<1x128xi32>
    %broadcast_in_dim3A_75 = vector.broadcast %broadcast_in_dim3A_74 : vector<1x128xi32> to vector<32x128xi32>
    %select_n3A_76 = arith.select %eq3A_73, %broadcast_in_dim3A_75, %select_n3A_54 : vector<32x128xi1>, vector<32x128xi32>
    %reduce_min3A_77 = arith.constant dense<0x7F800000> : vector<128xf32>
    %reduce_min3A_78 = vector.multi_reduction <minimumf>, %select_n3A_70, %reduce_min3A_77 [0] : vector<1280x128xf32> to vector<128xf32>
    %broadcast_in_dim3A_79 = vector.shape_cast %reduce_min3A_78 : vector<128xf32> to vector<1x128xf32>
    %eq3A_80 = vector.broadcast %broadcast_in_dim3A_79 : vector<1x128xf32> to vector<1280x128xf32>
    %eq3A_81 = arith.cmpf oeq, %select_n3A_70, %eq3A_80 : vector<1280x128xf32>
    %jit3A_82 = arith.constant 1073741824 : i32
    %broadcast_in_dim3A_83 = vector.broadcast %jit3A_82 : i32 to vector<1280x128xi32>
    %select_n3A_84 = arith.select %eq3A_81, %iota3A, %broadcast_in_dim3A_83 : vector<1280x128xi1>, vector<1280x128xi32>
    %reduce_min3A_85 = arith.constant dense<2147483647> : vector<128xi32>
    %reduce_min3A_86 = vector.multi_reduction <minsi>, %select_n3A_84, %reduce_min3A_85 [0] : vector<1280x128xi32> to vector<128xi32>
    %broadcast_in_dim3A_87 = vector.shape_cast %reduce_min3A_86 : vector<128xi32> to vector<1x128xi32>
    %eq3A_88 = vector.broadcast %broadcast_in_dim3A_87 : vector<1x128xi32> to vector<1280x128xi32>
    %eq3A_89 = arith.cmpi eq, %iota3A, %eq3A_88 : vector<1280x128xi32>
    %jit3A_90 = arith.constant 3.000000e+38 : f32
    %broadcast_in_dim3A_91 = vector.broadcast %jit3A_90 : f32 to vector<1280x128xf32>
    %select_n3A_92 = arith.select %eq3A_89, %broadcast_in_dim3A_91, %select_n3A_70 : vector<1280x128xi1>, vector<1280x128xf32>
    %eq3A_93 = arith.constant 2 : i32
    %eq3A_94 = vector.broadcast %eq3A_93 : i32 to vector<32x128xi32>
    %eq3A_95 = arith.cmpi eq, %iota3A_33, %eq3A_94 : vector<32x128xi32>
    %broadcast_in_dim3A_96 = vector.shape_cast %broadcast_in_dim3A_87 : vector<1x128xi32> to vector<1x128xi32>
    %broadcast_in_dim3A_97 = vector.broadcast %broadcast_in_dim3A_96 : vector<1x128xi32> to vector<32x128xi32>
    %select_n3A_98 = arith.select %eq3A_95, %broadcast_in_dim3A_97, %select_n3A_76 : vector<32x128xi1>, vector<32x128xi32>
    %reduce_min3A_99 = arith.constant dense<0x7F800000> : vector<128xf32>
    %reduce_min3A_100 = vector.multi_reduction <minimumf>, %select_n3A_92, %reduce_min3A_99 [0] : vector<1280x128xf32> to vector<128xf32>
    %broadcast_in_dim3A_101 = vector.shape_cast %reduce_min3A_100 : vector<128xf32> to vector<1x128xf32>
    %eq3A_102 = vector.broadcast %broadcast_in_dim3A_101 : vector<1x128xf32> to vector<1280x128xf32>
    %eq3A_103 = arith.cmpf oeq, %select_n3A_92, %eq3A_102 : vector<1280x128xf32>
    %jit3A_104 = arith.constant 1073741824 : i32
    %broadcast_in_dim3A_105 = vector.broadcast %jit3A_104 : i32 to vector<1280x128xi32>
    %select_n3A_106 = arith.select %eq3A_103, %iota3A, %broadcast_in_dim3A_105 : vector<1280x128xi1>, vector<1280x128xi32>
    %reduce_min3A_107 = arith.constant dense<2147483647> : vector<128xi32>
    %reduce_min3A_108 = vector.multi_reduction <minsi>, %select_n3A_106, %reduce_min3A_107 [0] : vector<1280x128xi32> to vector<128xi32>
    %broadcast_in_dim3A_109 = vector.shape_cast %reduce_min3A_108 : vector<128xi32> to vector<1x128xi32>
    %eq3A_110 = vector.broadcast %broadcast_in_dim3A_109 : vector<1x128xi32> to vector<1280x128xi32>
    %eq3A_111 = arith.cmpi eq, %iota3A, %eq3A_110 : vector<1280x128xi32>
    %jit3A_112 = arith.constant 3.000000e+38 : f32
    %broadcast_in_dim3A_113 = vector.broadcast %jit3A_112 : f32 to vector<1280x128xf32>
    %select_n3A_114 = arith.select %eq3A_111, %broadcast_in_dim3A_113, %select_n3A_92 : vector<1280x128xi1>, vector<1280x128xf32>
    %eq3A_115 = arith.constant 3 : i32
    %eq3A_116 = vector.broadcast %eq3A_115 : i32 to vector<32x128xi32>
    %eq3A_117 = arith.cmpi eq, %iota3A_33, %eq3A_116 : vector<32x128xi32>
    %broadcast_in_dim3A_118 = vector.shape_cast %broadcast_in_dim3A_109 : vector<1x128xi32> to vector<1x128xi32>
    %broadcast_in_dim3A_119 = vector.broadcast %broadcast_in_dim3A_118 : vector<1x128xi32> to vector<32x128xi32>
    %select_n3A_120 = arith.select %eq3A_117, %broadcast_in_dim3A_119, %select_n3A_98 : vector<32x128xi1>, vector<32x128xi32>
    %reduce_min3A_121 = arith.constant dense<0x7F800000> : vector<128xf32>
    %reduce_min3A_122 = vector.multi_reduction <minimumf>, %select_n3A_114, %reduce_min3A_121 [0] : vector<1280x128xf32> to vector<128xf32>
    %broadcast_in_dim3A_123 = vector.shape_cast %reduce_min3A_122 : vector<128xf32> to vector<1x128xf32>
    %eq3A_124 = vector.broadcast %broadcast_in_dim3A_123 : vector<1x128xf32> to vector<1280x128xf32>
    %eq3A_125 = arith.cmpf oeq, %select_n3A_114, %eq3A_124 : vector<1280x128xf32>
    %jit3A_126 = arith.constant 1073741824 : i32
    %broadcast_in_dim3A_127 = vector.broadcast %jit3A_126 : i32 to vector<1280x128xi32>
    %select_n3A_128 = arith.select %eq3A_125, %iota3A, %broadcast_in_dim3A_127 : vector<1280x128xi1>, vector<1280x128xi32>
    %reduce_min3A_129 = arith.constant dense<2147483647> : vector<128xi32>
    %reduce_min3A_130 = vector.multi_reduction <minsi>, %select_n3A_128, %reduce_min3A_129 [0] : vector<1280x128xi32> to vector<128xi32>
    %broadcast_in_dim3A_131 = vector.shape_cast %reduce_min3A_130 : vector<128xi32> to vector<1x128xi32>
    %eq3A_132 = vector.broadcast %broadcast_in_dim3A_131 : vector<1x128xi32> to vector<1280x128xi32>
    %eq3A_133 = arith.cmpi eq, %iota3A, %eq3A_132 : vector<1280x128xi32>
    %jit3A_134 = arith.constant 3.000000e+38 : f32
    %broadcast_in_dim3A_135 = vector.broadcast %jit3A_134 : f32 to vector<1280x128xf32>
    %select_n3A_136 = arith.select %eq3A_133, %broadcast_in_dim3A_135, %select_n3A_114 : vector<1280x128xi1>, vector<1280x128xf32>
    %eq3A_137 = arith.constant 4 : i32
    %eq3A_138 = vector.broadcast %eq3A_137 : i32 to vector<32x128xi32>
    %eq3A_139 = arith.cmpi eq, %iota3A_33, %eq3A_138 : vector<32x128xi32>
    %broadcast_in_dim3A_140 = vector.shape_cast %broadcast_in_dim3A_131 : vector<1x128xi32> to vector<1x128xi32>
    %broadcast_in_dim3A_141 = vector.broadcast %broadcast_in_dim3A_140 : vector<1x128xi32> to vector<32x128xi32>
    %select_n3A_142 = arith.select %eq3A_139, %broadcast_in_dim3A_141, %select_n3A_120 : vector<32x128xi1>, vector<32x128xi32>
    %reduce_min3A_143 = arith.constant dense<0x7F800000> : vector<128xf32>
    %reduce_min3A_144 = vector.multi_reduction <minimumf>, %select_n3A_136, %reduce_min3A_143 [0] : vector<1280x128xf32> to vector<128xf32>
    %broadcast_in_dim3A_145 = vector.shape_cast %reduce_min3A_144 : vector<128xf32> to vector<1x128xf32>
    %eq3A_146 = vector.broadcast %broadcast_in_dim3A_145 : vector<1x128xf32> to vector<1280x128xf32>
    %eq3A_147 = arith.cmpf oeq, %select_n3A_136, %eq3A_146 : vector<1280x128xf32>
    %jit3A_148 = arith.constant 1073741824 : i32
    %broadcast_in_dim3A_149 = vector.broadcast %jit3A_148 : i32 to vector<1280x128xi32>
    %select_n3A_150 = arith.select %eq3A_147, %iota3A, %broadcast_in_dim3A_149 : vector<1280x128xi1>, vector<1280x128xi32>
    %reduce_min3A_151 = arith.constant dense<2147483647> : vector<128xi32>
    %reduce_min3A_152 = vector.multi_reduction <minsi>, %select_n3A_150, %reduce_min3A_151 [0] : vector<1280x128xi32> to vector<128xi32>
    %broadcast_in_dim3A_153 = vector.shape_cast %reduce_min3A_152 : vector<128xi32> to vector<1x128xi32>
    %eq3A_154 = vector.broadcast %broadcast_in_dim3A_153 : vector<1x128xi32> to vector<1280x128xi32>
    %eq3A_155 = arith.cmpi eq, %iota3A, %eq3A_154 : vector<1280x128xi32>
    %jit3A_156 = arith.constant 3.000000e+38 : f32
    %broadcast_in_dim3A_157 = vector.broadcast %jit3A_156 : f32 to vector<1280x128xf32>
    %select_n3A_158 = arith.select %eq3A_155, %broadcast_in_dim3A_157, %select_n3A_136 : vector<1280x128xi1>, vector<1280x128xf32>
    %eq3A_159 = arith.constant 5 : i32
    %eq3A_160 = vector.broadcast %eq3A_159 : i32 to vector<32x128xi32>
    %eq3A_161 = arith.cmpi eq, %iota3A_33, %eq3A_160 : vector<32x128xi32>
    %broadcast_in_dim3A_162 = vector.shape_cast %broadcast_in_dim3A_153 : vector<1x128xi32> to vector<1x128xi32>
    %broadcast_in_dim3A_163 = vector.broadcast %broadcast_in_dim3A_162 : vector<1x128xi32> to vector<32x128xi32>
    %select_n3A_164 = arith.select %eq3A_161, %broadcast_in_dim3A_163, %select_n3A_142 : vector<32x128xi1>, vector<32x128xi32>
    %reduce_min3A_165 = arith.constant dense<0x7F800000> : vector<128xf32>
    %reduce_min3A_166 = vector.multi_reduction <minimumf>, %select_n3A_158, %reduce_min3A_165 [0] : vector<1280x128xf32> to vector<128xf32>
    %broadcast_in_dim3A_167 = vector.shape_cast %reduce_min3A_166 : vector<128xf32> to vector<1x128xf32>
    %eq3A_168 = vector.broadcast %broadcast_in_dim3A_167 : vector<1x128xf32> to vector<1280x128xf32>
    %eq3A_169 = arith.cmpf oeq, %select_n3A_158, %eq3A_168 : vector<1280x128xf32>
    %jit3A_170 = arith.constant 1073741824 : i32
    %broadcast_in_dim3A_171 = vector.broadcast %jit3A_170 : i32 to vector<1280x128xi32>
    %select_n3A_172 = arith.select %eq3A_169, %iota3A, %broadcast_in_dim3A_171 : vector<1280x128xi1>, vector<1280x128xi32>
    %reduce_min3A_173 = arith.constant dense<2147483647> : vector<128xi32>
    %reduce_min3A_174 = vector.multi_reduction <minsi>, %select_n3A_172, %reduce_min3A_173 [0] : vector<1280x128xi32> to vector<128xi32>
    %broadcast_in_dim3A_175 = vector.shape_cast %reduce_min3A_174 : vector<128xi32> to vector<1x128xi32>
    %eq3A_176 = vector.broadcast %broadcast_in_dim3A_175 : vector<1x128xi32> to vector<1280x128xi32>
    %eq3A_177 = arith.cmpi eq, %iota3A, %eq3A_176 : vector<1280x128xi32>
    %jit3A_178 = arith.constant 3.000000e+38 : f32
    %broadcast_in_dim3A_179 = vector.broadcast %jit3A_178 : f32 to vector<1280x128xf32>
    %select_n3A_180 = arith.select %eq3A_177, %broadcast_in_dim3A_179, %select_n3A_158 : vector<1280x128xi1>, vector<1280x128xf32>
    %eq3A_181 = arith.constant 6 : i32
    %eq3A_182 = vector.broadcast %eq3A_181 : i32 to vector<32x128xi32>
    %eq3A_183 = arith.cmpi eq, %iota3A_33, %eq3A_182 : vector<32x128xi32>
    %broadcast_in_dim3A_184 = vector.shape_cast %broadcast_in_dim3A_175 : vector<1x128xi32> to vector<1x128xi32>
    %broadcast_in_dim3A_185 = vector.broadcast %broadcast_in_dim3A_184 : vector<1x128xi32> to vector<32x128xi32>
    %select_n3A_186 = arith.select %eq3A_183, %broadcast_in_dim3A_185, %select_n3A_164 : vector<32x128xi1>, vector<32x128xi32>
    %reduce_min3A_187 = arith.constant dense<0x7F800000> : vector<128xf32>
    %reduce_min3A_188 = vector.multi_reduction <minimumf>, %select_n3A_180, %reduce_min3A_187 [0] : vector<1280x128xf32> to vector<128xf32>
    %broadcast_in_dim3A_189 = vector.shape_cast %reduce_min3A_188 : vector<128xf32> to vector<1x128xf32>
    %eq3A_190 = vector.broadcast %broadcast_in_dim3A_189 : vector<1x128xf32> to vector<1280x128xf32>
    %eq3A_191 = arith.cmpf oeq, %select_n3A_180, %eq3A_190 : vector<1280x128xf32>
    %jit3A_192 = arith.constant 1073741824 : i32
    %broadcast_in_dim3A_193 = vector.broadcast %jit3A_192 : i32 to vector<1280x128xi32>
    %select_n3A_194 = arith.select %eq3A_191, %iota3A, %broadcast_in_dim3A_193 : vector<1280x128xi1>, vector<1280x128xi32>
    %reduce_min3A_195 = arith.constant dense<2147483647> : vector<128xi32>
    %reduce_min3A_196 = vector.multi_reduction <minsi>, %select_n3A_194, %reduce_min3A_195 [0] : vector<1280x128xi32> to vector<128xi32>
    %broadcast_in_dim3A_197 = vector.shape_cast %reduce_min3A_196 : vector<128xi32> to vector<1x128xi32>
    %eq3A_198 = vector.broadcast %broadcast_in_dim3A_197 : vector<1x128xi32> to vector<1280x128xi32>
    %eq3A_199 = arith.cmpi eq, %iota3A, %eq3A_198 : vector<1280x128xi32>
    %jit3A_200 = arith.constant 3.000000e+38 : f32
    %broadcast_in_dim3A_201 = vector.broadcast %jit3A_200 : f32 to vector<1280x128xf32>
    %select_n3A_202 = arith.select %eq3A_199, %broadcast_in_dim3A_201, %select_n3A_180 : vector<1280x128xi1>, vector<1280x128xf32>
    %eq3A_203 = arith.constant 7 : i32
    %eq3A_204 = vector.broadcast %eq3A_203 : i32 to vector<32x128xi32>
    %eq3A_205 = arith.cmpi eq, %iota3A_33, %eq3A_204 : vector<32x128xi32>
    %broadcast_in_dim3A_206 = vector.shape_cast %broadcast_in_dim3A_197 : vector<1x128xi32> to vector<1x128xi32>
    %broadcast_in_dim3A_207 = vector.broadcast %broadcast_in_dim3A_206 : vector<1x128xi32> to vector<32x128xi32>
    %select_n3A_208 = arith.select %eq3A_205, %broadcast_in_dim3A_207, %select_n3A_186 : vector<32x128xi1>, vector<32x128xi32>
    %reduce_min3A_209 = arith.constant dense<0x7F800000> : vector<128xf32>
    %reduce_min3A_210 = vector.multi_reduction <minimumf>, %select_n3A_202, %reduce_min3A_209 [0] : vector<1280x128xf32> to vector<128xf32>
    %broadcast_in_dim3A_211 = vector.shape_cast %reduce_min3A_210 : vector<128xf32> to vector<1x128xf32>
    %eq3A_212 = vector.broadcast %broadcast_in_dim3A_211 : vector<1x128xf32> to vector<1280x128xf32>
    %eq3A_213 = arith.cmpf oeq, %select_n3A_202, %eq3A_212 : vector<1280x128xf32>
    %jit3A_214 = arith.constant 1073741824 : i32
    %broadcast_in_dim3A_215 = vector.broadcast %jit3A_214 : i32 to vector<1280x128xi32>
    %select_n3A_216 = arith.select %eq3A_213, %iota3A, %broadcast_in_dim3A_215 : vector<1280x128xi1>, vector<1280x128xi32>
    %reduce_min3A_217 = arith.constant dense<2147483647> : vector<128xi32>
    %reduce_min3A_218 = vector.multi_reduction <minsi>, %select_n3A_216, %reduce_min3A_217 [0] : vector<1280x128xi32> to vector<128xi32>
    %broadcast_in_dim3A_219 = vector.shape_cast %reduce_min3A_218 : vector<128xi32> to vector<1x128xi32>
    %eq3A_220 = vector.broadcast %broadcast_in_dim3A_219 : vector<1x128xi32> to vector<1280x128xi32>
    %eq3A_221 = arith.cmpi eq, %iota3A, %eq3A_220 : vector<1280x128xi32>
    %jit3A_222 = arith.constant 3.000000e+38 : f32
    %broadcast_in_dim3A_223 = vector.broadcast %jit3A_222 : f32 to vector<1280x128xf32>
    %select_n3A_224 = arith.select %eq3A_221, %broadcast_in_dim3A_223, %select_n3A_202 : vector<1280x128xi1>, vector<1280x128xf32>
    %eq3A_225 = arith.constant 8 : i32
    %eq3A_226 = vector.broadcast %eq3A_225 : i32 to vector<32x128xi32>
    %eq3A_227 = arith.cmpi eq, %iota3A_33, %eq3A_226 : vector<32x128xi32>
    %broadcast_in_dim3A_228 = vector.shape_cast %broadcast_in_dim3A_219 : vector<1x128xi32> to vector<1x128xi32>
    %broadcast_in_dim3A_229 = vector.broadcast %broadcast_in_dim3A_228 : vector<1x128xi32> to vector<32x128xi32>
    %select_n3A_230 = arith.select %eq3A_227, %broadcast_in_dim3A_229, %select_n3A_208 : vector<32x128xi1>, vector<32x128xi32>
    %reduce_min3A_231 = arith.constant dense<0x7F800000> : vector<128xf32>
    %reduce_min3A_232 = vector.multi_reduction <minimumf>, %select_n3A_224, %reduce_min3A_231 [0] : vector<1280x128xf32> to vector<128xf32>
    %broadcast_in_dim3A_233 = vector.shape_cast %reduce_min3A_232 : vector<128xf32> to vector<1x128xf32>
    %eq3A_234 = vector.broadcast %broadcast_in_dim3A_233 : vector<1x128xf32> to vector<1280x128xf32>
    %eq3A_235 = arith.cmpf oeq, %select_n3A_224, %eq3A_234 : vector<1280x128xf32>
    %jit3A_236 = arith.constant 1073741824 : i32
    %broadcast_in_dim3A_237 = vector.broadcast %jit3A_236 : i32 to vector<1280x128xi32>
    %select_n3A_238 = arith.select %eq3A_235, %iota3A, %broadcast_in_dim3A_237 : vector<1280x128xi1>, vector<1280x128xi32>
    %reduce_min3A_239 = arith.constant dense<2147483647> : vector<128xi32>
    %reduce_min3A_240 = vector.multi_reduction <minsi>, %select_n3A_238, %reduce_min3A_239 [0] : vector<1280x128xi32> to vector<128xi32>
    %broadcast_in_dim3A_241 = vector.shape_cast %reduce_min3A_240 : vector<128xi32> to vector<1x128xi32>
    %eq3A_242 = vector.broadcast %broadcast_in_dim3A_241 : vector<1x128xi32> to vector<1280x128xi32>
    %eq3A_243 = arith.cmpi eq, %iota3A, %eq3A_242 : vector<1280x128xi32>
    %jit3A_244 = arith.constant 3.000000e+38 : f32
    %broadcast_in_dim3A_245 = vector.broadcast %jit3A_244 : f32 to vector<1280x128xf32>
    %select_n3A_246 = arith.select %eq3A_243, %broadcast_in_dim3A_245, %select_n3A_224 : vector<1280x128xi1>, vector<1280x128xf32>
    %eq3A_247 = arith.constant 9 : i32
    %eq3A_248 = vector.broadcast %eq3A_247 : i32 to vector<32x128xi32>
    %eq3A_249 = arith.cmpi eq, %iota3A_33, %eq3A_248 : vector<32x128xi32>
    %broadcast_in_dim3A_250 = vector.shape_cast %broadcast_in_dim3A_241 : vector<1x128xi32> to vector<1x128xi32>
    %broadcast_in_dim3A_251 = vector.broadcast %broadcast_in_dim3A_250 : vector<1x128xi32> to vector<32x128xi32>
    %select_n3A_252 = arith.select %eq3A_249, %broadcast_in_dim3A_251, %select_n3A_230 : vector<32x128xi1>, vector<32x128xi32>
    %reduce_min3A_253 = arith.constant dense<0x7F800000> : vector<128xf32>
    %reduce_min3A_254 = vector.multi_reduction <minimumf>, %select_n3A_246, %reduce_min3A_253 [0] : vector<1280x128xf32> to vector<128xf32>
    %broadcast_in_dim3A_255 = vector.shape_cast %reduce_min3A_254 : vector<128xf32> to vector<1x128xf32>
    %eq3A_256 = vector.broadcast %broadcast_in_dim3A_255 : vector<1x128xf32> to vector<1280x128xf32>
    %eq3A_257 = arith.cmpf oeq, %select_n3A_246, %eq3A_256 : vector<1280x128xf32>
    %jit3A_258 = arith.constant 1073741824 : i32
    %broadcast_in_dim3A_259 = vector.broadcast %jit3A_258 : i32 to vector<1280x128xi32>
    %select_n3A_260 = arith.select %eq3A_257, %iota3A, %broadcast_in_dim3A_259 : vector<1280x128xi1>, vector<1280x128xi32>
    %reduce_min3A_261 = arith.constant dense<2147483647> : vector<128xi32>
    %reduce_min3A_262 = vector.multi_reduction <minsi>, %select_n3A_260, %reduce_min3A_261 [0] : vector<1280x128xi32> to vector<128xi32>
    %broadcast_in_dim3A_263 = vector.shape_cast %reduce_min3A_262 : vector<128xi32> to vector<1x128xi32>
    %eq3A_264 = vector.broadcast %broadcast_in_dim3A_263 : vector<1x128xi32> to vector<1280x128xi32>
    %eq3A_265 = arith.cmpi eq, %iota3A, %eq3A_264 : vector<1280x128xi32>
    %jit3A_266 = arith.constant 3.000000e+38 : f32
    %broadcast_in_dim3A_267 = vector.broadcast %jit3A_266 : f32 to vector<1280x128xf32>
    %select_n3A_268 = arith.select %eq3A_265, %broadcast_in_dim3A_267, %select_n3A_246 : vector<1280x128xi1>, vector<1280x128xf32>
    %eq3A_269 = arith.constant 10 : i32
    %eq3A_270 = vector.broadcast %eq3A_269 : i32 to vector<32x128xi32>
    %eq3A_271 = arith.cmpi eq, %iota3A_33, %eq3A_270 : vector<32x128xi32>
    %broadcast_in_dim3A_272 = vector.shape_cast %broadcast_in_dim3A_263 : vector<1x128xi32> to vector<1x128xi32>
    %broadcast_in_dim3A_273 = vector.broadcast %broadcast_in_dim3A_272 : vector<1x128xi32> to vector<32x128xi32>
    %select_n3A_274 = arith.select %eq3A_271, %broadcast_in_dim3A_273, %select_n3A_252 : vector<32x128xi1>, vector<32x128xi32>
    %reduce_min3A_275 = arith.constant dense<0x7F800000> : vector<128xf32>
    %reduce_min3A_276 = vector.multi_reduction <minimumf>, %select_n3A_268, %reduce_min3A_275 [0] : vector<1280x128xf32> to vector<128xf32>
    %broadcast_in_dim3A_277 = vector.shape_cast %reduce_min3A_276 : vector<128xf32> to vector<1x128xf32>
    %eq3A_278 = vector.broadcast %broadcast_in_dim3A_277 : vector<1x128xf32> to vector<1280x128xf32>
    %eq3A_279 = arith.cmpf oeq, %select_n3A_268, %eq3A_278 : vector<1280x128xf32>
    %jit3A_280 = arith.constant 1073741824 : i32
    %broadcast_in_dim3A_281 = vector.broadcast %jit3A_280 : i32 to vector<1280x128xi32>
    %select_n3A_282 = arith.select %eq3A_279, %iota3A, %broadcast_in_dim3A_281 : vector<1280x128xi1>, vector<1280x128xi32>
    %reduce_min3A_283 = arith.constant dense<2147483647> : vector<128xi32>
    %reduce_min3A_284 = vector.multi_reduction <minsi>, %select_n3A_282, %reduce_min3A_283 [0] : vector<1280x128xi32> to vector<128xi32>
    %broadcast_in_dim3A_285 = vector.shape_cast %reduce_min3A_284 : vector<128xi32> to vector<1x128xi32>
    %eq3A_286 = vector.broadcast %broadcast_in_dim3A_285 : vector<1x128xi32> to vector<1280x128xi32>
    %eq3A_287 = arith.cmpi eq, %iota3A, %eq3A_286 : vector<1280x128xi32>
    %jit3A_288 = arith.constant 3.000000e+38 : f32
    %broadcast_in_dim3A_289 = vector.broadcast %jit3A_288 : f32 to vector<1280x128xf32>
    %select_n3A_290 = arith.select %eq3A_287, %broadcast_in_dim3A_289, %select_n3A_268 : vector<1280x128xi1>, vector<1280x128xf32>
    %eq3A_291 = arith.constant 11 : i32
    %eq3A_292 = vector.broadcast %eq3A_291 : i32 to vector<32x128xi32>
    %eq3A_293 = arith.cmpi eq, %iota3A_33, %eq3A_292 : vector<32x128xi32>
    %broadcast_in_dim3A_294 = vector.shape_cast %broadcast_in_dim3A_285 : vector<1x128xi32> to vector<1x128xi32>
    %broadcast_in_dim3A_295 = vector.broadcast %broadcast_in_dim3A_294 : vector<1x128xi32> to vector<32x128xi32>
    %select_n3A_296 = arith.select %eq3A_293, %broadcast_in_dim3A_295, %select_n3A_274 : vector<32x128xi1>, vector<32x128xi32>
    %reduce_min3A_297 = arith.constant dense<0x7F800000> : vector<128xf32>
    %reduce_min3A_298 = vector.multi_reduction <minimumf>, %select_n3A_290, %reduce_min3A_297 [0] : vector<1280x128xf32> to vector<128xf32>
    %broadcast_in_dim3A_299 = vector.shape_cast %reduce_min3A_298 : vector<128xf32> to vector<1x128xf32>
    %eq3A_300 = vector.broadcast %broadcast_in_dim3A_299 : vector<1x128xf32> to vector<1280x128xf32>
    %eq3A_301 = arith.cmpf oeq, %select_n3A_290, %eq3A_300 : vector<1280x128xf32>
    %jit3A_302 = arith.constant 1073741824 : i32
    %broadcast_in_dim3A_303 = vector.broadcast %jit3A_302 : i32 to vector<1280x128xi32>
    %select_n3A_304 = arith.select %eq3A_301, %iota3A, %broadcast_in_dim3A_303 : vector<1280x128xi1>, vector<1280x128xi32>
    %reduce_min3A_305 = arith.constant dense<2147483647> : vector<128xi32>
    %reduce_min3A_306 = vector.multi_reduction <minsi>, %select_n3A_304, %reduce_min3A_305 [0] : vector<1280x128xi32> to vector<128xi32>
    %broadcast_in_dim3A_307 = vector.shape_cast %reduce_min3A_306 : vector<128xi32> to vector<1x128xi32>
    %eq3A_308 = vector.broadcast %broadcast_in_dim3A_307 : vector<1x128xi32> to vector<1280x128xi32>
    %eq3A_309 = arith.cmpi eq, %iota3A, %eq3A_308 : vector<1280x128xi32>
    %jit3A_310 = arith.constant 3.000000e+38 : f32
    %broadcast_in_dim3A_311 = vector.broadcast %jit3A_310 : f32 to vector<1280x128xf32>
    %select_n3A_312 = arith.select %eq3A_309, %broadcast_in_dim3A_311, %select_n3A_290 : vector<1280x128xi1>, vector<1280x128xf32>
    %eq3A_313 = arith.constant 12 : i32
    %eq3A_314 = vector.broadcast %eq3A_313 : i32 to vector<32x128xi32>
    %eq3A_315 = arith.cmpi eq, %iota3A_33, %eq3A_314 : vector<32x128xi32>
    %broadcast_in_dim3A_316 = vector.shape_cast %broadcast_in_dim3A_307 : vector<1x128xi32> to vector<1x128xi32>
    %broadcast_in_dim3A_317 = vector.broadcast %broadcast_in_dim3A_316 : vector<1x128xi32> to vector<32x128xi32>
    %select_n3A_318 = arith.select %eq3A_315, %broadcast_in_dim3A_317, %select_n3A_296 : vector<32x128xi1>, vector<32x128xi32>
    %reduce_min3A_319 = arith.constant dense<0x7F800000> : vector<128xf32>
    %reduce_min3A_320 = vector.multi_reduction <minimumf>, %select_n3A_312, %reduce_min3A_319 [0] : vector<1280x128xf32> to vector<128xf32>
    %broadcast_in_dim3A_321 = vector.shape_cast %reduce_min3A_320 : vector<128xf32> to vector<1x128xf32>
    %eq3A_322 = vector.broadcast %broadcast_in_dim3A_321 : vector<1x128xf32> to vector<1280x128xf32>
    %eq3A_323 = arith.cmpf oeq, %select_n3A_312, %eq3A_322 : vector<1280x128xf32>
    %jit3A_324 = arith.constant 1073741824 : i32
    %broadcast_in_dim3A_325 = vector.broadcast %jit3A_324 : i32 to vector<1280x128xi32>
    %select_n3A_326 = arith.select %eq3A_323, %iota3A, %broadcast_in_dim3A_325 : vector<1280x128xi1>, vector<1280x128xi32>
    %reduce_min3A_327 = arith.constant dense<2147483647> : vector<128xi32>
    %reduce_min3A_328 = vector.multi_reduction <minsi>, %select_n3A_326, %reduce_min3A_327 [0] : vector<1280x128xi32> to vector<128xi32>
    %broadcast_in_dim3A_329 = vector.shape_cast %reduce_min3A_328 : vector<128xi32> to vector<1x128xi32>
    %eq3A_330 = vector.broadcast %broadcast_in_dim3A_329 : vector<1x128xi32> to vector<1280x128xi32>
    %eq3A_331 = arith.cmpi eq, %iota3A, %eq3A_330 : vector<1280x128xi32>
    %jit3A_332 = arith.constant 3.000000e+38 : f32
    %broadcast_in_dim3A_333 = vector.broadcast %jit3A_332 : f32 to vector<1280x128xf32>
    %select_n3A_334 = arith.select %eq3A_331, %broadcast_in_dim3A_333, %select_n3A_312 : vector<1280x128xi1>, vector<1280x128xf32>
    %eq3A_335 = arith.constant 13 : i32
    %eq3A_336 = vector.broadcast %eq3A_335 : i32 to vector<32x128xi32>
    %eq3A_337 = arith.cmpi eq, %iota3A_33, %eq3A_336 : vector<32x128xi32>
    %broadcast_in_dim3A_338 = vector.shape_cast %broadcast_in_dim3A_329 : vector<1x128xi32> to vector<1x128xi32>
    %broadcast_in_dim3A_339 = vector.broadcast %broadcast_in_dim3A_338 : vector<1x128xi32> to vector<32x128xi32>
    %select_n3A_340 = arith.select %eq3A_337, %broadcast_in_dim3A_339, %select_n3A_318 : vector<32x128xi1>, vector<32x128xi32>
    %reduce_min3A_341 = arith.constant dense<0x7F800000> : vector<128xf32>
    %reduce_min3A_342 = vector.multi_reduction <minimumf>, %select_n3A_334, %reduce_min3A_341 [0] : vector<1280x128xf32> to vector<128xf32>
    %broadcast_in_dim3A_343 = vector.shape_cast %reduce_min3A_342 : vector<128xf32> to vector<1x128xf32>
    %eq3A_344 = vector.broadcast %broadcast_in_dim3A_343 : vector<1x128xf32> to vector<1280x128xf32>
    %eq3A_345 = arith.cmpf oeq, %select_n3A_334, %eq3A_344 : vector<1280x128xf32>
    %jit3A_346 = arith.constant 1073741824 : i32
    %broadcast_in_dim3A_347 = vector.broadcast %jit3A_346 : i32 to vector<1280x128xi32>
    %select_n3A_348 = arith.select %eq3A_345, %iota3A, %broadcast_in_dim3A_347 : vector<1280x128xi1>, vector<1280x128xi32>
    %reduce_min3A_349 = arith.constant dense<2147483647> : vector<128xi32>
    %reduce_min3A_350 = vector.multi_reduction <minsi>, %select_n3A_348, %reduce_min3A_349 [0] : vector<1280x128xi32> to vector<128xi32>
    %broadcast_in_dim3A_351 = vector.shape_cast %reduce_min3A_350 : vector<128xi32> to vector<1x128xi32>
    %eq3A_352 = vector.broadcast %broadcast_in_dim3A_351 : vector<1x128xi32> to vector<1280x128xi32>
    %eq3A_353 = arith.cmpi eq, %iota3A, %eq3A_352 : vector<1280x128xi32>
    %jit3A_354 = arith.constant 3.000000e+38 : f32
    %broadcast_in_dim3A_355 = vector.broadcast %jit3A_354 : f32 to vector<1280x128xf32>
    %select_n3A_356 = arith.select %eq3A_353, %broadcast_in_dim3A_355, %select_n3A_334 : vector<1280x128xi1>, vector<1280x128xf32>
    %eq3A_357 = arith.constant 14 : i32
    %eq3A_358 = vector.broadcast %eq3A_357 : i32 to vector<32x128xi32>
    %eq3A_359 = arith.cmpi eq, %iota3A_33, %eq3A_358 : vector<32x128xi32>
    %broadcast_in_dim3A_360 = vector.shape_cast %broadcast_in_dim3A_351 : vector<1x128xi32> to vector<1x128xi32>
    %broadcast_in_dim3A_361 = vector.broadcast %broadcast_in_dim3A_360 : vector<1x128xi32> to vector<32x128xi32>
    %select_n3A_362 = arith.select %eq3A_359, %broadcast_in_dim3A_361, %select_n3A_340 : vector<32x128xi1>, vector<32x128xi32>
    %reduce_min3A_363 = arith.constant dense<0x7F800000> : vector<128xf32>
    %reduce_min3A_364 = vector.multi_reduction <minimumf>, %select_n3A_356, %reduce_min3A_363 [0] : vector<1280x128xf32> to vector<128xf32>
    %broadcast_in_dim3A_365 = vector.shape_cast %reduce_min3A_364 : vector<128xf32> to vector<1x128xf32>
    %eq3A_366 = vector.broadcast %broadcast_in_dim3A_365 : vector<1x128xf32> to vector<1280x128xf32>
    %eq3A_367 = arith.cmpf oeq, %select_n3A_356, %eq3A_366 : vector<1280x128xf32>
    %jit3A_368 = arith.constant 1073741824 : i32
    %broadcast_in_dim3A_369 = vector.broadcast %jit3A_368 : i32 to vector<1280x128xi32>
    %select_n3A_370 = arith.select %eq3A_367, %iota3A, %broadcast_in_dim3A_369 : vector<1280x128xi1>, vector<1280x128xi32>
    %reduce_min3A_371 = arith.constant dense<2147483647> : vector<128xi32>
    %reduce_min3A_372 = vector.multi_reduction <minsi>, %select_n3A_370, %reduce_min3A_371 [0] : vector<1280x128xi32> to vector<128xi32>
    %broadcast_in_dim3A_373 = vector.shape_cast %reduce_min3A_372 : vector<128xi32> to vector<1x128xi32>
    %eq3A_374 = vector.broadcast %broadcast_in_dim3A_373 : vector<1x128xi32> to vector<1280x128xi32>
    %eq3A_375 = arith.cmpi eq, %iota3A, %eq3A_374 : vector<1280x128xi32>
    %jit3A_376 = arith.constant 3.000000e+38 : f32
    %broadcast_in_dim3A_377 = vector.broadcast %jit3A_376 : f32 to vector<1280x128xf32>
    %select_n3A_378 = arith.select %eq3A_375, %broadcast_in_dim3A_377, %select_n3A_356 : vector<1280x128xi1>, vector<1280x128xf32>
    %eq3A_379 = arith.constant 15 : i32
    %eq3A_380 = vector.broadcast %eq3A_379 : i32 to vector<32x128xi32>
    %eq3A_381 = arith.cmpi eq, %iota3A_33, %eq3A_380 : vector<32x128xi32>
    %broadcast_in_dim3A_382 = vector.shape_cast %broadcast_in_dim3A_373 : vector<1x128xi32> to vector<1x128xi32>
    %broadcast_in_dim3A_383 = vector.broadcast %broadcast_in_dim3A_382 : vector<1x128xi32> to vector<32x128xi32>
    %select_n3A_384 = arith.select %eq3A_381, %broadcast_in_dim3A_383, %select_n3A_362 : vector<32x128xi1>, vector<32x128xi32>
    %reduce_min3A_385 = arith.constant dense<0x7F800000> : vector<128xf32>
    %reduce_min3A_386 = vector.multi_reduction <minimumf>, %select_n3A_378, %reduce_min3A_385 [0] : vector<1280x128xf32> to vector<128xf32>
    %broadcast_in_dim3A_387 = vector.shape_cast %reduce_min3A_386 : vector<128xf32> to vector<1x128xf32>
    %eq3A_388 = vector.broadcast %broadcast_in_dim3A_387 : vector<1x128xf32> to vector<1280x128xf32>
    %eq3A_389 = arith.cmpf oeq, %select_n3A_378, %eq3A_388 : vector<1280x128xf32>
    %jit3A_390 = arith.constant 1073741824 : i32
    %broadcast_in_dim3A_391 = vector.broadcast %jit3A_390 : i32 to vector<1280x128xi32>
    %select_n3A_392 = arith.select %eq3A_389, %iota3A, %broadcast_in_dim3A_391 : vector<1280x128xi1>, vector<1280x128xi32>
    %reduce_min3A_393 = arith.constant dense<2147483647> : vector<128xi32>
    %reduce_min3A_394 = vector.multi_reduction <minsi>, %select_n3A_392, %reduce_min3A_393 [0] : vector<1280x128xi32> to vector<128xi32>
    %broadcast_in_dim3A_395 = vector.shape_cast %reduce_min3A_394 : vector<128xi32> to vector<1x128xi32>
    %eq3A_396 = vector.broadcast %broadcast_in_dim3A_395 : vector<1x128xi32> to vector<1280x128xi32>
    %eq3A_397 = arith.cmpi eq, %iota3A, %eq3A_396 : vector<1280x128xi32>
    %jit3A_398 = arith.constant 3.000000e+38 : f32
    %broadcast_in_dim3A_399 = vector.broadcast %jit3A_398 : f32 to vector<1280x128xf32>
    %select_n3A_400 = arith.select %eq3A_397, %broadcast_in_dim3A_399, %select_n3A_378 : vector<1280x128xi1>, vector<1280x128xf32>
    %eq3A_401 = arith.constant 16 : i32
    %eq3A_402 = vector.broadcast %eq3A_401 : i32 to vector<32x128xi32>
    %eq3A_403 = arith.cmpi eq, %iota3A_33, %eq3A_402 : vector<32x128xi32>
    %broadcast_in_dim3A_404 = vector.shape_cast %broadcast_in_dim3A_395 : vector<1x128xi32> to vector<1x128xi32>
    %broadcast_in_dim3A_405 = vector.broadcast %broadcast_in_dim3A_404 : vector<1x128xi32> to vector<32x128xi32>
    %select_n3A_406 = arith.select %eq3A_403, %broadcast_in_dim3A_405, %select_n3A_384 : vector<32x128xi1>, vector<32x128xi32>
    %reduce_min3A_407 = arith.constant dense<0x7F800000> : vector<128xf32>
    %reduce_min3A_408 = vector.multi_reduction <minimumf>, %select_n3A_400, %reduce_min3A_407 [0] : vector<1280x128xf32> to vector<128xf32>
    %broadcast_in_dim3A_409 = vector.shape_cast %reduce_min3A_408 : vector<128xf32> to vector<1x128xf32>
    %eq3A_410 = vector.broadcast %broadcast_in_dim3A_409 : vector<1x128xf32> to vector<1280x128xf32>
    %eq3A_411 = arith.cmpf oeq, %select_n3A_400, %eq3A_410 : vector<1280x128xf32>
    %jit3A_412 = arith.constant 1073741824 : i32
    %broadcast_in_dim3A_413 = vector.broadcast %jit3A_412 : i32 to vector<1280x128xi32>
    %select_n3A_414 = arith.select %eq3A_411, %iota3A, %broadcast_in_dim3A_413 : vector<1280x128xi1>, vector<1280x128xi32>
    %reduce_min3A_415 = arith.constant dense<2147483647> : vector<128xi32>
    %reduce_min3A_416 = vector.multi_reduction <minsi>, %select_n3A_414, %reduce_min3A_415 [0] : vector<1280x128xi32> to vector<128xi32>
    %broadcast_in_dim3A_417 = vector.shape_cast %reduce_min3A_416 : vector<128xi32> to vector<1x128xi32>
    %eq3A_418 = vector.broadcast %broadcast_in_dim3A_417 : vector<1x128xi32> to vector<1280x128xi32>
    %eq3A_419 = arith.cmpi eq, %iota3A, %eq3A_418 : vector<1280x128xi32>
    %jit3A_420 = arith.constant 3.000000e+38 : f32
    %broadcast_in_dim3A_421 = vector.broadcast %jit3A_420 : f32 to vector<1280x128xf32>
    %select_n3A_422 = arith.select %eq3A_419, %broadcast_in_dim3A_421, %select_n3A_400 : vector<1280x128xi1>, vector<1280x128xf32>
    %eq3A_423 = arith.constant 17 : i32
    %eq3A_424 = vector.broadcast %eq3A_423 : i32 to vector<32x128xi32>
    %eq3A_425 = arith.cmpi eq, %iota3A_33, %eq3A_424 : vector<32x128xi32>
    %broadcast_in_dim3A_426 = vector.shape_cast %broadcast_in_dim3A_417 : vector<1x128xi32> to vector<1x128xi32>
    %broadcast_in_dim3A_427 = vector.broadcast %broadcast_in_dim3A_426 : vector<1x128xi32> to vector<32x128xi32>
    %select_n3A_428 = arith.select %eq3A_425, %broadcast_in_dim3A_427, %select_n3A_406 : vector<32x128xi1>, vector<32x128xi32>
    %reduce_min3A_429 = arith.constant dense<0x7F800000> : vector<128xf32>
    %reduce_min3A_430 = vector.multi_reduction <minimumf>, %select_n3A_422, %reduce_min3A_429 [0] : vector<1280x128xf32> to vector<128xf32>
    %broadcast_in_dim3A_431 = vector.shape_cast %reduce_min3A_430 : vector<128xf32> to vector<1x128xf32>
    %eq3A_432 = vector.broadcast %broadcast_in_dim3A_431 : vector<1x128xf32> to vector<1280x128xf32>
    %eq3A_433 = arith.cmpf oeq, %select_n3A_422, %eq3A_432 : vector<1280x128xf32>
    %jit3A_434 = arith.constant 1073741824 : i32
    %broadcast_in_dim3A_435 = vector.broadcast %jit3A_434 : i32 to vector<1280x128xi32>
    %select_n3A_436 = arith.select %eq3A_433, %iota3A, %broadcast_in_dim3A_435 : vector<1280x128xi1>, vector<1280x128xi32>
    %reduce_min3A_437 = arith.constant dense<2147483647> : vector<128xi32>
    %reduce_min3A_438 = vector.multi_reduction <minsi>, %select_n3A_436, %reduce_min3A_437 [0] : vector<1280x128xi32> to vector<128xi32>
    %broadcast_in_dim3A_439 = vector.shape_cast %reduce_min3A_438 : vector<128xi32> to vector<1x128xi32>
    %eq3A_440 = vector.broadcast %broadcast_in_dim3A_439 : vector<1x128xi32> to vector<1280x128xi32>
    %eq3A_441 = arith.cmpi eq, %iota3A, %eq3A_440 : vector<1280x128xi32>
    %jit3A_442 = arith.constant 3.000000e+38 : f32
    %broadcast_in_dim3A_443 = vector.broadcast %jit3A_442 : f32 to vector<1280x128xf32>
    %select_n3A_444 = arith.select %eq3A_441, %broadcast_in_dim3A_443, %select_n3A_422 : vector<1280x128xi1>, vector<1280x128xf32>
    %eq3A_445 = arith.constant 18 : i32
    %eq3A_446 = vector.broadcast %eq3A_445 : i32 to vector<32x128xi32>
    %eq3A_447 = arith.cmpi eq, %iota3A_33, %eq3A_446 : vector<32x128xi32>
    %broadcast_in_dim3A_448 = vector.shape_cast %broadcast_in_dim3A_439 : vector<1x128xi32> to vector<1x128xi32>
    %broadcast_in_dim3A_449 = vector.broadcast %broadcast_in_dim3A_448 : vector<1x128xi32> to vector<32x128xi32>
    %select_n3A_450 = arith.select %eq3A_447, %broadcast_in_dim3A_449, %select_n3A_428 : vector<32x128xi1>, vector<32x128xi32>
    %reduce_min3A_451 = arith.constant dense<0x7F800000> : vector<128xf32>
    %reduce_min3A_452 = vector.multi_reduction <minimumf>, %select_n3A_444, %reduce_min3A_451 [0] : vector<1280x128xf32> to vector<128xf32>
    %broadcast_in_dim3A_453 = vector.shape_cast %reduce_min3A_452 : vector<128xf32> to vector<1x128xf32>
    %eq3A_454 = vector.broadcast %broadcast_in_dim3A_453 : vector<1x128xf32> to vector<1280x128xf32>
    %eq3A_455 = arith.cmpf oeq, %select_n3A_444, %eq3A_454 : vector<1280x128xf32>
    %jit3A_456 = arith.constant 1073741824 : i32
    %broadcast_in_dim3A_457 = vector.broadcast %jit3A_456 : i32 to vector<1280x128xi32>
    %select_n3A_458 = arith.select %eq3A_455, %iota3A, %broadcast_in_dim3A_457 : vector<1280x128xi1>, vector<1280x128xi32>
    %reduce_min3A_459 = arith.constant dense<2147483647> : vector<128xi32>
    %reduce_min3A_460 = vector.multi_reduction <minsi>, %select_n3A_458, %reduce_min3A_459 [0] : vector<1280x128xi32> to vector<128xi32>
    %broadcast_in_dim3A_461 = vector.shape_cast %reduce_min3A_460 : vector<128xi32> to vector<1x128xi32>
    %eq3A_462 = vector.broadcast %broadcast_in_dim3A_461 : vector<1x128xi32> to vector<1280x128xi32>
    %eq3A_463 = arith.cmpi eq, %iota3A, %eq3A_462 : vector<1280x128xi32>
    %jit3A_464 = arith.constant 3.000000e+38 : f32
    %broadcast_in_dim3A_465 = vector.broadcast %jit3A_464 : f32 to vector<1280x128xf32>
    %select_n3A_466 = arith.select %eq3A_463, %broadcast_in_dim3A_465, %select_n3A_444 : vector<1280x128xi1>, vector<1280x128xf32>
    %eq3A_467 = arith.constant 19 : i32
    %eq3A_468 = vector.broadcast %eq3A_467 : i32 to vector<32x128xi32>
    %eq3A_469 = arith.cmpi eq, %iota3A_33, %eq3A_468 : vector<32x128xi32>
    %broadcast_in_dim3A_470 = vector.shape_cast %broadcast_in_dim3A_461 : vector<1x128xi32> to vector<1x128xi32>
    %broadcast_in_dim3A_471 = vector.broadcast %broadcast_in_dim3A_470 : vector<1x128xi32> to vector<32x128xi32>
    %select_n3A_472 = arith.select %eq3A_469, %broadcast_in_dim3A_471, %select_n3A_450 : vector<32x128xi1>, vector<32x128xi32>
    %reduce_min3A_473 = arith.constant dense<0x7F800000> : vector<128xf32>
    %reduce_min3A_474 = vector.multi_reduction <minimumf>, %select_n3A_466, %reduce_min3A_473 [0] : vector<1280x128xf32> to vector<128xf32>
    %broadcast_in_dim3A_475 = vector.shape_cast %reduce_min3A_474 : vector<128xf32> to vector<1x128xf32>
    %eq3A_476 = vector.broadcast %broadcast_in_dim3A_475 : vector<1x128xf32> to vector<1280x128xf32>
    %eq3A_477 = arith.cmpf oeq, %select_n3A_466, %eq3A_476 : vector<1280x128xf32>
    %jit3A_478 = arith.constant 1073741824 : i32
    %broadcast_in_dim3A_479 = vector.broadcast %jit3A_478 : i32 to vector<1280x128xi32>
    %select_n3A_480 = arith.select %eq3A_477, %iota3A, %broadcast_in_dim3A_479 : vector<1280x128xi1>, vector<1280x128xi32>
    %reduce_min3A_481 = arith.constant dense<2147483647> : vector<128xi32>
    %reduce_min3A_482 = vector.multi_reduction <minsi>, %select_n3A_480, %reduce_min3A_481 [0] : vector<1280x128xi32> to vector<128xi32>
    %broadcast_in_dim3A_483 = vector.shape_cast %reduce_min3A_482 : vector<128xi32> to vector<1x128xi32>
    %eq3A_484 = vector.broadcast %broadcast_in_dim3A_483 : vector<1x128xi32> to vector<1280x128xi32>
    %eq3A_485 = arith.cmpi eq, %iota3A, %eq3A_484 : vector<1280x128xi32>
    %jit3A_486 = arith.constant 3.000000e+38 : f32
    %broadcast_in_dim3A_487 = vector.broadcast %jit3A_486 : f32 to vector<1280x128xf32>
    %select_n3A_488 = arith.select %eq3A_485, %broadcast_in_dim3A_487, %select_n3A_466 : vector<1280x128xi1>, vector<1280x128xf32>
    %eq3A_489 = arith.constant 20 : i32
    %eq3A_490 = vector.broadcast %eq3A_489 : i32 to vector<32x128xi32>
    %eq3A_491 = arith.cmpi eq, %iota3A_33, %eq3A_490 : vector<32x128xi32>
    %broadcast_in_dim3A_492 = vector.shape_cast %broadcast_in_dim3A_483 : vector<1x128xi32> to vector<1x128xi32>
    %broadcast_in_dim3A_493 = vector.broadcast %broadcast_in_dim3A_492 : vector<1x128xi32> to vector<32x128xi32>
    %select_n3A_494 = arith.select %eq3A_491, %broadcast_in_dim3A_493, %select_n3A_472 : vector<32x128xi1>, vector<32x128xi32>
    %reduce_min3A_495 = arith.constant dense<0x7F800000> : vector<128xf32>
    %reduce_min3A_496 = vector.multi_reduction <minimumf>, %select_n3A_488, %reduce_min3A_495 [0] : vector<1280x128xf32> to vector<128xf32>
    %broadcast_in_dim3A_497 = vector.shape_cast %reduce_min3A_496 : vector<128xf32> to vector<1x128xf32>
    %eq3A_498 = vector.broadcast %broadcast_in_dim3A_497 : vector<1x128xf32> to vector<1280x128xf32>
    %eq3A_499 = arith.cmpf oeq, %select_n3A_488, %eq3A_498 : vector<1280x128xf32>
    %jit3A_500 = arith.constant 1073741824 : i32
    %broadcast_in_dim3A_501 = vector.broadcast %jit3A_500 : i32 to vector<1280x128xi32>
    %select_n3A_502 = arith.select %eq3A_499, %iota3A, %broadcast_in_dim3A_501 : vector<1280x128xi1>, vector<1280x128xi32>
    %reduce_min3A_503 = arith.constant dense<2147483647> : vector<128xi32>
    %reduce_min3A_504 = vector.multi_reduction <minsi>, %select_n3A_502, %reduce_min3A_503 [0] : vector<1280x128xi32> to vector<128xi32>
    %broadcast_in_dim3A_505 = vector.shape_cast %reduce_min3A_504 : vector<128xi32> to vector<1x128xi32>
    %eq3A_506 = vector.broadcast %broadcast_in_dim3A_505 : vector<1x128xi32> to vector<1280x128xi32>
    %eq3A_507 = arith.cmpi eq, %iota3A, %eq3A_506 : vector<1280x128xi32>
    %jit3A_508 = arith.constant 3.000000e+38 : f32
    %broadcast_in_dim3A_509 = vector.broadcast %jit3A_508 : f32 to vector<1280x128xf32>
    %select_n3A_510 = arith.select %eq3A_507, %broadcast_in_dim3A_509, %select_n3A_488 : vector<1280x128xi1>, vector<1280x128xf32>
    %eq3A_511 = arith.constant 21 : i32
    %eq3A_512 = vector.broadcast %eq3A_511 : i32 to vector<32x128xi32>
    %eq3A_513 = arith.cmpi eq, %iota3A_33, %eq3A_512 : vector<32x128xi32>
    %broadcast_in_dim3A_514 = vector.shape_cast %broadcast_in_dim3A_505 : vector<1x128xi32> to vector<1x128xi32>
    %broadcast_in_dim3A_515 = vector.broadcast %broadcast_in_dim3A_514 : vector<1x128xi32> to vector<32x128xi32>
    %select_n3A_516 = arith.select %eq3A_513, %broadcast_in_dim3A_515, %select_n3A_494 : vector<32x128xi1>, vector<32x128xi32>
    %reduce_min3A_517 = arith.constant dense<0x7F800000> : vector<128xf32>
    %reduce_min3A_518 = vector.multi_reduction <minimumf>, %select_n3A_510, %reduce_min3A_517 [0] : vector<1280x128xf32> to vector<128xf32>
    %broadcast_in_dim3A_519 = vector.shape_cast %reduce_min3A_518 : vector<128xf32> to vector<1x128xf32>
    %eq3A_520 = vector.broadcast %broadcast_in_dim3A_519 : vector<1x128xf32> to vector<1280x128xf32>
    %eq3A_521 = arith.cmpf oeq, %select_n3A_510, %eq3A_520 : vector<1280x128xf32>
    %jit3A_522 = arith.constant 1073741824 : i32
    %broadcast_in_dim3A_523 = vector.broadcast %jit3A_522 : i32 to vector<1280x128xi32>
    %select_n3A_524 = arith.select %eq3A_521, %iota3A, %broadcast_in_dim3A_523 : vector<1280x128xi1>, vector<1280x128xi32>
    %reduce_min3A_525 = arith.constant dense<2147483647> : vector<128xi32>
    %reduce_min3A_526 = vector.multi_reduction <minsi>, %select_n3A_524, %reduce_min3A_525 [0] : vector<1280x128xi32> to vector<128xi32>
    %broadcast_in_dim3A_527 = vector.shape_cast %reduce_min3A_526 : vector<128xi32> to vector<1x128xi32>
    %eq3A_528 = vector.broadcast %broadcast_in_dim3A_527 : vector<1x128xi32> to vector<1280x128xi32>
    %eq3A_529 = arith.cmpi eq, %iota3A, %eq3A_528 : vector<1280x128xi32>
    %jit3A_530 = arith.constant 3.000000e+38 : f32
    %broadcast_in_dim3A_531 = vector.broadcast %jit3A_530 : f32 to vector<1280x128xf32>
    %select_n3A_532 = arith.select %eq3A_529, %broadcast_in_dim3A_531, %select_n3A_510 : vector<1280x128xi1>, vector<1280x128xf32>
    %eq3A_533 = arith.constant 22 : i32
    %eq3A_534 = vector.broadcast %eq3A_533 : i32 to vector<32x128xi32>
    %eq3A_535 = arith.cmpi eq, %iota3A_33, %eq3A_534 : vector<32x128xi32>
    %broadcast_in_dim3A_536 = vector.shape_cast %broadcast_in_dim3A_527 : vector<1x128xi32> to vector<1x128xi32>
    %broadcast_in_dim3A_537 = vector.broadcast %broadcast_in_dim3A_536 : vector<1x128xi32> to vector<32x128xi32>
    %select_n3A_538 = arith.select %eq3A_535, %broadcast_in_dim3A_537, %select_n3A_516 : vector<32x128xi1>, vector<32x128xi32>
    %reduce_min3A_539 = arith.constant dense<0x7F800000> : vector<128xf32>
    %reduce_min3A_540 = vector.multi_reduction <minimumf>, %select_n3A_532, %reduce_min3A_539 [0] : vector<1280x128xf32> to vector<128xf32>
    %broadcast_in_dim3A_541 = vector.shape_cast %reduce_min3A_540 : vector<128xf32> to vector<1x128xf32>
    %eq3A_542 = vector.broadcast %broadcast_in_dim3A_541 : vector<1x128xf32> to vector<1280x128xf32>
    %eq3A_543 = arith.cmpf oeq, %select_n3A_532, %eq3A_542 : vector<1280x128xf32>
    %jit3A_544 = arith.constant 1073741824 : i32
    %broadcast_in_dim3A_545 = vector.broadcast %jit3A_544 : i32 to vector<1280x128xi32>
    %select_n3A_546 = arith.select %eq3A_543, %iota3A, %broadcast_in_dim3A_545 : vector<1280x128xi1>, vector<1280x128xi32>
    %reduce_min3A_547 = arith.constant dense<2147483647> : vector<128xi32>
    %reduce_min3A_548 = vector.multi_reduction <minsi>, %select_n3A_546, %reduce_min3A_547 [0] : vector<1280x128xi32> to vector<128xi32>
    %broadcast_in_dim3A_549 = vector.shape_cast %reduce_min3A_548 : vector<128xi32> to vector<1x128xi32>
    %eq3A_550 = vector.broadcast %broadcast_in_dim3A_549 : vector<1x128xi32> to vector<1280x128xi32>
    %eq3A_551 = arith.cmpi eq, %iota3A, %eq3A_550 : vector<1280x128xi32>
    %jit3A_552 = arith.constant 3.000000e+38 : f32
    %broadcast_in_dim3A_553 = vector.broadcast %jit3A_552 : f32 to vector<1280x128xf32>
    %select_n3A_554 = arith.select %eq3A_551, %broadcast_in_dim3A_553, %select_n3A_532 : vector<1280x128xi1>, vector<1280x128xf32>
    %eq3A_555 = arith.constant 23 : i32
    %eq3A_556 = vector.broadcast %eq3A_555 : i32 to vector<32x128xi32>
    %eq3A_557 = arith.cmpi eq, %iota3A_33, %eq3A_556 : vector<32x128xi32>
    %broadcast_in_dim3A_558 = vector.shape_cast %broadcast_in_dim3A_549 : vector<1x128xi32> to vector<1x128xi32>
    %broadcast_in_dim3A_559 = vector.broadcast %broadcast_in_dim3A_558 : vector<1x128xi32> to vector<32x128xi32>
    %select_n3A_560 = arith.select %eq3A_557, %broadcast_in_dim3A_559, %select_n3A_538 : vector<32x128xi1>, vector<32x128xi32>
    %reduce_min3A_561 = arith.constant dense<0x7F800000> : vector<128xf32>
    %reduce_min3A_562 = vector.multi_reduction <minimumf>, %select_n3A_554, %reduce_min3A_561 [0] : vector<1280x128xf32> to vector<128xf32>
    %broadcast_in_dim3A_563 = vector.shape_cast %reduce_min3A_562 : vector<128xf32> to vector<1x128xf32>
    %eq3A_564 = vector.broadcast %broadcast_in_dim3A_563 : vector<1x128xf32> to vector<1280x128xf32>
    %eq3A_565 = arith.cmpf oeq, %select_n3A_554, %eq3A_564 : vector<1280x128xf32>
    %jit3A_566 = arith.constant 1073741824 : i32
    %broadcast_in_dim3A_567 = vector.broadcast %jit3A_566 : i32 to vector<1280x128xi32>
    %select_n3A_568 = arith.select %eq3A_565, %iota3A, %broadcast_in_dim3A_567 : vector<1280x128xi1>, vector<1280x128xi32>
    %reduce_min3A_569 = arith.constant dense<2147483647> : vector<128xi32>
    %reduce_min3A_570 = vector.multi_reduction <minsi>, %select_n3A_568, %reduce_min3A_569 [0] : vector<1280x128xi32> to vector<128xi32>
    %broadcast_in_dim3A_571 = vector.shape_cast %reduce_min3A_570 : vector<128xi32> to vector<1x128xi32>
    %eq3A_572 = vector.broadcast %broadcast_in_dim3A_571 : vector<1x128xi32> to vector<1280x128xi32>
    %eq3A_573 = arith.cmpi eq, %iota3A, %eq3A_572 : vector<1280x128xi32>
    %jit3A_574 = arith.constant 3.000000e+38 : f32
    %broadcast_in_dim3A_575 = vector.broadcast %jit3A_574 : f32 to vector<1280x128xf32>
    %select_n3A_576 = arith.select %eq3A_573, %broadcast_in_dim3A_575, %select_n3A_554 : vector<1280x128xi1>, vector<1280x128xf32>
    %eq3A_577 = arith.constant 24 : i32
    %eq3A_578 = vector.broadcast %eq3A_577 : i32 to vector<32x128xi32>
    %eq3A_579 = arith.cmpi eq, %iota3A_33, %eq3A_578 : vector<32x128xi32>
    %broadcast_in_dim3A_580 = vector.shape_cast %broadcast_in_dim3A_571 : vector<1x128xi32> to vector<1x128xi32>
    %broadcast_in_dim3A_581 = vector.broadcast %broadcast_in_dim3A_580 : vector<1x128xi32> to vector<32x128xi32>
    %select_n3A_582 = arith.select %eq3A_579, %broadcast_in_dim3A_581, %select_n3A_560 : vector<32x128xi1>, vector<32x128xi32>
    %reduce_min3A_583 = arith.constant dense<0x7F800000> : vector<128xf32>
    %reduce_min3A_584 = vector.multi_reduction <minimumf>, %select_n3A_576, %reduce_min3A_583 [0] : vector<1280x128xf32> to vector<128xf32>
    %broadcast_in_dim3A_585 = vector.shape_cast %reduce_min3A_584 : vector<128xf32> to vector<1x128xf32>
    %eq3A_586 = vector.broadcast %broadcast_in_dim3A_585 : vector<1x128xf32> to vector<1280x128xf32>
    %eq3A_587 = arith.cmpf oeq, %select_n3A_576, %eq3A_586 : vector<1280x128xf32>
    %jit3A_588 = arith.constant 1073741824 : i32
    %broadcast_in_dim3A_589 = vector.broadcast %jit3A_588 : i32 to vector<1280x128xi32>
    %select_n3A_590 = arith.select %eq3A_587, %iota3A, %broadcast_in_dim3A_589 : vector<1280x128xi1>, vector<1280x128xi32>
    %reduce_min3A_591 = arith.constant dense<2147483647> : vector<128xi32>
    %reduce_min3A_592 = vector.multi_reduction <minsi>, %select_n3A_590, %reduce_min3A_591 [0] : vector<1280x128xi32> to vector<128xi32>
    %broadcast_in_dim3A_593 = vector.shape_cast %reduce_min3A_592 : vector<128xi32> to vector<1x128xi32>
    %eq3A_594 = vector.broadcast %broadcast_in_dim3A_593 : vector<1x128xi32> to vector<1280x128xi32>
    %eq3A_595 = arith.cmpi eq, %iota3A, %eq3A_594 : vector<1280x128xi32>
    %jit3A_596 = arith.constant 3.000000e+38 : f32
    %broadcast_in_dim3A_597 = vector.broadcast %jit3A_596 : f32 to vector<1280x128xf32>
    %select_n3A_598 = arith.select %eq3A_595, %broadcast_in_dim3A_597, %select_n3A_576 : vector<1280x128xi1>, vector<1280x128xf32>
    %eq3A_599 = arith.constant 25 : i32
    %eq3A_600 = vector.broadcast %eq3A_599 : i32 to vector<32x128xi32>
    %eq3A_601 = arith.cmpi eq, %iota3A_33, %eq3A_600 : vector<32x128xi32>
    %broadcast_in_dim3A_602 = vector.shape_cast %broadcast_in_dim3A_593 : vector<1x128xi32> to vector<1x128xi32>
    %broadcast_in_dim3A_603 = vector.broadcast %broadcast_in_dim3A_602 : vector<1x128xi32> to vector<32x128xi32>
    %select_n3A_604 = arith.select %eq3A_601, %broadcast_in_dim3A_603, %select_n3A_582 : vector<32x128xi1>, vector<32x128xi32>
    %reduce_min3A_605 = arith.constant dense<0x7F800000> : vector<128xf32>
    %reduce_min3A_606 = vector.multi_reduction <minimumf>, %select_n3A_598, %reduce_min3A_605 [0] : vector<1280x128xf32> to vector<128xf32>
    %broadcast_in_dim3A_607 = vector.shape_cast %reduce_min3A_606 : vector<128xf32> to vector<1x128xf32>
    %eq3A_608 = vector.broadcast %broadcast_in_dim3A_607 : vector<1x128xf32> to vector<1280x128xf32>
    %eq3A_609 = arith.cmpf oeq, %select_n3A_598, %eq3A_608 : vector<1280x128xf32>
    %jit3A_610 = arith.constant 1073741824 : i32
    %broadcast_in_dim3A_611 = vector.broadcast %jit3A_610 : i32 to vector<1280x128xi32>
    %select_n3A_612 = arith.select %eq3A_609, %iota3A, %broadcast_in_dim3A_611 : vector<1280x128xi1>, vector<1280x128xi32>
    %reduce_min3A_613 = arith.constant dense<2147483647> : vector<128xi32>
    %reduce_min3A_614 = vector.multi_reduction <minsi>, %select_n3A_612, %reduce_min3A_613 [0] : vector<1280x128xi32> to vector<128xi32>
    %broadcast_in_dim3A_615 = vector.shape_cast %reduce_min3A_614 : vector<128xi32> to vector<1x128xi32>
    %eq3A_616 = vector.broadcast %broadcast_in_dim3A_615 : vector<1x128xi32> to vector<1280x128xi32>
    %eq3A_617 = arith.cmpi eq, %iota3A, %eq3A_616 : vector<1280x128xi32>
    %jit3A_618 = arith.constant 3.000000e+38 : f32
    %broadcast_in_dim3A_619 = vector.broadcast %jit3A_618 : f32 to vector<1280x128xf32>
    %select_n3A_620 = arith.select %eq3A_617, %broadcast_in_dim3A_619, %select_n3A_598 : vector<1280x128xi1>, vector<1280x128xf32>
    %eq3A_621 = arith.constant 26 : i32
    %eq3A_622 = vector.broadcast %eq3A_621 : i32 to vector<32x128xi32>
    %eq3A_623 = arith.cmpi eq, %iota3A_33, %eq3A_622 : vector<32x128xi32>
    %broadcast_in_dim3A_624 = vector.shape_cast %broadcast_in_dim3A_615 : vector<1x128xi32> to vector<1x128xi32>
    %broadcast_in_dim3A_625 = vector.broadcast %broadcast_in_dim3A_624 : vector<1x128xi32> to vector<32x128xi32>
    %select_n3A_626 = arith.select %eq3A_623, %broadcast_in_dim3A_625, %select_n3A_604 : vector<32x128xi1>, vector<32x128xi32>
    %reduce_min3A_627 = arith.constant dense<0x7F800000> : vector<128xf32>
    %reduce_min3A_628 = vector.multi_reduction <minimumf>, %select_n3A_620, %reduce_min3A_627 [0] : vector<1280x128xf32> to vector<128xf32>
    %broadcast_in_dim3A_629 = vector.shape_cast %reduce_min3A_628 : vector<128xf32> to vector<1x128xf32>
    %eq3A_630 = vector.broadcast %broadcast_in_dim3A_629 : vector<1x128xf32> to vector<1280x128xf32>
    %eq3A_631 = arith.cmpf oeq, %select_n3A_620, %eq3A_630 : vector<1280x128xf32>
    %jit3A_632 = arith.constant 1073741824 : i32
    %broadcast_in_dim3A_633 = vector.broadcast %jit3A_632 : i32 to vector<1280x128xi32>
    %select_n3A_634 = arith.select %eq3A_631, %iota3A, %broadcast_in_dim3A_633 : vector<1280x128xi1>, vector<1280x128xi32>
    %reduce_min3A_635 = arith.constant dense<2147483647> : vector<128xi32>
    %reduce_min3A_636 = vector.multi_reduction <minsi>, %select_n3A_634, %reduce_min3A_635 [0] : vector<1280x128xi32> to vector<128xi32>
    %broadcast_in_dim3A_637 = vector.shape_cast %reduce_min3A_636 : vector<128xi32> to vector<1x128xi32>
    %eq3A_638 = vector.broadcast %broadcast_in_dim3A_637 : vector<1x128xi32> to vector<1280x128xi32>
    %eq3A_639 = arith.cmpi eq, %iota3A, %eq3A_638 : vector<1280x128xi32>
    %jit3A_640 = arith.constant 3.000000e+38 : f32
    %broadcast_in_dim3A_641 = vector.broadcast %jit3A_640 : f32 to vector<1280x128xf32>
    %select_n3A_642 = arith.select %eq3A_639, %broadcast_in_dim3A_641, %select_n3A_620 : vector<1280x128xi1>, vector<1280x128xf32>
    %eq3A_643 = arith.constant 27 : i32
    %eq3A_644 = vector.broadcast %eq3A_643 : i32 to vector<32x128xi32>
    %eq3A_645 = arith.cmpi eq, %iota3A_33, %eq3A_644 : vector<32x128xi32>
    %broadcast_in_dim3A_646 = vector.shape_cast %broadcast_in_dim3A_637 : vector<1x128xi32> to vector<1x128xi32>
    %broadcast_in_dim3A_647 = vector.broadcast %broadcast_in_dim3A_646 : vector<1x128xi32> to vector<32x128xi32>
    %select_n3A_648 = arith.select %eq3A_645, %broadcast_in_dim3A_647, %select_n3A_626 : vector<32x128xi1>, vector<32x128xi32>
    %reduce_min3A_649 = arith.constant dense<0x7F800000> : vector<128xf32>
    %reduce_min3A_650 = vector.multi_reduction <minimumf>, %select_n3A_642, %reduce_min3A_649 [0] : vector<1280x128xf32> to vector<128xf32>
    %broadcast_in_dim3A_651 = vector.shape_cast %reduce_min3A_650 : vector<128xf32> to vector<1x128xf32>
    %eq3A_652 = vector.broadcast %broadcast_in_dim3A_651 : vector<1x128xf32> to vector<1280x128xf32>
    %eq3A_653 = arith.cmpf oeq, %select_n3A_642, %eq3A_652 : vector<1280x128xf32>
    %jit3A_654 = arith.constant 1073741824 : i32
    %broadcast_in_dim3A_655 = vector.broadcast %jit3A_654 : i32 to vector<1280x128xi32>
    %select_n3A_656 = arith.select %eq3A_653, %iota3A, %broadcast_in_dim3A_655 : vector<1280x128xi1>, vector<1280x128xi32>
    %reduce_min3A_657 = arith.constant dense<2147483647> : vector<128xi32>
    %reduce_min3A_658 = vector.multi_reduction <minsi>, %select_n3A_656, %reduce_min3A_657 [0] : vector<1280x128xi32> to vector<128xi32>
    %broadcast_in_dim3A_659 = vector.shape_cast %reduce_min3A_658 : vector<128xi32> to vector<1x128xi32>
    %eq3A_660 = vector.broadcast %broadcast_in_dim3A_659 : vector<1x128xi32> to vector<1280x128xi32>
    %eq3A_661 = arith.cmpi eq, %iota3A, %eq3A_660 : vector<1280x128xi32>
    %jit3A_662 = arith.constant 3.000000e+38 : f32
    %broadcast_in_dim3A_663 = vector.broadcast %jit3A_662 : f32 to vector<1280x128xf32>
    %select_n3A_664 = arith.select %eq3A_661, %broadcast_in_dim3A_663, %select_n3A_642 : vector<1280x128xi1>, vector<1280x128xf32>
    %eq3A_665 = arith.constant 28 : i32
    %eq3A_666 = vector.broadcast %eq3A_665 : i32 to vector<32x128xi32>
    %eq3A_667 = arith.cmpi eq, %iota3A_33, %eq3A_666 : vector<32x128xi32>
    %broadcast_in_dim3A_668 = vector.shape_cast %broadcast_in_dim3A_659 : vector<1x128xi32> to vector<1x128xi32>
    %broadcast_in_dim3A_669 = vector.broadcast %broadcast_in_dim3A_668 : vector<1x128xi32> to vector<32x128xi32>
    %select_n3A_670 = arith.select %eq3A_667, %broadcast_in_dim3A_669, %select_n3A_648 : vector<32x128xi1>, vector<32x128xi32>
    %reduce_min3A_671 = arith.constant dense<0x7F800000> : vector<128xf32>
    %reduce_min3A_672 = vector.multi_reduction <minimumf>, %select_n3A_664, %reduce_min3A_671 [0] : vector<1280x128xf32> to vector<128xf32>
    %broadcast_in_dim3A_673 = vector.shape_cast %reduce_min3A_672 : vector<128xf32> to vector<1x128xf32>
    %eq3A_674 = vector.broadcast %broadcast_in_dim3A_673 : vector<1x128xf32> to vector<1280x128xf32>
    %eq3A_675 = arith.cmpf oeq, %select_n3A_664, %eq3A_674 : vector<1280x128xf32>
    %jit3A_676 = arith.constant 1073741824 : i32
    %broadcast_in_dim3A_677 = vector.broadcast %jit3A_676 : i32 to vector<1280x128xi32>
    %select_n3A_678 = arith.select %eq3A_675, %iota3A, %broadcast_in_dim3A_677 : vector<1280x128xi1>, vector<1280x128xi32>
    %reduce_min3A_679 = arith.constant dense<2147483647> : vector<128xi32>
    %reduce_min3A_680 = vector.multi_reduction <minsi>, %select_n3A_678, %reduce_min3A_679 [0] : vector<1280x128xi32> to vector<128xi32>
    %broadcast_in_dim3A_681 = vector.shape_cast %reduce_min3A_680 : vector<128xi32> to vector<1x128xi32>
    %eq3A_682 = vector.broadcast %broadcast_in_dim3A_681 : vector<1x128xi32> to vector<1280x128xi32>
    %eq3A_683 = arith.cmpi eq, %iota3A, %eq3A_682 : vector<1280x128xi32>
    %jit3A_684 = arith.constant 3.000000e+38 : f32
    %broadcast_in_dim3A_685 = vector.broadcast %jit3A_684 : f32 to vector<1280x128xf32>
    %select_n3A_686 = arith.select %eq3A_683, %broadcast_in_dim3A_685, %select_n3A_664 : vector<1280x128xi1>, vector<1280x128xf32>
    %eq3A_687 = arith.constant 29 : i32
    %eq3A_688 = vector.broadcast %eq3A_687 : i32 to vector<32x128xi32>
    %eq3A_689 = arith.cmpi eq, %iota3A_33, %eq3A_688 : vector<32x128xi32>
    %broadcast_in_dim3A_690 = vector.shape_cast %broadcast_in_dim3A_681 : vector<1x128xi32> to vector<1x128xi32>
    %broadcast_in_dim3A_691 = vector.broadcast %broadcast_in_dim3A_690 : vector<1x128xi32> to vector<32x128xi32>
    %select_n3A_692 = arith.select %eq3A_689, %broadcast_in_dim3A_691, %select_n3A_670 : vector<32x128xi1>, vector<32x128xi32>
    %reduce_min3A_693 = arith.constant dense<0x7F800000> : vector<128xf32>
    %reduce_min3A_694 = vector.multi_reduction <minimumf>, %select_n3A_686, %reduce_min3A_693 [0] : vector<1280x128xf32> to vector<128xf32>
    %broadcast_in_dim3A_695 = vector.shape_cast %reduce_min3A_694 : vector<128xf32> to vector<1x128xf32>
    %eq3A_696 = vector.broadcast %broadcast_in_dim3A_695 : vector<1x128xf32> to vector<1280x128xf32>
    %eq3A_697 = arith.cmpf oeq, %select_n3A_686, %eq3A_696 : vector<1280x128xf32>
    %jit3A_698 = arith.constant 1073741824 : i32
    %broadcast_in_dim3A_699 = vector.broadcast %jit3A_698 : i32 to vector<1280x128xi32>
    %select_n3A_700 = arith.select %eq3A_697, %iota3A, %broadcast_in_dim3A_699 : vector<1280x128xi1>, vector<1280x128xi32>
    %reduce_min3A_701 = arith.constant dense<2147483647> : vector<128xi32>
    %reduce_min3A_702 = vector.multi_reduction <minsi>, %select_n3A_700, %reduce_min3A_701 [0] : vector<1280x128xi32> to vector<128xi32>
    %broadcast_in_dim3A_703 = vector.shape_cast %reduce_min3A_702 : vector<128xi32> to vector<1x128xi32>
    %eq3A_704 = vector.broadcast %broadcast_in_dim3A_703 : vector<1x128xi32> to vector<1280x128xi32>
    %eq3A_705 = arith.cmpi eq, %iota3A, %eq3A_704 : vector<1280x128xi32>
    %jit3A_706 = arith.constant 3.000000e+38 : f32
    %broadcast_in_dim3A_707 = vector.broadcast %jit3A_706 : f32 to vector<1280x128xf32>
    %select_n3A_708 = arith.select %eq3A_705, %broadcast_in_dim3A_707, %select_n3A_686 : vector<1280x128xi1>, vector<1280x128xf32>
    %eq3A_709 = arith.constant 30 : i32
    %eq3A_710 = vector.broadcast %eq3A_709 : i32 to vector<32x128xi32>
    %eq3A_711 = arith.cmpi eq, %iota3A_33, %eq3A_710 : vector<32x128xi32>
    %broadcast_in_dim3A_712 = vector.shape_cast %broadcast_in_dim3A_703 : vector<1x128xi32> to vector<1x128xi32>
    %broadcast_in_dim3A_713 = vector.broadcast %broadcast_in_dim3A_712 : vector<1x128xi32> to vector<32x128xi32>
    %select_n3A_714 = arith.select %eq3A_711, %broadcast_in_dim3A_713, %select_n3A_692 : vector<32x128xi1>, vector<32x128xi32>
    %reduce_min3A_715 = arith.constant dense<0x7F800000> : vector<128xf32>
    %reduce_min3A_716 = vector.multi_reduction <minimumf>, %select_n3A_708, %reduce_min3A_715 [0] : vector<1280x128xf32> to vector<128xf32>
    %broadcast_in_dim3A_717 = vector.shape_cast %reduce_min3A_716 : vector<128xf32> to vector<1x128xf32>
    %eq3A_718 = vector.broadcast %broadcast_in_dim3A_717 : vector<1x128xf32> to vector<1280x128xf32>
    %eq3A_719 = arith.cmpf oeq, %select_n3A_708, %eq3A_718 : vector<1280x128xf32>
    %jit3A_720 = arith.constant 1073741824 : i32
    %broadcast_in_dim3A_721 = vector.broadcast %jit3A_720 : i32 to vector<1280x128xi32>
    %select_n3A_722 = arith.select %eq3A_719, %iota3A, %broadcast_in_dim3A_721 : vector<1280x128xi1>, vector<1280x128xi32>
    %reduce_min3A_723 = arith.constant dense<2147483647> : vector<128xi32>
    %reduce_min3A_724 = vector.multi_reduction <minsi>, %select_n3A_722, %reduce_min3A_723 [0] : vector<1280x128xi32> to vector<128xi32>
    %broadcast_in_dim3A_725 = vector.shape_cast %reduce_min3A_724 : vector<128xi32> to vector<1x128xi32>
    %eq3A_726 = arith.constant 31 : i32
    %eq3A_727 = vector.broadcast %eq3A_726 : i32 to vector<32x128xi32>
    %eq3A_728 = arith.cmpi eq, %iota3A_33, %eq3A_727 : vector<32x128xi32>
    %broadcast_in_dim3A_729 = vector.shape_cast %broadcast_in_dim3A_725 : vector<1x128xi32> to vector<1x128xi32>
    %broadcast_in_dim3A_730 = vector.broadcast %broadcast_in_dim3A_729 : vector<1x128xi32> to vector<32x128xi32>
    %select_n3A_731 = arith.select %eq3A_728, %broadcast_in_dim3A_730, %select_n3A_714 : vector<32x128xi1>, vector<32x128xi32>
    %add3A_732 = arith.constant 6 : i32
    %add3A_733 = arith.addi %arg0, %add3A_732 : i32
    %mul3A_734 = arith.constant 1280 : i32
    %mul3A_735 = arith.muli %add3A_733, %mul3A_734 : i32
    %add3A_736 = vector.broadcast %mul3A_735 : i32 to vector<32x128xi32>
    %add3A_737 = arith.addi %select_n3A_731, %add3A_736 : vector<32x128xi32>
    %swap3A = arith.constant 0 : index
    %swap3A_738 = arith.constant 0 : index
    %swap3A_739 = arith.constant 0 : index
    %swap3A_740 = vector.load %arg4[%swap3A, %swap3A_738, %swap3A_739] : memref<1x32x128xi32, #tpu.memory_space<vmem>>, vector<1x32x128xi32>
    %swap3A_741 = vector.shape_cast %swap3A_740 : vector<1x32x128xi32> to vector<32x128xi32>
    %swap3A_742 = vector.shape_cast %add3A_737 : vector<32x128xi32> to vector<1x32x128xi32>
    tpu.vector_store %arg4[%swap3A, %swap3A_738, %swap3A_739], %swap3A_742 {strides = array<i32>} : memref<1x32x128xi32, #tpu.memory_space<vmem>>, vector<1x32x128xi32>,
    return
  }
  func.func @transform_0(%arg0: i32, %arg1: i32) -> (i32, i32, i32) {
    %add3A = arith.constant 6 : i32
    %add3A_0 = arith.addi %arg0, %add3A : i32
    %c0_i32 = arith.constant 0 : i32
    %c0_i32_1 = arith.constant 0 : i32
    %c0_i32_2 = arith.constant 0 : i32
    return %add3A_0, %c0_i32, %c0_i32_1 : i32, i32, i32
  }
  func.func @transform_1(%arg0: i32, %arg1: i32) -> (i32, i32, i32) {
    %add3A = arith.constant 6 : i32
    %add3A_0 = arith.addi %arg0, %add3A : i32
    %c0_i32 = arith.constant 0 : i32
    %c0_i32_1 = arith.constant 0 : i32
    return %add3A_0, %c0_i32, %arg1 : i32, i32, i32
  }
  func.func @transform_2(%arg0: i32, %arg1: i32) -> (i32, i32, i32) {
    %c0_i32 = arith.constant 0 : i32
    %c0_i32_0 = arith.constant 0 : i32
    return %arg0, %c0_i32, %arg1 : i32, i32, i32
  }
}

module attributes {stable_mosaic.version = 14 : i64} {
  func.func @_node_body(%arg0: i32, %arg1: memref<128x128xf32, #tpu.memory_space<vmem>>, %arg2: memref<128x3xf32, #tpu.memory_space<vmem>>, %arg3: memref<128x64xf32, #tpu.memory_space<vmem>>, %arg4: memref<1x64xf32, #tpu.memory_space<vmem>>, %arg5: memref<64x32xf32, #tpu.memory_space<vmem>>, %arg6: memref<1x32xf32, #tpu.memory_space<vmem>>, %arg7: memref<32x3xf32, #tpu.memory_space<vmem>>, %arg8: memref<1x3xf32, #tpu.memory_space<vmem>>, %arg9: memref<128x64xf32, #tpu.memory_space<vmem>>, %arg10: memref<3x64xf32, #tpu.memory_space<vmem>>, %arg11: memref<1x64xf32, #tpu.memory_space<vmem>>, %arg12: memref<128x128xf32, #tpu.memory_space<vmem>>, %arg13: memref<128x64xf32, #tpu.memory_space<vmem>>) attributes {dimension_semantics = [#tpu.dimension_semantics<arbitrary>], iteration_bounds = array<i64: 80>, scalar_prefetch = 0 : i64, scratch_operands = 0 : i64, tpu.core_type = #tpu.core_type<tc>, window_params = [{transform_indices = @transform_0, window_bounds = array<i64: 128, 128>}, {transform_indices = @transform_1, window_bounds = array<i64: 128, 3>}, {pipeline_mode = #tpu.pipeline_mode<synchronous>, transform_indices = @transform_2, window_bounds = array<i64: 128, 64>}, {pipeline_mode = #tpu.pipeline_mode<synchronous>, transform_indices = @transform_3, window_bounds = array<i64: 1, 64>}, {pipeline_mode = #tpu.pipeline_mode<synchronous>, transform_indices = @transform_4, window_bounds = array<i64: 64, 32>}, {pipeline_mode = #tpu.pipeline_mode<synchronous>, transform_indices = @transform_5, window_bounds = array<i64: 1, 32>}, {pipeline_mode = #tpu.pipeline_mode<synchronous>, transform_indices = @transform_6, window_bounds = array<i64: 32, 3>}, {pipeline_mode = #tpu.pipeline_mode<synchronous>, transform_indices = @transform_7, window_bounds = array<i64: 1, 3>}, {pipeline_mode = #tpu.pipeline_mode<synchronous>, transform_indices = @transform_8, window_bounds = array<i64: 128, 64>}, {pipeline_mode = #tpu.pipeline_mode<synchronous>, transform_indices = @transform_9, window_bounds = array<i64: 3, 64>}, {pipeline_mode = #tpu.pipeline_mode<synchronous>, transform_indices = @transform_10, window_bounds = array<i64: 1, 64>}, {transform_indices = @transform_11, window_bounds = array<i64: 128, 128>}, {transform_indices = @transform_12, window_bounds = array<i64: 128, 64>}]} {
    %get3A = arith.constant 0 : index
    %get3A_0 = arith.constant 0 : index
    %get3A_1 = vector.load %arg1[%get3A, %get3A_0] : memref<128x128xf32, #tpu.memory_space<vmem>>, vector<128x128xf32>
    %get3A_2 = arith.constant 0 : index
    %get3A_3 = arith.constant 0 : index
    %get3A_4 = vector.load %arg2[%get3A_2, %get3A_3] : memref<128x3xf32, #tpu.memory_space<vmem>>, vector<128x3xf32>
    %get3A_5 = arith.constant 0 : index
    %get3A_6 = arith.constant 0 : index
    %get3A_7 = vector.load %arg3[%get3A_5, %get3A_6] : memref<128x64xf32, #tpu.memory_space<vmem>>, vector<128x64xf32>
    %dot_general3A = arith.constant dense<0.000000e+00> : vector<128x64xf32>
    %dot_general3A_8 = tpu.matmul %get3A_1, %get3A_7, %dot_general3A {dimension_numbers = #tpu.dot_dimension_numbers<[1], [0], [0], [1], [0, 0, 1, 1], [], []>, transpose_lhs_hint = false} : vector<128x128xf32>, vector<128x64xf32>, vector<128x64xf32> -> vector<128x64xf32>
    %get3A_9 = arith.constant 0 : index
    %get3A_10 = arith.constant 0 : index
    %get3A_11 = vector.load %arg4[%get3A_9, %get3A_10] : memref<1x64xf32, #tpu.memory_space<vmem>>, vector<1x64xf32>
    %add3A = vector.broadcast %get3A_11 : vector<1x64xf32> to vector<128x64xf32>
    %add3A_12 = arith.addf %dot_general3A_8, %add3A : vector<128x64xf32>
    %max3A = arith.constant 0.000000e+00 : f32
    %max3A_13 = vector.broadcast %max3A : f32 to vector<128x64xf32>
    %max3A_14 = arith.maximumf %add3A_12, %max3A_13 : vector<128x64xf32>
    %get3A_15 = arith.constant 0 : index
    %get3A_16 = arith.constant 0 : index
    %get3A_17 = vector.load %arg5[%get3A_15, %get3A_16] : memref<64x32xf32, #tpu.memory_space<vmem>>, vector<64x32xf32>
    %dot_general3A_18 = arith.constant dense<0.000000e+00> : vector<128x32xf32>
    %dot_general3A_19 = tpu.matmul %max3A_14, %get3A_17, %dot_general3A_18 {dimension_numbers = #tpu.dot_dimension_numbers<[1], [0], [0], [1], [0, 0, 1, 1], [], []>, transpose_lhs_hint = false} : vector<128x64xf32>, vector<64x32xf32>, vector<128x32xf32> -> vector<128x32xf32>
    %get3A_20 = arith.constant 0 : index
    %get3A_21 = arith.constant 0 : index
    %get3A_22 = vector.load %arg6[%get3A_20, %get3A_21] : memref<1x32xf32, #tpu.memory_space<vmem>>, vector<1x32xf32>
    %add3A_23 = vector.broadcast %get3A_22 : vector<1x32xf32> to vector<128x32xf32>
    %add3A_24 = arith.addf %dot_general3A_19, %add3A_23 : vector<128x32xf32>
    %max3A_25 = arith.constant 0.000000e+00 : f32
    %max3A_26 = vector.broadcast %max3A_25 : f32 to vector<128x32xf32>
    %max3A_27 = arith.maximumf %add3A_24, %max3A_26 : vector<128x32xf32>
    %get3A_28 = arith.constant 0 : index
    %get3A_29 = arith.constant 0 : index
    %get3A_30 = vector.load %arg7[%get3A_28, %get3A_29] : memref<32x3xf32, #tpu.memory_space<vmem>>, vector<32x3xf32>
    %dot_general3A_31 = arith.constant dense<0.000000e+00> : vector<128x3xf32>
    %dot_general3A_32 = tpu.matmul %max3A_27, %get3A_30, %dot_general3A_31 {dimension_numbers = #tpu.dot_dimension_numbers<[1], [0], [0], [1], [0, 0, 1, 1], [], []>, transpose_lhs_hint = false} : vector<128x32xf32>, vector<32x3xf32>, vector<128x3xf32> -> vector<128x3xf32>
    %get3A_33 = arith.constant 0 : index
    %get3A_34 = arith.constant 0 : index
    %get3A_35 = vector.load %arg8[%get3A_33, %get3A_34] : memref<1x3xf32, #tpu.memory_space<vmem>>, vector<1x3xf32>
    %add3A_36 = vector.broadcast %get3A_35 : vector<1x3xf32> to vector<128x3xf32>
    %add3A_37 = arith.addf %dot_general3A_32, %add3A_36 : vector<128x3xf32>
    %get3A_38 = arith.constant 0 : index
    %get3A_39 = arith.constant 0 : index
    %get3A_40 = vector.load %arg9[%get3A_38, %get3A_39] : memref<128x64xf32, #tpu.memory_space<vmem>>, vector<128x64xf32>
    %dot_general3A_41 = arith.constant dense<0.000000e+00> : vector<128x64xf32>
    %dot_general3A_42 = tpu.matmul %get3A_1, %get3A_40, %dot_general3A_41 {dimension_numbers = #tpu.dot_dimension_numbers<[1], [0], [0], [1], [0, 0, 1, 1], [], []>, transpose_lhs_hint = false} : vector<128x128xf32>, vector<128x64xf32>, vector<128x64xf32> -> vector<128x64xf32>
    %get3A_43 = arith.constant 0 : index
    %get3A_44 = arith.constant 0 : index
    %get3A_45 = vector.load %arg10[%get3A_43, %get3A_44] : memref<3x64xf32, #tpu.memory_space<vmem>>, vector<3x64xf32>
    %dot_general3A_46 = arith.constant dense<0.000000e+00> : vector<128x64xf32>
    %dot_general3A_47 = tpu.matmul %get3A_4, %get3A_45, %dot_general3A_46 {dimension_numbers = #tpu.dot_dimension_numbers<[1], [0], [0], [1], [0, 0, 1, 1], [], []>, transpose_lhs_hint = false} : vector<128x3xf32>, vector<3x64xf32>, vector<128x64xf32> -> vector<128x64xf32>
    %add3A_48 = arith.addf %dot_general3A_42, %dot_general3A_47 : vector<128x64xf32>
    %broadcast_in_dim3A = arith.constant 0.000000e+00 : f32
    %broadcast_in_dim3A_49 = vector.broadcast %broadcast_in_dim3A : f32 to vector<128x64xf32>
    %concatenate3A = tpu.concatenate %add3A_48, %broadcast_in_dim3A_49 in 1 : vector<128x64xf32>, vector<128x64xf32> -> vector<128x128xf32>
    %swap3A = arith.constant 0 : index
    %swap3A_50 = arith.constant 0 : index
    %swap3A_51 = vector.load %arg12[%swap3A, %swap3A_50] : memref<128x128xf32, #tpu.memory_space<vmem>>, vector<128x128xf32>
    tpu.vector_store %arg12[%swap3A, %swap3A_50], %concatenate3A {strides = array<i32>} : memref<128x128xf32, #tpu.memory_space<vmem>>, vector<128x128xf32>,
    %get3A_52 = arith.constant 0 : index
    %get3A_53 = arith.constant 0 : index
    %get3A_54 = vector.load %arg11[%get3A_52, %get3A_53] : memref<1x64xf32, #tpu.memory_space<vmem>>, vector<1x64xf32>
    %add3A_55 = arith.addf %get3A_4, %add3A_37 : vector<128x3xf32>
    %get3A_56 = arith.constant 0 : index
    %get3A_57 = arith.constant 0 : index
    %get3A_58 = vector.load %arg10[%get3A_56, %get3A_57] : memref<3x64xf32, #tpu.memory_space<vmem>>, vector<3x64xf32>
    %dot_general3A_59 = arith.constant dense<0.000000e+00> : vector<128x64xf32>
    %dot_general3A_60 = tpu.matmul %add3A_55, %get3A_58, %dot_general3A_59 {dimension_numbers = #tpu.dot_dimension_numbers<[1], [0], [0], [1], [0, 0, 1, 1], [], []>, transpose_lhs_hint = false} : vector<128x3xf32>, vector<3x64xf32>, vector<128x64xf32> -> vector<128x64xf32>
    %sub3A = vector.broadcast %get3A_54 : vector<1x64xf32> to vector<128x64xf32>
    %sub3A_61 = arith.subf %sub3A, %dot_general3A_60 : vector<128x64xf32>
    %swap3A_62 = arith.constant 0 : index
    %swap3A_63 = arith.constant 0 : index
    %swap3A_64 = vector.load %arg13[%swap3A_62, %swap3A_63] : memref<128x64xf32, #tpu.memory_space<vmem>>, vector<128x64xf32>
    tpu.vector_store %arg13[%swap3A_62, %swap3A_63], %sub3A_61 {strides = array<i32>} : memref<128x64xf32, #tpu.memory_space<vmem>>, vector<128x64xf32>,
    return
  }
  func.func @transform_0(%arg0: i32) -> (i32, i32) {
    %c0_i32 = arith.constant 0 : i32
    %c0_i32_0 = arith.constant 0 : i32
    return %arg0, %c0_i32 : i32, i32
  }
  func.func @transform_1(%arg0: i32) -> (i32, i32) {
    %c0_i32 = arith.constant 0 : i32
    %c0_i32_0 = arith.constant 0 : i32
    return %arg0, %c0_i32 : i32, i32
  }
  func.func @transform_2(%arg0: i32) -> (i32, i32) {
    %c0_i32 = arith.constant 0 : i32
    %c0_i32_0 = arith.constant 0 : i32
    %c0_i32_1 = arith.constant 0 : i32
    return %c0_i32, %c0_i32_0 : i32, i32
  }
  func.func @transform_3(%arg0: i32) -> (i32, i32) {
    %c0_i32 = arith.constant 0 : i32
    %c0_i32_0 = arith.constant 0 : i32
    %c0_i32_1 = arith.constant 0 : i32
    return %c0_i32, %c0_i32_0 : i32, i32
  }
  func.func @transform_4(%arg0: i32) -> (i32, i32) {
    %c0_i32 = arith.constant 0 : i32
    %c0_i32_0 = arith.constant 0 : i32
    %c0_i32_1 = arith.constant 0 : i32
    return %c0_i32, %c0_i32_0 : i32, i32
  }
  func.func @transform_5(%arg0: i32) -> (i32, i32) {
    %c0_i32 = arith.constant 0 : i32
    %c0_i32_0 = arith.constant 0 : i32
    %c0_i32_1 = arith.constant 0 : i32
    return %c0_i32, %c0_i32_0 : i32, i32
  }
  func.func @transform_6(%arg0: i32) -> (i32, i32) {
    %c0_i32 = arith.constant 0 : i32
    %c0_i32_0 = arith.constant 0 : i32
    %c0_i32_1 = arith.constant 0 : i32
    return %c0_i32, %c0_i32_0 : i32, i32
  }
  func.func @transform_7(%arg0: i32) -> (i32, i32) {
    %c0_i32 = arith.constant 0 : i32
    %c0_i32_0 = arith.constant 0 : i32
    %c0_i32_1 = arith.constant 0 : i32
    return %c0_i32, %c0_i32_0 : i32, i32
  }
  func.func @transform_8(%arg0: i32) -> (i32, i32) {
    %c0_i32 = arith.constant 0 : i32
    %c0_i32_0 = arith.constant 0 : i32
    %c0_i32_1 = arith.constant 0 : i32
    return %c0_i32, %c0_i32_0 : i32, i32
  }
  func.func @transform_9(%arg0: i32) -> (i32, i32) {
    %c0_i32 = arith.constant 0 : i32
    %c0_i32_0 = arith.constant 0 : i32
    %c0_i32_1 = arith.constant 0 : i32
    return %c0_i32, %c0_i32_0 : i32, i32
  }
  func.func @transform_10(%arg0: i32) -> (i32, i32) {
    %c0_i32 = arith.constant 0 : i32
    %c0_i32_0 = arith.constant 0 : i32
    %c0_i32_1 = arith.constant 0 : i32
    return %c0_i32, %c0_i32_0 : i32, i32
  }
  func.func @transform_11(%arg0: i32) -> (i32, i32) {
    %c0_i32 = arith.constant 0 : i32
    %c0_i32_0 = arith.constant 0 : i32
    return %arg0, %c0_i32 : i32, i32
  }
  func.func @transform_12(%arg0: i32) -> (i32, i32) {
    %c0_i32 = arith.constant 0 : i32
    %c0_i32_0 = arith.constant 0 : i32
    return %arg0, %c0_i32 : i32, i32
  }
}

module attributes {stable_mosaic.version = 14 : i64} {
  func.func @_knn_body(%arg0: i32, %arg1: i32, %arg2: memref<1x1280x3xf32, #tpu.memory_space<vmem>>, %arg3: memref<1x3x128xf32, #tpu.memory_space<vmem>>, %arg4: memref<1x32x128xi32, #tpu.memory_space<vmem>>) attributes {dimension_semantics = [#tpu.dimension_semantics<arbitrary>, #tpu.dimension_semantics<arbitrary>], iteration_bounds = array<i64: 2, 10>, scalar_prefetch = 0 : i64, scratch_operands = 0 : i64, tpu.core_type = #tpu.core_type<tc>, window_params = [{transform_indices = @transform_0, window_bounds = array<i64: 1, 1280, 3>}, {transform_indices = @transform_1, window_bounds = array<i64: 1, 3, 128>}, {transform_indices = @transform_2, window_bounds = array<i64: 1, 32, 128>}]} {
    %get3A = arith.constant 0 : index
    %get3A_0 = arith.constant 0 : index
    %get3A_1 = arith.constant 0 : index
    %get3A_2 = vector.load %arg2[%get3A, %get3A_0, %get3A_1] : memref<1x1280x3xf32, #tpu.memory_space<vmem>>, vector<1x1280x3xf32>
    %get3A_3 = vector.shape_cast %get3A_2 : vector<1x1280x3xf32> to vector<1280x3xf32>
    %get3A_4 = arith.constant 0 : index
    %get3A_5 = arith.constant 0 : index
    %get3A_6 = arith.constant 0 : index
    %get3A_7 = vector.load %arg3[%get3A_4, %get3A_5, %get3A_6] : memref<1x3x128xf32, #tpu.memory_space<vmem>>, vector<1x3x128xf32>
    %get3A_8 = vector.shape_cast %get3A_7 : vector<1x3x128xf32> to vector<3x128xf32>
    %slice3A = vector.extract_strided_slice %get3A_3 {offsets = [0, 0], sizes = [1280, 1], strides = [1, 1]} : vector<1280x3xf32> to vector<1280x1xf32>
    %slice3A_9 = vector.extract_strided_slice %get3A_8 {offsets = [0, 0], sizes = [1, 128], strides = [1, 1]} : vector<3x128xf32> to vector<1x128xf32>
    %sub3A = vector.broadcast %slice3A : vector<1280x1xf32> to vector<1280x128xf32>
    %sub3A_10 = vector.broadcast %slice3A_9 : vector<1x128xf32> to vector<1280x128xf32>
    %sub3A_11 = arith.subf %sub3A, %sub3A_10 : vector<1280x128xf32>
    %mul3A = arith.mulf %sub3A_11, %sub3A_11 : vector<1280x128xf32>
    %slice3A_12 = vector.extract_strided_slice %get3A_3 {offsets = [0, 1], sizes = [1280, 1], strides = [1, 1]} : vector<1280x3xf32> to vector<1280x1xf32>
    %slice3A_13 = vector.extract_strided_slice %get3A_8 {offsets = [1, 0], sizes = [1, 128], strides = [1, 1]} : vector<3x128xf32> to vector<1x128xf32>
    %sub3A_14 = vector.broadcast %slice3A_12 : vector<1280x1xf32> to vector<1280x128xf32>
    %sub3A_15 = vector.broadcast %slice3A_13 : vector<1x128xf32> to vector<1280x128xf32>
    %sub3A_16 = arith.subf %sub3A_14, %sub3A_15 : vector<1280x128xf32>
    %mul3A_17 = arith.mulf %sub3A_16, %sub3A_16 : vector<1280x128xf32>
    %add3A = arith.addf %mul3A, %mul3A_17 : vector<1280x128xf32>
    %slice3A_18 = vector.extract_strided_slice %get3A_3 {offsets = [0, 2], sizes = [1280, 1], strides = [1, 1]} : vector<1280x3xf32> to vector<1280x1xf32>
    %slice3A_19 = vector.extract_strided_slice %get3A_8 {offsets = [2, 0], sizes = [1, 128], strides = [1, 1]} : vector<3x128xf32> to vector<1x128xf32>
    %sub3A_20 = vector.broadcast %slice3A_18 : vector<1280x1xf32> to vector<1280x128xf32>
    %sub3A_21 = vector.broadcast %slice3A_19 : vector<1x128xf32> to vector<1280x128xf32>
    %sub3A_22 = arith.subf %sub3A_20, %sub3A_21 : vector<1280x128xf32>
    %mul3A_23 = arith.mulf %sub3A_22, %sub3A_22 : vector<1280x128xf32>
    %add3A_24 = arith.addf %add3A, %mul3A_23 : vector<1280x128xf32>
    %iota3A = tpu.iota {dimensions = array<i32: 0>} : vector<1280x128xi32>
    %iota3A_25 = tpu.iota {dimensions = array<i32: 1>} : vector<1280x128xi32>
    %mul3A_26 = arith.constant 128 : i32
    %mul3A_27 = arith.muli %arg1, %mul3A_26 : i32
    %add3A_28 = vector.broadcast %mul3A_27 : i32 to vector<1280x128xi32>
    %add3A_29 = arith.addi %iota3A_25, %add3A_28 : vector<1280x128xi32>
    %eq3A = arith.cmpi eq, %iota3A, %add3A_29 : vector<1280x128xi32>
    %add3A_30 = arith.constant 1.000000e+10 : f32
    %add3A_31 = vector.broadcast %add3A_30 : f32 to vector<1280x128xf32>
    %add3A_32 = arith.addf %add3A_24, %add3A_31 : vector<1280x128xf32>
    %select_n3A = arith.select %eq3A, %add3A_32, %add3A_24 : vector<1280x128xi1>, vector<1280x128xf32>
    %iota3A_33 = tpu.iota {dimensions = array<i32: 0>} : vector<32x128xi32>
    %broadcast_in_dim3A = arith.constant 0 : i32
    %broadcast_in_dim3A_34 = vector.broadcast %broadcast_in_dim3A : i32 to vector<32x128xi32>
    %reduce_min3A = arith.constant dense<0x7F800000> : vector<128xf32>
    %reduce_min3A_35 = vector.multi_reduction <minimumf>, %select_n3A, %reduce_min3A [0] : vector<1280x128xf32> to vector<128xf32>
    %broadcast_in_dim3A_36 = vector.shape_cast %reduce_min3A_35 : vector<128xf32> to vector<1x128xf32>
    %eq3A_37 = vector.broadcast %broadcast_in_dim3A_36 : vector<1x128xf32> to vector<1280x128xf32>
    %eq3A_38 = arith.cmpf oeq, %select_n3A, %eq3A_37 : vector<1280x128xf32>
    %jit3A = arith.constant 1073741824 : i32
    %broadcast_in_dim3A_39 = vector.broadcast %jit3A : i32 to vector<1280x128xi32>
    %select_n3A_40 = arith.select %eq3A_38, %iota3A, %broadcast_in_dim3A_39 : vector<1280x128xi1>, vector<1280x128xi32>
    %reduce_min3A_41 = arith.constant dense<2147483647> : vector<128xi32>
    %reduce_min3A_42 = vector.multi_reduction <minsi>, %select_n3A_40, %reduce_min3A_41 [0] : vector<1280x128xi32> to vector<128xi32>
    %broadcast_in_dim3A_43 = vector.shape_cast %reduce_min3A_42 : vector<128xi32> to vector<1x128xi32>
    %eq3A_44 = vector.broadcast %broadcast_in_dim3A_43 : vector<1x128xi32> to vector<1280x128xi32>
    %eq3A_45 = arith.cmpi eq, %iota3A, %eq3A_44 : vector<1280x128xi32>
    %jit3A_46 = arith.constant 3.000000e+38 : f32
    %broadcast_in_dim3A_47 = vector.broadcast %jit3A_46 : f32 to vector<1280x128xf32>
    %select_n3A_48 = arith.select %eq3A_45, %broadcast_in_dim3A_47, %select_n3A : vector<1280x128xi1>, vector<1280x128xf32>
    %eq3A_49 = arith.constant 0 : i32
    %eq3A_50 = vector.broadcast %eq3A_49 : i32 to vector<32x128xi32>
    %eq3A_51 = arith.cmpi eq, %iota3A_33, %eq3A_50 : vector<32x128xi32>
    %broadcast_in_dim3A_52 = vector.shape_cast %broadcast_in_dim3A_43 : vector<1x128xi32> to vector<1x128xi32>
    %broadcast_in_dim3A_53 = vector.broadcast %broadcast_in_dim3A_52 : vector<1x128xi32> to vector<32x128xi32>
    %select_n3A_54 = arith.select %eq3A_51, %broadcast_in_dim3A_53, %broadcast_in_dim3A_34 : vector<32x128xi1>, vector<32x128xi32>
    %reduce_min3A_55 = arith.constant dense<0x7F800000> : vector<128xf32>
    %reduce_min3A_56 = vector.multi_reduction <minimumf>, %select_n3A_48, %reduce_min3A_55 [0] : vector<1280x128xf32> to vector<128xf32>
    %broadcast_in_dim3A_57 = vector.shape_cast %reduce_min3A_56 : vector<128xf32> to vector<1x128xf32>
    %eq3A_58 = vector.broadcast %broadcast_in_dim3A_57 : vector<1x128xf32> to vector<1280x128xf32>
    %eq3A_59 = arith.cmpf oeq, %select_n3A_48, %eq3A_58 : vector<1280x128xf32>
    %jit3A_60 = arith.constant 1073741824 : i32
    %broadcast_in_dim3A_61 = vector.broadcast %jit3A_60 : i32 to vector<1280x128xi32>
    %select_n3A_62 = arith.select %eq3A_59, %iota3A, %broadcast_in_dim3A_61 : vector<1280x128xi1>, vector<1280x128xi32>
    %reduce_min3A_63 = arith.constant dense<2147483647> : vector<128xi32>
    %reduce_min3A_64 = vector.multi_reduction <minsi>, %select_n3A_62, %reduce_min3A_63 [0] : vector<1280x128xi32> to vector<128xi32>
    %broadcast_in_dim3A_65 = vector.shape_cast %reduce_min3A_64 : vector<128xi32> to vector<1x128xi32>
    %eq3A_66 = vector.broadcast %broadcast_in_dim3A_65 : vector<1x128xi32> to vector<1280x128xi32>
    %eq3A_67 = arith.cmpi eq, %iota3A, %eq3A_66 : vector<1280x128xi32>
    %jit3A_68 = arith.constant 3.000000e+38 : f32
    %broadcast_in_dim3A_69 = vector.broadcast %jit3A_68 : f32 to vector<1280x128xf32>
    %select_n3A_70 = arith.select %eq3A_67, %broadcast_in_dim3A_69, %select_n3A_48 : vector<1280x128xi1>, vector<1280x128xf32>
    %eq3A_71 = arith.constant 1 : i32
    %eq3A_72 = vector.broadcast %eq3A_71 : i32 to vector<32x128xi32>
    %eq3A_73 = arith.cmpi eq, %iota3A_33, %eq3A_72 : vector<32x128xi32>
    %broadcast_in_dim3A_74 = vector.shape_cast %broadcast_in_dim3A_65 : vector<1x128xi32> to vector<1x128xi32>
    %broadcast_in_dim3A_75 = vector.broadcast %broadcast_in_dim3A_74 : vector<1x128xi32> to vector<32x128xi32>
    %select_n3A_76 = arith.select %eq3A_73, %broadcast_in_dim3A_75, %select_n3A_54 : vector<32x128xi1>, vector<32x128xi32>
    %reduce_min3A_77 = arith.constant dense<0x7F800000> : vector<128xf32>
    %reduce_min3A_78 = vector.multi_reduction <minimumf>, %select_n3A_70, %reduce_min3A_77 [0] : vector<1280x128xf32> to vector<128xf32>
    %broadcast_in_dim3A_79 = vector.shape_cast %reduce_min3A_78 : vector<128xf32> to vector<1x128xf32>
    %eq3A_80 = vector.broadcast %broadcast_in_dim3A_79 : vector<1x128xf32> to vector<1280x128xf32>
    %eq3A_81 = arith.cmpf oeq, %select_n3A_70, %eq3A_80 : vector<1280x128xf32>
    %jit3A_82 = arith.constant 1073741824 : i32
    %broadcast_in_dim3A_83 = vector.broadcast %jit3A_82 : i32 to vector<1280x128xi32>
    %select_n3A_84 = arith.select %eq3A_81, %iota3A, %broadcast_in_dim3A_83 : vector<1280x128xi1>, vector<1280x128xi32>
    %reduce_min3A_85 = arith.constant dense<2147483647> : vector<128xi32>
    %reduce_min3A_86 = vector.multi_reduction <minsi>, %select_n3A_84, %reduce_min3A_85 [0] : vector<1280x128xi32> to vector<128xi32>
    %broadcast_in_dim3A_87 = vector.shape_cast %reduce_min3A_86 : vector<128xi32> to vector<1x128xi32>
    %eq3A_88 = vector.broadcast %broadcast_in_dim3A_87 : vector<1x128xi32> to vector<1280x128xi32>
    %eq3A_89 = arith.cmpi eq, %iota3A, %eq3A_88 : vector<1280x128xi32>
    %jit3A_90 = arith.constant 3.000000e+38 : f32
    %broadcast_in_dim3A_91 = vector.broadcast %jit3A_90 : f32 to vector<1280x128xf32>
    %select_n3A_92 = arith.select %eq3A_89, %broadcast_in_dim3A_91, %select_n3A_70 : vector<1280x128xi1>, vector<1280x128xf32>
    %eq3A_93 = arith.constant 2 : i32
    %eq3A_94 = vector.broadcast %eq3A_93 : i32 to vector<32x128xi32>
    %eq3A_95 = arith.cmpi eq, %iota3A_33, %eq3A_94 : vector<32x128xi32>
    %broadcast_in_dim3A_96 = vector.shape_cast %broadcast_in_dim3A_87 : vector<1x128xi32> to vector<1x128xi32>
    %broadcast_in_dim3A_97 = vector.broadcast %broadcast_in_dim3A_96 : vector<1x128xi32> to vector<32x128xi32>
    %select_n3A_98 = arith.select %eq3A_95, %broadcast_in_dim3A_97, %select_n3A_76 : vector<32x128xi1>, vector<32x128xi32>
    %reduce_min3A_99 = arith.constant dense<0x7F800000> : vector<128xf32>
    %reduce_min3A_100 = vector.multi_reduction <minimumf>, %select_n3A_92, %reduce_min3A_99 [0] : vector<1280x128xf32> to vector<128xf32>
    %broadcast_in_dim3A_101 = vector.shape_cast %reduce_min3A_100 : vector<128xf32> to vector<1x128xf32>
    %eq3A_102 = vector.broadcast %broadcast_in_dim3A_101 : vector<1x128xf32> to vector<1280x128xf32>
    %eq3A_103 = arith.cmpf oeq, %select_n3A_92, %eq3A_102 : vector<1280x128xf32>
    %jit3A_104 = arith.constant 1073741824 : i32
    %broadcast_in_dim3A_105 = vector.broadcast %jit3A_104 : i32 to vector<1280x128xi32>
    %select_n3A_106 = arith.select %eq3A_103, %iota3A, %broadcast_in_dim3A_105 : vector<1280x128xi1>, vector<1280x128xi32>
    %reduce_min3A_107 = arith.constant dense<2147483647> : vector<128xi32>
    %reduce_min3A_108 = vector.multi_reduction <minsi>, %select_n3A_106, %reduce_min3A_107 [0] : vector<1280x128xi32> to vector<128xi32>
    %broadcast_in_dim3A_109 = vector.shape_cast %reduce_min3A_108 : vector<128xi32> to vector<1x128xi32>
    %eq3A_110 = vector.broadcast %broadcast_in_dim3A_109 : vector<1x128xi32> to vector<1280x128xi32>
    %eq3A_111 = arith.cmpi eq, %iota3A, %eq3A_110 : vector<1280x128xi32>
    %jit3A_112 = arith.constant 3.000000e+38 : f32
    %broadcast_in_dim3A_113 = vector.broadcast %jit3A_112 : f32 to vector<1280x128xf32>
    %select_n3A_114 = arith.select %eq3A_111, %broadcast_in_dim3A_113, %select_n3A_92 : vector<1280x128xi1>, vector<1280x128xf32>
    %eq3A_115 = arith.constant 3 : i32
    %eq3A_116 = vector.broadcast %eq3A_115 : i32 to vector<32x128xi32>
    %eq3A_117 = arith.cmpi eq, %iota3A_33, %eq3A_116 : vector<32x128xi32>
    %broadcast_in_dim3A_118 = vector.shape_cast %broadcast_in_dim3A_109 : vector<1x128xi32> to vector<1x128xi32>
    %broadcast_in_dim3A_119 = vector.broadcast %broadcast_in_dim3A_118 : vector<1x128xi32> to vector<32x128xi32>
    %select_n3A_120 = arith.select %eq3A_117, %broadcast_in_dim3A_119, %select_n3A_98 : vector<32x128xi1>, vector<32x128xi32>
    %reduce_min3A_121 = arith.constant dense<0x7F800000> : vector<128xf32>
    %reduce_min3A_122 = vector.multi_reduction <minimumf>, %select_n3A_114, %reduce_min3A_121 [0] : vector<1280x128xf32> to vector<128xf32>
    %broadcast_in_dim3A_123 = vector.shape_cast %reduce_min3A_122 : vector<128xf32> to vector<1x128xf32>
    %eq3A_124 = vector.broadcast %broadcast_in_dim3A_123 : vector<1x128xf32> to vector<1280x128xf32>
    %eq3A_125 = arith.cmpf oeq, %select_n3A_114, %eq3A_124 : vector<1280x128xf32>
    %jit3A_126 = arith.constant 1073741824 : i32
    %broadcast_in_dim3A_127 = vector.broadcast %jit3A_126 : i32 to vector<1280x128xi32>
    %select_n3A_128 = arith.select %eq3A_125, %iota3A, %broadcast_in_dim3A_127 : vector<1280x128xi1>, vector<1280x128xi32>
    %reduce_min3A_129 = arith.constant dense<2147483647> : vector<128xi32>
    %reduce_min3A_130 = vector.multi_reduction <minsi>, %select_n3A_128, %reduce_min3A_129 [0] : vector<1280x128xi32> to vector<128xi32>
    %broadcast_in_dim3A_131 = vector.shape_cast %reduce_min3A_130 : vector<128xi32> to vector<1x128xi32>
    %eq3A_132 = vector.broadcast %broadcast_in_dim3A_131 : vector<1x128xi32> to vector<1280x128xi32>
    %eq3A_133 = arith.cmpi eq, %iota3A, %eq3A_132 : vector<1280x128xi32>
    %jit3A_134 = arith.constant 3.000000e+38 : f32
    %broadcast_in_dim3A_135 = vector.broadcast %jit3A_134 : f32 to vector<1280x128xf32>
    %select_n3A_136 = arith.select %eq3A_133, %broadcast_in_dim3A_135, %select_n3A_114 : vector<1280x128xi1>, vector<1280x128xf32>
    %eq3A_137 = arith.constant 4 : i32
    %eq3A_138 = vector.broadcast %eq3A_137 : i32 to vector<32x128xi32>
    %eq3A_139 = arith.cmpi eq, %iota3A_33, %eq3A_138 : vector<32x128xi32>
    %broadcast_in_dim3A_140 = vector.shape_cast %broadcast_in_dim3A_131 : vector<1x128xi32> to vector<1x128xi32>
    %broadcast_in_dim3A_141 = vector.broadcast %broadcast_in_dim3A_140 : vector<1x128xi32> to vector<32x128xi32>
    %select_n3A_142 = arith.select %eq3A_139, %broadcast_in_dim3A_141, %select_n3A_120 : vector<32x128xi1>, vector<32x128xi32>
    %reduce_min3A_143 = arith.constant dense<0x7F800000> : vector<128xf32>
    %reduce_min3A_144 = vector.multi_reduction <minimumf>, %select_n3A_136, %reduce_min3A_143 [0] : vector<1280x128xf32> to vector<128xf32>
    %broadcast_in_dim3A_145 = vector.shape_cast %reduce_min3A_144 : vector<128xf32> to vector<1x128xf32>
    %eq3A_146 = vector.broadcast %broadcast_in_dim3A_145 : vector<1x128xf32> to vector<1280x128xf32>
    %eq3A_147 = arith.cmpf oeq, %select_n3A_136, %eq3A_146 : vector<1280x128xf32>
    %jit3A_148 = arith.constant 1073741824 : i32
    %broadcast_in_dim3A_149 = vector.broadcast %jit3A_148 : i32 to vector<1280x128xi32>
    %select_n3A_150 = arith.select %eq3A_147, %iota3A, %broadcast_in_dim3A_149 : vector<1280x128xi1>, vector<1280x128xi32>
    %reduce_min3A_151 = arith.constant dense<2147483647> : vector<128xi32>
    %reduce_min3A_152 = vector.multi_reduction <minsi>, %select_n3A_150, %reduce_min3A_151 [0] : vector<1280x128xi32> to vector<128xi32>
    %broadcast_in_dim3A_153 = vector.shape_cast %reduce_min3A_152 : vector<128xi32> to vector<1x128xi32>
    %eq3A_154 = vector.broadcast %broadcast_in_dim3A_153 : vector<1x128xi32> to vector<1280x128xi32>
    %eq3A_155 = arith.cmpi eq, %iota3A, %eq3A_154 : vector<1280x128xi32>
    %jit3A_156 = arith.constant 3.000000e+38 : f32
    %broadcast_in_dim3A_157 = vector.broadcast %jit3A_156 : f32 to vector<1280x128xf32>
    %select_n3A_158 = arith.select %eq3A_155, %broadcast_in_dim3A_157, %select_n3A_136 : vector<1280x128xi1>, vector<1280x128xf32>
    %eq3A_159 = arith.constant 5 : i32
    %eq3A_160 = vector.broadcast %eq3A_159 : i32 to vector<32x128xi32>
    %eq3A_161 = arith.cmpi eq, %iota3A_33, %eq3A_160 : vector<32x128xi32>
    %broadcast_in_dim3A_162 = vector.shape_cast %broadcast_in_dim3A_153 : vector<1x128xi32> to vector<1x128xi32>
    %broadcast_in_dim3A_163 = vector.broadcast %broadcast_in_dim3A_162 : vector<1x128xi32> to vector<32x128xi32>
    %select_n3A_164 = arith.select %eq3A_161, %broadcast_in_dim3A_163, %select_n3A_142 : vector<32x128xi1>, vector<32x128xi32>
    %reduce_min3A_165 = arith.constant dense<0x7F800000> : vector<128xf32>
    %reduce_min3A_166 = vector.multi_reduction <minimumf>, %select_n3A_158, %reduce_min3A_165 [0] : vector<1280x128xf32> to vector<128xf32>
    %broadcast_in_dim3A_167 = vector.shape_cast %reduce_min3A_166 : vector<128xf32> to vector<1x128xf32>
    %eq3A_168 = vector.broadcast %broadcast_in_dim3A_167 : vector<1x128xf32> to vector<1280x128xf32>
    %eq3A_169 = arith.cmpf oeq, %select_n3A_158, %eq3A_168 : vector<1280x128xf32>
    %jit3A_170 = arith.constant 1073741824 : i32
    %broadcast_in_dim3A_171 = vector.broadcast %jit3A_170 : i32 to vector<1280x128xi32>
    %select_n3A_172 = arith.select %eq3A_169, %iota3A, %broadcast_in_dim3A_171 : vector<1280x128xi1>, vector<1280x128xi32>
    %reduce_min3A_173 = arith.constant dense<2147483647> : vector<128xi32>
    %reduce_min3A_174 = vector.multi_reduction <minsi>, %select_n3A_172, %reduce_min3A_173 [0] : vector<1280x128xi32> to vector<128xi32>
    %broadcast_in_dim3A_175 = vector.shape_cast %reduce_min3A_174 : vector<128xi32> to vector<1x128xi32>
    %eq3A_176 = vector.broadcast %broadcast_in_dim3A_175 : vector<1x128xi32> to vector<1280x128xi32>
    %eq3A_177 = arith.cmpi eq, %iota3A, %eq3A_176 : vector<1280x128xi32>
    %jit3A_178 = arith.constant 3.000000e+38 : f32
    %broadcast_in_dim3A_179 = vector.broadcast %jit3A_178 : f32 to vector<1280x128xf32>
    %select_n3A_180 = arith.select %eq3A_177, %broadcast_in_dim3A_179, %select_n3A_158 : vector<1280x128xi1>, vector<1280x128xf32>
    %eq3A_181 = arith.constant 6 : i32
    %eq3A_182 = vector.broadcast %eq3A_181 : i32 to vector<32x128xi32>
    %eq3A_183 = arith.cmpi eq, %iota3A_33, %eq3A_182 : vector<32x128xi32>
    %broadcast_in_dim3A_184 = vector.shape_cast %broadcast_in_dim3A_175 : vector<1x128xi32> to vector<1x128xi32>
    %broadcast_in_dim3A_185 = vector.broadcast %broadcast_in_dim3A_184 : vector<1x128xi32> to vector<32x128xi32>
    %select_n3A_186 = arith.select %eq3A_183, %broadcast_in_dim3A_185, %select_n3A_164 : vector<32x128xi1>, vector<32x128xi32>
    %reduce_min3A_187 = arith.constant dense<0x7F800000> : vector<128xf32>
    %reduce_min3A_188 = vector.multi_reduction <minimumf>, %select_n3A_180, %reduce_min3A_187 [0] : vector<1280x128xf32> to vector<128xf32>
    %broadcast_in_dim3A_189 = vector.shape_cast %reduce_min3A_188 : vector<128xf32> to vector<1x128xf32>
    %eq3A_190 = vector.broadcast %broadcast_in_dim3A_189 : vector<1x128xf32> to vector<1280x128xf32>
    %eq3A_191 = arith.cmpf oeq, %select_n3A_180, %eq3A_190 : vector<1280x128xf32>
    %jit3A_192 = arith.constant 1073741824 : i32
    %broadcast_in_dim3A_193 = vector.broadcast %jit3A_192 : i32 to vector<1280x128xi32>
    %select_n3A_194 = arith.select %eq3A_191, %iota3A, %broadcast_in_dim3A_193 : vector<1280x128xi1>, vector<1280x128xi32>
    %reduce_min3A_195 = arith.constant dense<2147483647> : vector<128xi32>
    %reduce_min3A_196 = vector.multi_reduction <minsi>, %select_n3A_194, %reduce_min3A_195 [0] : vector<1280x128xi32> to vector<128xi32>
    %broadcast_in_dim3A_197 = vector.shape_cast %reduce_min3A_196 : vector<128xi32> to vector<1x128xi32>
    %eq3A_198 = vector.broadcast %broadcast_in_dim3A_197 : vector<1x128xi32> to vector<1280x128xi32>
    %eq3A_199 = arith.cmpi eq, %iota3A, %eq3A_198 : vector<1280x128xi32>
    %jit3A_200 = arith.constant 3.000000e+38 : f32
    %broadcast_in_dim3A_201 = vector.broadcast %jit3A_200 : f32 to vector<1280x128xf32>
    %select_n3A_202 = arith.select %eq3A_199, %broadcast_in_dim3A_201, %select_n3A_180 : vector<1280x128xi1>, vector<1280x128xf32>
    %eq3A_203 = arith.constant 7 : i32
    %eq3A_204 = vector.broadcast %eq3A_203 : i32 to vector<32x128xi32>
    %eq3A_205 = arith.cmpi eq, %iota3A_33, %eq3A_204 : vector<32x128xi32>
    %broadcast_in_dim3A_206 = vector.shape_cast %broadcast_in_dim3A_197 : vector<1x128xi32> to vector<1x128xi32>
    %broadcast_in_dim3A_207 = vector.broadcast %broadcast_in_dim3A_206 : vector<1x128xi32> to vector<32x128xi32>
    %select_n3A_208 = arith.select %eq3A_205, %broadcast_in_dim3A_207, %select_n3A_186 : vector<32x128xi1>, vector<32x128xi32>
    %reduce_min3A_209 = arith.constant dense<0x7F800000> : vector<128xf32>
    %reduce_min3A_210 = vector.multi_reduction <minimumf>, %select_n3A_202, %reduce_min3A_209 [0] : vector<1280x128xf32> to vector<128xf32>
    %broadcast_in_dim3A_211 = vector.shape_cast %reduce_min3A_210 : vector<128xf32> to vector<1x128xf32>
    %eq3A_212 = vector.broadcast %broadcast_in_dim3A_211 : vector<1x128xf32> to vector<1280x128xf32>
    %eq3A_213 = arith.cmpf oeq, %select_n3A_202, %eq3A_212 : vector<1280x128xf32>
    %jit3A_214 = arith.constant 1073741824 : i32
    %broadcast_in_dim3A_215 = vector.broadcast %jit3A_214 : i32 to vector<1280x128xi32>
    %select_n3A_216 = arith.select %eq3A_213, %iota3A, %broadcast_in_dim3A_215 : vector<1280x128xi1>, vector<1280x128xi32>
    %reduce_min3A_217 = arith.constant dense<2147483647> : vector<128xi32>
    %reduce_min3A_218 = vector.multi_reduction <minsi>, %select_n3A_216, %reduce_min3A_217 [0] : vector<1280x128xi32> to vector<128xi32>
    %broadcast_in_dim3A_219 = vector.shape_cast %reduce_min3A_218 : vector<128xi32> to vector<1x128xi32>
    %eq3A_220 = vector.broadcast %broadcast_in_dim3A_219 : vector<1x128xi32> to vector<1280x128xi32>
    %eq3A_221 = arith.cmpi eq, %iota3A, %eq3A_220 : vector<1280x128xi32>
    %jit3A_222 = arith.constant 3.000000e+38 : f32
    %broadcast_in_dim3A_223 = vector.broadcast %jit3A_222 : f32 to vector<1280x128xf32>
    %select_n3A_224 = arith.select %eq3A_221, %broadcast_in_dim3A_223, %select_n3A_202 : vector<1280x128xi1>, vector<1280x128xf32>
    %eq3A_225 = arith.constant 8 : i32
    %eq3A_226 = vector.broadcast %eq3A_225 : i32 to vector<32x128xi32>
    %eq3A_227 = arith.cmpi eq, %iota3A_33, %eq3A_226 : vector<32x128xi32>
    %broadcast_in_dim3A_228 = vector.shape_cast %broadcast_in_dim3A_219 : vector<1x128xi32> to vector<1x128xi32>
    %broadcast_in_dim3A_229 = vector.broadcast %broadcast_in_dim3A_228 : vector<1x128xi32> to vector<32x128xi32>
    %select_n3A_230 = arith.select %eq3A_227, %broadcast_in_dim3A_229, %select_n3A_208 : vector<32x128xi1>, vector<32x128xi32>
    %reduce_min3A_231 = arith.constant dense<0x7F800000> : vector<128xf32>
    %reduce_min3A_232 = vector.multi_reduction <minimumf>, %select_n3A_224, %reduce_min3A_231 [0] : vector<1280x128xf32> to vector<128xf32>
    %broadcast_in_dim3A_233 = vector.shape_cast %reduce_min3A_232 : vector<128xf32> to vector<1x128xf32>
    %eq3A_234 = vector.broadcast %broadcast_in_dim3A_233 : vector<1x128xf32> to vector<1280x128xf32>
    %eq3A_235 = arith.cmpf oeq, %select_n3A_224, %eq3A_234 : vector<1280x128xf32>
    %jit3A_236 = arith.constant 1073741824 : i32
    %broadcast_in_dim3A_237 = vector.broadcast %jit3A_236 : i32 to vector<1280x128xi32>
    %select_n3A_238 = arith.select %eq3A_235, %iota3A, %broadcast_in_dim3A_237 : vector<1280x128xi1>, vector<1280x128xi32>
    %reduce_min3A_239 = arith.constant dense<2147483647> : vector<128xi32>
    %reduce_min3A_240 = vector.multi_reduction <minsi>, %select_n3A_238, %reduce_min3A_239 [0] : vector<1280x128xi32> to vector<128xi32>
    %broadcast_in_dim3A_241 = vector.shape_cast %reduce_min3A_240 : vector<128xi32> to vector<1x128xi32>
    %eq3A_242 = vector.broadcast %broadcast_in_dim3A_241 : vector<1x128xi32> to vector<1280x128xi32>
    %eq3A_243 = arith.cmpi eq, %iota3A, %eq3A_242 : vector<1280x128xi32>
    %jit3A_244 = arith.constant 3.000000e+38 : f32
    %broadcast_in_dim3A_245 = vector.broadcast %jit3A_244 : f32 to vector<1280x128xf32>
    %select_n3A_246 = arith.select %eq3A_243, %broadcast_in_dim3A_245, %select_n3A_224 : vector<1280x128xi1>, vector<1280x128xf32>
    %eq3A_247 = arith.constant 9 : i32
    %eq3A_248 = vector.broadcast %eq3A_247 : i32 to vector<32x128xi32>
    %eq3A_249 = arith.cmpi eq, %iota3A_33, %eq3A_248 : vector<32x128xi32>
    %broadcast_in_dim3A_250 = vector.shape_cast %broadcast_in_dim3A_241 : vector<1x128xi32> to vector<1x128xi32>
    %broadcast_in_dim3A_251 = vector.broadcast %broadcast_in_dim3A_250 : vector<1x128xi32> to vector<32x128xi32>
    %select_n3A_252 = arith.select %eq3A_249, %broadcast_in_dim3A_251, %select_n3A_230 : vector<32x128xi1>, vector<32x128xi32>
    %reduce_min3A_253 = arith.constant dense<0x7F800000> : vector<128xf32>
    %reduce_min3A_254 = vector.multi_reduction <minimumf>, %select_n3A_246, %reduce_min3A_253 [0] : vector<1280x128xf32> to vector<128xf32>
    %broadcast_in_dim3A_255 = vector.shape_cast %reduce_min3A_254 : vector<128xf32> to vector<1x128xf32>
    %eq3A_256 = vector.broadcast %broadcast_in_dim3A_255 : vector<1x128xf32> to vector<1280x128xf32>
    %eq3A_257 = arith.cmpf oeq, %select_n3A_246, %eq3A_256 : vector<1280x128xf32>
    %jit3A_258 = arith.constant 1073741824 : i32
    %broadcast_in_dim3A_259 = vector.broadcast %jit3A_258 : i32 to vector<1280x128xi32>
    %select_n3A_260 = arith.select %eq3A_257, %iota3A, %broadcast_in_dim3A_259 : vector<1280x128xi1>, vector<1280x128xi32>
    %reduce_min3A_261 = arith.constant dense<2147483647> : vector<128xi32>
    %reduce_min3A_262 = vector.multi_reduction <minsi>, %select_n3A_260, %reduce_min3A_261 [0] : vector<1280x128xi32> to vector<128xi32>
    %broadcast_in_dim3A_263 = vector.shape_cast %reduce_min3A_262 : vector<128xi32> to vector<1x128xi32>
    %eq3A_264 = vector.broadcast %broadcast_in_dim3A_263 : vector<1x128xi32> to vector<1280x128xi32>
    %eq3A_265 = arith.cmpi eq, %iota3A, %eq3A_264 : vector<1280x128xi32>
    %jit3A_266 = arith.constant 3.000000e+38 : f32
    %broadcast_in_dim3A_267 = vector.broadcast %jit3A_266 : f32 to vector<1280x128xf32>
    %select_n3A_268 = arith.select %eq3A_265, %broadcast_in_dim3A_267, %select_n3A_246 : vector<1280x128xi1>, vector<1280x128xf32>
    %eq3A_269 = arith.constant 10 : i32
    %eq3A_270 = vector.broadcast %eq3A_269 : i32 to vector<32x128xi32>
    %eq3A_271 = arith.cmpi eq, %iota3A_33, %eq3A_270 : vector<32x128xi32>
    %broadcast_in_dim3A_272 = vector.shape_cast %broadcast_in_dim3A_263 : vector<1x128xi32> to vector<1x128xi32>
    %broadcast_in_dim3A_273 = vector.broadcast %broadcast_in_dim3A_272 : vector<1x128xi32> to vector<32x128xi32>
    %select_n3A_274 = arith.select %eq3A_271, %broadcast_in_dim3A_273, %select_n3A_252 : vector<32x128xi1>, vector<32x128xi32>
    %reduce_min3A_275 = arith.constant dense<0x7F800000> : vector<128xf32>
    %reduce_min3A_276 = vector.multi_reduction <minimumf>, %select_n3A_268, %reduce_min3A_275 [0] : vector<1280x128xf32> to vector<128xf32>
    %broadcast_in_dim3A_277 = vector.shape_cast %reduce_min3A_276 : vector<128xf32> to vector<1x128xf32>
    %eq3A_278 = vector.broadcast %broadcast_in_dim3A_277 : vector<1x128xf32> to vector<1280x128xf32>
    %eq3A_279 = arith.cmpf oeq, %select_n3A_268, %eq3A_278 : vector<1280x128xf32>
    %jit3A_280 = arith.constant 1073741824 : i32
    %broadcast_in_dim3A_281 = vector.broadcast %jit3A_280 : i32 to vector<1280x128xi32>
    %select_n3A_282 = arith.select %eq3A_279, %iota3A, %broadcast_in_dim3A_281 : vector<1280x128xi1>, vector<1280x128xi32>
    %reduce_min3A_283 = arith.constant dense<2147483647> : vector<128xi32>
    %reduce_min3A_284 = vector.multi_reduction <minsi>, %select_n3A_282, %reduce_min3A_283 [0] : vector<1280x128xi32> to vector<128xi32>
    %broadcast_in_dim3A_285 = vector.shape_cast %reduce_min3A_284 : vector<128xi32> to vector<1x128xi32>
    %eq3A_286 = vector.broadcast %broadcast_in_dim3A_285 : vector<1x128xi32> to vector<1280x128xi32>
    %eq3A_287 = arith.cmpi eq, %iota3A, %eq3A_286 : vector<1280x128xi32>
    %jit3A_288 = arith.constant 3.000000e+38 : f32
    %broadcast_in_dim3A_289 = vector.broadcast %jit3A_288 : f32 to vector<1280x128xf32>
    %select_n3A_290 = arith.select %eq3A_287, %broadcast_in_dim3A_289, %select_n3A_268 : vector<1280x128xi1>, vector<1280x128xf32>
    %eq3A_291 = arith.constant 11 : i32
    %eq3A_292 = vector.broadcast %eq3A_291 : i32 to vector<32x128xi32>
    %eq3A_293 = arith.cmpi eq, %iota3A_33, %eq3A_292 : vector<32x128xi32>
    %broadcast_in_dim3A_294 = vector.shape_cast %broadcast_in_dim3A_285 : vector<1x128xi32> to vector<1x128xi32>
    %broadcast_in_dim3A_295 = vector.broadcast %broadcast_in_dim3A_294 : vector<1x128xi32> to vector<32x128xi32>
    %select_n3A_296 = arith.select %eq3A_293, %broadcast_in_dim3A_295, %select_n3A_274 : vector<32x128xi1>, vector<32x128xi32>
    %reduce_min3A_297 = arith.constant dense<0x7F800000> : vector<128xf32>
    %reduce_min3A_298 = vector.multi_reduction <minimumf>, %select_n3A_290, %reduce_min3A_297 [0] : vector<1280x128xf32> to vector<128xf32>
    %broadcast_in_dim3A_299 = vector.shape_cast %reduce_min3A_298 : vector<128xf32> to vector<1x128xf32>
    %eq3A_300 = vector.broadcast %broadcast_in_dim3A_299 : vector<1x128xf32> to vector<1280x128xf32>
    %eq3A_301 = arith.cmpf oeq, %select_n3A_290, %eq3A_300 : vector<1280x128xf32>
    %jit3A_302 = arith.constant 1073741824 : i32
    %broadcast_in_dim3A_303 = vector.broadcast %jit3A_302 : i32 to vector<1280x128xi32>
    %select_n3A_304 = arith.select %eq3A_301, %iota3A, %broadcast_in_dim3A_303 : vector<1280x128xi1>, vector<1280x128xi32>
    %reduce_min3A_305 = arith.constant dense<2147483647> : vector<128xi32>
    %reduce_min3A_306 = vector.multi_reduction <minsi>, %select_n3A_304, %reduce_min3A_305 [0] : vector<1280x128xi32> to vector<128xi32>
    %broadcast_in_dim3A_307 = vector.shape_cast %reduce_min3A_306 : vector<128xi32> to vector<1x128xi32>
    %eq3A_308 = vector.broadcast %broadcast_in_dim3A_307 : vector<1x128xi32> to vector<1280x128xi32>
    %eq3A_309 = arith.cmpi eq, %iota3A, %eq3A_308 : vector<1280x128xi32>
    %jit3A_310 = arith.constant 3.000000e+38 : f32
    %broadcast_in_dim3A_311 = vector.broadcast %jit3A_310 : f32 to vector<1280x128xf32>
    %select_n3A_312 = arith.select %eq3A_309, %broadcast_in_dim3A_311, %select_n3A_290 : vector<1280x128xi1>, vector<1280x128xf32>
    %eq3A_313 = arith.constant 12 : i32
    %eq3A_314 = vector.broadcast %eq3A_313 : i32 to vector<32x128xi32>
    %eq3A_315 = arith.cmpi eq, %iota3A_33, %eq3A_314 : vector<32x128xi32>
    %broadcast_in_dim3A_316 = vector.shape_cast %broadcast_in_dim3A_307 : vector<1x128xi32> to vector<1x128xi32>
    %broadcast_in_dim3A_317 = vector.broadcast %broadcast_in_dim3A_316 : vector<1x128xi32> to vector<32x128xi32>
    %select_n3A_318 = arith.select %eq3A_315, %broadcast_in_dim3A_317, %select_n3A_296 : vector<32x128xi1>, vector<32x128xi32>
    %reduce_min3A_319 = arith.constant dense<0x7F800000> : vector<128xf32>
    %reduce_min3A_320 = vector.multi_reduction <minimumf>, %select_n3A_312, %reduce_min3A_319 [0] : vector<1280x128xf32> to vector<128xf32>
    %broadcast_in_dim3A_321 = vector.shape_cast %reduce_min3A_320 : vector<128xf32> to vector<1x128xf32>
    %eq3A_322 = vector.broadcast %broadcast_in_dim3A_321 : vector<1x128xf32> to vector<1280x128xf32>
    %eq3A_323 = arith.cmpf oeq, %select_n3A_312, %eq3A_322 : vector<1280x128xf32>
    %jit3A_324 = arith.constant 1073741824 : i32
    %broadcast_in_dim3A_325 = vector.broadcast %jit3A_324 : i32 to vector<1280x128xi32>
    %select_n3A_326 = arith.select %eq3A_323, %iota3A, %broadcast_in_dim3A_325 : vector<1280x128xi1>, vector<1280x128xi32>
    %reduce_min3A_327 = arith.constant dense<2147483647> : vector<128xi32>
    %reduce_min3A_328 = vector.multi_reduction <minsi>, %select_n3A_326, %reduce_min3A_327 [0] : vector<1280x128xi32> to vector<128xi32>
    %broadcast_in_dim3A_329 = vector.shape_cast %reduce_min3A_328 : vector<128xi32> to vector<1x128xi32>
    %eq3A_330 = vector.broadcast %broadcast_in_dim3A_329 : vector<1x128xi32> to vector<1280x128xi32>
    %eq3A_331 = arith.cmpi eq, %iota3A, %eq3A_330 : vector<1280x128xi32>
    %jit3A_332 = arith.constant 3.000000e+38 : f32
    %broadcast_in_dim3A_333 = vector.broadcast %jit3A_332 : f32 to vector<1280x128xf32>
    %select_n3A_334 = arith.select %eq3A_331, %broadcast_in_dim3A_333, %select_n3A_312 : vector<1280x128xi1>, vector<1280x128xf32>
    %eq3A_335 = arith.constant 13 : i32
    %eq3A_336 = vector.broadcast %eq3A_335 : i32 to vector<32x128xi32>
    %eq3A_337 = arith.cmpi eq, %iota3A_33, %eq3A_336 : vector<32x128xi32>
    %broadcast_in_dim3A_338 = vector.shape_cast %broadcast_in_dim3A_329 : vector<1x128xi32> to vector<1x128xi32>
    %broadcast_in_dim3A_339 = vector.broadcast %broadcast_in_dim3A_338 : vector<1x128xi32> to vector<32x128xi32>
    %select_n3A_340 = arith.select %eq3A_337, %broadcast_in_dim3A_339, %select_n3A_318 : vector<32x128xi1>, vector<32x128xi32>
    %reduce_min3A_341 = arith.constant dense<0x7F800000> : vector<128xf32>
    %reduce_min3A_342 = vector.multi_reduction <minimumf>, %select_n3A_334, %reduce_min3A_341 [0] : vector<1280x128xf32> to vector<128xf32>
    %broadcast_in_dim3A_343 = vector.shape_cast %reduce_min3A_342 : vector<128xf32> to vector<1x128xf32>
    %eq3A_344 = vector.broadcast %broadcast_in_dim3A_343 : vector<1x128xf32> to vector<1280x128xf32>
    %eq3A_345 = arith.cmpf oeq, %select_n3A_334, %eq3A_344 : vector<1280x128xf32>
    %jit3A_346 = arith.constant 1073741824 : i32
    %broadcast_in_dim3A_347 = vector.broadcast %jit3A_346 : i32 to vector<1280x128xi32>
    %select_n3A_348 = arith.select %eq3A_345, %iota3A, %broadcast_in_dim3A_347 : vector<1280x128xi1>, vector<1280x128xi32>
    %reduce_min3A_349 = arith.constant dense<2147483647> : vector<128xi32>
    %reduce_min3A_350 = vector.multi_reduction <minsi>, %select_n3A_348, %reduce_min3A_349 [0] : vector<1280x128xi32> to vector<128xi32>
    %broadcast_in_dim3A_351 = vector.shape_cast %reduce_min3A_350 : vector<128xi32> to vector<1x128xi32>
    %eq3A_352 = vector.broadcast %broadcast_in_dim3A_351 : vector<1x128xi32> to vector<1280x128xi32>
    %eq3A_353 = arith.cmpi eq, %iota3A, %eq3A_352 : vector<1280x128xi32>
    %jit3A_354 = arith.constant 3.000000e+38 : f32
    %broadcast_in_dim3A_355 = vector.broadcast %jit3A_354 : f32 to vector<1280x128xf32>
    %select_n3A_356 = arith.select %eq3A_353, %broadcast_in_dim3A_355, %select_n3A_334 : vector<1280x128xi1>, vector<1280x128xf32>
    %eq3A_357 = arith.constant 14 : i32
    %eq3A_358 = vector.broadcast %eq3A_357 : i32 to vector<32x128xi32>
    %eq3A_359 = arith.cmpi eq, %iota3A_33, %eq3A_358 : vector<32x128xi32>
    %broadcast_in_dim3A_360 = vector.shape_cast %broadcast_in_dim3A_351 : vector<1x128xi32> to vector<1x128xi32>
    %broadcast_in_dim3A_361 = vector.broadcast %broadcast_in_dim3A_360 : vector<1x128xi32> to vector<32x128xi32>
    %select_n3A_362 = arith.select %eq3A_359, %broadcast_in_dim3A_361, %select_n3A_340 : vector<32x128xi1>, vector<32x128xi32>
    %reduce_min3A_363 = arith.constant dense<0x7F800000> : vector<128xf32>
    %reduce_min3A_364 = vector.multi_reduction <minimumf>, %select_n3A_356, %reduce_min3A_363 [0] : vector<1280x128xf32> to vector<128xf32>
    %broadcast_in_dim3A_365 = vector.shape_cast %reduce_min3A_364 : vector<128xf32> to vector<1x128xf32>
    %eq3A_366 = vector.broadcast %broadcast_in_dim3A_365 : vector<1x128xf32> to vector<1280x128xf32>
    %eq3A_367 = arith.cmpf oeq, %select_n3A_356, %eq3A_366 : vector<1280x128xf32>
    %jit3A_368 = arith.constant 1073741824 : i32
    %broadcast_in_dim3A_369 = vector.broadcast %jit3A_368 : i32 to vector<1280x128xi32>
    %select_n3A_370 = arith.select %eq3A_367, %iota3A, %broadcast_in_dim3A_369 : vector<1280x128xi1>, vector<1280x128xi32>
    %reduce_min3A_371 = arith.constant dense<2147483647> : vector<128xi32>
    %reduce_min3A_372 = vector.multi_reduction <minsi>, %select_n3A_370, %reduce_min3A_371 [0] : vector<1280x128xi32> to vector<128xi32>
    %broadcast_in_dim3A_373 = vector.shape_cast %reduce_min3A_372 : vector<128xi32> to vector<1x128xi32>
    %eq3A_374 = vector.broadcast %broadcast_in_dim3A_373 : vector<1x128xi32> to vector<1280x128xi32>
    %eq3A_375 = arith.cmpi eq, %iota3A, %eq3A_374 : vector<1280x128xi32>
    %jit3A_376 = arith.constant 3.000000e+38 : f32
    %broadcast_in_dim3A_377 = vector.broadcast %jit3A_376 : f32 to vector<1280x128xf32>
    %select_n3A_378 = arith.select %eq3A_375, %broadcast_in_dim3A_377, %select_n3A_356 : vector<1280x128xi1>, vector<1280x128xf32>
    %eq3A_379 = arith.constant 15 : i32
    %eq3A_380 = vector.broadcast %eq3A_379 : i32 to vector<32x128xi32>
    %eq3A_381 = arith.cmpi eq, %iota3A_33, %eq3A_380 : vector<32x128xi32>
    %broadcast_in_dim3A_382 = vector.shape_cast %broadcast_in_dim3A_373 : vector<1x128xi32> to vector<1x128xi32>
    %broadcast_in_dim3A_383 = vector.broadcast %broadcast_in_dim3A_382 : vector<1x128xi32> to vector<32x128xi32>
    %select_n3A_384 = arith.select %eq3A_381, %broadcast_in_dim3A_383, %select_n3A_362 : vector<32x128xi1>, vector<32x128xi32>
    %reduce_min3A_385 = arith.constant dense<0x7F800000> : vector<128xf32>
    %reduce_min3A_386 = vector.multi_reduction <minimumf>, %select_n3A_378, %reduce_min3A_385 [0] : vector<1280x128xf32> to vector<128xf32>
    %broadcast_in_dim3A_387 = vector.shape_cast %reduce_min3A_386 : vector<128xf32> to vector<1x128xf32>
    %eq3A_388 = vector.broadcast %broadcast_in_dim3A_387 : vector<1x128xf32> to vector<1280x128xf32>
    %eq3A_389 = arith.cmpf oeq, %select_n3A_378, %eq3A_388 : vector<1280x128xf32>
    %jit3A_390 = arith.constant 1073741824 : i32
    %broadcast_in_dim3A_391 = vector.broadcast %jit3A_390 : i32 to vector<1280x128xi32>
    %select_n3A_392 = arith.select %eq3A_389, %iota3A, %broadcast_in_dim3A_391 : vector<1280x128xi1>, vector<1280x128xi32>
    %reduce_min3A_393 = arith.constant dense<2147483647> : vector<128xi32>
    %reduce_min3A_394 = vector.multi_reduction <minsi>, %select_n3A_392, %reduce_min3A_393 [0] : vector<1280x128xi32> to vector<128xi32>
    %broadcast_in_dim3A_395 = vector.shape_cast %reduce_min3A_394 : vector<128xi32> to vector<1x128xi32>
    %eq3A_396 = vector.broadcast %broadcast_in_dim3A_395 : vector<1x128xi32> to vector<1280x128xi32>
    %eq3A_397 = arith.cmpi eq, %iota3A, %eq3A_396 : vector<1280x128xi32>
    %jit3A_398 = arith.constant 3.000000e+38 : f32
    %broadcast_in_dim3A_399 = vector.broadcast %jit3A_398 : f32 to vector<1280x128xf32>
    %select_n3A_400 = arith.select %eq3A_397, %broadcast_in_dim3A_399, %select_n3A_378 : vector<1280x128xi1>, vector<1280x128xf32>
    %eq3A_401 = arith.constant 16 : i32
    %eq3A_402 = vector.broadcast %eq3A_401 : i32 to vector<32x128xi32>
    %eq3A_403 = arith.cmpi eq, %iota3A_33, %eq3A_402 : vector<32x128xi32>
    %broadcast_in_dim3A_404 = vector.shape_cast %broadcast_in_dim3A_395 : vector<1x128xi32> to vector<1x128xi32>
    %broadcast_in_dim3A_405 = vector.broadcast %broadcast_in_dim3A_404 : vector<1x128xi32> to vector<32x128xi32>
    %select_n3A_406 = arith.select %eq3A_403, %broadcast_in_dim3A_405, %select_n3A_384 : vector<32x128xi1>, vector<32x128xi32>
    %reduce_min3A_407 = arith.constant dense<0x7F800000> : vector<128xf32>
    %reduce_min3A_408 = vector.multi_reduction <minimumf>, %select_n3A_400, %reduce_min3A_407 [0] : vector<1280x128xf32> to vector<128xf32>
    %broadcast_in_dim3A_409 = vector.shape_cast %reduce_min3A_408 : vector<128xf32> to vector<1x128xf32>
    %eq3A_410 = vector.broadcast %broadcast_in_dim3A_409 : vector<1x128xf32> to vector<1280x128xf32>
    %eq3A_411 = arith.cmpf oeq, %select_n3A_400, %eq3A_410 : vector<1280x128xf32>
    %jit3A_412 = arith.constant 1073741824 : i32
    %broadcast_in_dim3A_413 = vector.broadcast %jit3A_412 : i32 to vector<1280x128xi32>
    %select_n3A_414 = arith.select %eq3A_411, %iota3A, %broadcast_in_dim3A_413 : vector<1280x128xi1>, vector<1280x128xi32>
    %reduce_min3A_415 = arith.constant dense<2147483647> : vector<128xi32>
    %reduce_min3A_416 = vector.multi_reduction <minsi>, %select_n3A_414, %reduce_min3A_415 [0] : vector<1280x128xi32> to vector<128xi32>
    %broadcast_in_dim3A_417 = vector.shape_cast %reduce_min3A_416 : vector<128xi32> to vector<1x128xi32>
    %eq3A_418 = vector.broadcast %broadcast_in_dim3A_417 : vector<1x128xi32> to vector<1280x128xi32>
    %eq3A_419 = arith.cmpi eq, %iota3A, %eq3A_418 : vector<1280x128xi32>
    %jit3A_420 = arith.constant 3.000000e+38 : f32
    %broadcast_in_dim3A_421 = vector.broadcast %jit3A_420 : f32 to vector<1280x128xf32>
    %select_n3A_422 = arith.select %eq3A_419, %broadcast_in_dim3A_421, %select_n3A_400 : vector<1280x128xi1>, vector<1280x128xf32>
    %eq3A_423 = arith.constant 17 : i32
    %eq3A_424 = vector.broadcast %eq3A_423 : i32 to vector<32x128xi32>
    %eq3A_425 = arith.cmpi eq, %iota3A_33, %eq3A_424 : vector<32x128xi32>
    %broadcast_in_dim3A_426 = vector.shape_cast %broadcast_in_dim3A_417 : vector<1x128xi32> to vector<1x128xi32>
    %broadcast_in_dim3A_427 = vector.broadcast %broadcast_in_dim3A_426 : vector<1x128xi32> to vector<32x128xi32>
    %select_n3A_428 = arith.select %eq3A_425, %broadcast_in_dim3A_427, %select_n3A_406 : vector<32x128xi1>, vector<32x128xi32>
    %reduce_min3A_429 = arith.constant dense<0x7F800000> : vector<128xf32>
    %reduce_min3A_430 = vector.multi_reduction <minimumf>, %select_n3A_422, %reduce_min3A_429 [0] : vector<1280x128xf32> to vector<128xf32>
    %broadcast_in_dim3A_431 = vector.shape_cast %reduce_min3A_430 : vector<128xf32> to vector<1x128xf32>
    %eq3A_432 = vector.broadcast %broadcast_in_dim3A_431 : vector<1x128xf32> to vector<1280x128xf32>
    %eq3A_433 = arith.cmpf oeq, %select_n3A_422, %eq3A_432 : vector<1280x128xf32>
    %jit3A_434 = arith.constant 1073741824 : i32
    %broadcast_in_dim3A_435 = vector.broadcast %jit3A_434 : i32 to vector<1280x128xi32>
    %select_n3A_436 = arith.select %eq3A_433, %iota3A, %broadcast_in_dim3A_435 : vector<1280x128xi1>, vector<1280x128xi32>
    %reduce_min3A_437 = arith.constant dense<2147483647> : vector<128xi32>
    %reduce_min3A_438 = vector.multi_reduction <minsi>, %select_n3A_436, %reduce_min3A_437 [0] : vector<1280x128xi32> to vector<128xi32>
    %broadcast_in_dim3A_439 = vector.shape_cast %reduce_min3A_438 : vector<128xi32> to vector<1x128xi32>
    %eq3A_440 = vector.broadcast %broadcast_in_dim3A_439 : vector<1x128xi32> to vector<1280x128xi32>
    %eq3A_441 = arith.cmpi eq, %iota3A, %eq3A_440 : vector<1280x128xi32>
    %jit3A_442 = arith.constant 3.000000e+38 : f32
    %broadcast_in_dim3A_443 = vector.broadcast %jit3A_442 : f32 to vector<1280x128xf32>
    %select_n3A_444 = arith.select %eq3A_441, %broadcast_in_dim3A_443, %select_n3A_422 : vector<1280x128xi1>, vector<1280x128xf32>
    %eq3A_445 = arith.constant 18 : i32
    %eq3A_446 = vector.broadcast %eq3A_445 : i32 to vector<32x128xi32>
    %eq3A_447 = arith.cmpi eq, %iota3A_33, %eq3A_446 : vector<32x128xi32>
    %broadcast_in_dim3A_448 = vector.shape_cast %broadcast_in_dim3A_439 : vector<1x128xi32> to vector<1x128xi32>
    %broadcast_in_dim3A_449 = vector.broadcast %broadcast_in_dim3A_448 : vector<1x128xi32> to vector<32x128xi32>
    %select_n3A_450 = arith.select %eq3A_447, %broadcast_in_dim3A_449, %select_n3A_428 : vector<32x128xi1>, vector<32x128xi32>
    %reduce_min3A_451 = arith.constant dense<0x7F800000> : vector<128xf32>
    %reduce_min3A_452 = vector.multi_reduction <minimumf>, %select_n3A_444, %reduce_min3A_451 [0] : vector<1280x128xf32> to vector<128xf32>
    %broadcast_in_dim3A_453 = vector.shape_cast %reduce_min3A_452 : vector<128xf32> to vector<1x128xf32>
    %eq3A_454 = vector.broadcast %broadcast_in_dim3A_453 : vector<1x128xf32> to vector<1280x128xf32>
    %eq3A_455 = arith.cmpf oeq, %select_n3A_444, %eq3A_454 : vector<1280x128xf32>
    %jit3A_456 = arith.constant 1073741824 : i32
    %broadcast_in_dim3A_457 = vector.broadcast %jit3A_456 : i32 to vector<1280x128xi32>
    %select_n3A_458 = arith.select %eq3A_455, %iota3A, %broadcast_in_dim3A_457 : vector<1280x128xi1>, vector<1280x128xi32>
    %reduce_min3A_459 = arith.constant dense<2147483647> : vector<128xi32>
    %reduce_min3A_460 = vector.multi_reduction <minsi>, %select_n3A_458, %reduce_min3A_459 [0] : vector<1280x128xi32> to vector<128xi32>
    %broadcast_in_dim3A_461 = vector.shape_cast %reduce_min3A_460 : vector<128xi32> to vector<1x128xi32>
    %eq3A_462 = vector.broadcast %broadcast_in_dim3A_461 : vector<1x128xi32> to vector<1280x128xi32>
    %eq3A_463 = arith.cmpi eq, %iota3A, %eq3A_462 : vector<1280x128xi32>
    %jit3A_464 = arith.constant 3.000000e+38 : f32
    %broadcast_in_dim3A_465 = vector.broadcast %jit3A_464 : f32 to vector<1280x128xf32>
    %select_n3A_466 = arith.select %eq3A_463, %broadcast_in_dim3A_465, %select_n3A_444 : vector<1280x128xi1>, vector<1280x128xf32>
    %eq3A_467 = arith.constant 19 : i32
    %eq3A_468 = vector.broadcast %eq3A_467 : i32 to vector<32x128xi32>
    %eq3A_469 = arith.cmpi eq, %iota3A_33, %eq3A_468 : vector<32x128xi32>
    %broadcast_in_dim3A_470 = vector.shape_cast %broadcast_in_dim3A_461 : vector<1x128xi32> to vector<1x128xi32>
    %broadcast_in_dim3A_471 = vector.broadcast %broadcast_in_dim3A_470 : vector<1x128xi32> to vector<32x128xi32>
    %select_n3A_472 = arith.select %eq3A_469, %broadcast_in_dim3A_471, %select_n3A_450 : vector<32x128xi1>, vector<32x128xi32>
    %reduce_min3A_473 = arith.constant dense<0x7F800000> : vector<128xf32>
    %reduce_min3A_474 = vector.multi_reduction <minimumf>, %select_n3A_466, %reduce_min3A_473 [0] : vector<1280x128xf32> to vector<128xf32>
    %broadcast_in_dim3A_475 = vector.shape_cast %reduce_min3A_474 : vector<128xf32> to vector<1x128xf32>
    %eq3A_476 = vector.broadcast %broadcast_in_dim3A_475 : vector<1x128xf32> to vector<1280x128xf32>
    %eq3A_477 = arith.cmpf oeq, %select_n3A_466, %eq3A_476 : vector<1280x128xf32>
    %jit3A_478 = arith.constant 1073741824 : i32
    %broadcast_in_dim3A_479 = vector.broadcast %jit3A_478 : i32 to vector<1280x128xi32>
    %select_n3A_480 = arith.select %eq3A_477, %iota3A, %broadcast_in_dim3A_479 : vector<1280x128xi1>, vector<1280x128xi32>
    %reduce_min3A_481 = arith.constant dense<2147483647> : vector<128xi32>
    %reduce_min3A_482 = vector.multi_reduction <minsi>, %select_n3A_480, %reduce_min3A_481 [0] : vector<1280x128xi32> to vector<128xi32>
    %broadcast_in_dim3A_483 = vector.shape_cast %reduce_min3A_482 : vector<128xi32> to vector<1x128xi32>
    %eq3A_484 = vector.broadcast %broadcast_in_dim3A_483 : vector<1x128xi32> to vector<1280x128xi32>
    %eq3A_485 = arith.cmpi eq, %iota3A, %eq3A_484 : vector<1280x128xi32>
    %jit3A_486 = arith.constant 3.000000e+38 : f32
    %broadcast_in_dim3A_487 = vector.broadcast %jit3A_486 : f32 to vector<1280x128xf32>
    %select_n3A_488 = arith.select %eq3A_485, %broadcast_in_dim3A_487, %select_n3A_466 : vector<1280x128xi1>, vector<1280x128xf32>
    %eq3A_489 = arith.constant 20 : i32
    %eq3A_490 = vector.broadcast %eq3A_489 : i32 to vector<32x128xi32>
    %eq3A_491 = arith.cmpi eq, %iota3A_33, %eq3A_490 : vector<32x128xi32>
    %broadcast_in_dim3A_492 = vector.shape_cast %broadcast_in_dim3A_483 : vector<1x128xi32> to vector<1x128xi32>
    %broadcast_in_dim3A_493 = vector.broadcast %broadcast_in_dim3A_492 : vector<1x128xi32> to vector<32x128xi32>
    %select_n3A_494 = arith.select %eq3A_491, %broadcast_in_dim3A_493, %select_n3A_472 : vector<32x128xi1>, vector<32x128xi32>
    %reduce_min3A_495 = arith.constant dense<0x7F800000> : vector<128xf32>
    %reduce_min3A_496 = vector.multi_reduction <minimumf>, %select_n3A_488, %reduce_min3A_495 [0] : vector<1280x128xf32> to vector<128xf32>
    %broadcast_in_dim3A_497 = vector.shape_cast %reduce_min3A_496 : vector<128xf32> to vector<1x128xf32>
    %eq3A_498 = vector.broadcast %broadcast_in_dim3A_497 : vector<1x128xf32> to vector<1280x128xf32>
    %eq3A_499 = arith.cmpf oeq, %select_n3A_488, %eq3A_498 : vector<1280x128xf32>
    %jit3A_500 = arith.constant 1073741824 : i32
    %broadcast_in_dim3A_501 = vector.broadcast %jit3A_500 : i32 to vector<1280x128xi32>
    %select_n3A_502 = arith.select %eq3A_499, %iota3A, %broadcast_in_dim3A_501 : vector<1280x128xi1>, vector<1280x128xi32>
    %reduce_min3A_503 = arith.constant dense<2147483647> : vector<128xi32>
    %reduce_min3A_504 = vector.multi_reduction <minsi>, %select_n3A_502, %reduce_min3A_503 [0] : vector<1280x128xi32> to vector<128xi32>
    %broadcast_in_dim3A_505 = vector.shape_cast %reduce_min3A_504 : vector<128xi32> to vector<1x128xi32>
    %eq3A_506 = vector.broadcast %broadcast_in_dim3A_505 : vector<1x128xi32> to vector<1280x128xi32>
    %eq3A_507 = arith.cmpi eq, %iota3A, %eq3A_506 : vector<1280x128xi32>
    %jit3A_508 = arith.constant 3.000000e+38 : f32
    %broadcast_in_dim3A_509 = vector.broadcast %jit3A_508 : f32 to vector<1280x128xf32>
    %select_n3A_510 = arith.select %eq3A_507, %broadcast_in_dim3A_509, %select_n3A_488 : vector<1280x128xi1>, vector<1280x128xf32>
    %eq3A_511 = arith.constant 21 : i32
    %eq3A_512 = vector.broadcast %eq3A_511 : i32 to vector<32x128xi32>
    %eq3A_513 = arith.cmpi eq, %iota3A_33, %eq3A_512 : vector<32x128xi32>
    %broadcast_in_dim3A_514 = vector.shape_cast %broadcast_in_dim3A_505 : vector<1x128xi32> to vector<1x128xi32>
    %broadcast_in_dim3A_515 = vector.broadcast %broadcast_in_dim3A_514 : vector<1x128xi32> to vector<32x128xi32>
    %select_n3A_516 = arith.select %eq3A_513, %broadcast_in_dim3A_515, %select_n3A_494 : vector<32x128xi1>, vector<32x128xi32>
    %reduce_min3A_517 = arith.constant dense<0x7F800000> : vector<128xf32>
    %reduce_min3A_518 = vector.multi_reduction <minimumf>, %select_n3A_510, %reduce_min3A_517 [0] : vector<1280x128xf32> to vector<128xf32>
    %broadcast_in_dim3A_519 = vector.shape_cast %reduce_min3A_518 : vector<128xf32> to vector<1x128xf32>
    %eq3A_520 = vector.broadcast %broadcast_in_dim3A_519 : vector<1x128xf32> to vector<1280x128xf32>
    %eq3A_521 = arith.cmpf oeq, %select_n3A_510, %eq3A_520 : vector<1280x128xf32>
    %jit3A_522 = arith.constant 1073741824 : i32
    %broadcast_in_dim3A_523 = vector.broadcast %jit3A_522 : i32 to vector<1280x128xi32>
    %select_n3A_524 = arith.select %eq3A_521, %iota3A, %broadcast_in_dim3A_523 : vector<1280x128xi1>, vector<1280x128xi32>
    %reduce_min3A_525 = arith.constant dense<2147483647> : vector<128xi32>
    %reduce_min3A_526 = vector.multi_reduction <minsi>, %select_n3A_524, %reduce_min3A_525 [0] : vector<1280x128xi32> to vector<128xi32>
    %broadcast_in_dim3A_527 = vector.shape_cast %reduce_min3A_526 : vector<128xi32> to vector<1x128xi32>
    %eq3A_528 = vector.broadcast %broadcast_in_dim3A_527 : vector<1x128xi32> to vector<1280x128xi32>
    %eq3A_529 = arith.cmpi eq, %iota3A, %eq3A_528 : vector<1280x128xi32>
    %jit3A_530 = arith.constant 3.000000e+38 : f32
    %broadcast_in_dim3A_531 = vector.broadcast %jit3A_530 : f32 to vector<1280x128xf32>
    %select_n3A_532 = arith.select %eq3A_529, %broadcast_in_dim3A_531, %select_n3A_510 : vector<1280x128xi1>, vector<1280x128xf32>
    %eq3A_533 = arith.constant 22 : i32
    %eq3A_534 = vector.broadcast %eq3A_533 : i32 to vector<32x128xi32>
    %eq3A_535 = arith.cmpi eq, %iota3A_33, %eq3A_534 : vector<32x128xi32>
    %broadcast_in_dim3A_536 = vector.shape_cast %broadcast_in_dim3A_527 : vector<1x128xi32> to vector<1x128xi32>
    %broadcast_in_dim3A_537 = vector.broadcast %broadcast_in_dim3A_536 : vector<1x128xi32> to vector<32x128xi32>
    %select_n3A_538 = arith.select %eq3A_535, %broadcast_in_dim3A_537, %select_n3A_516 : vector<32x128xi1>, vector<32x128xi32>
    %reduce_min3A_539 = arith.constant dense<0x7F800000> : vector<128xf32>
    %reduce_min3A_540 = vector.multi_reduction <minimumf>, %select_n3A_532, %reduce_min3A_539 [0] : vector<1280x128xf32> to vector<128xf32>
    %broadcast_in_dim3A_541 = vector.shape_cast %reduce_min3A_540 : vector<128xf32> to vector<1x128xf32>
    %eq3A_542 = vector.broadcast %broadcast_in_dim3A_541 : vector<1x128xf32> to vector<1280x128xf32>
    %eq3A_543 = arith.cmpf oeq, %select_n3A_532, %eq3A_542 : vector<1280x128xf32>
    %jit3A_544 = arith.constant 1073741824 : i32
    %broadcast_in_dim3A_545 = vector.broadcast %jit3A_544 : i32 to vector<1280x128xi32>
    %select_n3A_546 = arith.select %eq3A_543, %iota3A, %broadcast_in_dim3A_545 : vector<1280x128xi1>, vector<1280x128xi32>
    %reduce_min3A_547 = arith.constant dense<2147483647> : vector<128xi32>
    %reduce_min3A_548 = vector.multi_reduction <minsi>, %select_n3A_546, %reduce_min3A_547 [0] : vector<1280x128xi32> to vector<128xi32>
    %broadcast_in_dim3A_549 = vector.shape_cast %reduce_min3A_548 : vector<128xi32> to vector<1x128xi32>
    %eq3A_550 = vector.broadcast %broadcast_in_dim3A_549 : vector<1x128xi32> to vector<1280x128xi32>
    %eq3A_551 = arith.cmpi eq, %iota3A, %eq3A_550 : vector<1280x128xi32>
    %jit3A_552 = arith.constant 3.000000e+38 : f32
    %broadcast_in_dim3A_553 = vector.broadcast %jit3A_552 : f32 to vector<1280x128xf32>
    %select_n3A_554 = arith.select %eq3A_551, %broadcast_in_dim3A_553, %select_n3A_532 : vector<1280x128xi1>, vector<1280x128xf32>
    %eq3A_555 = arith.constant 23 : i32
    %eq3A_556 = vector.broadcast %eq3A_555 : i32 to vector<32x128xi32>
    %eq3A_557 = arith.cmpi eq, %iota3A_33, %eq3A_556 : vector<32x128xi32>
    %broadcast_in_dim3A_558 = vector.shape_cast %broadcast_in_dim3A_549 : vector<1x128xi32> to vector<1x128xi32>
    %broadcast_in_dim3A_559 = vector.broadcast %broadcast_in_dim3A_558 : vector<1x128xi32> to vector<32x128xi32>
    %select_n3A_560 = arith.select %eq3A_557, %broadcast_in_dim3A_559, %select_n3A_538 : vector<32x128xi1>, vector<32x128xi32>
    %reduce_min3A_561 = arith.constant dense<0x7F800000> : vector<128xf32>
    %reduce_min3A_562 = vector.multi_reduction <minimumf>, %select_n3A_554, %reduce_min3A_561 [0] : vector<1280x128xf32> to vector<128xf32>
    %broadcast_in_dim3A_563 = vector.shape_cast %reduce_min3A_562 : vector<128xf32> to vector<1x128xf32>
    %eq3A_564 = vector.broadcast %broadcast_in_dim3A_563 : vector<1x128xf32> to vector<1280x128xf32>
    %eq3A_565 = arith.cmpf oeq, %select_n3A_554, %eq3A_564 : vector<1280x128xf32>
    %jit3A_566 = arith.constant 1073741824 : i32
    %broadcast_in_dim3A_567 = vector.broadcast %jit3A_566 : i32 to vector<1280x128xi32>
    %select_n3A_568 = arith.select %eq3A_565, %iota3A, %broadcast_in_dim3A_567 : vector<1280x128xi1>, vector<1280x128xi32>
    %reduce_min3A_569 = arith.constant dense<2147483647> : vector<128xi32>
    %reduce_min3A_570 = vector.multi_reduction <minsi>, %select_n3A_568, %reduce_min3A_569 [0] : vector<1280x128xi32> to vector<128xi32>
    %broadcast_in_dim3A_571 = vector.shape_cast %reduce_min3A_570 : vector<128xi32> to vector<1x128xi32>
    %eq3A_572 = vector.broadcast %broadcast_in_dim3A_571 : vector<1x128xi32> to vector<1280x128xi32>
    %eq3A_573 = arith.cmpi eq, %iota3A, %eq3A_572 : vector<1280x128xi32>
    %jit3A_574 = arith.constant 3.000000e+38 : f32
    %broadcast_in_dim3A_575 = vector.broadcast %jit3A_574 : f32 to vector<1280x128xf32>
    %select_n3A_576 = arith.select %eq3A_573, %broadcast_in_dim3A_575, %select_n3A_554 : vector<1280x128xi1>, vector<1280x128xf32>
    %eq3A_577 = arith.constant 24 : i32
    %eq3A_578 = vector.broadcast %eq3A_577 : i32 to vector<32x128xi32>
    %eq3A_579 = arith.cmpi eq, %iota3A_33, %eq3A_578 : vector<32x128xi32>
    %broadcast_in_dim3A_580 = vector.shape_cast %broadcast_in_dim3A_571 : vector<1x128xi32> to vector<1x128xi32>
    %broadcast_in_dim3A_581 = vector.broadcast %broadcast_in_dim3A_580 : vector<1x128xi32> to vector<32x128xi32>
    %select_n3A_582 = arith.select %eq3A_579, %broadcast_in_dim3A_581, %select_n3A_560 : vector<32x128xi1>, vector<32x128xi32>
    %reduce_min3A_583 = arith.constant dense<0x7F800000> : vector<128xf32>
    %reduce_min3A_584 = vector.multi_reduction <minimumf>, %select_n3A_576, %reduce_min3A_583 [0] : vector<1280x128xf32> to vector<128xf32>
    %broadcast_in_dim3A_585 = vector.shape_cast %reduce_min3A_584 : vector<128xf32> to vector<1x128xf32>
    %eq3A_586 = vector.broadcast %broadcast_in_dim3A_585 : vector<1x128xf32> to vector<1280x128xf32>
    %eq3A_587 = arith.cmpf oeq, %select_n3A_576, %eq3A_586 : vector<1280x128xf32>
    %jit3A_588 = arith.constant 1073741824 : i32
    %broadcast_in_dim3A_589 = vector.broadcast %jit3A_588 : i32 to vector<1280x128xi32>
    %select_n3A_590 = arith.select %eq3A_587, %iota3A, %broadcast_in_dim3A_589 : vector<1280x128xi1>, vector<1280x128xi32>
    %reduce_min3A_591 = arith.constant dense<2147483647> : vector<128xi32>
    %reduce_min3A_592 = vector.multi_reduction <minsi>, %select_n3A_590, %reduce_min3A_591 [0] : vector<1280x128xi32> to vector<128xi32>
    %broadcast_in_dim3A_593 = vector.shape_cast %reduce_min3A_592 : vector<128xi32> to vector<1x128xi32>
    %eq3A_594 = vector.broadcast %broadcast_in_dim3A_593 : vector<1x128xi32> to vector<1280x128xi32>
    %eq3A_595 = arith.cmpi eq, %iota3A, %eq3A_594 : vector<1280x128xi32>
    %jit3A_596 = arith.constant 3.000000e+38 : f32
    %broadcast_in_dim3A_597 = vector.broadcast %jit3A_596 : f32 to vector<1280x128xf32>
    %select_n3A_598 = arith.select %eq3A_595, %broadcast_in_dim3A_597, %select_n3A_576 : vector<1280x128xi1>, vector<1280x128xf32>
    %eq3A_599 = arith.constant 25 : i32
    %eq3A_600 = vector.broadcast %eq3A_599 : i32 to vector<32x128xi32>
    %eq3A_601 = arith.cmpi eq, %iota3A_33, %eq3A_600 : vector<32x128xi32>
    %broadcast_in_dim3A_602 = vector.shape_cast %broadcast_in_dim3A_593 : vector<1x128xi32> to vector<1x128xi32>
    %broadcast_in_dim3A_603 = vector.broadcast %broadcast_in_dim3A_602 : vector<1x128xi32> to vector<32x128xi32>
    %select_n3A_604 = arith.select %eq3A_601, %broadcast_in_dim3A_603, %select_n3A_582 : vector<32x128xi1>, vector<32x128xi32>
    %reduce_min3A_605 = arith.constant dense<0x7F800000> : vector<128xf32>
    %reduce_min3A_606 = vector.multi_reduction <minimumf>, %select_n3A_598, %reduce_min3A_605 [0] : vector<1280x128xf32> to vector<128xf32>
    %broadcast_in_dim3A_607 = vector.shape_cast %reduce_min3A_606 : vector<128xf32> to vector<1x128xf32>
    %eq3A_608 = vector.broadcast %broadcast_in_dim3A_607 : vector<1x128xf32> to vector<1280x128xf32>
    %eq3A_609 = arith.cmpf oeq, %select_n3A_598, %eq3A_608 : vector<1280x128xf32>
    %jit3A_610 = arith.constant 1073741824 : i32
    %broadcast_in_dim3A_611 = vector.broadcast %jit3A_610 : i32 to vector<1280x128xi32>
    %select_n3A_612 = arith.select %eq3A_609, %iota3A, %broadcast_in_dim3A_611 : vector<1280x128xi1>, vector<1280x128xi32>
    %reduce_min3A_613 = arith.constant dense<2147483647> : vector<128xi32>
    %reduce_min3A_614 = vector.multi_reduction <minsi>, %select_n3A_612, %reduce_min3A_613 [0] : vector<1280x128xi32> to vector<128xi32>
    %broadcast_in_dim3A_615 = vector.shape_cast %reduce_min3A_614 : vector<128xi32> to vector<1x128xi32>
    %eq3A_616 = vector.broadcast %broadcast_in_dim3A_615 : vector<1x128xi32> to vector<1280x128xi32>
    %eq3A_617 = arith.cmpi eq, %iota3A, %eq3A_616 : vector<1280x128xi32>
    %jit3A_618 = arith.constant 3.000000e+38 : f32
    %broadcast_in_dim3A_619 = vector.broadcast %jit3A_618 : f32 to vector<1280x128xf32>
    %select_n3A_620 = arith.select %eq3A_617, %broadcast_in_dim3A_619, %select_n3A_598 : vector<1280x128xi1>, vector<1280x128xf32>
    %eq3A_621 = arith.constant 26 : i32
    %eq3A_622 = vector.broadcast %eq3A_621 : i32 to vector<32x128xi32>
    %eq3A_623 = arith.cmpi eq, %iota3A_33, %eq3A_622 : vector<32x128xi32>
    %broadcast_in_dim3A_624 = vector.shape_cast %broadcast_in_dim3A_615 : vector<1x128xi32> to vector<1x128xi32>
    %broadcast_in_dim3A_625 = vector.broadcast %broadcast_in_dim3A_624 : vector<1x128xi32> to vector<32x128xi32>
    %select_n3A_626 = arith.select %eq3A_623, %broadcast_in_dim3A_625, %select_n3A_604 : vector<32x128xi1>, vector<32x128xi32>
    %reduce_min3A_627 = arith.constant dense<0x7F800000> : vector<128xf32>
    %reduce_min3A_628 = vector.multi_reduction <minimumf>, %select_n3A_620, %reduce_min3A_627 [0] : vector<1280x128xf32> to vector<128xf32>
    %broadcast_in_dim3A_629 = vector.shape_cast %reduce_min3A_628 : vector<128xf32> to vector<1x128xf32>
    %eq3A_630 = vector.broadcast %broadcast_in_dim3A_629 : vector<1x128xf32> to vector<1280x128xf32>
    %eq3A_631 = arith.cmpf oeq, %select_n3A_620, %eq3A_630 : vector<1280x128xf32>
    %jit3A_632 = arith.constant 1073741824 : i32
    %broadcast_in_dim3A_633 = vector.broadcast %jit3A_632 : i32 to vector<1280x128xi32>
    %select_n3A_634 = arith.select %eq3A_631, %iota3A, %broadcast_in_dim3A_633 : vector<1280x128xi1>, vector<1280x128xi32>
    %reduce_min3A_635 = arith.constant dense<2147483647> : vector<128xi32>
    %reduce_min3A_636 = vector.multi_reduction <minsi>, %select_n3A_634, %reduce_min3A_635 [0] : vector<1280x128xi32> to vector<128xi32>
    %broadcast_in_dim3A_637 = vector.shape_cast %reduce_min3A_636 : vector<128xi32> to vector<1x128xi32>
    %eq3A_638 = vector.broadcast %broadcast_in_dim3A_637 : vector<1x128xi32> to vector<1280x128xi32>
    %eq3A_639 = arith.cmpi eq, %iota3A, %eq3A_638 : vector<1280x128xi32>
    %jit3A_640 = arith.constant 3.000000e+38 : f32
    %broadcast_in_dim3A_641 = vector.broadcast %jit3A_640 : f32 to vector<1280x128xf32>
    %select_n3A_642 = arith.select %eq3A_639, %broadcast_in_dim3A_641, %select_n3A_620 : vector<1280x128xi1>, vector<1280x128xf32>
    %eq3A_643 = arith.constant 27 : i32
    %eq3A_644 = vector.broadcast %eq3A_643 : i32 to vector<32x128xi32>
    %eq3A_645 = arith.cmpi eq, %iota3A_33, %eq3A_644 : vector<32x128xi32>
    %broadcast_in_dim3A_646 = vector.shape_cast %broadcast_in_dim3A_637 : vector<1x128xi32> to vector<1x128xi32>
    %broadcast_in_dim3A_647 = vector.broadcast %broadcast_in_dim3A_646 : vector<1x128xi32> to vector<32x128xi32>
    %select_n3A_648 = arith.select %eq3A_645, %broadcast_in_dim3A_647, %select_n3A_626 : vector<32x128xi1>, vector<32x128xi32>
    %reduce_min3A_649 = arith.constant dense<0x7F800000> : vector<128xf32>
    %reduce_min3A_650 = vector.multi_reduction <minimumf>, %select_n3A_642, %reduce_min3A_649 [0] : vector<1280x128xf32> to vector<128xf32>
    %broadcast_in_dim3A_651 = vector.shape_cast %reduce_min3A_650 : vector<128xf32> to vector<1x128xf32>
    %eq3A_652 = vector.broadcast %broadcast_in_dim3A_651 : vector<1x128xf32> to vector<1280x128xf32>
    %eq3A_653 = arith.cmpf oeq, %select_n3A_642, %eq3A_652 : vector<1280x128xf32>
    %jit3A_654 = arith.constant 1073741824 : i32
    %broadcast_in_dim3A_655 = vector.broadcast %jit3A_654 : i32 to vector<1280x128xi32>
    %select_n3A_656 = arith.select %eq3A_653, %iota3A, %broadcast_in_dim3A_655 : vector<1280x128xi1>, vector<1280x128xi32>
    %reduce_min3A_657 = arith.constant dense<2147483647> : vector<128xi32>
    %reduce_min3A_658 = vector.multi_reduction <minsi>, %select_n3A_656, %reduce_min3A_657 [0] : vector<1280x128xi32> to vector<128xi32>
    %broadcast_in_dim3A_659 = vector.shape_cast %reduce_min3A_658 : vector<128xi32> to vector<1x128xi32>
    %eq3A_660 = vector.broadcast %broadcast_in_dim3A_659 : vector<1x128xi32> to vector<1280x128xi32>
    %eq3A_661 = arith.cmpi eq, %iota3A, %eq3A_660 : vector<1280x128xi32>
    %jit3A_662 = arith.constant 3.000000e+38 : f32
    %broadcast_in_dim3A_663 = vector.broadcast %jit3A_662 : f32 to vector<1280x128xf32>
    %select_n3A_664 = arith.select %eq3A_661, %broadcast_in_dim3A_663, %select_n3A_642 : vector<1280x128xi1>, vector<1280x128xf32>
    %eq3A_665 = arith.constant 28 : i32
    %eq3A_666 = vector.broadcast %eq3A_665 : i32 to vector<32x128xi32>
    %eq3A_667 = arith.cmpi eq, %iota3A_33, %eq3A_666 : vector<32x128xi32>
    %broadcast_in_dim3A_668 = vector.shape_cast %broadcast_in_dim3A_659 : vector<1x128xi32> to vector<1x128xi32>
    %broadcast_in_dim3A_669 = vector.broadcast %broadcast_in_dim3A_668 : vector<1x128xi32> to vector<32x128xi32>
    %select_n3A_670 = arith.select %eq3A_667, %broadcast_in_dim3A_669, %select_n3A_648 : vector<32x128xi1>, vector<32x128xi32>
    %reduce_min3A_671 = arith.constant dense<0x7F800000> : vector<128xf32>
    %reduce_min3A_672 = vector.multi_reduction <minimumf>, %select_n3A_664, %reduce_min3A_671 [0] : vector<1280x128xf32> to vector<128xf32>
    %broadcast_in_dim3A_673 = vector.shape_cast %reduce_min3A_672 : vector<128xf32> to vector<1x128xf32>
    %eq3A_674 = vector.broadcast %broadcast_in_dim3A_673 : vector<1x128xf32> to vector<1280x128xf32>
    %eq3A_675 = arith.cmpf oeq, %select_n3A_664, %eq3A_674 : vector<1280x128xf32>
    %jit3A_676 = arith.constant 1073741824 : i32
    %broadcast_in_dim3A_677 = vector.broadcast %jit3A_676 : i32 to vector<1280x128xi32>
    %select_n3A_678 = arith.select %eq3A_675, %iota3A, %broadcast_in_dim3A_677 : vector<1280x128xi1>, vector<1280x128xi32>
    %reduce_min3A_679 = arith.constant dense<2147483647> : vector<128xi32>
    %reduce_min3A_680 = vector.multi_reduction <minsi>, %select_n3A_678, %reduce_min3A_679 [0] : vector<1280x128xi32> to vector<128xi32>
    %broadcast_in_dim3A_681 = vector.shape_cast %reduce_min3A_680 : vector<128xi32> to vector<1x128xi32>
    %eq3A_682 = vector.broadcast %broadcast_in_dim3A_681 : vector<1x128xi32> to vector<1280x128xi32>
    %eq3A_683 = arith.cmpi eq, %iota3A, %eq3A_682 : vector<1280x128xi32>
    %jit3A_684 = arith.constant 3.000000e+38 : f32
    %broadcast_in_dim3A_685 = vector.broadcast %jit3A_684 : f32 to vector<1280x128xf32>
    %select_n3A_686 = arith.select %eq3A_683, %broadcast_in_dim3A_685, %select_n3A_664 : vector<1280x128xi1>, vector<1280x128xf32>
    %eq3A_687 = arith.constant 29 : i32
    %eq3A_688 = vector.broadcast %eq3A_687 : i32 to vector<32x128xi32>
    %eq3A_689 = arith.cmpi eq, %iota3A_33, %eq3A_688 : vector<32x128xi32>
    %broadcast_in_dim3A_690 = vector.shape_cast %broadcast_in_dim3A_681 : vector<1x128xi32> to vector<1x128xi32>
    %broadcast_in_dim3A_691 = vector.broadcast %broadcast_in_dim3A_690 : vector<1x128xi32> to vector<32x128xi32>
    %select_n3A_692 = arith.select %eq3A_689, %broadcast_in_dim3A_691, %select_n3A_670 : vector<32x128xi1>, vector<32x128xi32>
    %reduce_min3A_693 = arith.constant dense<0x7F800000> : vector<128xf32>
    %reduce_min3A_694 = vector.multi_reduction <minimumf>, %select_n3A_686, %reduce_min3A_693 [0] : vector<1280x128xf32> to vector<128xf32>
    %broadcast_in_dim3A_695 = vector.shape_cast %reduce_min3A_694 : vector<128xf32> to vector<1x128xf32>
    %eq3A_696 = vector.broadcast %broadcast_in_dim3A_695 : vector<1x128xf32> to vector<1280x128xf32>
    %eq3A_697 = arith.cmpf oeq, %select_n3A_686, %eq3A_696 : vector<1280x128xf32>
    %jit3A_698 = arith.constant 1073741824 : i32
    %broadcast_in_dim3A_699 = vector.broadcast %jit3A_698 : i32 to vector<1280x128xi32>
    %select_n3A_700 = arith.select %eq3A_697, %iota3A, %broadcast_in_dim3A_699 : vector<1280x128xi1>, vector<1280x128xi32>
    %reduce_min3A_701 = arith.constant dense<2147483647> : vector<128xi32>
    %reduce_min3A_702 = vector.multi_reduction <minsi>, %select_n3A_700, %reduce_min3A_701 [0] : vector<1280x128xi32> to vector<128xi32>
    %broadcast_in_dim3A_703 = vector.shape_cast %reduce_min3A_702 : vector<128xi32> to vector<1x128xi32>
    %eq3A_704 = vector.broadcast %broadcast_in_dim3A_703 : vector<1x128xi32> to vector<1280x128xi32>
    %eq3A_705 = arith.cmpi eq, %iota3A, %eq3A_704 : vector<1280x128xi32>
    %jit3A_706 = arith.constant 3.000000e+38 : f32
    %broadcast_in_dim3A_707 = vector.broadcast %jit3A_706 : f32 to vector<1280x128xf32>
    %select_n3A_708 = arith.select %eq3A_705, %broadcast_in_dim3A_707, %select_n3A_686 : vector<1280x128xi1>, vector<1280x128xf32>
    %eq3A_709 = arith.constant 30 : i32
    %eq3A_710 = vector.broadcast %eq3A_709 : i32 to vector<32x128xi32>
    %eq3A_711 = arith.cmpi eq, %iota3A_33, %eq3A_710 : vector<32x128xi32>
    %broadcast_in_dim3A_712 = vector.shape_cast %broadcast_in_dim3A_703 : vector<1x128xi32> to vector<1x128xi32>
    %broadcast_in_dim3A_713 = vector.broadcast %broadcast_in_dim3A_712 : vector<1x128xi32> to vector<32x128xi32>
    %select_n3A_714 = arith.select %eq3A_711, %broadcast_in_dim3A_713, %select_n3A_692 : vector<32x128xi1>, vector<32x128xi32>
    %reduce_min3A_715 = arith.constant dense<0x7F800000> : vector<128xf32>
    %reduce_min3A_716 = vector.multi_reduction <minimumf>, %select_n3A_708, %reduce_min3A_715 [0] : vector<1280x128xf32> to vector<128xf32>
    %broadcast_in_dim3A_717 = vector.shape_cast %reduce_min3A_716 : vector<128xf32> to vector<1x128xf32>
    %eq3A_718 = vector.broadcast %broadcast_in_dim3A_717 : vector<1x128xf32> to vector<1280x128xf32>
    %eq3A_719 = arith.cmpf oeq, %select_n3A_708, %eq3A_718 : vector<1280x128xf32>
    %jit3A_720 = arith.constant 1073741824 : i32
    %broadcast_in_dim3A_721 = vector.broadcast %jit3A_720 : i32 to vector<1280x128xi32>
    %select_n3A_722 = arith.select %eq3A_719, %iota3A, %broadcast_in_dim3A_721 : vector<1280x128xi1>, vector<1280x128xi32>
    %reduce_min3A_723 = arith.constant dense<2147483647> : vector<128xi32>
    %reduce_min3A_724 = vector.multi_reduction <minsi>, %select_n3A_722, %reduce_min3A_723 [0] : vector<1280x128xi32> to vector<128xi32>
    %broadcast_in_dim3A_725 = vector.shape_cast %reduce_min3A_724 : vector<128xi32> to vector<1x128xi32>
    %eq3A_726 = arith.constant 31 : i32
    %eq3A_727 = vector.broadcast %eq3A_726 : i32 to vector<32x128xi32>
    %eq3A_728 = arith.cmpi eq, %iota3A_33, %eq3A_727 : vector<32x128xi32>
    %broadcast_in_dim3A_729 = vector.shape_cast %broadcast_in_dim3A_725 : vector<1x128xi32> to vector<1x128xi32>
    %broadcast_in_dim3A_730 = vector.broadcast %broadcast_in_dim3A_729 : vector<1x128xi32> to vector<32x128xi32>
    %select_n3A_731 = arith.select %eq3A_728, %broadcast_in_dim3A_730, %select_n3A_714 : vector<32x128xi1>, vector<32x128xi32>
    %add3A_732 = arith.constant 4 : i32
    %add3A_733 = arith.addi %arg0, %add3A_732 : i32
    %mul3A_734 = arith.constant 1280 : i32
    %mul3A_735 = arith.muli %add3A_733, %mul3A_734 : i32
    %add3A_736 = vector.broadcast %mul3A_735 : i32 to vector<32x128xi32>
    %add3A_737 = arith.addi %select_n3A_731, %add3A_736 : vector<32x128xi32>
    %swap3A = arith.constant 0 : index
    %swap3A_738 = arith.constant 0 : index
    %swap3A_739 = arith.constant 0 : index
    %swap3A_740 = vector.load %arg4[%swap3A, %swap3A_738, %swap3A_739] : memref<1x32x128xi32, #tpu.memory_space<vmem>>, vector<1x32x128xi32>
    %swap3A_741 = vector.shape_cast %swap3A_740 : vector<1x32x128xi32> to vector<32x128xi32>
    %swap3A_742 = vector.shape_cast %add3A_737 : vector<32x128xi32> to vector<1x32x128xi32>
    tpu.vector_store %arg4[%swap3A, %swap3A_738, %swap3A_739], %swap3A_742 {strides = array<i32>} : memref<1x32x128xi32, #tpu.memory_space<vmem>>, vector<1x32x128xi32>,
    return
  }
  func.func @transform_0(%arg0: i32, %arg1: i32) -> (i32, i32, i32) {
    %add3A = arith.constant 4 : i32
    %add3A_0 = arith.addi %arg0, %add3A : i32
    %c0_i32 = arith.constant 0 : i32
    %c0_i32_1 = arith.constant 0 : i32
    %c0_i32_2 = arith.constant 0 : i32
    return %add3A_0, %c0_i32, %c0_i32_1 : i32, i32, i32
  }
  func.func @transform_1(%arg0: i32, %arg1: i32) -> (i32, i32, i32) {
    %add3A = arith.constant 4 : i32
    %add3A_0 = arith.addi %arg0, %add3A : i32
    %c0_i32 = arith.constant 0 : i32
    %c0_i32_1 = arith.constant 0 : i32
    return %add3A_0, %c0_i32, %arg1 : i32, i32, i32
  }
  func.func @transform_2(%arg0: i32, %arg1: i32) -> (i32, i32, i32) {
    %c0_i32 = arith.constant 0 : i32
    %c0_i32_0 = arith.constant 0 : i32
    return %arg0, %c0_i32, %arg1 : i32, i32, i32
  }
}

module attributes {stable_mosaic.version = 14 : i64} {
  func.func @_knn_body(%arg0: i32, %arg1: i32, %arg2: memref<1x1280x3xf32, #tpu.memory_space<vmem>>, %arg3: memref<1x3x128xf32, #tpu.memory_space<vmem>>, %arg4: memref<1x32x128xi32, #tpu.memory_space<vmem>>) attributes {dimension_semantics = [#tpu.dimension_semantics<arbitrary>, #tpu.dimension_semantics<arbitrary>], iteration_bounds = array<i64: 2, 10>, scalar_prefetch = 0 : i64, scratch_operands = 0 : i64, tpu.core_type = #tpu.core_type<tc>, window_params = [{transform_indices = @transform_0, window_bounds = array<i64: 1, 1280, 3>}, {transform_indices = @transform_1, window_bounds = array<i64: 1, 3, 128>}, {transform_indices = @transform_2, window_bounds = array<i64: 1, 32, 128>}]} {
    %get3A = arith.constant 0 : index
    %get3A_0 = arith.constant 0 : index
    %get3A_1 = arith.constant 0 : index
    %get3A_2 = vector.load %arg2[%get3A, %get3A_0, %get3A_1] : memref<1x1280x3xf32, #tpu.memory_space<vmem>>, vector<1x1280x3xf32>
    %get3A_3 = vector.shape_cast %get3A_2 : vector<1x1280x3xf32> to vector<1280x3xf32>
    %get3A_4 = arith.constant 0 : index
    %get3A_5 = arith.constant 0 : index
    %get3A_6 = arith.constant 0 : index
    %get3A_7 = vector.load %arg3[%get3A_4, %get3A_5, %get3A_6] : memref<1x3x128xf32, #tpu.memory_space<vmem>>, vector<1x3x128xf32>
    %get3A_8 = vector.shape_cast %get3A_7 : vector<1x3x128xf32> to vector<3x128xf32>
    %slice3A = vector.extract_strided_slice %get3A_3 {offsets = [0, 0], sizes = [1280, 1], strides = [1, 1]} : vector<1280x3xf32> to vector<1280x1xf32>
    %slice3A_9 = vector.extract_strided_slice %get3A_8 {offsets = [0, 0], sizes = [1, 128], strides = [1, 1]} : vector<3x128xf32> to vector<1x128xf32>
    %sub3A = vector.broadcast %slice3A : vector<1280x1xf32> to vector<1280x128xf32>
    %sub3A_10 = vector.broadcast %slice3A_9 : vector<1x128xf32> to vector<1280x128xf32>
    %sub3A_11 = arith.subf %sub3A, %sub3A_10 : vector<1280x128xf32>
    %mul3A = arith.mulf %sub3A_11, %sub3A_11 : vector<1280x128xf32>
    %slice3A_12 = vector.extract_strided_slice %get3A_3 {offsets = [0, 1], sizes = [1280, 1], strides = [1, 1]} : vector<1280x3xf32> to vector<1280x1xf32>
    %slice3A_13 = vector.extract_strided_slice %get3A_8 {offsets = [1, 0], sizes = [1, 128], strides = [1, 1]} : vector<3x128xf32> to vector<1x128xf32>
    %sub3A_14 = vector.broadcast %slice3A_12 : vector<1280x1xf32> to vector<1280x128xf32>
    %sub3A_15 = vector.broadcast %slice3A_13 : vector<1x128xf32> to vector<1280x128xf32>
    %sub3A_16 = arith.subf %sub3A_14, %sub3A_15 : vector<1280x128xf32>
    %mul3A_17 = arith.mulf %sub3A_16, %sub3A_16 : vector<1280x128xf32>
    %add3A = arith.addf %mul3A, %mul3A_17 : vector<1280x128xf32>
    %slice3A_18 = vector.extract_strided_slice %get3A_3 {offsets = [0, 2], sizes = [1280, 1], strides = [1, 1]} : vector<1280x3xf32> to vector<1280x1xf32>
    %slice3A_19 = vector.extract_strided_slice %get3A_8 {offsets = [2, 0], sizes = [1, 128], strides = [1, 1]} : vector<3x128xf32> to vector<1x128xf32>
    %sub3A_20 = vector.broadcast %slice3A_18 : vector<1280x1xf32> to vector<1280x128xf32>
    %sub3A_21 = vector.broadcast %slice3A_19 : vector<1x128xf32> to vector<1280x128xf32>
    %sub3A_22 = arith.subf %sub3A_20, %sub3A_21 : vector<1280x128xf32>
    %mul3A_23 = arith.mulf %sub3A_22, %sub3A_22 : vector<1280x128xf32>
    %add3A_24 = arith.addf %add3A, %mul3A_23 : vector<1280x128xf32>
    %iota3A = tpu.iota {dimensions = array<i32: 0>} : vector<1280x128xi32>
    %iota3A_25 = tpu.iota {dimensions = array<i32: 1>} : vector<1280x128xi32>
    %mul3A_26 = arith.constant 128 : i32
    %mul3A_27 = arith.muli %arg1, %mul3A_26 : i32
    %add3A_28 = vector.broadcast %mul3A_27 : i32 to vector<1280x128xi32>
    %add3A_29 = arith.addi %iota3A_25, %add3A_28 : vector<1280x128xi32>
    %eq3A = arith.cmpi eq, %iota3A, %add3A_29 : vector<1280x128xi32>
    %add3A_30 = arith.constant 1.000000e+10 : f32
    %add3A_31 = vector.broadcast %add3A_30 : f32 to vector<1280x128xf32>
    %add3A_32 = arith.addf %add3A_24, %add3A_31 : vector<1280x128xf32>
    %select_n3A = arith.select %eq3A, %add3A_32, %add3A_24 : vector<1280x128xi1>, vector<1280x128xf32>
    %iota3A_33 = tpu.iota {dimensions = array<i32: 0>} : vector<32x128xi32>
    %broadcast_in_dim3A = arith.constant 0 : i32
    %broadcast_in_dim3A_34 = vector.broadcast %broadcast_in_dim3A : i32 to vector<32x128xi32>
    %reduce_min3A = arith.constant dense<0x7F800000> : vector<128xf32>
    %reduce_min3A_35 = vector.multi_reduction <minimumf>, %select_n3A, %reduce_min3A [0] : vector<1280x128xf32> to vector<128xf32>
    %broadcast_in_dim3A_36 = vector.shape_cast %reduce_min3A_35 : vector<128xf32> to vector<1x128xf32>
    %eq3A_37 = vector.broadcast %broadcast_in_dim3A_36 : vector<1x128xf32> to vector<1280x128xf32>
    %eq3A_38 = arith.cmpf oeq, %select_n3A, %eq3A_37 : vector<1280x128xf32>
    %jit3A = arith.constant 1073741824 : i32
    %broadcast_in_dim3A_39 = vector.broadcast %jit3A : i32 to vector<1280x128xi32>
    %select_n3A_40 = arith.select %eq3A_38, %iota3A, %broadcast_in_dim3A_39 : vector<1280x128xi1>, vector<1280x128xi32>
    %reduce_min3A_41 = arith.constant dense<2147483647> : vector<128xi32>
    %reduce_min3A_42 = vector.multi_reduction <minsi>, %select_n3A_40, %reduce_min3A_41 [0] : vector<1280x128xi32> to vector<128xi32>
    %broadcast_in_dim3A_43 = vector.shape_cast %reduce_min3A_42 : vector<128xi32> to vector<1x128xi32>
    %eq3A_44 = vector.broadcast %broadcast_in_dim3A_43 : vector<1x128xi32> to vector<1280x128xi32>
    %eq3A_45 = arith.cmpi eq, %iota3A, %eq3A_44 : vector<1280x128xi32>
    %jit3A_46 = arith.constant 3.000000e+38 : f32
    %broadcast_in_dim3A_47 = vector.broadcast %jit3A_46 : f32 to vector<1280x128xf32>
    %select_n3A_48 = arith.select %eq3A_45, %broadcast_in_dim3A_47, %select_n3A : vector<1280x128xi1>, vector<1280x128xf32>
    %eq3A_49 = arith.constant 0 : i32
    %eq3A_50 = vector.broadcast %eq3A_49 : i32 to vector<32x128xi32>
    %eq3A_51 = arith.cmpi eq, %iota3A_33, %eq3A_50 : vector<32x128xi32>
    %broadcast_in_dim3A_52 = vector.shape_cast %broadcast_in_dim3A_43 : vector<1x128xi32> to vector<1x128xi32>
    %broadcast_in_dim3A_53 = vector.broadcast %broadcast_in_dim3A_52 : vector<1x128xi32> to vector<32x128xi32>
    %select_n3A_54 = arith.select %eq3A_51, %broadcast_in_dim3A_53, %broadcast_in_dim3A_34 : vector<32x128xi1>, vector<32x128xi32>
    %reduce_min3A_55 = arith.constant dense<0x7F800000> : vector<128xf32>
    %reduce_min3A_56 = vector.multi_reduction <minimumf>, %select_n3A_48, %reduce_min3A_55 [0] : vector<1280x128xf32> to vector<128xf32>
    %broadcast_in_dim3A_57 = vector.shape_cast %reduce_min3A_56 : vector<128xf32> to vector<1x128xf32>
    %eq3A_58 = vector.broadcast %broadcast_in_dim3A_57 : vector<1x128xf32> to vector<1280x128xf32>
    %eq3A_59 = arith.cmpf oeq, %select_n3A_48, %eq3A_58 : vector<1280x128xf32>
    %jit3A_60 = arith.constant 1073741824 : i32
    %broadcast_in_dim3A_61 = vector.broadcast %jit3A_60 : i32 to vector<1280x128xi32>
    %select_n3A_62 = arith.select %eq3A_59, %iota3A, %broadcast_in_dim3A_61 : vector<1280x128xi1>, vector<1280x128xi32>
    %reduce_min3A_63 = arith.constant dense<2147483647> : vector<128xi32>
    %reduce_min3A_64 = vector.multi_reduction <minsi>, %select_n3A_62, %reduce_min3A_63 [0] : vector<1280x128xi32> to vector<128xi32>
    %broadcast_in_dim3A_65 = vector.shape_cast %reduce_min3A_64 : vector<128xi32> to vector<1x128xi32>
    %eq3A_66 = vector.broadcast %broadcast_in_dim3A_65 : vector<1x128xi32> to vector<1280x128xi32>
    %eq3A_67 = arith.cmpi eq, %iota3A, %eq3A_66 : vector<1280x128xi32>
    %jit3A_68 = arith.constant 3.000000e+38 : f32
    %broadcast_in_dim3A_69 = vector.broadcast %jit3A_68 : f32 to vector<1280x128xf32>
    %select_n3A_70 = arith.select %eq3A_67, %broadcast_in_dim3A_69, %select_n3A_48 : vector<1280x128xi1>, vector<1280x128xf32>
    %eq3A_71 = arith.constant 1 : i32
    %eq3A_72 = vector.broadcast %eq3A_71 : i32 to vector<32x128xi32>
    %eq3A_73 = arith.cmpi eq, %iota3A_33, %eq3A_72 : vector<32x128xi32>
    %broadcast_in_dim3A_74 = vector.shape_cast %broadcast_in_dim3A_65 : vector<1x128xi32> to vector<1x128xi32>
    %broadcast_in_dim3A_75 = vector.broadcast %broadcast_in_dim3A_74 : vector<1x128xi32> to vector<32x128xi32>
    %select_n3A_76 = arith.select %eq3A_73, %broadcast_in_dim3A_75, %select_n3A_54 : vector<32x128xi1>, vector<32x128xi32>
    %reduce_min3A_77 = arith.constant dense<0x7F800000> : vector<128xf32>
    %reduce_min3A_78 = vector.multi_reduction <minimumf>, %select_n3A_70, %reduce_min3A_77 [0] : vector<1280x128xf32> to vector<128xf32>
    %broadcast_in_dim3A_79 = vector.shape_cast %reduce_min3A_78 : vector<128xf32> to vector<1x128xf32>
    %eq3A_80 = vector.broadcast %broadcast_in_dim3A_79 : vector<1x128xf32> to vector<1280x128xf32>
    %eq3A_81 = arith.cmpf oeq, %select_n3A_70, %eq3A_80 : vector<1280x128xf32>
    %jit3A_82 = arith.constant 1073741824 : i32
    %broadcast_in_dim3A_83 = vector.broadcast %jit3A_82 : i32 to vector<1280x128xi32>
    %select_n3A_84 = arith.select %eq3A_81, %iota3A, %broadcast_in_dim3A_83 : vector<1280x128xi1>, vector<1280x128xi32>
    %reduce_min3A_85 = arith.constant dense<2147483647> : vector<128xi32>
    %reduce_min3A_86 = vector.multi_reduction <minsi>, %select_n3A_84, %reduce_min3A_85 [0] : vector<1280x128xi32> to vector<128xi32>
    %broadcast_in_dim3A_87 = vector.shape_cast %reduce_min3A_86 : vector<128xi32> to vector<1x128xi32>
    %eq3A_88 = vector.broadcast %broadcast_in_dim3A_87 : vector<1x128xi32> to vector<1280x128xi32>
    %eq3A_89 = arith.cmpi eq, %iota3A, %eq3A_88 : vector<1280x128xi32>
    %jit3A_90 = arith.constant 3.000000e+38 : f32
    %broadcast_in_dim3A_91 = vector.broadcast %jit3A_90 : f32 to vector<1280x128xf32>
    %select_n3A_92 = arith.select %eq3A_89, %broadcast_in_dim3A_91, %select_n3A_70 : vector<1280x128xi1>, vector<1280x128xf32>
    %eq3A_93 = arith.constant 2 : i32
    %eq3A_94 = vector.broadcast %eq3A_93 : i32 to vector<32x128xi32>
    %eq3A_95 = arith.cmpi eq, %iota3A_33, %eq3A_94 : vector<32x128xi32>
    %broadcast_in_dim3A_96 = vector.shape_cast %broadcast_in_dim3A_87 : vector<1x128xi32> to vector<1x128xi32>
    %broadcast_in_dim3A_97 = vector.broadcast %broadcast_in_dim3A_96 : vector<1x128xi32> to vector<32x128xi32>
    %select_n3A_98 = arith.select %eq3A_95, %broadcast_in_dim3A_97, %select_n3A_76 : vector<32x128xi1>, vector<32x128xi32>
    %reduce_min3A_99 = arith.constant dense<0x7F800000> : vector<128xf32>
    %reduce_min3A_100 = vector.multi_reduction <minimumf>, %select_n3A_92, %reduce_min3A_99 [0] : vector<1280x128xf32> to vector<128xf32>
    %broadcast_in_dim3A_101 = vector.shape_cast %reduce_min3A_100 : vector<128xf32> to vector<1x128xf32>
    %eq3A_102 = vector.broadcast %broadcast_in_dim3A_101 : vector<1x128xf32> to vector<1280x128xf32>
    %eq3A_103 = arith.cmpf oeq, %select_n3A_92, %eq3A_102 : vector<1280x128xf32>
    %jit3A_104 = arith.constant 1073741824 : i32
    %broadcast_in_dim3A_105 = vector.broadcast %jit3A_104 : i32 to vector<1280x128xi32>
    %select_n3A_106 = arith.select %eq3A_103, %iota3A, %broadcast_in_dim3A_105 : vector<1280x128xi1>, vector<1280x128xi32>
    %reduce_min3A_107 = arith.constant dense<2147483647> : vector<128xi32>
    %reduce_min3A_108 = vector.multi_reduction <minsi>, %select_n3A_106, %reduce_min3A_107 [0] : vector<1280x128xi32> to vector<128xi32>
    %broadcast_in_dim3A_109 = vector.shape_cast %reduce_min3A_108 : vector<128xi32> to vector<1x128xi32>
    %eq3A_110 = vector.broadcast %broadcast_in_dim3A_109 : vector<1x128xi32> to vector<1280x128xi32>
    %eq3A_111 = arith.cmpi eq, %iota3A, %eq3A_110 : vector<1280x128xi32>
    %jit3A_112 = arith.constant 3.000000e+38 : f32
    %broadcast_in_dim3A_113 = vector.broadcast %jit3A_112 : f32 to vector<1280x128xf32>
    %select_n3A_114 = arith.select %eq3A_111, %broadcast_in_dim3A_113, %select_n3A_92 : vector<1280x128xi1>, vector<1280x128xf32>
    %eq3A_115 = arith.constant 3 : i32
    %eq3A_116 = vector.broadcast %eq3A_115 : i32 to vector<32x128xi32>
    %eq3A_117 = arith.cmpi eq, %iota3A_33, %eq3A_116 : vector<32x128xi32>
    %broadcast_in_dim3A_118 = vector.shape_cast %broadcast_in_dim3A_109 : vector<1x128xi32> to vector<1x128xi32>
    %broadcast_in_dim3A_119 = vector.broadcast %broadcast_in_dim3A_118 : vector<1x128xi32> to vector<32x128xi32>
    %select_n3A_120 = arith.select %eq3A_117, %broadcast_in_dim3A_119, %select_n3A_98 : vector<32x128xi1>, vector<32x128xi32>
    %reduce_min3A_121 = arith.constant dense<0x7F800000> : vector<128xf32>
    %reduce_min3A_122 = vector.multi_reduction <minimumf>, %select_n3A_114, %reduce_min3A_121 [0] : vector<1280x128xf32> to vector<128xf32>
    %broadcast_in_dim3A_123 = vector.shape_cast %reduce_min3A_122 : vector<128xf32> to vector<1x128xf32>
    %eq3A_124 = vector.broadcast %broadcast_in_dim3A_123 : vector<1x128xf32> to vector<1280x128xf32>
    %eq3A_125 = arith.cmpf oeq, %select_n3A_114, %eq3A_124 : vector<1280x128xf32>
    %jit3A_126 = arith.constant 1073741824 : i32
    %broadcast_in_dim3A_127 = vector.broadcast %jit3A_126 : i32 to vector<1280x128xi32>
    %select_n3A_128 = arith.select %eq3A_125, %iota3A, %broadcast_in_dim3A_127 : vector<1280x128xi1>, vector<1280x128xi32>
    %reduce_min3A_129 = arith.constant dense<2147483647> : vector<128xi32>
    %reduce_min3A_130 = vector.multi_reduction <minsi>, %select_n3A_128, %reduce_min3A_129 [0] : vector<1280x128xi32> to vector<128xi32>
    %broadcast_in_dim3A_131 = vector.shape_cast %reduce_min3A_130 : vector<128xi32> to vector<1x128xi32>
    %eq3A_132 = vector.broadcast %broadcast_in_dim3A_131 : vector<1x128xi32> to vector<1280x128xi32>
    %eq3A_133 = arith.cmpi eq, %iota3A, %eq3A_132 : vector<1280x128xi32>
    %jit3A_134 = arith.constant 3.000000e+38 : f32
    %broadcast_in_dim3A_135 = vector.broadcast %jit3A_134 : f32 to vector<1280x128xf32>
    %select_n3A_136 = arith.select %eq3A_133, %broadcast_in_dim3A_135, %select_n3A_114 : vector<1280x128xi1>, vector<1280x128xf32>
    %eq3A_137 = arith.constant 4 : i32
    %eq3A_138 = vector.broadcast %eq3A_137 : i32 to vector<32x128xi32>
    %eq3A_139 = arith.cmpi eq, %iota3A_33, %eq3A_138 : vector<32x128xi32>
    %broadcast_in_dim3A_140 = vector.shape_cast %broadcast_in_dim3A_131 : vector<1x128xi32> to vector<1x128xi32>
    %broadcast_in_dim3A_141 = vector.broadcast %broadcast_in_dim3A_140 : vector<1x128xi32> to vector<32x128xi32>
    %select_n3A_142 = arith.select %eq3A_139, %broadcast_in_dim3A_141, %select_n3A_120 : vector<32x128xi1>, vector<32x128xi32>
    %reduce_min3A_143 = arith.constant dense<0x7F800000> : vector<128xf32>
    %reduce_min3A_144 = vector.multi_reduction <minimumf>, %select_n3A_136, %reduce_min3A_143 [0] : vector<1280x128xf32> to vector<128xf32>
    %broadcast_in_dim3A_145 = vector.shape_cast %reduce_min3A_144 : vector<128xf32> to vector<1x128xf32>
    %eq3A_146 = vector.broadcast %broadcast_in_dim3A_145 : vector<1x128xf32> to vector<1280x128xf32>
    %eq3A_147 = arith.cmpf oeq, %select_n3A_136, %eq3A_146 : vector<1280x128xf32>
    %jit3A_148 = arith.constant 1073741824 : i32
    %broadcast_in_dim3A_149 = vector.broadcast %jit3A_148 : i32 to vector<1280x128xi32>
    %select_n3A_150 = arith.select %eq3A_147, %iota3A, %broadcast_in_dim3A_149 : vector<1280x128xi1>, vector<1280x128xi32>
    %reduce_min3A_151 = arith.constant dense<2147483647> : vector<128xi32>
    %reduce_min3A_152 = vector.multi_reduction <minsi>, %select_n3A_150, %reduce_min3A_151 [0] : vector<1280x128xi32> to vector<128xi32>
    %broadcast_in_dim3A_153 = vector.shape_cast %reduce_min3A_152 : vector<128xi32> to vector<1x128xi32>
    %eq3A_154 = vector.broadcast %broadcast_in_dim3A_153 : vector<1x128xi32> to vector<1280x128xi32>
    %eq3A_155 = arith.cmpi eq, %iota3A, %eq3A_154 : vector<1280x128xi32>
    %jit3A_156 = arith.constant 3.000000e+38 : f32
    %broadcast_in_dim3A_157 = vector.broadcast %jit3A_156 : f32 to vector<1280x128xf32>
    %select_n3A_158 = arith.select %eq3A_155, %broadcast_in_dim3A_157, %select_n3A_136 : vector<1280x128xi1>, vector<1280x128xf32>
    %eq3A_159 = arith.constant 5 : i32
    %eq3A_160 = vector.broadcast %eq3A_159 : i32 to vector<32x128xi32>
    %eq3A_161 = arith.cmpi eq, %iota3A_33, %eq3A_160 : vector<32x128xi32>
    %broadcast_in_dim3A_162 = vector.shape_cast %broadcast_in_dim3A_153 : vector<1x128xi32> to vector<1x128xi32>
    %broadcast_in_dim3A_163 = vector.broadcast %broadcast_in_dim3A_162 : vector<1x128xi32> to vector<32x128xi32>
    %select_n3A_164 = arith.select %eq3A_161, %broadcast_in_dim3A_163, %select_n3A_142 : vector<32x128xi1>, vector<32x128xi32>
    %reduce_min3A_165 = arith.constant dense<0x7F800000> : vector<128xf32>
    %reduce_min3A_166 = vector.multi_reduction <minimumf>, %select_n3A_158, %reduce_min3A_165 [0] : vector<1280x128xf32> to vector<128xf32>
    %broadcast_in_dim3A_167 = vector.shape_cast %reduce_min3A_166 : vector<128xf32> to vector<1x128xf32>
    %eq3A_168 = vector.broadcast %broadcast_in_dim3A_167 : vector<1x128xf32> to vector<1280x128xf32>
    %eq3A_169 = arith.cmpf oeq, %select_n3A_158, %eq3A_168 : vector<1280x128xf32>
    %jit3A_170 = arith.constant 1073741824 : i32
    %broadcast_in_dim3A_171 = vector.broadcast %jit3A_170 : i32 to vector<1280x128xi32>
    %select_n3A_172 = arith.select %eq3A_169, %iota3A, %broadcast_in_dim3A_171 : vector<1280x128xi1>, vector<1280x128xi32>
    %reduce_min3A_173 = arith.constant dense<2147483647> : vector<128xi32>
    %reduce_min3A_174 = vector.multi_reduction <minsi>, %select_n3A_172, %reduce_min3A_173 [0] : vector<1280x128xi32> to vector<128xi32>
    %broadcast_in_dim3A_175 = vector.shape_cast %reduce_min3A_174 : vector<128xi32> to vector<1x128xi32>
    %eq3A_176 = vector.broadcast %broadcast_in_dim3A_175 : vector<1x128xi32> to vector<1280x128xi32>
    %eq3A_177 = arith.cmpi eq, %iota3A, %eq3A_176 : vector<1280x128xi32>
    %jit3A_178 = arith.constant 3.000000e+38 : f32
    %broadcast_in_dim3A_179 = vector.broadcast %jit3A_178 : f32 to vector<1280x128xf32>
    %select_n3A_180 = arith.select %eq3A_177, %broadcast_in_dim3A_179, %select_n3A_158 : vector<1280x128xi1>, vector<1280x128xf32>
    %eq3A_181 = arith.constant 6 : i32
    %eq3A_182 = vector.broadcast %eq3A_181 : i32 to vector<32x128xi32>
    %eq3A_183 = arith.cmpi eq, %iota3A_33, %eq3A_182 : vector<32x128xi32>
    %broadcast_in_dim3A_184 = vector.shape_cast %broadcast_in_dim3A_175 : vector<1x128xi32> to vector<1x128xi32>
    %broadcast_in_dim3A_185 = vector.broadcast %broadcast_in_dim3A_184 : vector<1x128xi32> to vector<32x128xi32>
    %select_n3A_186 = arith.select %eq3A_183, %broadcast_in_dim3A_185, %select_n3A_164 : vector<32x128xi1>, vector<32x128xi32>
    %reduce_min3A_187 = arith.constant dense<0x7F800000> : vector<128xf32>
    %reduce_min3A_188 = vector.multi_reduction <minimumf>, %select_n3A_180, %reduce_min3A_187 [0] : vector<1280x128xf32> to vector<128xf32>
    %broadcast_in_dim3A_189 = vector.shape_cast %reduce_min3A_188 : vector<128xf32> to vector<1x128xf32>
    %eq3A_190 = vector.broadcast %broadcast_in_dim3A_189 : vector<1x128xf32> to vector<1280x128xf32>
    %eq3A_191 = arith.cmpf oeq, %select_n3A_180, %eq3A_190 : vector<1280x128xf32>
    %jit3A_192 = arith.constant 1073741824 : i32
    %broadcast_in_dim3A_193 = vector.broadcast %jit3A_192 : i32 to vector<1280x128xi32>
    %select_n3A_194 = arith.select %eq3A_191, %iota3A, %broadcast_in_dim3A_193 : vector<1280x128xi1>, vector<1280x128xi32>
    %reduce_min3A_195 = arith.constant dense<2147483647> : vector<128xi32>
    %reduce_min3A_196 = vector.multi_reduction <minsi>, %select_n3A_194, %reduce_min3A_195 [0] : vector<1280x128xi32> to vector<128xi32>
    %broadcast_in_dim3A_197 = vector.shape_cast %reduce_min3A_196 : vector<128xi32> to vector<1x128xi32>
    %eq3A_198 = vector.broadcast %broadcast_in_dim3A_197 : vector<1x128xi32> to vector<1280x128xi32>
    %eq3A_199 = arith.cmpi eq, %iota3A, %eq3A_198 : vector<1280x128xi32>
    %jit3A_200 = arith.constant 3.000000e+38 : f32
    %broadcast_in_dim3A_201 = vector.broadcast %jit3A_200 : f32 to vector<1280x128xf32>
    %select_n3A_202 = arith.select %eq3A_199, %broadcast_in_dim3A_201, %select_n3A_180 : vector<1280x128xi1>, vector<1280x128xf32>
    %eq3A_203 = arith.constant 7 : i32
    %eq3A_204 = vector.broadcast %eq3A_203 : i32 to vector<32x128xi32>
    %eq3A_205 = arith.cmpi eq, %iota3A_33, %eq3A_204 : vector<32x128xi32>
    %broadcast_in_dim3A_206 = vector.shape_cast %broadcast_in_dim3A_197 : vector<1x128xi32> to vector<1x128xi32>
    %broadcast_in_dim3A_207 = vector.broadcast %broadcast_in_dim3A_206 : vector<1x128xi32> to vector<32x128xi32>
    %select_n3A_208 = arith.select %eq3A_205, %broadcast_in_dim3A_207, %select_n3A_186 : vector<32x128xi1>, vector<32x128xi32>
    %reduce_min3A_209 = arith.constant dense<0x7F800000> : vector<128xf32>
    %reduce_min3A_210 = vector.multi_reduction <minimumf>, %select_n3A_202, %reduce_min3A_209 [0] : vector<1280x128xf32> to vector<128xf32>
    %broadcast_in_dim3A_211 = vector.shape_cast %reduce_min3A_210 : vector<128xf32> to vector<1x128xf32>
    %eq3A_212 = vector.broadcast %broadcast_in_dim3A_211 : vector<1x128xf32> to vector<1280x128xf32>
    %eq3A_213 = arith.cmpf oeq, %select_n3A_202, %eq3A_212 : vector<1280x128xf32>
    %jit3A_214 = arith.constant 1073741824 : i32
    %broadcast_in_dim3A_215 = vector.broadcast %jit3A_214 : i32 to vector<1280x128xi32>
    %select_n3A_216 = arith.select %eq3A_213, %iota3A, %broadcast_in_dim3A_215 : vector<1280x128xi1>, vector<1280x128xi32>
    %reduce_min3A_217 = arith.constant dense<2147483647> : vector<128xi32>
    %reduce_min3A_218 = vector.multi_reduction <minsi>, %select_n3A_216, %reduce_min3A_217 [0] : vector<1280x128xi32> to vector<128xi32>
    %broadcast_in_dim3A_219 = vector.shape_cast %reduce_min3A_218 : vector<128xi32> to vector<1x128xi32>
    %eq3A_220 = vector.broadcast %broadcast_in_dim3A_219 : vector<1x128xi32> to vector<1280x128xi32>
    %eq3A_221 = arith.cmpi eq, %iota3A, %eq3A_220 : vector<1280x128xi32>
    %jit3A_222 = arith.constant 3.000000e+38 : f32
    %broadcast_in_dim3A_223 = vector.broadcast %jit3A_222 : f32 to vector<1280x128xf32>
    %select_n3A_224 = arith.select %eq3A_221, %broadcast_in_dim3A_223, %select_n3A_202 : vector<1280x128xi1>, vector<1280x128xf32>
    %eq3A_225 = arith.constant 8 : i32
    %eq3A_226 = vector.broadcast %eq3A_225 : i32 to vector<32x128xi32>
    %eq3A_227 = arith.cmpi eq, %iota3A_33, %eq3A_226 : vector<32x128xi32>
    %broadcast_in_dim3A_228 = vector.shape_cast %broadcast_in_dim3A_219 : vector<1x128xi32> to vector<1x128xi32>
    %broadcast_in_dim3A_229 = vector.broadcast %broadcast_in_dim3A_228 : vector<1x128xi32> to vector<32x128xi32>
    %select_n3A_230 = arith.select %eq3A_227, %broadcast_in_dim3A_229, %select_n3A_208 : vector<32x128xi1>, vector<32x128xi32>
    %reduce_min3A_231 = arith.constant dense<0x7F800000> : vector<128xf32>
    %reduce_min3A_232 = vector.multi_reduction <minimumf>, %select_n3A_224, %reduce_min3A_231 [0] : vector<1280x128xf32> to vector<128xf32>
    %broadcast_in_dim3A_233 = vector.shape_cast %reduce_min3A_232 : vector<128xf32> to vector<1x128xf32>
    %eq3A_234 = vector.broadcast %broadcast_in_dim3A_233 : vector<1x128xf32> to vector<1280x128xf32>
    %eq3A_235 = arith.cmpf oeq, %select_n3A_224, %eq3A_234 : vector<1280x128xf32>
    %jit3A_236 = arith.constant 1073741824 : i32
    %broadcast_in_dim3A_237 = vector.broadcast %jit3A_236 : i32 to vector<1280x128xi32>
    %select_n3A_238 = arith.select %eq3A_235, %iota3A, %broadcast_in_dim3A_237 : vector<1280x128xi1>, vector<1280x128xi32>
    %reduce_min3A_239 = arith.constant dense<2147483647> : vector<128xi32>
    %reduce_min3A_240 = vector.multi_reduction <minsi>, %select_n3A_238, %reduce_min3A_239 [0] : vector<1280x128xi32> to vector<128xi32>
    %broadcast_in_dim3A_241 = vector.shape_cast %reduce_min3A_240 : vector<128xi32> to vector<1x128xi32>
    %eq3A_242 = vector.broadcast %broadcast_in_dim3A_241 : vector<1x128xi32> to vector<1280x128xi32>
    %eq3A_243 = arith.cmpi eq, %iota3A, %eq3A_242 : vector<1280x128xi32>
    %jit3A_244 = arith.constant 3.000000e+38 : f32
    %broadcast_in_dim3A_245 = vector.broadcast %jit3A_244 : f32 to vector<1280x128xf32>
    %select_n3A_246 = arith.select %eq3A_243, %broadcast_in_dim3A_245, %select_n3A_224 : vector<1280x128xi1>, vector<1280x128xf32>
    %eq3A_247 = arith.constant 9 : i32
    %eq3A_248 = vector.broadcast %eq3A_247 : i32 to vector<32x128xi32>
    %eq3A_249 = arith.cmpi eq, %iota3A_33, %eq3A_248 : vector<32x128xi32>
    %broadcast_in_dim3A_250 = vector.shape_cast %broadcast_in_dim3A_241 : vector<1x128xi32> to vector<1x128xi32>
    %broadcast_in_dim3A_251 = vector.broadcast %broadcast_in_dim3A_250 : vector<1x128xi32> to vector<32x128xi32>
    %select_n3A_252 = arith.select %eq3A_249, %broadcast_in_dim3A_251, %select_n3A_230 : vector<32x128xi1>, vector<32x128xi32>
    %reduce_min3A_253 = arith.constant dense<0x7F800000> : vector<128xf32>
    %reduce_min3A_254 = vector.multi_reduction <minimumf>, %select_n3A_246, %reduce_min3A_253 [0] : vector<1280x128xf32> to vector<128xf32>
    %broadcast_in_dim3A_255 = vector.shape_cast %reduce_min3A_254 : vector<128xf32> to vector<1x128xf32>
    %eq3A_256 = vector.broadcast %broadcast_in_dim3A_255 : vector<1x128xf32> to vector<1280x128xf32>
    %eq3A_257 = arith.cmpf oeq, %select_n3A_246, %eq3A_256 : vector<1280x128xf32>
    %jit3A_258 = arith.constant 1073741824 : i32
    %broadcast_in_dim3A_259 = vector.broadcast %jit3A_258 : i32 to vector<1280x128xi32>
    %select_n3A_260 = arith.select %eq3A_257, %iota3A, %broadcast_in_dim3A_259 : vector<1280x128xi1>, vector<1280x128xi32>
    %reduce_min3A_261 = arith.constant dense<2147483647> : vector<128xi32>
    %reduce_min3A_262 = vector.multi_reduction <minsi>, %select_n3A_260, %reduce_min3A_261 [0] : vector<1280x128xi32> to vector<128xi32>
    %broadcast_in_dim3A_263 = vector.shape_cast %reduce_min3A_262 : vector<128xi32> to vector<1x128xi32>
    %eq3A_264 = vector.broadcast %broadcast_in_dim3A_263 : vector<1x128xi32> to vector<1280x128xi32>
    %eq3A_265 = arith.cmpi eq, %iota3A, %eq3A_264 : vector<1280x128xi32>
    %jit3A_266 = arith.constant 3.000000e+38 : f32
    %broadcast_in_dim3A_267 = vector.broadcast %jit3A_266 : f32 to vector<1280x128xf32>
    %select_n3A_268 = arith.select %eq3A_265, %broadcast_in_dim3A_267, %select_n3A_246 : vector<1280x128xi1>, vector<1280x128xf32>
    %eq3A_269 = arith.constant 10 : i32
    %eq3A_270 = vector.broadcast %eq3A_269 : i32 to vector<32x128xi32>
    %eq3A_271 = arith.cmpi eq, %iota3A_33, %eq3A_270 : vector<32x128xi32>
    %broadcast_in_dim3A_272 = vector.shape_cast %broadcast_in_dim3A_263 : vector<1x128xi32> to vector<1x128xi32>
    %broadcast_in_dim3A_273 = vector.broadcast %broadcast_in_dim3A_272 : vector<1x128xi32> to vector<32x128xi32>
    %select_n3A_274 = arith.select %eq3A_271, %broadcast_in_dim3A_273, %select_n3A_252 : vector<32x128xi1>, vector<32x128xi32>
    %reduce_min3A_275 = arith.constant dense<0x7F800000> : vector<128xf32>
    %reduce_min3A_276 = vector.multi_reduction <minimumf>, %select_n3A_268, %reduce_min3A_275 [0] : vector<1280x128xf32> to vector<128xf32>
    %broadcast_in_dim3A_277 = vector.shape_cast %reduce_min3A_276 : vector<128xf32> to vector<1x128xf32>
    %eq3A_278 = vector.broadcast %broadcast_in_dim3A_277 : vector<1x128xf32> to vector<1280x128xf32>
    %eq3A_279 = arith.cmpf oeq, %select_n3A_268, %eq3A_278 : vector<1280x128xf32>
    %jit3A_280 = arith.constant 1073741824 : i32
    %broadcast_in_dim3A_281 = vector.broadcast %jit3A_280 : i32 to vector<1280x128xi32>
    %select_n3A_282 = arith.select %eq3A_279, %iota3A, %broadcast_in_dim3A_281 : vector<1280x128xi1>, vector<1280x128xi32>
    %reduce_min3A_283 = arith.constant dense<2147483647> : vector<128xi32>
    %reduce_min3A_284 = vector.multi_reduction <minsi>, %select_n3A_282, %reduce_min3A_283 [0] : vector<1280x128xi32> to vector<128xi32>
    %broadcast_in_dim3A_285 = vector.shape_cast %reduce_min3A_284 : vector<128xi32> to vector<1x128xi32>
    %eq3A_286 = vector.broadcast %broadcast_in_dim3A_285 : vector<1x128xi32> to vector<1280x128xi32>
    %eq3A_287 = arith.cmpi eq, %iota3A, %eq3A_286 : vector<1280x128xi32>
    %jit3A_288 = arith.constant 3.000000e+38 : f32
    %broadcast_in_dim3A_289 = vector.broadcast %jit3A_288 : f32 to vector<1280x128xf32>
    %select_n3A_290 = arith.select %eq3A_287, %broadcast_in_dim3A_289, %select_n3A_268 : vector<1280x128xi1>, vector<1280x128xf32>
    %eq3A_291 = arith.constant 11 : i32
    %eq3A_292 = vector.broadcast %eq3A_291 : i32 to vector<32x128xi32>
    %eq3A_293 = arith.cmpi eq, %iota3A_33, %eq3A_292 : vector<32x128xi32>
    %broadcast_in_dim3A_294 = vector.shape_cast %broadcast_in_dim3A_285 : vector<1x128xi32> to vector<1x128xi32>
    %broadcast_in_dim3A_295 = vector.broadcast %broadcast_in_dim3A_294 : vector<1x128xi32> to vector<32x128xi32>
    %select_n3A_296 = arith.select %eq3A_293, %broadcast_in_dim3A_295, %select_n3A_274 : vector<32x128xi1>, vector<32x128xi32>
    %reduce_min3A_297 = arith.constant dense<0x7F800000> : vector<128xf32>
    %reduce_min3A_298 = vector.multi_reduction <minimumf>, %select_n3A_290, %reduce_min3A_297 [0] : vector<1280x128xf32> to vector<128xf32>
    %broadcast_in_dim3A_299 = vector.shape_cast %reduce_min3A_298 : vector<128xf32> to vector<1x128xf32>
    %eq3A_300 = vector.broadcast %broadcast_in_dim3A_299 : vector<1x128xf32> to vector<1280x128xf32>
    %eq3A_301 = arith.cmpf oeq, %select_n3A_290, %eq3A_300 : vector<1280x128xf32>
    %jit3A_302 = arith.constant 1073741824 : i32
    %broadcast_in_dim3A_303 = vector.broadcast %jit3A_302 : i32 to vector<1280x128xi32>
    %select_n3A_304 = arith.select %eq3A_301, %iota3A, %broadcast_in_dim3A_303 : vector<1280x128xi1>, vector<1280x128xi32>
    %reduce_min3A_305 = arith.constant dense<2147483647> : vector<128xi32>
    %reduce_min3A_306 = vector.multi_reduction <minsi>, %select_n3A_304, %reduce_min3A_305 [0] : vector<1280x128xi32> to vector<128xi32>
    %broadcast_in_dim3A_307 = vector.shape_cast %reduce_min3A_306 : vector<128xi32> to vector<1x128xi32>
    %eq3A_308 = vector.broadcast %broadcast_in_dim3A_307 : vector<1x128xi32> to vector<1280x128xi32>
    %eq3A_309 = arith.cmpi eq, %iota3A, %eq3A_308 : vector<1280x128xi32>
    %jit3A_310 = arith.constant 3.000000e+38 : f32
    %broadcast_in_dim3A_311 = vector.broadcast %jit3A_310 : f32 to vector<1280x128xf32>
    %select_n3A_312 = arith.select %eq3A_309, %broadcast_in_dim3A_311, %select_n3A_290 : vector<1280x128xi1>, vector<1280x128xf32>
    %eq3A_313 = arith.constant 12 : i32
    %eq3A_314 = vector.broadcast %eq3A_313 : i32 to vector<32x128xi32>
    %eq3A_315 = arith.cmpi eq, %iota3A_33, %eq3A_314 : vector<32x128xi32>
    %broadcast_in_dim3A_316 = vector.shape_cast %broadcast_in_dim3A_307 : vector<1x128xi32> to vector<1x128xi32>
    %broadcast_in_dim3A_317 = vector.broadcast %broadcast_in_dim3A_316 : vector<1x128xi32> to vector<32x128xi32>
    %select_n3A_318 = arith.select %eq3A_315, %broadcast_in_dim3A_317, %select_n3A_296 : vector<32x128xi1>, vector<32x128xi32>
    %reduce_min3A_319 = arith.constant dense<0x7F800000> : vector<128xf32>
    %reduce_min3A_320 = vector.multi_reduction <minimumf>, %select_n3A_312, %reduce_min3A_319 [0] : vector<1280x128xf32> to vector<128xf32>
    %broadcast_in_dim3A_321 = vector.shape_cast %reduce_min3A_320 : vector<128xf32> to vector<1x128xf32>
    %eq3A_322 = vector.broadcast %broadcast_in_dim3A_321 : vector<1x128xf32> to vector<1280x128xf32>
    %eq3A_323 = arith.cmpf oeq, %select_n3A_312, %eq3A_322 : vector<1280x128xf32>
    %jit3A_324 = arith.constant 1073741824 : i32
    %broadcast_in_dim3A_325 = vector.broadcast %jit3A_324 : i32 to vector<1280x128xi32>
    %select_n3A_326 = arith.select %eq3A_323, %iota3A, %broadcast_in_dim3A_325 : vector<1280x128xi1>, vector<1280x128xi32>
    %reduce_min3A_327 = arith.constant dense<2147483647> : vector<128xi32>
    %reduce_min3A_328 = vector.multi_reduction <minsi>, %select_n3A_326, %reduce_min3A_327 [0] : vector<1280x128xi32> to vector<128xi32>
    %broadcast_in_dim3A_329 = vector.shape_cast %reduce_min3A_328 : vector<128xi32> to vector<1x128xi32>
    %eq3A_330 = vector.broadcast %broadcast_in_dim3A_329 : vector<1x128xi32> to vector<1280x128xi32>
    %eq3A_331 = arith.cmpi eq, %iota3A, %eq3A_330 : vector<1280x128xi32>
    %jit3A_332 = arith.constant 3.000000e+38 : f32
    %broadcast_in_dim3A_333 = vector.broadcast %jit3A_332 : f32 to vector<1280x128xf32>
    %select_n3A_334 = arith.select %eq3A_331, %broadcast_in_dim3A_333, %select_n3A_312 : vector<1280x128xi1>, vector<1280x128xf32>
    %eq3A_335 = arith.constant 13 : i32
    %eq3A_336 = vector.broadcast %eq3A_335 : i32 to vector<32x128xi32>
    %eq3A_337 = arith.cmpi eq, %iota3A_33, %eq3A_336 : vector<32x128xi32>
    %broadcast_in_dim3A_338 = vector.shape_cast %broadcast_in_dim3A_329 : vector<1x128xi32> to vector<1x128xi32>
    %broadcast_in_dim3A_339 = vector.broadcast %broadcast_in_dim3A_338 : vector<1x128xi32> to vector<32x128xi32>
    %select_n3A_340 = arith.select %eq3A_337, %broadcast_in_dim3A_339, %select_n3A_318 : vector<32x128xi1>, vector<32x128xi32>
    %reduce_min3A_341 = arith.constant dense<0x7F800000> : vector<128xf32>
    %reduce_min3A_342 = vector.multi_reduction <minimumf>, %select_n3A_334, %reduce_min3A_341 [0] : vector<1280x128xf32> to vector<128xf32>
    %broadcast_in_dim3A_343 = vector.shape_cast %reduce_min3A_342 : vector<128xf32> to vector<1x128xf32>
    %eq3A_344 = vector.broadcast %broadcast_in_dim3A_343 : vector<1x128xf32> to vector<1280x128xf32>
    %eq3A_345 = arith.cmpf oeq, %select_n3A_334, %eq3A_344 : vector<1280x128xf32>
    %jit3A_346 = arith.constant 1073741824 : i32
    %broadcast_in_dim3A_347 = vector.broadcast %jit3A_346 : i32 to vector<1280x128xi32>
    %select_n3A_348 = arith.select %eq3A_345, %iota3A, %broadcast_in_dim3A_347 : vector<1280x128xi1>, vector<1280x128xi32>
    %reduce_min3A_349 = arith.constant dense<2147483647> : vector<128xi32>
    %reduce_min3A_350 = vector.multi_reduction <minsi>, %select_n3A_348, %reduce_min3A_349 [0] : vector<1280x128xi32> to vector<128xi32>
    %broadcast_in_dim3A_351 = vector.shape_cast %reduce_min3A_350 : vector<128xi32> to vector<1x128xi32>
    %eq3A_352 = vector.broadcast %broadcast_in_dim3A_351 : vector<1x128xi32> to vector<1280x128xi32>
    %eq3A_353 = arith.cmpi eq, %iota3A, %eq3A_352 : vector<1280x128xi32>
    %jit3A_354 = arith.constant 3.000000e+38 : f32
    %broadcast_in_dim3A_355 = vector.broadcast %jit3A_354 : f32 to vector<1280x128xf32>
    %select_n3A_356 = arith.select %eq3A_353, %broadcast_in_dim3A_355, %select_n3A_334 : vector<1280x128xi1>, vector<1280x128xf32>
    %eq3A_357 = arith.constant 14 : i32
    %eq3A_358 = vector.broadcast %eq3A_357 : i32 to vector<32x128xi32>
    %eq3A_359 = arith.cmpi eq, %iota3A_33, %eq3A_358 : vector<32x128xi32>
    %broadcast_in_dim3A_360 = vector.shape_cast %broadcast_in_dim3A_351 : vector<1x128xi32> to vector<1x128xi32>
    %broadcast_in_dim3A_361 = vector.broadcast %broadcast_in_dim3A_360 : vector<1x128xi32> to vector<32x128xi32>
    %select_n3A_362 = arith.select %eq3A_359, %broadcast_in_dim3A_361, %select_n3A_340 : vector<32x128xi1>, vector<32x128xi32>
    %reduce_min3A_363 = arith.constant dense<0x7F800000> : vector<128xf32>
    %reduce_min3A_364 = vector.multi_reduction <minimumf>, %select_n3A_356, %reduce_min3A_363 [0] : vector<1280x128xf32> to vector<128xf32>
    %broadcast_in_dim3A_365 = vector.shape_cast %reduce_min3A_364 : vector<128xf32> to vector<1x128xf32>
    %eq3A_366 = vector.broadcast %broadcast_in_dim3A_365 : vector<1x128xf32> to vector<1280x128xf32>
    %eq3A_367 = arith.cmpf oeq, %select_n3A_356, %eq3A_366 : vector<1280x128xf32>
    %jit3A_368 = arith.constant 1073741824 : i32
    %broadcast_in_dim3A_369 = vector.broadcast %jit3A_368 : i32 to vector<1280x128xi32>
    %select_n3A_370 = arith.select %eq3A_367, %iota3A, %broadcast_in_dim3A_369 : vector<1280x128xi1>, vector<1280x128xi32>
    %reduce_min3A_371 = arith.constant dense<2147483647> : vector<128xi32>
    %reduce_min3A_372 = vector.multi_reduction <minsi>, %select_n3A_370, %reduce_min3A_371 [0] : vector<1280x128xi32> to vector<128xi32>
    %broadcast_in_dim3A_373 = vector.shape_cast %reduce_min3A_372 : vector<128xi32> to vector<1x128xi32>
    %eq3A_374 = vector.broadcast %broadcast_in_dim3A_373 : vector<1x128xi32> to vector<1280x128xi32>
    %eq3A_375 = arith.cmpi eq, %iota3A, %eq3A_374 : vector<1280x128xi32>
    %jit3A_376 = arith.constant 3.000000e+38 : f32
    %broadcast_in_dim3A_377 = vector.broadcast %jit3A_376 : f32 to vector<1280x128xf32>
    %select_n3A_378 = arith.select %eq3A_375, %broadcast_in_dim3A_377, %select_n3A_356 : vector<1280x128xi1>, vector<1280x128xf32>
    %eq3A_379 = arith.constant 15 : i32
    %eq3A_380 = vector.broadcast %eq3A_379 : i32 to vector<32x128xi32>
    %eq3A_381 = arith.cmpi eq, %iota3A_33, %eq3A_380 : vector<32x128xi32>
    %broadcast_in_dim3A_382 = vector.shape_cast %broadcast_in_dim3A_373 : vector<1x128xi32> to vector<1x128xi32>
    %broadcast_in_dim3A_383 = vector.broadcast %broadcast_in_dim3A_382 : vector<1x128xi32> to vector<32x128xi32>
    %select_n3A_384 = arith.select %eq3A_381, %broadcast_in_dim3A_383, %select_n3A_362 : vector<32x128xi1>, vector<32x128xi32>
    %reduce_min3A_385 = arith.constant dense<0x7F800000> : vector<128xf32>
    %reduce_min3A_386 = vector.multi_reduction <minimumf>, %select_n3A_378, %reduce_min3A_385 [0] : vector<1280x128xf32> to vector<128xf32>
    %broadcast_in_dim3A_387 = vector.shape_cast %reduce_min3A_386 : vector<128xf32> to vector<1x128xf32>
    %eq3A_388 = vector.broadcast %broadcast_in_dim3A_387 : vector<1x128xf32> to vector<1280x128xf32>
    %eq3A_389 = arith.cmpf oeq, %select_n3A_378, %eq3A_388 : vector<1280x128xf32>
    %jit3A_390 = arith.constant 1073741824 : i32
    %broadcast_in_dim3A_391 = vector.broadcast %jit3A_390 : i32 to vector<1280x128xi32>
    %select_n3A_392 = arith.select %eq3A_389, %iota3A, %broadcast_in_dim3A_391 : vector<1280x128xi1>, vector<1280x128xi32>
    %reduce_min3A_393 = arith.constant dense<2147483647> : vector<128xi32>
    %reduce_min3A_394 = vector.multi_reduction <minsi>, %select_n3A_392, %reduce_min3A_393 [0] : vector<1280x128xi32> to vector<128xi32>
    %broadcast_in_dim3A_395 = vector.shape_cast %reduce_min3A_394 : vector<128xi32> to vector<1x128xi32>
    %eq3A_396 = vector.broadcast %broadcast_in_dim3A_395 : vector<1x128xi32> to vector<1280x128xi32>
    %eq3A_397 = arith.cmpi eq, %iota3A, %eq3A_396 : vector<1280x128xi32>
    %jit3A_398 = arith.constant 3.000000e+38 : f32
    %broadcast_in_dim3A_399 = vector.broadcast %jit3A_398 : f32 to vector<1280x128xf32>
    %select_n3A_400 = arith.select %eq3A_397, %broadcast_in_dim3A_399, %select_n3A_378 : vector<1280x128xi1>, vector<1280x128xf32>
    %eq3A_401 = arith.constant 16 : i32
    %eq3A_402 = vector.broadcast %eq3A_401 : i32 to vector<32x128xi32>
    %eq3A_403 = arith.cmpi eq, %iota3A_33, %eq3A_402 : vector<32x128xi32>
    %broadcast_in_dim3A_404 = vector.shape_cast %broadcast_in_dim3A_395 : vector<1x128xi32> to vector<1x128xi32>
    %broadcast_in_dim3A_405 = vector.broadcast %broadcast_in_dim3A_404 : vector<1x128xi32> to vector<32x128xi32>
    %select_n3A_406 = arith.select %eq3A_403, %broadcast_in_dim3A_405, %select_n3A_384 : vector<32x128xi1>, vector<32x128xi32>
    %reduce_min3A_407 = arith.constant dense<0x7F800000> : vector<128xf32>
    %reduce_min3A_408 = vector.multi_reduction <minimumf>, %select_n3A_400, %reduce_min3A_407 [0] : vector<1280x128xf32> to vector<128xf32>
    %broadcast_in_dim3A_409 = vector.shape_cast %reduce_min3A_408 : vector<128xf32> to vector<1x128xf32>
    %eq3A_410 = vector.broadcast %broadcast_in_dim3A_409 : vector<1x128xf32> to vector<1280x128xf32>
    %eq3A_411 = arith.cmpf oeq, %select_n3A_400, %eq3A_410 : vector<1280x128xf32>
    %jit3A_412 = arith.constant 1073741824 : i32
    %broadcast_in_dim3A_413 = vector.broadcast %jit3A_412 : i32 to vector<1280x128xi32>
    %select_n3A_414 = arith.select %eq3A_411, %iota3A, %broadcast_in_dim3A_413 : vector<1280x128xi1>, vector<1280x128xi32>
    %reduce_min3A_415 = arith.constant dense<2147483647> : vector<128xi32>
    %reduce_min3A_416 = vector.multi_reduction <minsi>, %select_n3A_414, %reduce_min3A_415 [0] : vector<1280x128xi32> to vector<128xi32>
    %broadcast_in_dim3A_417 = vector.shape_cast %reduce_min3A_416 : vector<128xi32> to vector<1x128xi32>
    %eq3A_418 = vector.broadcast %broadcast_in_dim3A_417 : vector<1x128xi32> to vector<1280x128xi32>
    %eq3A_419 = arith.cmpi eq, %iota3A, %eq3A_418 : vector<1280x128xi32>
    %jit3A_420 = arith.constant 3.000000e+38 : f32
    %broadcast_in_dim3A_421 = vector.broadcast %jit3A_420 : f32 to vector<1280x128xf32>
    %select_n3A_422 = arith.select %eq3A_419, %broadcast_in_dim3A_421, %select_n3A_400 : vector<1280x128xi1>, vector<1280x128xf32>
    %eq3A_423 = arith.constant 17 : i32
    %eq3A_424 = vector.broadcast %eq3A_423 : i32 to vector<32x128xi32>
    %eq3A_425 = arith.cmpi eq, %iota3A_33, %eq3A_424 : vector<32x128xi32>
    %broadcast_in_dim3A_426 = vector.shape_cast %broadcast_in_dim3A_417 : vector<1x128xi32> to vector<1x128xi32>
    %broadcast_in_dim3A_427 = vector.broadcast %broadcast_in_dim3A_426 : vector<1x128xi32> to vector<32x128xi32>
    %select_n3A_428 = arith.select %eq3A_425, %broadcast_in_dim3A_427, %select_n3A_406 : vector<32x128xi1>, vector<32x128xi32>
    %reduce_min3A_429 = arith.constant dense<0x7F800000> : vector<128xf32>
    %reduce_min3A_430 = vector.multi_reduction <minimumf>, %select_n3A_422, %reduce_min3A_429 [0] : vector<1280x128xf32> to vector<128xf32>
    %broadcast_in_dim3A_431 = vector.shape_cast %reduce_min3A_430 : vector<128xf32> to vector<1x128xf32>
    %eq3A_432 = vector.broadcast %broadcast_in_dim3A_431 : vector<1x128xf32> to vector<1280x128xf32>
    %eq3A_433 = arith.cmpf oeq, %select_n3A_422, %eq3A_432 : vector<1280x128xf32>
    %jit3A_434 = arith.constant 1073741824 : i32
    %broadcast_in_dim3A_435 = vector.broadcast %jit3A_434 : i32 to vector<1280x128xi32>
    %select_n3A_436 = arith.select %eq3A_433, %iota3A, %broadcast_in_dim3A_435 : vector<1280x128xi1>, vector<1280x128xi32>
    %reduce_min3A_437 = arith.constant dense<2147483647> : vector<128xi32>
    %reduce_min3A_438 = vector.multi_reduction <minsi>, %select_n3A_436, %reduce_min3A_437 [0] : vector<1280x128xi32> to vector<128xi32>
    %broadcast_in_dim3A_439 = vector.shape_cast %reduce_min3A_438 : vector<128xi32> to vector<1x128xi32>
    %eq3A_440 = vector.broadcast %broadcast_in_dim3A_439 : vector<1x128xi32> to vector<1280x128xi32>
    %eq3A_441 = arith.cmpi eq, %iota3A, %eq3A_440 : vector<1280x128xi32>
    %jit3A_442 = arith.constant 3.000000e+38 : f32
    %broadcast_in_dim3A_443 = vector.broadcast %jit3A_442 : f32 to vector<1280x128xf32>
    %select_n3A_444 = arith.select %eq3A_441, %broadcast_in_dim3A_443, %select_n3A_422 : vector<1280x128xi1>, vector<1280x128xf32>
    %eq3A_445 = arith.constant 18 : i32
    %eq3A_446 = vector.broadcast %eq3A_445 : i32 to vector<32x128xi32>
    %eq3A_447 = arith.cmpi eq, %iota3A_33, %eq3A_446 : vector<32x128xi32>
    %broadcast_in_dim3A_448 = vector.shape_cast %broadcast_in_dim3A_439 : vector<1x128xi32> to vector<1x128xi32>
    %broadcast_in_dim3A_449 = vector.broadcast %broadcast_in_dim3A_448 : vector<1x128xi32> to vector<32x128xi32>
    %select_n3A_450 = arith.select %eq3A_447, %broadcast_in_dim3A_449, %select_n3A_428 : vector<32x128xi1>, vector<32x128xi32>
    %reduce_min3A_451 = arith.constant dense<0x7F800000> : vector<128xf32>
    %reduce_min3A_452 = vector.multi_reduction <minimumf>, %select_n3A_444, %reduce_min3A_451 [0] : vector<1280x128xf32> to vector<128xf32>
    %broadcast_in_dim3A_453 = vector.shape_cast %reduce_min3A_452 : vector<128xf32> to vector<1x128xf32>
    %eq3A_454 = vector.broadcast %broadcast_in_dim3A_453 : vector<1x128xf32> to vector<1280x128xf32>
    %eq3A_455 = arith.cmpf oeq, %select_n3A_444, %eq3A_454 : vector<1280x128xf32>
    %jit3A_456 = arith.constant 1073741824 : i32
    %broadcast_in_dim3A_457 = vector.broadcast %jit3A_456 : i32 to vector<1280x128xi32>
    %select_n3A_458 = arith.select %eq3A_455, %iota3A, %broadcast_in_dim3A_457 : vector<1280x128xi1>, vector<1280x128xi32>
    %reduce_min3A_459 = arith.constant dense<2147483647> : vector<128xi32>
    %reduce_min3A_460 = vector.multi_reduction <minsi>, %select_n3A_458, %reduce_min3A_459 [0] : vector<1280x128xi32> to vector<128xi32>
    %broadcast_in_dim3A_461 = vector.shape_cast %reduce_min3A_460 : vector<128xi32> to vector<1x128xi32>
    %eq3A_462 = vector.broadcast %broadcast_in_dim3A_461 : vector<1x128xi32> to vector<1280x128xi32>
    %eq3A_463 = arith.cmpi eq, %iota3A, %eq3A_462 : vector<1280x128xi32>
    %jit3A_464 = arith.constant 3.000000e+38 : f32
    %broadcast_in_dim3A_465 = vector.broadcast %jit3A_464 : f32 to vector<1280x128xf32>
    %select_n3A_466 = arith.select %eq3A_463, %broadcast_in_dim3A_465, %select_n3A_444 : vector<1280x128xi1>, vector<1280x128xf32>
    %eq3A_467 = arith.constant 19 : i32
    %eq3A_468 = vector.broadcast %eq3A_467 : i32 to vector<32x128xi32>
    %eq3A_469 = arith.cmpi eq, %iota3A_33, %eq3A_468 : vector<32x128xi32>
    %broadcast_in_dim3A_470 = vector.shape_cast %broadcast_in_dim3A_461 : vector<1x128xi32> to vector<1x128xi32>
    %broadcast_in_dim3A_471 = vector.broadcast %broadcast_in_dim3A_470 : vector<1x128xi32> to vector<32x128xi32>
    %select_n3A_472 = arith.select %eq3A_469, %broadcast_in_dim3A_471, %select_n3A_450 : vector<32x128xi1>, vector<32x128xi32>
    %reduce_min3A_473 = arith.constant dense<0x7F800000> : vector<128xf32>
    %reduce_min3A_474 = vector.multi_reduction <minimumf>, %select_n3A_466, %reduce_min3A_473 [0] : vector<1280x128xf32> to vector<128xf32>
    %broadcast_in_dim3A_475 = vector.shape_cast %reduce_min3A_474 : vector<128xf32> to vector<1x128xf32>
    %eq3A_476 = vector.broadcast %broadcast_in_dim3A_475 : vector<1x128xf32> to vector<1280x128xf32>
    %eq3A_477 = arith.cmpf oeq, %select_n3A_466, %eq3A_476 : vector<1280x128xf32>
    %jit3A_478 = arith.constant 1073741824 : i32
    %broadcast_in_dim3A_479 = vector.broadcast %jit3A_478 : i32 to vector<1280x128xi32>
    %select_n3A_480 = arith.select %eq3A_477, %iota3A, %broadcast_in_dim3A_479 : vector<1280x128xi1>, vector<1280x128xi32>
    %reduce_min3A_481 = arith.constant dense<2147483647> : vector<128xi32>
    %reduce_min3A_482 = vector.multi_reduction <minsi>, %select_n3A_480, %reduce_min3A_481 [0] : vector<1280x128xi32> to vector<128xi32>
    %broadcast_in_dim3A_483 = vector.shape_cast %reduce_min3A_482 : vector<128xi32> to vector<1x128xi32>
    %eq3A_484 = vector.broadcast %broadcast_in_dim3A_483 : vector<1x128xi32> to vector<1280x128xi32>
    %eq3A_485 = arith.cmpi eq, %iota3A, %eq3A_484 : vector<1280x128xi32>
    %jit3A_486 = arith.constant 3.000000e+38 : f32
    %broadcast_in_dim3A_487 = vector.broadcast %jit3A_486 : f32 to vector<1280x128xf32>
    %select_n3A_488 = arith.select %eq3A_485, %broadcast_in_dim3A_487, %select_n3A_466 : vector<1280x128xi1>, vector<1280x128xf32>
    %eq3A_489 = arith.constant 20 : i32
    %eq3A_490 = vector.broadcast %eq3A_489 : i32 to vector<32x128xi32>
    %eq3A_491 = arith.cmpi eq, %iota3A_33, %eq3A_490 : vector<32x128xi32>
    %broadcast_in_dim3A_492 = vector.shape_cast %broadcast_in_dim3A_483 : vector<1x128xi32> to vector<1x128xi32>
    %broadcast_in_dim3A_493 = vector.broadcast %broadcast_in_dim3A_492 : vector<1x128xi32> to vector<32x128xi32>
    %select_n3A_494 = arith.select %eq3A_491, %broadcast_in_dim3A_493, %select_n3A_472 : vector<32x128xi1>, vector<32x128xi32>
    %reduce_min3A_495 = arith.constant dense<0x7F800000> : vector<128xf32>
    %reduce_min3A_496 = vector.multi_reduction <minimumf>, %select_n3A_488, %reduce_min3A_495 [0] : vector<1280x128xf32> to vector<128xf32>
    %broadcast_in_dim3A_497 = vector.shape_cast %reduce_min3A_496 : vector<128xf32> to vector<1x128xf32>
    %eq3A_498 = vector.broadcast %broadcast_in_dim3A_497 : vector<1x128xf32> to vector<1280x128xf32>
    %eq3A_499 = arith.cmpf oeq, %select_n3A_488, %eq3A_498 : vector<1280x128xf32>
    %jit3A_500 = arith.constant 1073741824 : i32
    %broadcast_in_dim3A_501 = vector.broadcast %jit3A_500 : i32 to vector<1280x128xi32>
    %select_n3A_502 = arith.select %eq3A_499, %iota3A, %broadcast_in_dim3A_501 : vector<1280x128xi1>, vector<1280x128xi32>
    %reduce_min3A_503 = arith.constant dense<2147483647> : vector<128xi32>
    %reduce_min3A_504 = vector.multi_reduction <minsi>, %select_n3A_502, %reduce_min3A_503 [0] : vector<1280x128xi32> to vector<128xi32>
    %broadcast_in_dim3A_505 = vector.shape_cast %reduce_min3A_504 : vector<128xi32> to vector<1x128xi32>
    %eq3A_506 = vector.broadcast %broadcast_in_dim3A_505 : vector<1x128xi32> to vector<1280x128xi32>
    %eq3A_507 = arith.cmpi eq, %iota3A, %eq3A_506 : vector<1280x128xi32>
    %jit3A_508 = arith.constant 3.000000e+38 : f32
    %broadcast_in_dim3A_509 = vector.broadcast %jit3A_508 : f32 to vector<1280x128xf32>
    %select_n3A_510 = arith.select %eq3A_507, %broadcast_in_dim3A_509, %select_n3A_488 : vector<1280x128xi1>, vector<1280x128xf32>
    %eq3A_511 = arith.constant 21 : i32
    %eq3A_512 = vector.broadcast %eq3A_511 : i32 to vector<32x128xi32>
    %eq3A_513 = arith.cmpi eq, %iota3A_33, %eq3A_512 : vector<32x128xi32>
    %broadcast_in_dim3A_514 = vector.shape_cast %broadcast_in_dim3A_505 : vector<1x128xi32> to vector<1x128xi32>
    %broadcast_in_dim3A_515 = vector.broadcast %broadcast_in_dim3A_514 : vector<1x128xi32> to vector<32x128xi32>
    %select_n3A_516 = arith.select %eq3A_513, %broadcast_in_dim3A_515, %select_n3A_494 : vector<32x128xi1>, vector<32x128xi32>
    %reduce_min3A_517 = arith.constant dense<0x7F800000> : vector<128xf32>
    %reduce_min3A_518 = vector.multi_reduction <minimumf>, %select_n3A_510, %reduce_min3A_517 [0] : vector<1280x128xf32> to vector<128xf32>
    %broadcast_in_dim3A_519 = vector.shape_cast %reduce_min3A_518 : vector<128xf32> to vector<1x128xf32>
    %eq3A_520 = vector.broadcast %broadcast_in_dim3A_519 : vector<1x128xf32> to vector<1280x128xf32>
    %eq3A_521 = arith.cmpf oeq, %select_n3A_510, %eq3A_520 : vector<1280x128xf32>
    %jit3A_522 = arith.constant 1073741824 : i32
    %broadcast_in_dim3A_523 = vector.broadcast %jit3A_522 : i32 to vector<1280x128xi32>
    %select_n3A_524 = arith.select %eq3A_521, %iota3A, %broadcast_in_dim3A_523 : vector<1280x128xi1>, vector<1280x128xi32>
    %reduce_min3A_525 = arith.constant dense<2147483647> : vector<128xi32>
    %reduce_min3A_526 = vector.multi_reduction <minsi>, %select_n3A_524, %reduce_min3A_525 [0] : vector<1280x128xi32> to vector<128xi32>
    %broadcast_in_dim3A_527 = vector.shape_cast %reduce_min3A_526 : vector<128xi32> to vector<1x128xi32>
    %eq3A_528 = vector.broadcast %broadcast_in_dim3A_527 : vector<1x128xi32> to vector<1280x128xi32>
    %eq3A_529 = arith.cmpi eq, %iota3A, %eq3A_528 : vector<1280x128xi32>
    %jit3A_530 = arith.constant 3.000000e+38 : f32
    %broadcast_in_dim3A_531 = vector.broadcast %jit3A_530 : f32 to vector<1280x128xf32>
    %select_n3A_532 = arith.select %eq3A_529, %broadcast_in_dim3A_531, %select_n3A_510 : vector<1280x128xi1>, vector<1280x128xf32>
    %eq3A_533 = arith.constant 22 : i32
    %eq3A_534 = vector.broadcast %eq3A_533 : i32 to vector<32x128xi32>
    %eq3A_535 = arith.cmpi eq, %iota3A_33, %eq3A_534 : vector<32x128xi32>
    %broadcast_in_dim3A_536 = vector.shape_cast %broadcast_in_dim3A_527 : vector<1x128xi32> to vector<1x128xi32>
    %broadcast_in_dim3A_537 = vector.broadcast %broadcast_in_dim3A_536 : vector<1x128xi32> to vector<32x128xi32>
    %select_n3A_538 = arith.select %eq3A_535, %broadcast_in_dim3A_537, %select_n3A_516 : vector<32x128xi1>, vector<32x128xi32>
    %reduce_min3A_539 = arith.constant dense<0x7F800000> : vector<128xf32>
    %reduce_min3A_540 = vector.multi_reduction <minimumf>, %select_n3A_532, %reduce_min3A_539 [0] : vector<1280x128xf32> to vector<128xf32>
    %broadcast_in_dim3A_541 = vector.shape_cast %reduce_min3A_540 : vector<128xf32> to vector<1x128xf32>
    %eq3A_542 = vector.broadcast %broadcast_in_dim3A_541 : vector<1x128xf32> to vector<1280x128xf32>
    %eq3A_543 = arith.cmpf oeq, %select_n3A_532, %eq3A_542 : vector<1280x128xf32>
    %jit3A_544 = arith.constant 1073741824 : i32
    %broadcast_in_dim3A_545 = vector.broadcast %jit3A_544 : i32 to vector<1280x128xi32>
    %select_n3A_546 = arith.select %eq3A_543, %iota3A, %broadcast_in_dim3A_545 : vector<1280x128xi1>, vector<1280x128xi32>
    %reduce_min3A_547 = arith.constant dense<2147483647> : vector<128xi32>
    %reduce_min3A_548 = vector.multi_reduction <minsi>, %select_n3A_546, %reduce_min3A_547 [0] : vector<1280x128xi32> to vector<128xi32>
    %broadcast_in_dim3A_549 = vector.shape_cast %reduce_min3A_548 : vector<128xi32> to vector<1x128xi32>
    %eq3A_550 = vector.broadcast %broadcast_in_dim3A_549 : vector<1x128xi32> to vector<1280x128xi32>
    %eq3A_551 = arith.cmpi eq, %iota3A, %eq3A_550 : vector<1280x128xi32>
    %jit3A_552 = arith.constant 3.000000e+38 : f32
    %broadcast_in_dim3A_553 = vector.broadcast %jit3A_552 : f32 to vector<1280x128xf32>
    %select_n3A_554 = arith.select %eq3A_551, %broadcast_in_dim3A_553, %select_n3A_532 : vector<1280x128xi1>, vector<1280x128xf32>
    %eq3A_555 = arith.constant 23 : i32
    %eq3A_556 = vector.broadcast %eq3A_555 : i32 to vector<32x128xi32>
    %eq3A_557 = arith.cmpi eq, %iota3A_33, %eq3A_556 : vector<32x128xi32>
    %broadcast_in_dim3A_558 = vector.shape_cast %broadcast_in_dim3A_549 : vector<1x128xi32> to vector<1x128xi32>
    %broadcast_in_dim3A_559 = vector.broadcast %broadcast_in_dim3A_558 : vector<1x128xi32> to vector<32x128xi32>
    %select_n3A_560 = arith.select %eq3A_557, %broadcast_in_dim3A_559, %select_n3A_538 : vector<32x128xi1>, vector<32x128xi32>
    %reduce_min3A_561 = arith.constant dense<0x7F800000> : vector<128xf32>
    %reduce_min3A_562 = vector.multi_reduction <minimumf>, %select_n3A_554, %reduce_min3A_561 [0] : vector<1280x128xf32> to vector<128xf32>
    %broadcast_in_dim3A_563 = vector.shape_cast %reduce_min3A_562 : vector<128xf32> to vector<1x128xf32>
    %eq3A_564 = vector.broadcast %broadcast_in_dim3A_563 : vector<1x128xf32> to vector<1280x128xf32>
    %eq3A_565 = arith.cmpf oeq, %select_n3A_554, %eq3A_564 : vector<1280x128xf32>
    %jit3A_566 = arith.constant 1073741824 : i32
    %broadcast_in_dim3A_567 = vector.broadcast %jit3A_566 : i32 to vector<1280x128xi32>
    %select_n3A_568 = arith.select %eq3A_565, %iota3A, %broadcast_in_dim3A_567 : vector<1280x128xi1>, vector<1280x128xi32>
    %reduce_min3A_569 = arith.constant dense<2147483647> : vector<128xi32>
    %reduce_min3A_570 = vector.multi_reduction <minsi>, %select_n3A_568, %reduce_min3A_569 [0] : vector<1280x128xi32> to vector<128xi32>
    %broadcast_in_dim3A_571 = vector.shape_cast %reduce_min3A_570 : vector<128xi32> to vector<1x128xi32>
    %eq3A_572 = vector.broadcast %broadcast_in_dim3A_571 : vector<1x128xi32> to vector<1280x128xi32>
    %eq3A_573 = arith.cmpi eq, %iota3A, %eq3A_572 : vector<1280x128xi32>
    %jit3A_574 = arith.constant 3.000000e+38 : f32
    %broadcast_in_dim3A_575 = vector.broadcast %jit3A_574 : f32 to vector<1280x128xf32>
    %select_n3A_576 = arith.select %eq3A_573, %broadcast_in_dim3A_575, %select_n3A_554 : vector<1280x128xi1>, vector<1280x128xf32>
    %eq3A_577 = arith.constant 24 : i32
    %eq3A_578 = vector.broadcast %eq3A_577 : i32 to vector<32x128xi32>
    %eq3A_579 = arith.cmpi eq, %iota3A_33, %eq3A_578 : vector<32x128xi32>
    %broadcast_in_dim3A_580 = vector.shape_cast %broadcast_in_dim3A_571 : vector<1x128xi32> to vector<1x128xi32>
    %broadcast_in_dim3A_581 = vector.broadcast %broadcast_in_dim3A_580 : vector<1x128xi32> to vector<32x128xi32>
    %select_n3A_582 = arith.select %eq3A_579, %broadcast_in_dim3A_581, %select_n3A_560 : vector<32x128xi1>, vector<32x128xi32>
    %reduce_min3A_583 = arith.constant dense<0x7F800000> : vector<128xf32>
    %reduce_min3A_584 = vector.multi_reduction <minimumf>, %select_n3A_576, %reduce_min3A_583 [0] : vector<1280x128xf32> to vector<128xf32>
    %broadcast_in_dim3A_585 = vector.shape_cast %reduce_min3A_584 : vector<128xf32> to vector<1x128xf32>
    %eq3A_586 = vector.broadcast %broadcast_in_dim3A_585 : vector<1x128xf32> to vector<1280x128xf32>
    %eq3A_587 = arith.cmpf oeq, %select_n3A_576, %eq3A_586 : vector<1280x128xf32>
    %jit3A_588 = arith.constant 1073741824 : i32
    %broadcast_in_dim3A_589 = vector.broadcast %jit3A_588 : i32 to vector<1280x128xi32>
    %select_n3A_590 = arith.select %eq3A_587, %iota3A, %broadcast_in_dim3A_589 : vector<1280x128xi1>, vector<1280x128xi32>
    %reduce_min3A_591 = arith.constant dense<2147483647> : vector<128xi32>
    %reduce_min3A_592 = vector.multi_reduction <minsi>, %select_n3A_590, %reduce_min3A_591 [0] : vector<1280x128xi32> to vector<128xi32>
    %broadcast_in_dim3A_593 = vector.shape_cast %reduce_min3A_592 : vector<128xi32> to vector<1x128xi32>
    %eq3A_594 = vector.broadcast %broadcast_in_dim3A_593 : vector<1x128xi32> to vector<1280x128xi32>
    %eq3A_595 = arith.cmpi eq, %iota3A, %eq3A_594 : vector<1280x128xi32>
    %jit3A_596 = arith.constant 3.000000e+38 : f32
    %broadcast_in_dim3A_597 = vector.broadcast %jit3A_596 : f32 to vector<1280x128xf32>
    %select_n3A_598 = arith.select %eq3A_595, %broadcast_in_dim3A_597, %select_n3A_576 : vector<1280x128xi1>, vector<1280x128xf32>
    %eq3A_599 = arith.constant 25 : i32
    %eq3A_600 = vector.broadcast %eq3A_599 : i32 to vector<32x128xi32>
    %eq3A_601 = arith.cmpi eq, %iota3A_33, %eq3A_600 : vector<32x128xi32>
    %broadcast_in_dim3A_602 = vector.shape_cast %broadcast_in_dim3A_593 : vector<1x128xi32> to vector<1x128xi32>
    %broadcast_in_dim3A_603 = vector.broadcast %broadcast_in_dim3A_602 : vector<1x128xi32> to vector<32x128xi32>
    %select_n3A_604 = arith.select %eq3A_601, %broadcast_in_dim3A_603, %select_n3A_582 : vector<32x128xi1>, vector<32x128xi32>
    %reduce_min3A_605 = arith.constant dense<0x7F800000> : vector<128xf32>
    %reduce_min3A_606 = vector.multi_reduction <minimumf>, %select_n3A_598, %reduce_min3A_605 [0] : vector<1280x128xf32> to vector<128xf32>
    %broadcast_in_dim3A_607 = vector.shape_cast %reduce_min3A_606 : vector<128xf32> to vector<1x128xf32>
    %eq3A_608 = vector.broadcast %broadcast_in_dim3A_607 : vector<1x128xf32> to vector<1280x128xf32>
    %eq3A_609 = arith.cmpf oeq, %select_n3A_598, %eq3A_608 : vector<1280x128xf32>
    %jit3A_610 = arith.constant 1073741824 : i32
    %broadcast_in_dim3A_611 = vector.broadcast %jit3A_610 : i32 to vector<1280x128xi32>
    %select_n3A_612 = arith.select %eq3A_609, %iota3A, %broadcast_in_dim3A_611 : vector<1280x128xi1>, vector<1280x128xi32>
    %reduce_min3A_613 = arith.constant dense<2147483647> : vector<128xi32>
    %reduce_min3A_614 = vector.multi_reduction <minsi>, %select_n3A_612, %reduce_min3A_613 [0] : vector<1280x128xi32> to vector<128xi32>
    %broadcast_in_dim3A_615 = vector.shape_cast %reduce_min3A_614 : vector<128xi32> to vector<1x128xi32>
    %eq3A_616 = vector.broadcast %broadcast_in_dim3A_615 : vector<1x128xi32> to vector<1280x128xi32>
    %eq3A_617 = arith.cmpi eq, %iota3A, %eq3A_616 : vector<1280x128xi32>
    %jit3A_618 = arith.constant 3.000000e+38 : f32
    %broadcast_in_dim3A_619 = vector.broadcast %jit3A_618 : f32 to vector<1280x128xf32>
    %select_n3A_620 = arith.select %eq3A_617, %broadcast_in_dim3A_619, %select_n3A_598 : vector<1280x128xi1>, vector<1280x128xf32>
    %eq3A_621 = arith.constant 26 : i32
    %eq3A_622 = vector.broadcast %eq3A_621 : i32 to vector<32x128xi32>
    %eq3A_623 = arith.cmpi eq, %iota3A_33, %eq3A_622 : vector<32x128xi32>
    %broadcast_in_dim3A_624 = vector.shape_cast %broadcast_in_dim3A_615 : vector<1x128xi32> to vector<1x128xi32>
    %broadcast_in_dim3A_625 = vector.broadcast %broadcast_in_dim3A_624 : vector<1x128xi32> to vector<32x128xi32>
    %select_n3A_626 = arith.select %eq3A_623, %broadcast_in_dim3A_625, %select_n3A_604 : vector<32x128xi1>, vector<32x128xi32>
    %reduce_min3A_627 = arith.constant dense<0x7F800000> : vector<128xf32>
    %reduce_min3A_628 = vector.multi_reduction <minimumf>, %select_n3A_620, %reduce_min3A_627 [0] : vector<1280x128xf32> to vector<128xf32>
    %broadcast_in_dim3A_629 = vector.shape_cast %reduce_min3A_628 : vector<128xf32> to vector<1x128xf32>
    %eq3A_630 = vector.broadcast %broadcast_in_dim3A_629 : vector<1x128xf32> to vector<1280x128xf32>
    %eq3A_631 = arith.cmpf oeq, %select_n3A_620, %eq3A_630 : vector<1280x128xf32>
    %jit3A_632 = arith.constant 1073741824 : i32
    %broadcast_in_dim3A_633 = vector.broadcast %jit3A_632 : i32 to vector<1280x128xi32>
    %select_n3A_634 = arith.select %eq3A_631, %iota3A, %broadcast_in_dim3A_633 : vector<1280x128xi1>, vector<1280x128xi32>
    %reduce_min3A_635 = arith.constant dense<2147483647> : vector<128xi32>
    %reduce_min3A_636 = vector.multi_reduction <minsi>, %select_n3A_634, %reduce_min3A_635 [0] : vector<1280x128xi32> to vector<128xi32>
    %broadcast_in_dim3A_637 = vector.shape_cast %reduce_min3A_636 : vector<128xi32> to vector<1x128xi32>
    %eq3A_638 = vector.broadcast %broadcast_in_dim3A_637 : vector<1x128xi32> to vector<1280x128xi32>
    %eq3A_639 = arith.cmpi eq, %iota3A, %eq3A_638 : vector<1280x128xi32>
    %jit3A_640 = arith.constant 3.000000e+38 : f32
    %broadcast_in_dim3A_641 = vector.broadcast %jit3A_640 : f32 to vector<1280x128xf32>
    %select_n3A_642 = arith.select %eq3A_639, %broadcast_in_dim3A_641, %select_n3A_620 : vector<1280x128xi1>, vector<1280x128xf32>
    %eq3A_643 = arith.constant 27 : i32
    %eq3A_644 = vector.broadcast %eq3A_643 : i32 to vector<32x128xi32>
    %eq3A_645 = arith.cmpi eq, %iota3A_33, %eq3A_644 : vector<32x128xi32>
    %broadcast_in_dim3A_646 = vector.shape_cast %broadcast_in_dim3A_637 : vector<1x128xi32> to vector<1x128xi32>
    %broadcast_in_dim3A_647 = vector.broadcast %broadcast_in_dim3A_646 : vector<1x128xi32> to vector<32x128xi32>
    %select_n3A_648 = arith.select %eq3A_645, %broadcast_in_dim3A_647, %select_n3A_626 : vector<32x128xi1>, vector<32x128xi32>
    %reduce_min3A_649 = arith.constant dense<0x7F800000> : vector<128xf32>
    %reduce_min3A_650 = vector.multi_reduction <minimumf>, %select_n3A_642, %reduce_min3A_649 [0] : vector<1280x128xf32> to vector<128xf32>
    %broadcast_in_dim3A_651 = vector.shape_cast %reduce_min3A_650 : vector<128xf32> to vector<1x128xf32>
    %eq3A_652 = vector.broadcast %broadcast_in_dim3A_651 : vector<1x128xf32> to vector<1280x128xf32>
    %eq3A_653 = arith.cmpf oeq, %select_n3A_642, %eq3A_652 : vector<1280x128xf32>
    %jit3A_654 = arith.constant 1073741824 : i32
    %broadcast_in_dim3A_655 = vector.broadcast %jit3A_654 : i32 to vector<1280x128xi32>
    %select_n3A_656 = arith.select %eq3A_653, %iota3A, %broadcast_in_dim3A_655 : vector<1280x128xi1>, vector<1280x128xi32>
    %reduce_min3A_657 = arith.constant dense<2147483647> : vector<128xi32>
    %reduce_min3A_658 = vector.multi_reduction <minsi>, %select_n3A_656, %reduce_min3A_657 [0] : vector<1280x128xi32> to vector<128xi32>
    %broadcast_in_dim3A_659 = vector.shape_cast %reduce_min3A_658 : vector<128xi32> to vector<1x128xi32>
    %eq3A_660 = vector.broadcast %broadcast_in_dim3A_659 : vector<1x128xi32> to vector<1280x128xi32>
    %eq3A_661 = arith.cmpi eq, %iota3A, %eq3A_660 : vector<1280x128xi32>
    %jit3A_662 = arith.constant 3.000000e+38 : f32
    %broadcast_in_dim3A_663 = vector.broadcast %jit3A_662 : f32 to vector<1280x128xf32>
    %select_n3A_664 = arith.select %eq3A_661, %broadcast_in_dim3A_663, %select_n3A_642 : vector<1280x128xi1>, vector<1280x128xf32>
    %eq3A_665 = arith.constant 28 : i32
    %eq3A_666 = vector.broadcast %eq3A_665 : i32 to vector<32x128xi32>
    %eq3A_667 = arith.cmpi eq, %iota3A_33, %eq3A_666 : vector<32x128xi32>
    %broadcast_in_dim3A_668 = vector.shape_cast %broadcast_in_dim3A_659 : vector<1x128xi32> to vector<1x128xi32>
    %broadcast_in_dim3A_669 = vector.broadcast %broadcast_in_dim3A_668 : vector<1x128xi32> to vector<32x128xi32>
    %select_n3A_670 = arith.select %eq3A_667, %broadcast_in_dim3A_669, %select_n3A_648 : vector<32x128xi1>, vector<32x128xi32>
    %reduce_min3A_671 = arith.constant dense<0x7F800000> : vector<128xf32>
    %reduce_min3A_672 = vector.multi_reduction <minimumf>, %select_n3A_664, %reduce_min3A_671 [0] : vector<1280x128xf32> to vector<128xf32>
    %broadcast_in_dim3A_673 = vector.shape_cast %reduce_min3A_672 : vector<128xf32> to vector<1x128xf32>
    %eq3A_674 = vector.broadcast %broadcast_in_dim3A_673 : vector<1x128xf32> to vector<1280x128xf32>
    %eq3A_675 = arith.cmpf oeq, %select_n3A_664, %eq3A_674 : vector<1280x128xf32>
    %jit3A_676 = arith.constant 1073741824 : i32
    %broadcast_in_dim3A_677 = vector.broadcast %jit3A_676 : i32 to vector<1280x128xi32>
    %select_n3A_678 = arith.select %eq3A_675, %iota3A, %broadcast_in_dim3A_677 : vector<1280x128xi1>, vector<1280x128xi32>
    %reduce_min3A_679 = arith.constant dense<2147483647> : vector<128xi32>
    %reduce_min3A_680 = vector.multi_reduction <minsi>, %select_n3A_678, %reduce_min3A_679 [0] : vector<1280x128xi32> to vector<128xi32>
    %broadcast_in_dim3A_681 = vector.shape_cast %reduce_min3A_680 : vector<128xi32> to vector<1x128xi32>
    %eq3A_682 = vector.broadcast %broadcast_in_dim3A_681 : vector<1x128xi32> to vector<1280x128xi32>
    %eq3A_683 = arith.cmpi eq, %iota3A, %eq3A_682 : vector<1280x128xi32>
    %jit3A_684 = arith.constant 3.000000e+38 : f32
    %broadcast_in_dim3A_685 = vector.broadcast %jit3A_684 : f32 to vector<1280x128xf32>
    %select_n3A_686 = arith.select %eq3A_683, %broadcast_in_dim3A_685, %select_n3A_664 : vector<1280x128xi1>, vector<1280x128xf32>
    %eq3A_687 = arith.constant 29 : i32
    %eq3A_688 = vector.broadcast %eq3A_687 : i32 to vector<32x128xi32>
    %eq3A_689 = arith.cmpi eq, %iota3A_33, %eq3A_688 : vector<32x128xi32>
    %broadcast_in_dim3A_690 = vector.shape_cast %broadcast_in_dim3A_681 : vector<1x128xi32> to vector<1x128xi32>
    %broadcast_in_dim3A_691 = vector.broadcast %broadcast_in_dim3A_690 : vector<1x128xi32> to vector<32x128xi32>
    %select_n3A_692 = arith.select %eq3A_689, %broadcast_in_dim3A_691, %select_n3A_670 : vector<32x128xi1>, vector<32x128xi32>
    %reduce_min3A_693 = arith.constant dense<0x7F800000> : vector<128xf32>
    %reduce_min3A_694 = vector.multi_reduction <minimumf>, %select_n3A_686, %reduce_min3A_693 [0] : vector<1280x128xf32> to vector<128xf32>
    %broadcast_in_dim3A_695 = vector.shape_cast %reduce_min3A_694 : vector<128xf32> to vector<1x128xf32>
    %eq3A_696 = vector.broadcast %broadcast_in_dim3A_695 : vector<1x128xf32> to vector<1280x128xf32>
    %eq3A_697 = arith.cmpf oeq, %select_n3A_686, %eq3A_696 : vector<1280x128xf32>
    %jit3A_698 = arith.constant 1073741824 : i32
    %broadcast_in_dim3A_699 = vector.broadcast %jit3A_698 : i32 to vector<1280x128xi32>
    %select_n3A_700 = arith.select %eq3A_697, %iota3A, %broadcast_in_dim3A_699 : vector<1280x128xi1>, vector<1280x128xi32>
    %reduce_min3A_701 = arith.constant dense<2147483647> : vector<128xi32>
    %reduce_min3A_702 = vector.multi_reduction <minsi>, %select_n3A_700, %reduce_min3A_701 [0] : vector<1280x128xi32> to vector<128xi32>
    %broadcast_in_dim3A_703 = vector.shape_cast %reduce_min3A_702 : vector<128xi32> to vector<1x128xi32>
    %eq3A_704 = vector.broadcast %broadcast_in_dim3A_703 : vector<1x128xi32> to vector<1280x128xi32>
    %eq3A_705 = arith.cmpi eq, %iota3A, %eq3A_704 : vector<1280x128xi32>
    %jit3A_706 = arith.constant 3.000000e+38 : f32
    %broadcast_in_dim3A_707 = vector.broadcast %jit3A_706 : f32 to vector<1280x128xf32>
    %select_n3A_708 = arith.select %eq3A_705, %broadcast_in_dim3A_707, %select_n3A_686 : vector<1280x128xi1>, vector<1280x128xf32>
    %eq3A_709 = arith.constant 30 : i32
    %eq3A_710 = vector.broadcast %eq3A_709 : i32 to vector<32x128xi32>
    %eq3A_711 = arith.cmpi eq, %iota3A_33, %eq3A_710 : vector<32x128xi32>
    %broadcast_in_dim3A_712 = vector.shape_cast %broadcast_in_dim3A_703 : vector<1x128xi32> to vector<1x128xi32>
    %broadcast_in_dim3A_713 = vector.broadcast %broadcast_in_dim3A_712 : vector<1x128xi32> to vector<32x128xi32>
    %select_n3A_714 = arith.select %eq3A_711, %broadcast_in_dim3A_713, %select_n3A_692 : vector<32x128xi1>, vector<32x128xi32>
    %reduce_min3A_715 = arith.constant dense<0x7F800000> : vector<128xf32>
    %reduce_min3A_716 = vector.multi_reduction <minimumf>, %select_n3A_708, %reduce_min3A_715 [0] : vector<1280x128xf32> to vector<128xf32>
    %broadcast_in_dim3A_717 = vector.shape_cast %reduce_min3A_716 : vector<128xf32> to vector<1x128xf32>
    %eq3A_718 = vector.broadcast %broadcast_in_dim3A_717 : vector<1x128xf32> to vector<1280x128xf32>
    %eq3A_719 = arith.cmpf oeq, %select_n3A_708, %eq3A_718 : vector<1280x128xf32>
    %jit3A_720 = arith.constant 1073741824 : i32
    %broadcast_in_dim3A_721 = vector.broadcast %jit3A_720 : i32 to vector<1280x128xi32>
    %select_n3A_722 = arith.select %eq3A_719, %iota3A, %broadcast_in_dim3A_721 : vector<1280x128xi1>, vector<1280x128xi32>
    %reduce_min3A_723 = arith.constant dense<2147483647> : vector<128xi32>
    %reduce_min3A_724 = vector.multi_reduction <minsi>, %select_n3A_722, %reduce_min3A_723 [0] : vector<1280x128xi32> to vector<128xi32>
    %broadcast_in_dim3A_725 = vector.shape_cast %reduce_min3A_724 : vector<128xi32> to vector<1x128xi32>
    %eq3A_726 = arith.constant 31 : i32
    %eq3A_727 = vector.broadcast %eq3A_726 : i32 to vector<32x128xi32>
    %eq3A_728 = arith.cmpi eq, %iota3A_33, %eq3A_727 : vector<32x128xi32>
    %broadcast_in_dim3A_729 = vector.shape_cast %broadcast_in_dim3A_725 : vector<1x128xi32> to vector<1x128xi32>
    %broadcast_in_dim3A_730 = vector.broadcast %broadcast_in_dim3A_729 : vector<1x128xi32> to vector<32x128xi32>
    %select_n3A_731 = arith.select %eq3A_728, %broadcast_in_dim3A_730, %select_n3A_714 : vector<32x128xi1>, vector<32x128xi32>
    %add3A_732 = arith.constant 2 : i32
    %add3A_733 = arith.addi %arg0, %add3A_732 : i32
    %mul3A_734 = arith.constant 1280 : i32
    %mul3A_735 = arith.muli %add3A_733, %mul3A_734 : i32
    %add3A_736 = vector.broadcast %mul3A_735 : i32 to vector<32x128xi32>
    %add3A_737 = arith.addi %select_n3A_731, %add3A_736 : vector<32x128xi32>
    %swap3A = arith.constant 0 : index
    %swap3A_738 = arith.constant 0 : index
    %swap3A_739 = arith.constant 0 : index
    %swap3A_740 = vector.load %arg4[%swap3A, %swap3A_738, %swap3A_739] : memref<1x32x128xi32, #tpu.memory_space<vmem>>, vector<1x32x128xi32>
    %swap3A_741 = vector.shape_cast %swap3A_740 : vector<1x32x128xi32> to vector<32x128xi32>
    %swap3A_742 = vector.shape_cast %add3A_737 : vector<32x128xi32> to vector<1x32x128xi32>
    tpu.vector_store %arg4[%swap3A, %swap3A_738, %swap3A_739], %swap3A_742 {strides = array<i32>} : memref<1x32x128xi32, #tpu.memory_space<vmem>>, vector<1x32x128xi32>,
    return
  }
  func.func @transform_0(%arg0: i32, %arg1: i32) -> (i32, i32, i32) {
    %add3A = arith.constant 2 : i32
    %add3A_0 = arith.addi %arg0, %add3A : i32
    %c0_i32 = arith.constant 0 : i32
    %c0_i32_1 = arith.constant 0 : i32
    %c0_i32_2 = arith.constant 0 : i32
    return %add3A_0, %c0_i32, %c0_i32_1 : i32, i32, i32
  }
  func.func @transform_1(%arg0: i32, %arg1: i32) -> (i32, i32, i32) {
    %add3A = arith.constant 2 : i32
    %add3A_0 = arith.addi %arg0, %add3A : i32
    %c0_i32 = arith.constant 0 : i32
    %c0_i32_1 = arith.constant 0 : i32
    return %add3A_0, %c0_i32, %arg1 : i32, i32, i32
  }
  func.func @transform_2(%arg0: i32, %arg1: i32) -> (i32, i32, i32) {
    %c0_i32 = arith.constant 0 : i32
    %c0_i32_0 = arith.constant 0 : i32
    return %arg0, %c0_i32, %arg1 : i32, i32, i32
  }
}

module attributes {stable_mosaic.version = 14 : i64} {
  func.func @_knn_body(%arg0: i32, %arg1: i32, %arg2: memref<1x1280x3xf32, #tpu.memory_space<vmem>>, %arg3: memref<1x3x128xf32, #tpu.memory_space<vmem>>, %arg4: memref<1x32x128xi32, #tpu.memory_space<vmem>>) attributes {dimension_semantics = [#tpu.dimension_semantics<arbitrary>, #tpu.dimension_semantics<arbitrary>], iteration_bounds = array<i64: 2, 10>, scalar_prefetch = 0 : i64, scratch_operands = 0 : i64, tpu.core_type = #tpu.core_type<tc>, window_params = [{transform_indices = @transform_0, window_bounds = array<i64: 1, 1280, 3>}, {transform_indices = @transform_1, window_bounds = array<i64: 1, 3, 128>}, {transform_indices = @transform_2, window_bounds = array<i64: 1, 32, 128>}]} {
    %get3A = arith.constant 0 : index
    %get3A_0 = arith.constant 0 : index
    %get3A_1 = arith.constant 0 : index
    %get3A_2 = vector.load %arg2[%get3A, %get3A_0, %get3A_1] : memref<1x1280x3xf32, #tpu.memory_space<vmem>>, vector<1x1280x3xf32>
    %get3A_3 = vector.shape_cast %get3A_2 : vector<1x1280x3xf32> to vector<1280x3xf32>
    %get3A_4 = arith.constant 0 : index
    %get3A_5 = arith.constant 0 : index
    %get3A_6 = arith.constant 0 : index
    %get3A_7 = vector.load %arg3[%get3A_4, %get3A_5, %get3A_6] : memref<1x3x128xf32, #tpu.memory_space<vmem>>, vector<1x3x128xf32>
    %get3A_8 = vector.shape_cast %get3A_7 : vector<1x3x128xf32> to vector<3x128xf32>
    %slice3A = vector.extract_strided_slice %get3A_3 {offsets = [0, 0], sizes = [1280, 1], strides = [1, 1]} : vector<1280x3xf32> to vector<1280x1xf32>
    %slice3A_9 = vector.extract_strided_slice %get3A_8 {offsets = [0, 0], sizes = [1, 128], strides = [1, 1]} : vector<3x128xf32> to vector<1x128xf32>
    %sub3A = vector.broadcast %slice3A : vector<1280x1xf32> to vector<1280x128xf32>
    %sub3A_10 = vector.broadcast %slice3A_9 : vector<1x128xf32> to vector<1280x128xf32>
    %sub3A_11 = arith.subf %sub3A, %sub3A_10 : vector<1280x128xf32>
    %mul3A = arith.mulf %sub3A_11, %sub3A_11 : vector<1280x128xf32>
    %slice3A_12 = vector.extract_strided_slice %get3A_3 {offsets = [0, 1], sizes = [1280, 1], strides = [1, 1]} : vector<1280x3xf32> to vector<1280x1xf32>
    %slice3A_13 = vector.extract_strided_slice %get3A_8 {offsets = [1, 0], sizes = [1, 128], strides = [1, 1]} : vector<3x128xf32> to vector<1x128xf32>
    %sub3A_14 = vector.broadcast %slice3A_12 : vector<1280x1xf32> to vector<1280x128xf32>
    %sub3A_15 = vector.broadcast %slice3A_13 : vector<1x128xf32> to vector<1280x128xf32>
    %sub3A_16 = arith.subf %sub3A_14, %sub3A_15 : vector<1280x128xf32>
    %mul3A_17 = arith.mulf %sub3A_16, %sub3A_16 : vector<1280x128xf32>
    %add3A = arith.addf %mul3A, %mul3A_17 : vector<1280x128xf32>
    %slice3A_18 = vector.extract_strided_slice %get3A_3 {offsets = [0, 2], sizes = [1280, 1], strides = [1, 1]} : vector<1280x3xf32> to vector<1280x1xf32>
    %slice3A_19 = vector.extract_strided_slice %get3A_8 {offsets = [2, 0], sizes = [1, 128], strides = [1, 1]} : vector<3x128xf32> to vector<1x128xf32>
    %sub3A_20 = vector.broadcast %slice3A_18 : vector<1280x1xf32> to vector<1280x128xf32>
    %sub3A_21 = vector.broadcast %slice3A_19 : vector<1x128xf32> to vector<1280x128xf32>
    %sub3A_22 = arith.subf %sub3A_20, %sub3A_21 : vector<1280x128xf32>
    %mul3A_23 = arith.mulf %sub3A_22, %sub3A_22 : vector<1280x128xf32>
    %add3A_24 = arith.addf %add3A, %mul3A_23 : vector<1280x128xf32>
    %iota3A = tpu.iota {dimensions = array<i32: 0>} : vector<1280x128xi32>
    %iota3A_25 = tpu.iota {dimensions = array<i32: 1>} : vector<1280x128xi32>
    %mul3A_26 = arith.constant 128 : i32
    %mul3A_27 = arith.muli %arg1, %mul3A_26 : i32
    %add3A_28 = vector.broadcast %mul3A_27 : i32 to vector<1280x128xi32>
    %add3A_29 = arith.addi %iota3A_25, %add3A_28 : vector<1280x128xi32>
    %eq3A = arith.cmpi eq, %iota3A, %add3A_29 : vector<1280x128xi32>
    %add3A_30 = arith.constant 1.000000e+10 : f32
    %add3A_31 = vector.broadcast %add3A_30 : f32 to vector<1280x128xf32>
    %add3A_32 = arith.addf %add3A_24, %add3A_31 : vector<1280x128xf32>
    %select_n3A = arith.select %eq3A, %add3A_32, %add3A_24 : vector<1280x128xi1>, vector<1280x128xf32>
    %iota3A_33 = tpu.iota {dimensions = array<i32: 0>} : vector<32x128xi32>
    %broadcast_in_dim3A = arith.constant 0 : i32
    %broadcast_in_dim3A_34 = vector.broadcast %broadcast_in_dim3A : i32 to vector<32x128xi32>
    %reduce_min3A = arith.constant dense<0x7F800000> : vector<128xf32>
    %reduce_min3A_35 = vector.multi_reduction <minimumf>, %select_n3A, %reduce_min3A [0] : vector<1280x128xf32> to vector<128xf32>
    %broadcast_in_dim3A_36 = vector.shape_cast %reduce_min3A_35 : vector<128xf32> to vector<1x128xf32>
    %eq3A_37 = vector.broadcast %broadcast_in_dim3A_36 : vector<1x128xf32> to vector<1280x128xf32>
    %eq3A_38 = arith.cmpf oeq, %select_n3A, %eq3A_37 : vector<1280x128xf32>
    %jit3A = arith.constant 1073741824 : i32
    %broadcast_in_dim3A_39 = vector.broadcast %jit3A : i32 to vector<1280x128xi32>
    %select_n3A_40 = arith.select %eq3A_38, %iota3A, %broadcast_in_dim3A_39 : vector<1280x128xi1>, vector<1280x128xi32>
    %reduce_min3A_41 = arith.constant dense<2147483647> : vector<128xi32>
    %reduce_min3A_42 = vector.multi_reduction <minsi>, %select_n3A_40, %reduce_min3A_41 [0] : vector<1280x128xi32> to vector<128xi32>
    %broadcast_in_dim3A_43 = vector.shape_cast %reduce_min3A_42 : vector<128xi32> to vector<1x128xi32>
    %eq3A_44 = vector.broadcast %broadcast_in_dim3A_43 : vector<1x128xi32> to vector<1280x128xi32>
    %eq3A_45 = arith.cmpi eq, %iota3A, %eq3A_44 : vector<1280x128xi32>
    %jit3A_46 = arith.constant 3.000000e+38 : f32
    %broadcast_in_dim3A_47 = vector.broadcast %jit3A_46 : f32 to vector<1280x128xf32>
    %select_n3A_48 = arith.select %eq3A_45, %broadcast_in_dim3A_47, %select_n3A : vector<1280x128xi1>, vector<1280x128xf32>
    %eq3A_49 = arith.constant 0 : i32
    %eq3A_50 = vector.broadcast %eq3A_49 : i32 to vector<32x128xi32>
    %eq3A_51 = arith.cmpi eq, %iota3A_33, %eq3A_50 : vector<32x128xi32>
    %broadcast_in_dim3A_52 = vector.shape_cast %broadcast_in_dim3A_43 : vector<1x128xi32> to vector<1x128xi32>
    %broadcast_in_dim3A_53 = vector.broadcast %broadcast_in_dim3A_52 : vector<1x128xi32> to vector<32x128xi32>
    %select_n3A_54 = arith.select %eq3A_51, %broadcast_in_dim3A_53, %broadcast_in_dim3A_34 : vector<32x128xi1>, vector<32x128xi32>
    %reduce_min3A_55 = arith.constant dense<0x7F800000> : vector<128xf32>
    %reduce_min3A_56 = vector.multi_reduction <minimumf>, %select_n3A_48, %reduce_min3A_55 [0] : vector<1280x128xf32> to vector<128xf32>
    %broadcast_in_dim3A_57 = vector.shape_cast %reduce_min3A_56 : vector<128xf32> to vector<1x128xf32>
    %eq3A_58 = vector.broadcast %broadcast_in_dim3A_57 : vector<1x128xf32> to vector<1280x128xf32>
    %eq3A_59 = arith.cmpf oeq, %select_n3A_48, %eq3A_58 : vector<1280x128xf32>
    %jit3A_60 = arith.constant 1073741824 : i32
    %broadcast_in_dim3A_61 = vector.broadcast %jit3A_60 : i32 to vector<1280x128xi32>
    %select_n3A_62 = arith.select %eq3A_59, %iota3A, %broadcast_in_dim3A_61 : vector<1280x128xi1>, vector<1280x128xi32>
    %reduce_min3A_63 = arith.constant dense<2147483647> : vector<128xi32>
    %reduce_min3A_64 = vector.multi_reduction <minsi>, %select_n3A_62, %reduce_min3A_63 [0] : vector<1280x128xi32> to vector<128xi32>
    %broadcast_in_dim3A_65 = vector.shape_cast %reduce_min3A_64 : vector<128xi32> to vector<1x128xi32>
    %eq3A_66 = vector.broadcast %broadcast_in_dim3A_65 : vector<1x128xi32> to vector<1280x128xi32>
    %eq3A_67 = arith.cmpi eq, %iota3A, %eq3A_66 : vector<1280x128xi32>
    %jit3A_68 = arith.constant 3.000000e+38 : f32
    %broadcast_in_dim3A_69 = vector.broadcast %jit3A_68 : f32 to vector<1280x128xf32>
    %select_n3A_70 = arith.select %eq3A_67, %broadcast_in_dim3A_69, %select_n3A_48 : vector<1280x128xi1>, vector<1280x128xf32>
    %eq3A_71 = arith.constant 1 : i32
    %eq3A_72 = vector.broadcast %eq3A_71 : i32 to vector<32x128xi32>
    %eq3A_73 = arith.cmpi eq, %iota3A_33, %eq3A_72 : vector<32x128xi32>
    %broadcast_in_dim3A_74 = vector.shape_cast %broadcast_in_dim3A_65 : vector<1x128xi32> to vector<1x128xi32>
    %broadcast_in_dim3A_75 = vector.broadcast %broadcast_in_dim3A_74 : vector<1x128xi32> to vector<32x128xi32>
    %select_n3A_76 = arith.select %eq3A_73, %broadcast_in_dim3A_75, %select_n3A_54 : vector<32x128xi1>, vector<32x128xi32>
    %reduce_min3A_77 = arith.constant dense<0x7F800000> : vector<128xf32>
    %reduce_min3A_78 = vector.multi_reduction <minimumf>, %select_n3A_70, %reduce_min3A_77 [0] : vector<1280x128xf32> to vector<128xf32>
    %broadcast_in_dim3A_79 = vector.shape_cast %reduce_min3A_78 : vector<128xf32> to vector<1x128xf32>
    %eq3A_80 = vector.broadcast %broadcast_in_dim3A_79 : vector<1x128xf32> to vector<1280x128xf32>
    %eq3A_81 = arith.cmpf oeq, %select_n3A_70, %eq3A_80 : vector<1280x128xf32>
    %jit3A_82 = arith.constant 1073741824 : i32
    %broadcast_in_dim3A_83 = vector.broadcast %jit3A_82 : i32 to vector<1280x128xi32>
    %select_n3A_84 = arith.select %eq3A_81, %iota3A, %broadcast_in_dim3A_83 : vector<1280x128xi1>, vector<1280x128xi32>
    %reduce_min3A_85 = arith.constant dense<2147483647> : vector<128xi32>
    %reduce_min3A_86 = vector.multi_reduction <minsi>, %select_n3A_84, %reduce_min3A_85 [0] : vector<1280x128xi32> to vector<128xi32>
    %broadcast_in_dim3A_87 = vector.shape_cast %reduce_min3A_86 : vector<128xi32> to vector<1x128xi32>
    %eq3A_88 = vector.broadcast %broadcast_in_dim3A_87 : vector<1x128xi32> to vector<1280x128xi32>
    %eq3A_89 = arith.cmpi eq, %iota3A, %eq3A_88 : vector<1280x128xi32>
    %jit3A_90 = arith.constant 3.000000e+38 : f32
    %broadcast_in_dim3A_91 = vector.broadcast %jit3A_90 : f32 to vector<1280x128xf32>
    %select_n3A_92 = arith.select %eq3A_89, %broadcast_in_dim3A_91, %select_n3A_70 : vector<1280x128xi1>, vector<1280x128xf32>
    %eq3A_93 = arith.constant 2 : i32
    %eq3A_94 = vector.broadcast %eq3A_93 : i32 to vector<32x128xi32>
    %eq3A_95 = arith.cmpi eq, %iota3A_33, %eq3A_94 : vector<32x128xi32>
    %broadcast_in_dim3A_96 = vector.shape_cast %broadcast_in_dim3A_87 : vector<1x128xi32> to vector<1x128xi32>
    %broadcast_in_dim3A_97 = vector.broadcast %broadcast_in_dim3A_96 : vector<1x128xi32> to vector<32x128xi32>
    %select_n3A_98 = arith.select %eq3A_95, %broadcast_in_dim3A_97, %select_n3A_76 : vector<32x128xi1>, vector<32x128xi32>
    %reduce_min3A_99 = arith.constant dense<0x7F800000> : vector<128xf32>
    %reduce_min3A_100 = vector.multi_reduction <minimumf>, %select_n3A_92, %reduce_min3A_99 [0] : vector<1280x128xf32> to vector<128xf32>
    %broadcast_in_dim3A_101 = vector.shape_cast %reduce_min3A_100 : vector<128xf32> to vector<1x128xf32>
    %eq3A_102 = vector.broadcast %broadcast_in_dim3A_101 : vector<1x128xf32> to vector<1280x128xf32>
    %eq3A_103 = arith.cmpf oeq, %select_n3A_92, %eq3A_102 : vector<1280x128xf32>
    %jit3A_104 = arith.constant 1073741824 : i32
    %broadcast_in_dim3A_105 = vector.broadcast %jit3A_104 : i32 to vector<1280x128xi32>
    %select_n3A_106 = arith.select %eq3A_103, %iota3A, %broadcast_in_dim3A_105 : vector<1280x128xi1>, vector<1280x128xi32>
    %reduce_min3A_107 = arith.constant dense<2147483647> : vector<128xi32>
    %reduce_min3A_108 = vector.multi_reduction <minsi>, %select_n3A_106, %reduce_min3A_107 [0] : vector<1280x128xi32> to vector<128xi32>
    %broadcast_in_dim3A_109 = vector.shape_cast %reduce_min3A_108 : vector<128xi32> to vector<1x128xi32>
    %eq3A_110 = vector.broadcast %broadcast_in_dim3A_109 : vector<1x128xi32> to vector<1280x128xi32>
    %eq3A_111 = arith.cmpi eq, %iota3A, %eq3A_110 : vector<1280x128xi32>
    %jit3A_112 = arith.constant 3.000000e+38 : f32
    %broadcast_in_dim3A_113 = vector.broadcast %jit3A_112 : f32 to vector<1280x128xf32>
    %select_n3A_114 = arith.select %eq3A_111, %broadcast_in_dim3A_113, %select_n3A_92 : vector<1280x128xi1>, vector<1280x128xf32>
    %eq3A_115 = arith.constant 3 : i32
    %eq3A_116 = vector.broadcast %eq3A_115 : i32 to vector<32x128xi32>
    %eq3A_117 = arith.cmpi eq, %iota3A_33, %eq3A_116 : vector<32x128xi32>
    %broadcast_in_dim3A_118 = vector.shape_cast %broadcast_in_dim3A_109 : vector<1x128xi32> to vector<1x128xi32>
    %broadcast_in_dim3A_119 = vector.broadcast %broadcast_in_dim3A_118 : vector<1x128xi32> to vector<32x128xi32>
    %select_n3A_120 = arith.select %eq3A_117, %broadcast_in_dim3A_119, %select_n3A_98 : vector<32x128xi1>, vector<32x128xi32>
    %reduce_min3A_121 = arith.constant dense<0x7F800000> : vector<128xf32>
    %reduce_min3A_122 = vector.multi_reduction <minimumf>, %select_n3A_114, %reduce_min3A_121 [0] : vector<1280x128xf32> to vector<128xf32>
    %broadcast_in_dim3A_123 = vector.shape_cast %reduce_min3A_122 : vector<128xf32> to vector<1x128xf32>
    %eq3A_124 = vector.broadcast %broadcast_in_dim3A_123 : vector<1x128xf32> to vector<1280x128xf32>
    %eq3A_125 = arith.cmpf oeq, %select_n3A_114, %eq3A_124 : vector<1280x128xf32>
    %jit3A_126 = arith.constant 1073741824 : i32
    %broadcast_in_dim3A_127 = vector.broadcast %jit3A_126 : i32 to vector<1280x128xi32>
    %select_n3A_128 = arith.select %eq3A_125, %iota3A, %broadcast_in_dim3A_127 : vector<1280x128xi1>, vector<1280x128xi32>
    %reduce_min3A_129 = arith.constant dense<2147483647> : vector<128xi32>
    %reduce_min3A_130 = vector.multi_reduction <minsi>, %select_n3A_128, %reduce_min3A_129 [0] : vector<1280x128xi32> to vector<128xi32>
    %broadcast_in_dim3A_131 = vector.shape_cast %reduce_min3A_130 : vector<128xi32> to vector<1x128xi32>
    %eq3A_132 = vector.broadcast %broadcast_in_dim3A_131 : vector<1x128xi32> to vector<1280x128xi32>
    %eq3A_133 = arith.cmpi eq, %iota3A, %eq3A_132 : vector<1280x128xi32>
    %jit3A_134 = arith.constant 3.000000e+38 : f32
    %broadcast_in_dim3A_135 = vector.broadcast %jit3A_134 : f32 to vector<1280x128xf32>
    %select_n3A_136 = arith.select %eq3A_133, %broadcast_in_dim3A_135, %select_n3A_114 : vector<1280x128xi1>, vector<1280x128xf32>
    %eq3A_137 = arith.constant 4 : i32
    %eq3A_138 = vector.broadcast %eq3A_137 : i32 to vector<32x128xi32>
    %eq3A_139 = arith.cmpi eq, %iota3A_33, %eq3A_138 : vector<32x128xi32>
    %broadcast_in_dim3A_140 = vector.shape_cast %broadcast_in_dim3A_131 : vector<1x128xi32> to vector<1x128xi32>
    %broadcast_in_dim3A_141 = vector.broadcast %broadcast_in_dim3A_140 : vector<1x128xi32> to vector<32x128xi32>
    %select_n3A_142 = arith.select %eq3A_139, %broadcast_in_dim3A_141, %select_n3A_120 : vector<32x128xi1>, vector<32x128xi32>
    %reduce_min3A_143 = arith.constant dense<0x7F800000> : vector<128xf32>
    %reduce_min3A_144 = vector.multi_reduction <minimumf>, %select_n3A_136, %reduce_min3A_143 [0] : vector<1280x128xf32> to vector<128xf32>
    %broadcast_in_dim3A_145 = vector.shape_cast %reduce_min3A_144 : vector<128xf32> to vector<1x128xf32>
    %eq3A_146 = vector.broadcast %broadcast_in_dim3A_145 : vector<1x128xf32> to vector<1280x128xf32>
    %eq3A_147 = arith.cmpf oeq, %select_n3A_136, %eq3A_146 : vector<1280x128xf32>
    %jit3A_148 = arith.constant 1073741824 : i32
    %broadcast_in_dim3A_149 = vector.broadcast %jit3A_148 : i32 to vector<1280x128xi32>
    %select_n3A_150 = arith.select %eq3A_147, %iota3A, %broadcast_in_dim3A_149 : vector<1280x128xi1>, vector<1280x128xi32>
    %reduce_min3A_151 = arith.constant dense<2147483647> : vector<128xi32>
    %reduce_min3A_152 = vector.multi_reduction <minsi>, %select_n3A_150, %reduce_min3A_151 [0] : vector<1280x128xi32> to vector<128xi32>
    %broadcast_in_dim3A_153 = vector.shape_cast %reduce_min3A_152 : vector<128xi32> to vector<1x128xi32>
    %eq3A_154 = vector.broadcast %broadcast_in_dim3A_153 : vector<1x128xi32> to vector<1280x128xi32>
    %eq3A_155 = arith.cmpi eq, %iota3A, %eq3A_154 : vector<1280x128xi32>
    %jit3A_156 = arith.constant 3.000000e+38 : f32
    %broadcast_in_dim3A_157 = vector.broadcast %jit3A_156 : f32 to vector<1280x128xf32>
    %select_n3A_158 = arith.select %eq3A_155, %broadcast_in_dim3A_157, %select_n3A_136 : vector<1280x128xi1>, vector<1280x128xf32>
    %eq3A_159 = arith.constant 5 : i32
    %eq3A_160 = vector.broadcast %eq3A_159 : i32 to vector<32x128xi32>
    %eq3A_161 = arith.cmpi eq, %iota3A_33, %eq3A_160 : vector<32x128xi32>
    %broadcast_in_dim3A_162 = vector.shape_cast %broadcast_in_dim3A_153 : vector<1x128xi32> to vector<1x128xi32>
    %broadcast_in_dim3A_163 = vector.broadcast %broadcast_in_dim3A_162 : vector<1x128xi32> to vector<32x128xi32>
    %select_n3A_164 = arith.select %eq3A_161, %broadcast_in_dim3A_163, %select_n3A_142 : vector<32x128xi1>, vector<32x128xi32>
    %reduce_min3A_165 = arith.constant dense<0x7F800000> : vector<128xf32>
    %reduce_min3A_166 = vector.multi_reduction <minimumf>, %select_n3A_158, %reduce_min3A_165 [0] : vector<1280x128xf32> to vector<128xf32>
    %broadcast_in_dim3A_167 = vector.shape_cast %reduce_min3A_166 : vector<128xf32> to vector<1x128xf32>
    %eq3A_168 = vector.broadcast %broadcast_in_dim3A_167 : vector<1x128xf32> to vector<1280x128xf32>
    %eq3A_169 = arith.cmpf oeq, %select_n3A_158, %eq3A_168 : vector<1280x128xf32>
    %jit3A_170 = arith.constant 1073741824 : i32
    %broadcast_in_dim3A_171 = vector.broadcast %jit3A_170 : i32 to vector<1280x128xi32>
    %select_n3A_172 = arith.select %eq3A_169, %iota3A, %broadcast_in_dim3A_171 : vector<1280x128xi1>, vector<1280x128xi32>
    %reduce_min3A_173 = arith.constant dense<2147483647> : vector<128xi32>
    %reduce_min3A_174 = vector.multi_reduction <minsi>, %select_n3A_172, %reduce_min3A_173 [0] : vector<1280x128xi32> to vector<128xi32>
    %broadcast_in_dim3A_175 = vector.shape_cast %reduce_min3A_174 : vector<128xi32> to vector<1x128xi32>
    %eq3A_176 = vector.broadcast %broadcast_in_dim3A_175 : vector<1x128xi32> to vector<1280x128xi32>
    %eq3A_177 = arith.cmpi eq, %iota3A, %eq3A_176 : vector<1280x128xi32>
    %jit3A_178 = arith.constant 3.000000e+38 : f32
    %broadcast_in_dim3A_179 = vector.broadcast %jit3A_178 : f32 to vector<1280x128xf32>
    %select_n3A_180 = arith.select %eq3A_177, %broadcast_in_dim3A_179, %select_n3A_158 : vector<1280x128xi1>, vector<1280x128xf32>
    %eq3A_181 = arith.constant 6 : i32
    %eq3A_182 = vector.broadcast %eq3A_181 : i32 to vector<32x128xi32>
    %eq3A_183 = arith.cmpi eq, %iota3A_33, %eq3A_182 : vector<32x128xi32>
    %broadcast_in_dim3A_184 = vector.shape_cast %broadcast_in_dim3A_175 : vector<1x128xi32> to vector<1x128xi32>
    %broadcast_in_dim3A_185 = vector.broadcast %broadcast_in_dim3A_184 : vector<1x128xi32> to vector<32x128xi32>
    %select_n3A_186 = arith.select %eq3A_183, %broadcast_in_dim3A_185, %select_n3A_164 : vector<32x128xi1>, vector<32x128xi32>
    %reduce_min3A_187 = arith.constant dense<0x7F800000> : vector<128xf32>
    %reduce_min3A_188 = vector.multi_reduction <minimumf>, %select_n3A_180, %reduce_min3A_187 [0] : vector<1280x128xf32> to vector<128xf32>
    %broadcast_in_dim3A_189 = vector.shape_cast %reduce_min3A_188 : vector<128xf32> to vector<1x128xf32>
    %eq3A_190 = vector.broadcast %broadcast_in_dim3A_189 : vector<1x128xf32> to vector<1280x128xf32>
    %eq3A_191 = arith.cmpf oeq, %select_n3A_180, %eq3A_190 : vector<1280x128xf32>
    %jit3A_192 = arith.constant 1073741824 : i32
    %broadcast_in_dim3A_193 = vector.broadcast %jit3A_192 : i32 to vector<1280x128xi32>
    %select_n3A_194 = arith.select %eq3A_191, %iota3A, %broadcast_in_dim3A_193 : vector<1280x128xi1>, vector<1280x128xi32>
    %reduce_min3A_195 = arith.constant dense<2147483647> : vector<128xi32>
    %reduce_min3A_196 = vector.multi_reduction <minsi>, %select_n3A_194, %reduce_min3A_195 [0] : vector<1280x128xi32> to vector<128xi32>
    %broadcast_in_dim3A_197 = vector.shape_cast %reduce_min3A_196 : vector<128xi32> to vector<1x128xi32>
    %eq3A_198 = vector.broadcast %broadcast_in_dim3A_197 : vector<1x128xi32> to vector<1280x128xi32>
    %eq3A_199 = arith.cmpi eq, %iota3A, %eq3A_198 : vector<1280x128xi32>
    %jit3A_200 = arith.constant 3.000000e+38 : f32
    %broadcast_in_dim3A_201 = vector.broadcast %jit3A_200 : f32 to vector<1280x128xf32>
    %select_n3A_202 = arith.select %eq3A_199, %broadcast_in_dim3A_201, %select_n3A_180 : vector<1280x128xi1>, vector<1280x128xf32>
    %eq3A_203 = arith.constant 7 : i32
    %eq3A_204 = vector.broadcast %eq3A_203 : i32 to vector<32x128xi32>
    %eq3A_205 = arith.cmpi eq, %iota3A_33, %eq3A_204 : vector<32x128xi32>
    %broadcast_in_dim3A_206 = vector.shape_cast %broadcast_in_dim3A_197 : vector<1x128xi32> to vector<1x128xi32>
    %broadcast_in_dim3A_207 = vector.broadcast %broadcast_in_dim3A_206 : vector<1x128xi32> to vector<32x128xi32>
    %select_n3A_208 = arith.select %eq3A_205, %broadcast_in_dim3A_207, %select_n3A_186 : vector<32x128xi1>, vector<32x128xi32>
    %reduce_min3A_209 = arith.constant dense<0x7F800000> : vector<128xf32>
    %reduce_min3A_210 = vector.multi_reduction <minimumf>, %select_n3A_202, %reduce_min3A_209 [0] : vector<1280x128xf32> to vector<128xf32>
    %broadcast_in_dim3A_211 = vector.shape_cast %reduce_min3A_210 : vector<128xf32> to vector<1x128xf32>
    %eq3A_212 = vector.broadcast %broadcast_in_dim3A_211 : vector<1x128xf32> to vector<1280x128xf32>
    %eq3A_213 = arith.cmpf oeq, %select_n3A_202, %eq3A_212 : vector<1280x128xf32>
    %jit3A_214 = arith.constant 1073741824 : i32
    %broadcast_in_dim3A_215 = vector.broadcast %jit3A_214 : i32 to vector<1280x128xi32>
    %select_n3A_216 = arith.select %eq3A_213, %iota3A, %broadcast_in_dim3A_215 : vector<1280x128xi1>, vector<1280x128xi32>
    %reduce_min3A_217 = arith.constant dense<2147483647> : vector<128xi32>
    %reduce_min3A_218 = vector.multi_reduction <minsi>, %select_n3A_216, %reduce_min3A_217 [0] : vector<1280x128xi32> to vector<128xi32>
    %broadcast_in_dim3A_219 = vector.shape_cast %reduce_min3A_218 : vector<128xi32> to vector<1x128xi32>
    %eq3A_220 = vector.broadcast %broadcast_in_dim3A_219 : vector<1x128xi32> to vector<1280x128xi32>
    %eq3A_221 = arith.cmpi eq, %iota3A, %eq3A_220 : vector<1280x128xi32>
    %jit3A_222 = arith.constant 3.000000e+38 : f32
    %broadcast_in_dim3A_223 = vector.broadcast %jit3A_222 : f32 to vector<1280x128xf32>
    %select_n3A_224 = arith.select %eq3A_221, %broadcast_in_dim3A_223, %select_n3A_202 : vector<1280x128xi1>, vector<1280x128xf32>
    %eq3A_225 = arith.constant 8 : i32
    %eq3A_226 = vector.broadcast %eq3A_225 : i32 to vector<32x128xi32>
    %eq3A_227 = arith.cmpi eq, %iota3A_33, %eq3A_226 : vector<32x128xi32>
    %broadcast_in_dim3A_228 = vector.shape_cast %broadcast_in_dim3A_219 : vector<1x128xi32> to vector<1x128xi32>
    %broadcast_in_dim3A_229 = vector.broadcast %broadcast_in_dim3A_228 : vector<1x128xi32> to vector<32x128xi32>
    %select_n3A_230 = arith.select %eq3A_227, %broadcast_in_dim3A_229, %select_n3A_208 : vector<32x128xi1>, vector<32x128xi32>
    %reduce_min3A_231 = arith.constant dense<0x7F800000> : vector<128xf32>
    %reduce_min3A_232 = vector.multi_reduction <minimumf>, %select_n3A_224, %reduce_min3A_231 [0] : vector<1280x128xf32> to vector<128xf32>
    %broadcast_in_dim3A_233 = vector.shape_cast %reduce_min3A_232 : vector<128xf32> to vector<1x128xf32>
    %eq3A_234 = vector.broadcast %broadcast_in_dim3A_233 : vector<1x128xf32> to vector<1280x128xf32>
    %eq3A_235 = arith.cmpf oeq, %select_n3A_224, %eq3A_234 : vector<1280x128xf32>
    %jit3A_236 = arith.constant 1073741824 : i32
    %broadcast_in_dim3A_237 = vector.broadcast %jit3A_236 : i32 to vector<1280x128xi32>
    %select_n3A_238 = arith.select %eq3A_235, %iota3A, %broadcast_in_dim3A_237 : vector<1280x128xi1>, vector<1280x128xi32>
    %reduce_min3A_239 = arith.constant dense<2147483647> : vector<128xi32>
    %reduce_min3A_240 = vector.multi_reduction <minsi>, %select_n3A_238, %reduce_min3A_239 [0] : vector<1280x128xi32> to vector<128xi32>
    %broadcast_in_dim3A_241 = vector.shape_cast %reduce_min3A_240 : vector<128xi32> to vector<1x128xi32>
    %eq3A_242 = vector.broadcast %broadcast_in_dim3A_241 : vector<1x128xi32> to vector<1280x128xi32>
    %eq3A_243 = arith.cmpi eq, %iota3A, %eq3A_242 : vector<1280x128xi32>
    %jit3A_244 = arith.constant 3.000000e+38 : f32
    %broadcast_in_dim3A_245 = vector.broadcast %jit3A_244 : f32 to vector<1280x128xf32>
    %select_n3A_246 = arith.select %eq3A_243, %broadcast_in_dim3A_245, %select_n3A_224 : vector<1280x128xi1>, vector<1280x128xf32>
    %eq3A_247 = arith.constant 9 : i32
    %eq3A_248 = vector.broadcast %eq3A_247 : i32 to vector<32x128xi32>
    %eq3A_249 = arith.cmpi eq, %iota3A_33, %eq3A_248 : vector<32x128xi32>
    %broadcast_in_dim3A_250 = vector.shape_cast %broadcast_in_dim3A_241 : vector<1x128xi32> to vector<1x128xi32>
    %broadcast_in_dim3A_251 = vector.broadcast %broadcast_in_dim3A_250 : vector<1x128xi32> to vector<32x128xi32>
    %select_n3A_252 = arith.select %eq3A_249, %broadcast_in_dim3A_251, %select_n3A_230 : vector<32x128xi1>, vector<32x128xi32>
    %reduce_min3A_253 = arith.constant dense<0x7F800000> : vector<128xf32>
    %reduce_min3A_254 = vector.multi_reduction <minimumf>, %select_n3A_246, %reduce_min3A_253 [0] : vector<1280x128xf32> to vector<128xf32>
    %broadcast_in_dim3A_255 = vector.shape_cast %reduce_min3A_254 : vector<128xf32> to vector<1x128xf32>
    %eq3A_256 = vector.broadcast %broadcast_in_dim3A_255 : vector<1x128xf32> to vector<1280x128xf32>
    %eq3A_257 = arith.cmpf oeq, %select_n3A_246, %eq3A_256 : vector<1280x128xf32>
    %jit3A_258 = arith.constant 1073741824 : i32
    %broadcast_in_dim3A_259 = vector.broadcast %jit3A_258 : i32 to vector<1280x128xi32>
    %select_n3A_260 = arith.select %eq3A_257, %iota3A, %broadcast_in_dim3A_259 : vector<1280x128xi1>, vector<1280x128xi32>
    %reduce_min3A_261 = arith.constant dense<2147483647> : vector<128xi32>
    %reduce_min3A_262 = vector.multi_reduction <minsi>, %select_n3A_260, %reduce_min3A_261 [0] : vector<1280x128xi32> to vector<128xi32>
    %broadcast_in_dim3A_263 = vector.shape_cast %reduce_min3A_262 : vector<128xi32> to vector<1x128xi32>
    %eq3A_264 = vector.broadcast %broadcast_in_dim3A_263 : vector<1x128xi32> to vector<1280x128xi32>
    %eq3A_265 = arith.cmpi eq, %iota3A, %eq3A_264 : vector<1280x128xi32>
    %jit3A_266 = arith.constant 3.000000e+38 : f32
    %broadcast_in_dim3A_267 = vector.broadcast %jit3A_266 : f32 to vector<1280x128xf32>
    %select_n3A_268 = arith.select %eq3A_265, %broadcast_in_dim3A_267, %select_n3A_246 : vector<1280x128xi1>, vector<1280x128xf32>
    %eq3A_269 = arith.constant 10 : i32
    %eq3A_270 = vector.broadcast %eq3A_269 : i32 to vector<32x128xi32>
    %eq3A_271 = arith.cmpi eq, %iota3A_33, %eq3A_270 : vector<32x128xi32>
    %broadcast_in_dim3A_272 = vector.shape_cast %broadcast_in_dim3A_263 : vector<1x128xi32> to vector<1x128xi32>
    %broadcast_in_dim3A_273 = vector.broadcast %broadcast_in_dim3A_272 : vector<1x128xi32> to vector<32x128xi32>
    %select_n3A_274 = arith.select %eq3A_271, %broadcast_in_dim3A_273, %select_n3A_252 : vector<32x128xi1>, vector<32x128xi32>
    %reduce_min3A_275 = arith.constant dense<0x7F800000> : vector<128xf32>
    %reduce_min3A_276 = vector.multi_reduction <minimumf>, %select_n3A_268, %reduce_min3A_275 [0] : vector<1280x128xf32> to vector<128xf32>
    %broadcast_in_dim3A_277 = vector.shape_cast %reduce_min3A_276 : vector<128xf32> to vector<1x128xf32>
    %eq3A_278 = vector.broadcast %broadcast_in_dim3A_277 : vector<1x128xf32> to vector<1280x128xf32>
    %eq3A_279 = arith.cmpf oeq, %select_n3A_268, %eq3A_278 : vector<1280x128xf32>
    %jit3A_280 = arith.constant 1073741824 : i32
    %broadcast_in_dim3A_281 = vector.broadcast %jit3A_280 : i32 to vector<1280x128xi32>
    %select_n3A_282 = arith.select %eq3A_279, %iota3A, %broadcast_in_dim3A_281 : vector<1280x128xi1>, vector<1280x128xi32>
    %reduce_min3A_283 = arith.constant dense<2147483647> : vector<128xi32>
    %reduce_min3A_284 = vector.multi_reduction <minsi>, %select_n3A_282, %reduce_min3A_283 [0] : vector<1280x128xi32> to vector<128xi32>
    %broadcast_in_dim3A_285 = vector.shape_cast %reduce_min3A_284 : vector<128xi32> to vector<1x128xi32>
    %eq3A_286 = vector.broadcast %broadcast_in_dim3A_285 : vector<1x128xi32> to vector<1280x128xi32>
    %eq3A_287 = arith.cmpi eq, %iota3A, %eq3A_286 : vector<1280x128xi32>
    %jit3A_288 = arith.constant 3.000000e+38 : f32
    %broadcast_in_dim3A_289 = vector.broadcast %jit3A_288 : f32 to vector<1280x128xf32>
    %select_n3A_290 = arith.select %eq3A_287, %broadcast_in_dim3A_289, %select_n3A_268 : vector<1280x128xi1>, vector<1280x128xf32>
    %eq3A_291 = arith.constant 11 : i32
    %eq3A_292 = vector.broadcast %eq3A_291 : i32 to vector<32x128xi32>
    %eq3A_293 = arith.cmpi eq, %iota3A_33, %eq3A_292 : vector<32x128xi32>
    %broadcast_in_dim3A_294 = vector.shape_cast %broadcast_in_dim3A_285 : vector<1x128xi32> to vector<1x128xi32>
    %broadcast_in_dim3A_295 = vector.broadcast %broadcast_in_dim3A_294 : vector<1x128xi32> to vector<32x128xi32>
    %select_n3A_296 = arith.select %eq3A_293, %broadcast_in_dim3A_295, %select_n3A_274 : vector<32x128xi1>, vector<32x128xi32>
    %reduce_min3A_297 = arith.constant dense<0x7F800000> : vector<128xf32>
    %reduce_min3A_298 = vector.multi_reduction <minimumf>, %select_n3A_290, %reduce_min3A_297 [0] : vector<1280x128xf32> to vector<128xf32>
    %broadcast_in_dim3A_299 = vector.shape_cast %reduce_min3A_298 : vector<128xf32> to vector<1x128xf32>
    %eq3A_300 = vector.broadcast %broadcast_in_dim3A_299 : vector<1x128xf32> to vector<1280x128xf32>
    %eq3A_301 = arith.cmpf oeq, %select_n3A_290, %eq3A_300 : vector<1280x128xf32>
    %jit3A_302 = arith.constant 1073741824 : i32
    %broadcast_in_dim3A_303 = vector.broadcast %jit3A_302 : i32 to vector<1280x128xi32>
    %select_n3A_304 = arith.select %eq3A_301, %iota3A, %broadcast_in_dim3A_303 : vector<1280x128xi1>, vector<1280x128xi32>
    %reduce_min3A_305 = arith.constant dense<2147483647> : vector<128xi32>
    %reduce_min3A_306 = vector.multi_reduction <minsi>, %select_n3A_304, %reduce_min3A_305 [0] : vector<1280x128xi32> to vector<128xi32>
    %broadcast_in_dim3A_307 = vector.shape_cast %reduce_min3A_306 : vector<128xi32> to vector<1x128xi32>
    %eq3A_308 = vector.broadcast %broadcast_in_dim3A_307 : vector<1x128xi32> to vector<1280x128xi32>
    %eq3A_309 = arith.cmpi eq, %iota3A, %eq3A_308 : vector<1280x128xi32>
    %jit3A_310 = arith.constant 3.000000e+38 : f32
    %broadcast_in_dim3A_311 = vector.broadcast %jit3A_310 : f32 to vector<1280x128xf32>
    %select_n3A_312 = arith.select %eq3A_309, %broadcast_in_dim3A_311, %select_n3A_290 : vector<1280x128xi1>, vector<1280x128xf32>
    %eq3A_313 = arith.constant 12 : i32
    %eq3A_314 = vector.broadcast %eq3A_313 : i32 to vector<32x128xi32>
    %eq3A_315 = arith.cmpi eq, %iota3A_33, %eq3A_314 : vector<32x128xi32>
    %broadcast_in_dim3A_316 = vector.shape_cast %broadcast_in_dim3A_307 : vector<1x128xi32> to vector<1x128xi32>
    %broadcast_in_dim3A_317 = vector.broadcast %broadcast_in_dim3A_316 : vector<1x128xi32> to vector<32x128xi32>
    %select_n3A_318 = arith.select %eq3A_315, %broadcast_in_dim3A_317, %select_n3A_296 : vector<32x128xi1>, vector<32x128xi32>
    %reduce_min3A_319 = arith.constant dense<0x7F800000> : vector<128xf32>
    %reduce_min3A_320 = vector.multi_reduction <minimumf>, %select_n3A_312, %reduce_min3A_319 [0] : vector<1280x128xf32> to vector<128xf32>
    %broadcast_in_dim3A_321 = vector.shape_cast %reduce_min3A_320 : vector<128xf32> to vector<1x128xf32>
    %eq3A_322 = vector.broadcast %broadcast_in_dim3A_321 : vector<1x128xf32> to vector<1280x128xf32>
    %eq3A_323 = arith.cmpf oeq, %select_n3A_312, %eq3A_322 : vector<1280x128xf32>
    %jit3A_324 = arith.constant 1073741824 : i32
    %broadcast_in_dim3A_325 = vector.broadcast %jit3A_324 : i32 to vector<1280x128xi32>
    %select_n3A_326 = arith.select %eq3A_323, %iota3A, %broadcast_in_dim3A_325 : vector<1280x128xi1>, vector<1280x128xi32>
    %reduce_min3A_327 = arith.constant dense<2147483647> : vector<128xi32>
    %reduce_min3A_328 = vector.multi_reduction <minsi>, %select_n3A_326, %reduce_min3A_327 [0] : vector<1280x128xi32> to vector<128xi32>
    %broadcast_in_dim3A_329 = vector.shape_cast %reduce_min3A_328 : vector<128xi32> to vector<1x128xi32>
    %eq3A_330 = vector.broadcast %broadcast_in_dim3A_329 : vector<1x128xi32> to vector<1280x128xi32>
    %eq3A_331 = arith.cmpi eq, %iota3A, %eq3A_330 : vector<1280x128xi32>
    %jit3A_332 = arith.constant 3.000000e+38 : f32
    %broadcast_in_dim3A_333 = vector.broadcast %jit3A_332 : f32 to vector<1280x128xf32>
    %select_n3A_334 = arith.select %eq3A_331, %broadcast_in_dim3A_333, %select_n3A_312 : vector<1280x128xi1>, vector<1280x128xf32>
    %eq3A_335 = arith.constant 13 : i32
    %eq3A_336 = vector.broadcast %eq3A_335 : i32 to vector<32x128xi32>
    %eq3A_337 = arith.cmpi eq, %iota3A_33, %eq3A_336 : vector<32x128xi32>
    %broadcast_in_dim3A_338 = vector.shape_cast %broadcast_in_dim3A_329 : vector<1x128xi32> to vector<1x128xi32>
    %broadcast_in_dim3A_339 = vector.broadcast %broadcast_in_dim3A_338 : vector<1x128xi32> to vector<32x128xi32>
    %select_n3A_340 = arith.select %eq3A_337, %broadcast_in_dim3A_339, %select_n3A_318 : vector<32x128xi1>, vector<32x128xi32>
    %reduce_min3A_341 = arith.constant dense<0x7F800000> : vector<128xf32>
    %reduce_min3A_342 = vector.multi_reduction <minimumf>, %select_n3A_334, %reduce_min3A_341 [0] : vector<1280x128xf32> to vector<128xf32>
    %broadcast_in_dim3A_343 = vector.shape_cast %reduce_min3A_342 : vector<128xf32> to vector<1x128xf32>
    %eq3A_344 = vector.broadcast %broadcast_in_dim3A_343 : vector<1x128xf32> to vector<1280x128xf32>
    %eq3A_345 = arith.cmpf oeq, %select_n3A_334, %eq3A_344 : vector<1280x128xf32>
    %jit3A_346 = arith.constant 1073741824 : i32
    %broadcast_in_dim3A_347 = vector.broadcast %jit3A_346 : i32 to vector<1280x128xi32>
    %select_n3A_348 = arith.select %eq3A_345, %iota3A, %broadcast_in_dim3A_347 : vector<1280x128xi1>, vector<1280x128xi32>
    %reduce_min3A_349 = arith.constant dense<2147483647> : vector<128xi32>
    %reduce_min3A_350 = vector.multi_reduction <minsi>, %select_n3A_348, %reduce_min3A_349 [0] : vector<1280x128xi32> to vector<128xi32>
    %broadcast_in_dim3A_351 = vector.shape_cast %reduce_min3A_350 : vector<128xi32> to vector<1x128xi32>
    %eq3A_352 = vector.broadcast %broadcast_in_dim3A_351 : vector<1x128xi32> to vector<1280x128xi32>
    %eq3A_353 = arith.cmpi eq, %iota3A, %eq3A_352 : vector<1280x128xi32>
    %jit3A_354 = arith.constant 3.000000e+38 : f32
    %broadcast_in_dim3A_355 = vector.broadcast %jit3A_354 : f32 to vector<1280x128xf32>
    %select_n3A_356 = arith.select %eq3A_353, %broadcast_in_dim3A_355, %select_n3A_334 : vector<1280x128xi1>, vector<1280x128xf32>
    %eq3A_357 = arith.constant 14 : i32
    %eq3A_358 = vector.broadcast %eq3A_357 : i32 to vector<32x128xi32>
    %eq3A_359 = arith.cmpi eq, %iota3A_33, %eq3A_358 : vector<32x128xi32>
    %broadcast_in_dim3A_360 = vector.shape_cast %broadcast_in_dim3A_351 : vector<1x128xi32> to vector<1x128xi32>
    %broadcast_in_dim3A_361 = vector.broadcast %broadcast_in_dim3A_360 : vector<1x128xi32> to vector<32x128xi32>
    %select_n3A_362 = arith.select %eq3A_359, %broadcast_in_dim3A_361, %select_n3A_340 : vector<32x128xi1>, vector<32x128xi32>
    %reduce_min3A_363 = arith.constant dense<0x7F800000> : vector<128xf32>
    %reduce_min3A_364 = vector.multi_reduction <minimumf>, %select_n3A_356, %reduce_min3A_363 [0] : vector<1280x128xf32> to vector<128xf32>
    %broadcast_in_dim3A_365 = vector.shape_cast %reduce_min3A_364 : vector<128xf32> to vector<1x128xf32>
    %eq3A_366 = vector.broadcast %broadcast_in_dim3A_365 : vector<1x128xf32> to vector<1280x128xf32>
    %eq3A_367 = arith.cmpf oeq, %select_n3A_356, %eq3A_366 : vector<1280x128xf32>
    %jit3A_368 = arith.constant 1073741824 : i32
    %broadcast_in_dim3A_369 = vector.broadcast %jit3A_368 : i32 to vector<1280x128xi32>
    %select_n3A_370 = arith.select %eq3A_367, %iota3A, %broadcast_in_dim3A_369 : vector<1280x128xi1>, vector<1280x128xi32>
    %reduce_min3A_371 = arith.constant dense<2147483647> : vector<128xi32>
    %reduce_min3A_372 = vector.multi_reduction <minsi>, %select_n3A_370, %reduce_min3A_371 [0] : vector<1280x128xi32> to vector<128xi32>
    %broadcast_in_dim3A_373 = vector.shape_cast %reduce_min3A_372 : vector<128xi32> to vector<1x128xi32>
    %eq3A_374 = vector.broadcast %broadcast_in_dim3A_373 : vector<1x128xi32> to vector<1280x128xi32>
    %eq3A_375 = arith.cmpi eq, %iota3A, %eq3A_374 : vector<1280x128xi32>
    %jit3A_376 = arith.constant 3.000000e+38 : f32
    %broadcast_in_dim3A_377 = vector.broadcast %jit3A_376 : f32 to vector<1280x128xf32>
    %select_n3A_378 = arith.select %eq3A_375, %broadcast_in_dim3A_377, %select_n3A_356 : vector<1280x128xi1>, vector<1280x128xf32>
    %eq3A_379 = arith.constant 15 : i32
    %eq3A_380 = vector.broadcast %eq3A_379 : i32 to vector<32x128xi32>
    %eq3A_381 = arith.cmpi eq, %iota3A_33, %eq3A_380 : vector<32x128xi32>
    %broadcast_in_dim3A_382 = vector.shape_cast %broadcast_in_dim3A_373 : vector<1x128xi32> to vector<1x128xi32>
    %broadcast_in_dim3A_383 = vector.broadcast %broadcast_in_dim3A_382 : vector<1x128xi32> to vector<32x128xi32>
    %select_n3A_384 = arith.select %eq3A_381, %broadcast_in_dim3A_383, %select_n3A_362 : vector<32x128xi1>, vector<32x128xi32>
    %reduce_min3A_385 = arith.constant dense<0x7F800000> : vector<128xf32>
    %reduce_min3A_386 = vector.multi_reduction <minimumf>, %select_n3A_378, %reduce_min3A_385 [0] : vector<1280x128xf32> to vector<128xf32>
    %broadcast_in_dim3A_387 = vector.shape_cast %reduce_min3A_386 : vector<128xf32> to vector<1x128xf32>
    %eq3A_388 = vector.broadcast %broadcast_in_dim3A_387 : vector<1x128xf32> to vector<1280x128xf32>
    %eq3A_389 = arith.cmpf oeq, %select_n3A_378, %eq3A_388 : vector<1280x128xf32>
    %jit3A_390 = arith.constant 1073741824 : i32
    %broadcast_in_dim3A_391 = vector.broadcast %jit3A_390 : i32 to vector<1280x128xi32>
    %select_n3A_392 = arith.select %eq3A_389, %iota3A, %broadcast_in_dim3A_391 : vector<1280x128xi1>, vector<1280x128xi32>
    %reduce_min3A_393 = arith.constant dense<2147483647> : vector<128xi32>
    %reduce_min3A_394 = vector.multi_reduction <minsi>, %select_n3A_392, %reduce_min3A_393 [0] : vector<1280x128xi32> to vector<128xi32>
    %broadcast_in_dim3A_395 = vector.shape_cast %reduce_min3A_394 : vector<128xi32> to vector<1x128xi32>
    %eq3A_396 = vector.broadcast %broadcast_in_dim3A_395 : vector<1x128xi32> to vector<1280x128xi32>
    %eq3A_397 = arith.cmpi eq, %iota3A, %eq3A_396 : vector<1280x128xi32>
    %jit3A_398 = arith.constant 3.000000e+38 : f32
    %broadcast_in_dim3A_399 = vector.broadcast %jit3A_398 : f32 to vector<1280x128xf32>
    %select_n3A_400 = arith.select %eq3A_397, %broadcast_in_dim3A_399, %select_n3A_378 : vector<1280x128xi1>, vector<1280x128xf32>
    %eq3A_401 = arith.constant 16 : i32
    %eq3A_402 = vector.broadcast %eq3A_401 : i32 to vector<32x128xi32>
    %eq3A_403 = arith.cmpi eq, %iota3A_33, %eq3A_402 : vector<32x128xi32>
    %broadcast_in_dim3A_404 = vector.shape_cast %broadcast_in_dim3A_395 : vector<1x128xi32> to vector<1x128xi32>
    %broadcast_in_dim3A_405 = vector.broadcast %broadcast_in_dim3A_404 : vector<1x128xi32> to vector<32x128xi32>
    %select_n3A_406 = arith.select %eq3A_403, %broadcast_in_dim3A_405, %select_n3A_384 : vector<32x128xi1>, vector<32x128xi32>
    %reduce_min3A_407 = arith.constant dense<0x7F800000> : vector<128xf32>
    %reduce_min3A_408 = vector.multi_reduction <minimumf>, %select_n3A_400, %reduce_min3A_407 [0] : vector<1280x128xf32> to vector<128xf32>
    %broadcast_in_dim3A_409 = vector.shape_cast %reduce_min3A_408 : vector<128xf32> to vector<1x128xf32>
    %eq3A_410 = vector.broadcast %broadcast_in_dim3A_409 : vector<1x128xf32> to vector<1280x128xf32>
    %eq3A_411 = arith.cmpf oeq, %select_n3A_400, %eq3A_410 : vector<1280x128xf32>
    %jit3A_412 = arith.constant 1073741824 : i32
    %broadcast_in_dim3A_413 = vector.broadcast %jit3A_412 : i32 to vector<1280x128xi32>
    %select_n3A_414 = arith.select %eq3A_411, %iota3A, %broadcast_in_dim3A_413 : vector<1280x128xi1>, vector<1280x128xi32>
    %reduce_min3A_415 = arith.constant dense<2147483647> : vector<128xi32>
    %reduce_min3A_416 = vector.multi_reduction <minsi>, %select_n3A_414, %reduce_min3A_415 [0] : vector<1280x128xi32> to vector<128xi32>
    %broadcast_in_dim3A_417 = vector.shape_cast %reduce_min3A_416 : vector<128xi32> to vector<1x128xi32>
    %eq3A_418 = vector.broadcast %broadcast_in_dim3A_417 : vector<1x128xi32> to vector<1280x128xi32>
    %eq3A_419 = arith.cmpi eq, %iota3A, %eq3A_418 : vector<1280x128xi32>
    %jit3A_420 = arith.constant 3.000000e+38 : f32
    %broadcast_in_dim3A_421 = vector.broadcast %jit3A_420 : f32 to vector<1280x128xf32>
    %select_n3A_422 = arith.select %eq3A_419, %broadcast_in_dim3A_421, %select_n3A_400 : vector<1280x128xi1>, vector<1280x128xf32>
    %eq3A_423 = arith.constant 17 : i32
    %eq3A_424 = vector.broadcast %eq3A_423 : i32 to vector<32x128xi32>
    %eq3A_425 = arith.cmpi eq, %iota3A_33, %eq3A_424 : vector<32x128xi32>
    %broadcast_in_dim3A_426 = vector.shape_cast %broadcast_in_dim3A_417 : vector<1x128xi32> to vector<1x128xi32>
    %broadcast_in_dim3A_427 = vector.broadcast %broadcast_in_dim3A_426 : vector<1x128xi32> to vector<32x128xi32>
    %select_n3A_428 = arith.select %eq3A_425, %broadcast_in_dim3A_427, %select_n3A_406 : vector<32x128xi1>, vector<32x128xi32>
    %reduce_min3A_429 = arith.constant dense<0x7F800000> : vector<128xf32>
    %reduce_min3A_430 = vector.multi_reduction <minimumf>, %select_n3A_422, %reduce_min3A_429 [0] : vector<1280x128xf32> to vector<128xf32>
    %broadcast_in_dim3A_431 = vector.shape_cast %reduce_min3A_430 : vector<128xf32> to vector<1x128xf32>
    %eq3A_432 = vector.broadcast %broadcast_in_dim3A_431 : vector<1x128xf32> to vector<1280x128xf32>
    %eq3A_433 = arith.cmpf oeq, %select_n3A_422, %eq3A_432 : vector<1280x128xf32>
    %jit3A_434 = arith.constant 1073741824 : i32
    %broadcast_in_dim3A_435 = vector.broadcast %jit3A_434 : i32 to vector<1280x128xi32>
    %select_n3A_436 = arith.select %eq3A_433, %iota3A, %broadcast_in_dim3A_435 : vector<1280x128xi1>, vector<1280x128xi32>
    %reduce_min3A_437 = arith.constant dense<2147483647> : vector<128xi32>
    %reduce_min3A_438 = vector.multi_reduction <minsi>, %select_n3A_436, %reduce_min3A_437 [0] : vector<1280x128xi32> to vector<128xi32>
    %broadcast_in_dim3A_439 = vector.shape_cast %reduce_min3A_438 : vector<128xi32> to vector<1x128xi32>
    %eq3A_440 = vector.broadcast %broadcast_in_dim3A_439 : vector<1x128xi32> to vector<1280x128xi32>
    %eq3A_441 = arith.cmpi eq, %iota3A, %eq3A_440 : vector<1280x128xi32>
    %jit3A_442 = arith.constant 3.000000e+38 : f32
    %broadcast_in_dim3A_443 = vector.broadcast %jit3A_442 : f32 to vector<1280x128xf32>
    %select_n3A_444 = arith.select %eq3A_441, %broadcast_in_dim3A_443, %select_n3A_422 : vector<1280x128xi1>, vector<1280x128xf32>
    %eq3A_445 = arith.constant 18 : i32
    %eq3A_446 = vector.broadcast %eq3A_445 : i32 to vector<32x128xi32>
    %eq3A_447 = arith.cmpi eq, %iota3A_33, %eq3A_446 : vector<32x128xi32>
    %broadcast_in_dim3A_448 = vector.shape_cast %broadcast_in_dim3A_439 : vector<1x128xi32> to vector<1x128xi32>
    %broadcast_in_dim3A_449 = vector.broadcast %broadcast_in_dim3A_448 : vector<1x128xi32> to vector<32x128xi32>
    %select_n3A_450 = arith.select %eq3A_447, %broadcast_in_dim3A_449, %select_n3A_428 : vector<32x128xi1>, vector<32x128xi32>
    %reduce_min3A_451 = arith.constant dense<0x7F800000> : vector<128xf32>
    %reduce_min3A_452 = vector.multi_reduction <minimumf>, %select_n3A_444, %reduce_min3A_451 [0] : vector<1280x128xf32> to vector<128xf32>
    %broadcast_in_dim3A_453 = vector.shape_cast %reduce_min3A_452 : vector<128xf32> to vector<1x128xf32>
    %eq3A_454 = vector.broadcast %broadcast_in_dim3A_453 : vector<1x128xf32> to vector<1280x128xf32>
    %eq3A_455 = arith.cmpf oeq, %select_n3A_444, %eq3A_454 : vector<1280x128xf32>
    %jit3A_456 = arith.constant 1073741824 : i32
    %broadcast_in_dim3A_457 = vector.broadcast %jit3A_456 : i32 to vector<1280x128xi32>
    %select_n3A_458 = arith.select %eq3A_455, %iota3A, %broadcast_in_dim3A_457 : vector<1280x128xi1>, vector<1280x128xi32>
    %reduce_min3A_459 = arith.constant dense<2147483647> : vector<128xi32>
    %reduce_min3A_460 = vector.multi_reduction <minsi>, %select_n3A_458, %reduce_min3A_459 [0] : vector<1280x128xi32> to vector<128xi32>
    %broadcast_in_dim3A_461 = vector.shape_cast %reduce_min3A_460 : vector<128xi32> to vector<1x128xi32>
    %eq3A_462 = vector.broadcast %broadcast_in_dim3A_461 : vector<1x128xi32> to vector<1280x128xi32>
    %eq3A_463 = arith.cmpi eq, %iota3A, %eq3A_462 : vector<1280x128xi32>
    %jit3A_464 = arith.constant 3.000000e+38 : f32
    %broadcast_in_dim3A_465 = vector.broadcast %jit3A_464 : f32 to vector<1280x128xf32>
    %select_n3A_466 = arith.select %eq3A_463, %broadcast_in_dim3A_465, %select_n3A_444 : vector<1280x128xi1>, vector<1280x128xf32>
    %eq3A_467 = arith.constant 19 : i32
    %eq3A_468 = vector.broadcast %eq3A_467 : i32 to vector<32x128xi32>
    %eq3A_469 = arith.cmpi eq, %iota3A_33, %eq3A_468 : vector<32x128xi32>
    %broadcast_in_dim3A_470 = vector.shape_cast %broadcast_in_dim3A_461 : vector<1x128xi32> to vector<1x128xi32>
    %broadcast_in_dim3A_471 = vector.broadcast %broadcast_in_dim3A_470 : vector<1x128xi32> to vector<32x128xi32>
    %select_n3A_472 = arith.select %eq3A_469, %broadcast_in_dim3A_471, %select_n3A_450 : vector<32x128xi1>, vector<32x128xi32>
    %reduce_min3A_473 = arith.constant dense<0x7F800000> : vector<128xf32>
    %reduce_min3A_474 = vector.multi_reduction <minimumf>, %select_n3A_466, %reduce_min3A_473 [0] : vector<1280x128xf32> to vector<128xf32>
    %broadcast_in_dim3A_475 = vector.shape_cast %reduce_min3A_474 : vector<128xf32> to vector<1x128xf32>
    %eq3A_476 = vector.broadcast %broadcast_in_dim3A_475 : vector<1x128xf32> to vector<1280x128xf32>
    %eq3A_477 = arith.cmpf oeq, %select_n3A_466, %eq3A_476 : vector<1280x128xf32>
    %jit3A_478 = arith.constant 1073741824 : i32
    %broadcast_in_dim3A_479 = vector.broadcast %jit3A_478 : i32 to vector<1280x128xi32>
    %select_n3A_480 = arith.select %eq3A_477, %iota3A, %broadcast_in_dim3A_479 : vector<1280x128xi1>, vector<1280x128xi32>
    %reduce_min3A_481 = arith.constant dense<2147483647> : vector<128xi32>
    %reduce_min3A_482 = vector.multi_reduction <minsi>, %select_n3A_480, %reduce_min3A_481 [0] : vector<1280x128xi32> to vector<128xi32>
    %broadcast_in_dim3A_483 = vector.shape_cast %reduce_min3A_482 : vector<128xi32> to vector<1x128xi32>
    %eq3A_484 = vector.broadcast %broadcast_in_dim3A_483 : vector<1x128xi32> to vector<1280x128xi32>
    %eq3A_485 = arith.cmpi eq, %iota3A, %eq3A_484 : vector<1280x128xi32>
    %jit3A_486 = arith.constant 3.000000e+38 : f32
    %broadcast_in_dim3A_487 = vector.broadcast %jit3A_486 : f32 to vector<1280x128xf32>
    %select_n3A_488 = arith.select %eq3A_485, %broadcast_in_dim3A_487, %select_n3A_466 : vector<1280x128xi1>, vector<1280x128xf32>
    %eq3A_489 = arith.constant 20 : i32
    %eq3A_490 = vector.broadcast %eq3A_489 : i32 to vector<32x128xi32>
    %eq3A_491 = arith.cmpi eq, %iota3A_33, %eq3A_490 : vector<32x128xi32>
    %broadcast_in_dim3A_492 = vector.shape_cast %broadcast_in_dim3A_483 : vector<1x128xi32> to vector<1x128xi32>
    %broadcast_in_dim3A_493 = vector.broadcast %broadcast_in_dim3A_492 : vector<1x128xi32> to vector<32x128xi32>
    %select_n3A_494 = arith.select %eq3A_491, %broadcast_in_dim3A_493, %select_n3A_472 : vector<32x128xi1>, vector<32x128xi32>
    %reduce_min3A_495 = arith.constant dense<0x7F800000> : vector<128xf32>
    %reduce_min3A_496 = vector.multi_reduction <minimumf>, %select_n3A_488, %reduce_min3A_495 [0] : vector<1280x128xf32> to vector<128xf32>
    %broadcast_in_dim3A_497 = vector.shape_cast %reduce_min3A_496 : vector<128xf32> to vector<1x128xf32>
    %eq3A_498 = vector.broadcast %broadcast_in_dim3A_497 : vector<1x128xf32> to vector<1280x128xf32>
    %eq3A_499 = arith.cmpf oeq, %select_n3A_488, %eq3A_498 : vector<1280x128xf32>
    %jit3A_500 = arith.constant 1073741824 : i32
    %broadcast_in_dim3A_501 = vector.broadcast %jit3A_500 : i32 to vector<1280x128xi32>
    %select_n3A_502 = arith.select %eq3A_499, %iota3A, %broadcast_in_dim3A_501 : vector<1280x128xi1>, vector<1280x128xi32>
    %reduce_min3A_503 = arith.constant dense<2147483647> : vector<128xi32>
    %reduce_min3A_504 = vector.multi_reduction <minsi>, %select_n3A_502, %reduce_min3A_503 [0] : vector<1280x128xi32> to vector<128xi32>
    %broadcast_in_dim3A_505 = vector.shape_cast %reduce_min3A_504 : vector<128xi32> to vector<1x128xi32>
    %eq3A_506 = vector.broadcast %broadcast_in_dim3A_505 : vector<1x128xi32> to vector<1280x128xi32>
    %eq3A_507 = arith.cmpi eq, %iota3A, %eq3A_506 : vector<1280x128xi32>
    %jit3A_508 = arith.constant 3.000000e+38 : f32
    %broadcast_in_dim3A_509 = vector.broadcast %jit3A_508 : f32 to vector<1280x128xf32>
    %select_n3A_510 = arith.select %eq3A_507, %broadcast_in_dim3A_509, %select_n3A_488 : vector<1280x128xi1>, vector<1280x128xf32>
    %eq3A_511 = arith.constant 21 : i32
    %eq3A_512 = vector.broadcast %eq3A_511 : i32 to vector<32x128xi32>
    %eq3A_513 = arith.cmpi eq, %iota3A_33, %eq3A_512 : vector<32x128xi32>
    %broadcast_in_dim3A_514 = vector.shape_cast %broadcast_in_dim3A_505 : vector<1x128xi32> to vector<1x128xi32>
    %broadcast_in_dim3A_515 = vector.broadcast %broadcast_in_dim3A_514 : vector<1x128xi32> to vector<32x128xi32>
    %select_n3A_516 = arith.select %eq3A_513, %broadcast_in_dim3A_515, %select_n3A_494 : vector<32x128xi1>, vector<32x128xi32>
    %reduce_min3A_517 = arith.constant dense<0x7F800000> : vector<128xf32>
    %reduce_min3A_518 = vector.multi_reduction <minimumf>, %select_n3A_510, %reduce_min3A_517 [0] : vector<1280x128xf32> to vector<128xf32>
    %broadcast_in_dim3A_519 = vector.shape_cast %reduce_min3A_518 : vector<128xf32> to vector<1x128xf32>
    %eq3A_520 = vector.broadcast %broadcast_in_dim3A_519 : vector<1x128xf32> to vector<1280x128xf32>
    %eq3A_521 = arith.cmpf oeq, %select_n3A_510, %eq3A_520 : vector<1280x128xf32>
    %jit3A_522 = arith.constant 1073741824 : i32
    %broadcast_in_dim3A_523 = vector.broadcast %jit3A_522 : i32 to vector<1280x128xi32>
    %select_n3A_524 = arith.select %eq3A_521, %iota3A, %broadcast_in_dim3A_523 : vector<1280x128xi1>, vector<1280x128xi32>
    %reduce_min3A_525 = arith.constant dense<2147483647> : vector<128xi32>
    %reduce_min3A_526 = vector.multi_reduction <minsi>, %select_n3A_524, %reduce_min3A_525 [0] : vector<1280x128xi32> to vector<128xi32>
    %broadcast_in_dim3A_527 = vector.shape_cast %reduce_min3A_526 : vector<128xi32> to vector<1x128xi32>
    %eq3A_528 = vector.broadcast %broadcast_in_dim3A_527 : vector<1x128xi32> to vector<1280x128xi32>
    %eq3A_529 = arith.cmpi eq, %iota3A, %eq3A_528 : vector<1280x128xi32>
    %jit3A_530 = arith.constant 3.000000e+38 : f32
    %broadcast_in_dim3A_531 = vector.broadcast %jit3A_530 : f32 to vector<1280x128xf32>
    %select_n3A_532 = arith.select %eq3A_529, %broadcast_in_dim3A_531, %select_n3A_510 : vector<1280x128xi1>, vector<1280x128xf32>
    %eq3A_533 = arith.constant 22 : i32
    %eq3A_534 = vector.broadcast %eq3A_533 : i32 to vector<32x128xi32>
    %eq3A_535 = arith.cmpi eq, %iota3A_33, %eq3A_534 : vector<32x128xi32>
    %broadcast_in_dim3A_536 = vector.shape_cast %broadcast_in_dim3A_527 : vector<1x128xi32> to vector<1x128xi32>
    %broadcast_in_dim3A_537 = vector.broadcast %broadcast_in_dim3A_536 : vector<1x128xi32> to vector<32x128xi32>
    %select_n3A_538 = arith.select %eq3A_535, %broadcast_in_dim3A_537, %select_n3A_516 : vector<32x128xi1>, vector<32x128xi32>
    %reduce_min3A_539 = arith.constant dense<0x7F800000> : vector<128xf32>
    %reduce_min3A_540 = vector.multi_reduction <minimumf>, %select_n3A_532, %reduce_min3A_539 [0] : vector<1280x128xf32> to vector<128xf32>
    %broadcast_in_dim3A_541 = vector.shape_cast %reduce_min3A_540 : vector<128xf32> to vector<1x128xf32>
    %eq3A_542 = vector.broadcast %broadcast_in_dim3A_541 : vector<1x128xf32> to vector<1280x128xf32>
    %eq3A_543 = arith.cmpf oeq, %select_n3A_532, %eq3A_542 : vector<1280x128xf32>
    %jit3A_544 = arith.constant 1073741824 : i32
    %broadcast_in_dim3A_545 = vector.broadcast %jit3A_544 : i32 to vector<1280x128xi32>
    %select_n3A_546 = arith.select %eq3A_543, %iota3A, %broadcast_in_dim3A_545 : vector<1280x128xi1>, vector<1280x128xi32>
    %reduce_min3A_547 = arith.constant dense<2147483647> : vector<128xi32>
    %reduce_min3A_548 = vector.multi_reduction <minsi>, %select_n3A_546, %reduce_min3A_547 [0] : vector<1280x128xi32> to vector<128xi32>
    %broadcast_in_dim3A_549 = vector.shape_cast %reduce_min3A_548 : vector<128xi32> to vector<1x128xi32>
    %eq3A_550 = vector.broadcast %broadcast_in_dim3A_549 : vector<1x128xi32> to vector<1280x128xi32>
    %eq3A_551 = arith.cmpi eq, %iota3A, %eq3A_550 : vector<1280x128xi32>
    %jit3A_552 = arith.constant 3.000000e+38 : f32
    %broadcast_in_dim3A_553 = vector.broadcast %jit3A_552 : f32 to vector<1280x128xf32>
    %select_n3A_554 = arith.select %eq3A_551, %broadcast_in_dim3A_553, %select_n3A_532 : vector<1280x128xi1>, vector<1280x128xf32>
    %eq3A_555 = arith.constant 23 : i32
    %eq3A_556 = vector.broadcast %eq3A_555 : i32 to vector<32x128xi32>
    %eq3A_557 = arith.cmpi eq, %iota3A_33, %eq3A_556 : vector<32x128xi32>
    %broadcast_in_dim3A_558 = vector.shape_cast %broadcast_in_dim3A_549 : vector<1x128xi32> to vector<1x128xi32>
    %broadcast_in_dim3A_559 = vector.broadcast %broadcast_in_dim3A_558 : vector<1x128xi32> to vector<32x128xi32>
    %select_n3A_560 = arith.select %eq3A_557, %broadcast_in_dim3A_559, %select_n3A_538 : vector<32x128xi1>, vector<32x128xi32>
    %reduce_min3A_561 = arith.constant dense<0x7F800000> : vector<128xf32>
    %reduce_min3A_562 = vector.multi_reduction <minimumf>, %select_n3A_554, %reduce_min3A_561 [0] : vector<1280x128xf32> to vector<128xf32>
    %broadcast_in_dim3A_563 = vector.shape_cast %reduce_min3A_562 : vector<128xf32> to vector<1x128xf32>
    %eq3A_564 = vector.broadcast %broadcast_in_dim3A_563 : vector<1x128xf32> to vector<1280x128xf32>
    %eq3A_565 = arith.cmpf oeq, %select_n3A_554, %eq3A_564 : vector<1280x128xf32>
    %jit3A_566 = arith.constant 1073741824 : i32
    %broadcast_in_dim3A_567 = vector.broadcast %jit3A_566 : i32 to vector<1280x128xi32>
    %select_n3A_568 = arith.select %eq3A_565, %iota3A, %broadcast_in_dim3A_567 : vector<1280x128xi1>, vector<1280x128xi32>
    %reduce_min3A_569 = arith.constant dense<2147483647> : vector<128xi32>
    %reduce_min3A_570 = vector.multi_reduction <minsi>, %select_n3A_568, %reduce_min3A_569 [0] : vector<1280x128xi32> to vector<128xi32>
    %broadcast_in_dim3A_571 = vector.shape_cast %reduce_min3A_570 : vector<128xi32> to vector<1x128xi32>
    %eq3A_572 = vector.broadcast %broadcast_in_dim3A_571 : vector<1x128xi32> to vector<1280x128xi32>
    %eq3A_573 = arith.cmpi eq, %iota3A, %eq3A_572 : vector<1280x128xi32>
    %jit3A_574 = arith.constant 3.000000e+38 : f32
    %broadcast_in_dim3A_575 = vector.broadcast %jit3A_574 : f32 to vector<1280x128xf32>
    %select_n3A_576 = arith.select %eq3A_573, %broadcast_in_dim3A_575, %select_n3A_554 : vector<1280x128xi1>, vector<1280x128xf32>
    %eq3A_577 = arith.constant 24 : i32
    %eq3A_578 = vector.broadcast %eq3A_577 : i32 to vector<32x128xi32>
    %eq3A_579 = arith.cmpi eq, %iota3A_33, %eq3A_578 : vector<32x128xi32>
    %broadcast_in_dim3A_580 = vector.shape_cast %broadcast_in_dim3A_571 : vector<1x128xi32> to vector<1x128xi32>
    %broadcast_in_dim3A_581 = vector.broadcast %broadcast_in_dim3A_580 : vector<1x128xi32> to vector<32x128xi32>
    %select_n3A_582 = arith.select %eq3A_579, %broadcast_in_dim3A_581, %select_n3A_560 : vector<32x128xi1>, vector<32x128xi32>
    %reduce_min3A_583 = arith.constant dense<0x7F800000> : vector<128xf32>
    %reduce_min3A_584 = vector.multi_reduction <minimumf>, %select_n3A_576, %reduce_min3A_583 [0] : vector<1280x128xf32> to vector<128xf32>
    %broadcast_in_dim3A_585 = vector.shape_cast %reduce_min3A_584 : vector<128xf32> to vector<1x128xf32>
    %eq3A_586 = vector.broadcast %broadcast_in_dim3A_585 : vector<1x128xf32> to vector<1280x128xf32>
    %eq3A_587 = arith.cmpf oeq, %select_n3A_576, %eq3A_586 : vector<1280x128xf32>
    %jit3A_588 = arith.constant 1073741824 : i32
    %broadcast_in_dim3A_589 = vector.broadcast %jit3A_588 : i32 to vector<1280x128xi32>
    %select_n3A_590 = arith.select %eq3A_587, %iota3A, %broadcast_in_dim3A_589 : vector<1280x128xi1>, vector<1280x128xi32>
    %reduce_min3A_591 = arith.constant dense<2147483647> : vector<128xi32>
    %reduce_min3A_592 = vector.multi_reduction <minsi>, %select_n3A_590, %reduce_min3A_591 [0] : vector<1280x128xi32> to vector<128xi32>
    %broadcast_in_dim3A_593 = vector.shape_cast %reduce_min3A_592 : vector<128xi32> to vector<1x128xi32>
    %eq3A_594 = vector.broadcast %broadcast_in_dim3A_593 : vector<1x128xi32> to vector<1280x128xi32>
    %eq3A_595 = arith.cmpi eq, %iota3A, %eq3A_594 : vector<1280x128xi32>
    %jit3A_596 = arith.constant 3.000000e+38 : f32
    %broadcast_in_dim3A_597 = vector.broadcast %jit3A_596 : f32 to vector<1280x128xf32>
    %select_n3A_598 = arith.select %eq3A_595, %broadcast_in_dim3A_597, %select_n3A_576 : vector<1280x128xi1>, vector<1280x128xf32>
    %eq3A_599 = arith.constant 25 : i32
    %eq3A_600 = vector.broadcast %eq3A_599 : i32 to vector<32x128xi32>
    %eq3A_601 = arith.cmpi eq, %iota3A_33, %eq3A_600 : vector<32x128xi32>
    %broadcast_in_dim3A_602 = vector.shape_cast %broadcast_in_dim3A_593 : vector<1x128xi32> to vector<1x128xi32>
    %broadcast_in_dim3A_603 = vector.broadcast %broadcast_in_dim3A_602 : vector<1x128xi32> to vector<32x128xi32>
    %select_n3A_604 = arith.select %eq3A_601, %broadcast_in_dim3A_603, %select_n3A_582 : vector<32x128xi1>, vector<32x128xi32>
    %reduce_min3A_605 = arith.constant dense<0x7F800000> : vector<128xf32>
    %reduce_min3A_606 = vector.multi_reduction <minimumf>, %select_n3A_598, %reduce_min3A_605 [0] : vector<1280x128xf32> to vector<128xf32>
    %broadcast_in_dim3A_607 = vector.shape_cast %reduce_min3A_606 : vector<128xf32> to vector<1x128xf32>
    %eq3A_608 = vector.broadcast %broadcast_in_dim3A_607 : vector<1x128xf32> to vector<1280x128xf32>
    %eq3A_609 = arith.cmpf oeq, %select_n3A_598, %eq3A_608 : vector<1280x128xf32>
    %jit3A_610 = arith.constant 1073741824 : i32
    %broadcast_in_dim3A_611 = vector.broadcast %jit3A_610 : i32 to vector<1280x128xi32>
    %select_n3A_612 = arith.select %eq3A_609, %iota3A, %broadcast_in_dim3A_611 : vector<1280x128xi1>, vector<1280x128xi32>
    %reduce_min3A_613 = arith.constant dense<2147483647> : vector<128xi32>
    %reduce_min3A_614 = vector.multi_reduction <minsi>, %select_n3A_612, %reduce_min3A_613 [0] : vector<1280x128xi32> to vector<128xi32>
    %broadcast_in_dim3A_615 = vector.shape_cast %reduce_min3A_614 : vector<128xi32> to vector<1x128xi32>
    %eq3A_616 = vector.broadcast %broadcast_in_dim3A_615 : vector<1x128xi32> to vector<1280x128xi32>
    %eq3A_617 = arith.cmpi eq, %iota3A, %eq3A_616 : vector<1280x128xi32>
    %jit3A_618 = arith.constant 3.000000e+38 : f32
    %broadcast_in_dim3A_619 = vector.broadcast %jit3A_618 : f32 to vector<1280x128xf32>
    %select_n3A_620 = arith.select %eq3A_617, %broadcast_in_dim3A_619, %select_n3A_598 : vector<1280x128xi1>, vector<1280x128xf32>
    %eq3A_621 = arith.constant 26 : i32
    %eq3A_622 = vector.broadcast %eq3A_621 : i32 to vector<32x128xi32>
    %eq3A_623 = arith.cmpi eq, %iota3A_33, %eq3A_622 : vector<32x128xi32>
    %broadcast_in_dim3A_624 = vector.shape_cast %broadcast_in_dim3A_615 : vector<1x128xi32> to vector<1x128xi32>
    %broadcast_in_dim3A_625 = vector.broadcast %broadcast_in_dim3A_624 : vector<1x128xi32> to vector<32x128xi32>
    %select_n3A_626 = arith.select %eq3A_623, %broadcast_in_dim3A_625, %select_n3A_604 : vector<32x128xi1>, vector<32x128xi32>
    %reduce_min3A_627 = arith.constant dense<0x7F800000> : vector<128xf32>
    %reduce_min3A_628 = vector.multi_reduction <minimumf>, %select_n3A_620, %reduce_min3A_627 [0] : vector<1280x128xf32> to vector<128xf32>
    %broadcast_in_dim3A_629 = vector.shape_cast %reduce_min3A_628 : vector<128xf32> to vector<1x128xf32>
    %eq3A_630 = vector.broadcast %broadcast_in_dim3A_629 : vector<1x128xf32> to vector<1280x128xf32>
    %eq3A_631 = arith.cmpf oeq, %select_n3A_620, %eq3A_630 : vector<1280x128xf32>
    %jit3A_632 = arith.constant 1073741824 : i32
    %broadcast_in_dim3A_633 = vector.broadcast %jit3A_632 : i32 to vector<1280x128xi32>
    %select_n3A_634 = arith.select %eq3A_631, %iota3A, %broadcast_in_dim3A_633 : vector<1280x128xi1>, vector<1280x128xi32>
    %reduce_min3A_635 = arith.constant dense<2147483647> : vector<128xi32>
    %reduce_min3A_636 = vector.multi_reduction <minsi>, %select_n3A_634, %reduce_min3A_635 [0] : vector<1280x128xi32> to vector<128xi32>
    %broadcast_in_dim3A_637 = vector.shape_cast %reduce_min3A_636 : vector<128xi32> to vector<1x128xi32>
    %eq3A_638 = vector.broadcast %broadcast_in_dim3A_637 : vector<1x128xi32> to vector<1280x128xi32>
    %eq3A_639 = arith.cmpi eq, %iota3A, %eq3A_638 : vector<1280x128xi32>
    %jit3A_640 = arith.constant 3.000000e+38 : f32
    %broadcast_in_dim3A_641 = vector.broadcast %jit3A_640 : f32 to vector<1280x128xf32>
    %select_n3A_642 = arith.select %eq3A_639, %broadcast_in_dim3A_641, %select_n3A_620 : vector<1280x128xi1>, vector<1280x128xf32>
    %eq3A_643 = arith.constant 27 : i32
    %eq3A_644 = vector.broadcast %eq3A_643 : i32 to vector<32x128xi32>
    %eq3A_645 = arith.cmpi eq, %iota3A_33, %eq3A_644 : vector<32x128xi32>
    %broadcast_in_dim3A_646 = vector.shape_cast %broadcast_in_dim3A_637 : vector<1x128xi32> to vector<1x128xi32>
    %broadcast_in_dim3A_647 = vector.broadcast %broadcast_in_dim3A_646 : vector<1x128xi32> to vector<32x128xi32>
    %select_n3A_648 = arith.select %eq3A_645, %broadcast_in_dim3A_647, %select_n3A_626 : vector<32x128xi1>, vector<32x128xi32>
    %reduce_min3A_649 = arith.constant dense<0x7F800000> : vector<128xf32>
    %reduce_min3A_650 = vector.multi_reduction <minimumf>, %select_n3A_642, %reduce_min3A_649 [0] : vector<1280x128xf32> to vector<128xf32>
    %broadcast_in_dim3A_651 = vector.shape_cast %reduce_min3A_650 : vector<128xf32> to vector<1x128xf32>
    %eq3A_652 = vector.broadcast %broadcast_in_dim3A_651 : vector<1x128xf32> to vector<1280x128xf32>
    %eq3A_653 = arith.cmpf oeq, %select_n3A_642, %eq3A_652 : vector<1280x128xf32>
    %jit3A_654 = arith.constant 1073741824 : i32
    %broadcast_in_dim3A_655 = vector.broadcast %jit3A_654 : i32 to vector<1280x128xi32>
    %select_n3A_656 = arith.select %eq3A_653, %iota3A, %broadcast_in_dim3A_655 : vector<1280x128xi1>, vector<1280x128xi32>
    %reduce_min3A_657 = arith.constant dense<2147483647> : vector<128xi32>
    %reduce_min3A_658 = vector.multi_reduction <minsi>, %select_n3A_656, %reduce_min3A_657 [0] : vector<1280x128xi32> to vector<128xi32>
    %broadcast_in_dim3A_659 = vector.shape_cast %reduce_min3A_658 : vector<128xi32> to vector<1x128xi32>
    %eq3A_660 = vector.broadcast %broadcast_in_dim3A_659 : vector<1x128xi32> to vector<1280x128xi32>
    %eq3A_661 = arith.cmpi eq, %iota3A, %eq3A_660 : vector<1280x128xi32>
    %jit3A_662 = arith.constant 3.000000e+38 : f32
    %broadcast_in_dim3A_663 = vector.broadcast %jit3A_662 : f32 to vector<1280x128xf32>
    %select_n3A_664 = arith.select %eq3A_661, %broadcast_in_dim3A_663, %select_n3A_642 : vector<1280x128xi1>, vector<1280x128xf32>
    %eq3A_665 = arith.constant 28 : i32
    %eq3A_666 = vector.broadcast %eq3A_665 : i32 to vector<32x128xi32>
    %eq3A_667 = arith.cmpi eq, %iota3A_33, %eq3A_666 : vector<32x128xi32>
    %broadcast_in_dim3A_668 = vector.shape_cast %broadcast_in_dim3A_659 : vector<1x128xi32> to vector<1x128xi32>
    %broadcast_in_dim3A_669 = vector.broadcast %broadcast_in_dim3A_668 : vector<1x128xi32> to vector<32x128xi32>
    %select_n3A_670 = arith.select %eq3A_667, %broadcast_in_dim3A_669, %select_n3A_648 : vector<32x128xi1>, vector<32x128xi32>
    %reduce_min3A_671 = arith.constant dense<0x7F800000> : vector<128xf32>
    %reduce_min3A_672 = vector.multi_reduction <minimumf>, %select_n3A_664, %reduce_min3A_671 [0] : vector<1280x128xf32> to vector<128xf32>
    %broadcast_in_dim3A_673 = vector.shape_cast %reduce_min3A_672 : vector<128xf32> to vector<1x128xf32>
    %eq3A_674 = vector.broadcast %broadcast_in_dim3A_673 : vector<1x128xf32> to vector<1280x128xf32>
    %eq3A_675 = arith.cmpf oeq, %select_n3A_664, %eq3A_674 : vector<1280x128xf32>
    %jit3A_676 = arith.constant 1073741824 : i32
    %broadcast_in_dim3A_677 = vector.broadcast %jit3A_676 : i32 to vector<1280x128xi32>
    %select_n3A_678 = arith.select %eq3A_675, %iota3A, %broadcast_in_dim3A_677 : vector<1280x128xi1>, vector<1280x128xi32>
    %reduce_min3A_679 = arith.constant dense<2147483647> : vector<128xi32>
    %reduce_min3A_680 = vector.multi_reduction <minsi>, %select_n3A_678, %reduce_min3A_679 [0] : vector<1280x128xi32> to vector<128xi32>
    %broadcast_in_dim3A_681 = vector.shape_cast %reduce_min3A_680 : vector<128xi32> to vector<1x128xi32>
    %eq3A_682 = vector.broadcast %broadcast_in_dim3A_681 : vector<1x128xi32> to vector<1280x128xi32>
    %eq3A_683 = arith.cmpi eq, %iota3A, %eq3A_682 : vector<1280x128xi32>
    %jit3A_684 = arith.constant 3.000000e+38 : f32
    %broadcast_in_dim3A_685 = vector.broadcast %jit3A_684 : f32 to vector<1280x128xf32>
    %select_n3A_686 = arith.select %eq3A_683, %broadcast_in_dim3A_685, %select_n3A_664 : vector<1280x128xi1>, vector<1280x128xf32>
    %eq3A_687 = arith.constant 29 : i32
    %eq3A_688 = vector.broadcast %eq3A_687 : i32 to vector<32x128xi32>
    %eq3A_689 = arith.cmpi eq, %iota3A_33, %eq3A_688 : vector<32x128xi32>
    %broadcast_in_dim3A_690 = vector.shape_cast %broadcast_in_dim3A_681 : vector<1x128xi32> to vector<1x128xi32>
    %broadcast_in_dim3A_691 = vector.broadcast %broadcast_in_dim3A_690 : vector<1x128xi32> to vector<32x128xi32>
    %select_n3A_692 = arith.select %eq3A_689, %broadcast_in_dim3A_691, %select_n3A_670 : vector<32x128xi1>, vector<32x128xi32>
    %reduce_min3A_693 = arith.constant dense<0x7F800000> : vector<128xf32>
    %reduce_min3A_694 = vector.multi_reduction <minimumf>, %select_n3A_686, %reduce_min3A_693 [0] : vector<1280x128xf32> to vector<128xf32>
    %broadcast_in_dim3A_695 = vector.shape_cast %reduce_min3A_694 : vector<128xf32> to vector<1x128xf32>
    %eq3A_696 = vector.broadcast %broadcast_in_dim3A_695 : vector<1x128xf32> to vector<1280x128xf32>
    %eq3A_697 = arith.cmpf oeq, %select_n3A_686, %eq3A_696 : vector<1280x128xf32>
    %jit3A_698 = arith.constant 1073741824 : i32
    %broadcast_in_dim3A_699 = vector.broadcast %jit3A_698 : i32 to vector<1280x128xi32>
    %select_n3A_700 = arith.select %eq3A_697, %iota3A, %broadcast_in_dim3A_699 : vector<1280x128xi1>, vector<1280x128xi32>
    %reduce_min3A_701 = arith.constant dense<2147483647> : vector<128xi32>
    %reduce_min3A_702 = vector.multi_reduction <minsi>, %select_n3A_700, %reduce_min3A_701 [0] : vector<1280x128xi32> to vector<128xi32>
    %broadcast_in_dim3A_703 = vector.shape_cast %reduce_min3A_702 : vector<128xi32> to vector<1x128xi32>
    %eq3A_704 = vector.broadcast %broadcast_in_dim3A_703 : vector<1x128xi32> to vector<1280x128xi32>
    %eq3A_705 = arith.cmpi eq, %iota3A, %eq3A_704 : vector<1280x128xi32>
    %jit3A_706 = arith.constant 3.000000e+38 : f32
    %broadcast_in_dim3A_707 = vector.broadcast %jit3A_706 : f32 to vector<1280x128xf32>
    %select_n3A_708 = arith.select %eq3A_705, %broadcast_in_dim3A_707, %select_n3A_686 : vector<1280x128xi1>, vector<1280x128xf32>
    %eq3A_709 = arith.constant 30 : i32
    %eq3A_710 = vector.broadcast %eq3A_709 : i32 to vector<32x128xi32>
    %eq3A_711 = arith.cmpi eq, %iota3A_33, %eq3A_710 : vector<32x128xi32>
    %broadcast_in_dim3A_712 = vector.shape_cast %broadcast_in_dim3A_703 : vector<1x128xi32> to vector<1x128xi32>
    %broadcast_in_dim3A_713 = vector.broadcast %broadcast_in_dim3A_712 : vector<1x128xi32> to vector<32x128xi32>
    %select_n3A_714 = arith.select %eq3A_711, %broadcast_in_dim3A_713, %select_n3A_692 : vector<32x128xi1>, vector<32x128xi32>
    %reduce_min3A_715 = arith.constant dense<0x7F800000> : vector<128xf32>
    %reduce_min3A_716 = vector.multi_reduction <minimumf>, %select_n3A_708, %reduce_min3A_715 [0] : vector<1280x128xf32> to vector<128xf32>
    %broadcast_in_dim3A_717 = vector.shape_cast %reduce_min3A_716 : vector<128xf32> to vector<1x128xf32>
    %eq3A_718 = vector.broadcast %broadcast_in_dim3A_717 : vector<1x128xf32> to vector<1280x128xf32>
    %eq3A_719 = arith.cmpf oeq, %select_n3A_708, %eq3A_718 : vector<1280x128xf32>
    %jit3A_720 = arith.constant 1073741824 : i32
    %broadcast_in_dim3A_721 = vector.broadcast %jit3A_720 : i32 to vector<1280x128xi32>
    %select_n3A_722 = arith.select %eq3A_719, %iota3A, %broadcast_in_dim3A_721 : vector<1280x128xi1>, vector<1280x128xi32>
    %reduce_min3A_723 = arith.constant dense<2147483647> : vector<128xi32>
    %reduce_min3A_724 = vector.multi_reduction <minsi>, %select_n3A_722, %reduce_min3A_723 [0] : vector<1280x128xi32> to vector<128xi32>
    %broadcast_in_dim3A_725 = vector.shape_cast %reduce_min3A_724 : vector<128xi32> to vector<1x128xi32>
    %eq3A_726 = arith.constant 31 : i32
    %eq3A_727 = vector.broadcast %eq3A_726 : i32 to vector<32x128xi32>
    %eq3A_728 = arith.cmpi eq, %iota3A_33, %eq3A_727 : vector<32x128xi32>
    %broadcast_in_dim3A_729 = vector.shape_cast %broadcast_in_dim3A_725 : vector<1x128xi32> to vector<1x128xi32>
    %broadcast_in_dim3A_730 = vector.broadcast %broadcast_in_dim3A_729 : vector<1x128xi32> to vector<32x128xi32>
    %select_n3A_731 = arith.select %eq3A_728, %broadcast_in_dim3A_730, %select_n3A_714 : vector<32x128xi1>, vector<32x128xi32>
    %add3A_732 = arith.constant 0 : i32
    %add3A_733 = arith.addi %arg0, %add3A_732 : i32
    %mul3A_734 = arith.constant 1280 : i32
    %mul3A_735 = arith.muli %add3A_733, %mul3A_734 : i32
    %add3A_736 = vector.broadcast %mul3A_735 : i32 to vector<32x128xi32>
    %add3A_737 = arith.addi %select_n3A_731, %add3A_736 : vector<32x128xi32>
    %swap3A = arith.constant 0 : index
    %swap3A_738 = arith.constant 0 : index
    %swap3A_739 = arith.constant 0 : index
    %swap3A_740 = vector.load %arg4[%swap3A, %swap3A_738, %swap3A_739] : memref<1x32x128xi32, #tpu.memory_space<vmem>>, vector<1x32x128xi32>
    %swap3A_741 = vector.shape_cast %swap3A_740 : vector<1x32x128xi32> to vector<32x128xi32>
    %swap3A_742 = vector.shape_cast %add3A_737 : vector<32x128xi32> to vector<1x32x128xi32>
    tpu.vector_store %arg4[%swap3A, %swap3A_738, %swap3A_739], %swap3A_742 {strides = array<i32>} : memref<1x32x128xi32, #tpu.memory_space<vmem>>, vector<1x32x128xi32>,
    return
  }
  func.func @transform_0(%arg0: i32, %arg1: i32) -> (i32, i32, i32) {
    %add3A = arith.constant 0 : i32
    %add3A_0 = arith.addi %arg0, %add3A : i32
    %c0_i32 = arith.constant 0 : i32
    %c0_i32_1 = arith.constant 0 : i32
    %c0_i32_2 = arith.constant 0 : i32
    return %add3A_0, %c0_i32, %c0_i32_1 : i32, i32, i32
  }
  func.func @transform_1(%arg0: i32, %arg1: i32) -> (i32, i32, i32) {
    %add3A = arith.constant 0 : i32
    %add3A_0 = arith.addi %arg0, %add3A : i32
    %c0_i32 = arith.constant 0 : i32
    %c0_i32_1 = arith.constant 0 : i32
    return %add3A_0, %c0_i32, %arg1 : i32, i32, i32
  }
  func.func @transform_2(%arg0: i32, %arg1: i32) -> (i32, i32, i32) {
    %c0_i32 = arith.constant 0 : i32
    %c0_i32_0 = arith.constant 0 : i32
    return %arg0, %c0_i32, %arg1 : i32, i32, i32
  }
}

module attributes {stable_mosaic.version = 14 : i64} {
  func.func @_edge_body(%arg0: i32, %arg1: memref<4096x128xf32, #tpu.memory_space<vmem>>, %arg2: memref<128x64xf32, #tpu.memory_space<vmem>>, %arg3: memref<128x128xf32, #tpu.memory_space<vmem>>, %arg4: memref<64x32xf32, #tpu.memory_space<vmem>>, %arg5: memref<1x32xf32, #tpu.memory_space<vmem>>, %arg6: memref<32x128xf32, #tpu.memory_space<vmem>>, %arg7: memref<1x128xf32, #tpu.memory_space<vmem>>, %arg8: memref<128x64xf32, #tpu.memory_space<vmem>>, %arg9: memref<1x64xf32, #tpu.memory_space<vmem>>, %arg10: memref<64x32xf32, #tpu.memory_space<vmem>>, %arg11: memref<1x32xf32, #tpu.memory_space<vmem>>, %arg12: memref<32x128xf32, #tpu.memory_space<vmem>>, %arg13: memref<1x128xf32, #tpu.memory_space<vmem>>, %arg14: memref<128x128xf32, #tpu.memory_space<vmem>>, %arg15: memref<1x128xf32, #tpu.memory_space<vmem>>, %arg16: memref<128x128xf32, #tpu.memory_space<vmem>>, %arg17: memref<1x128xf32, #tpu.memory_space<vmem>>, %arg18: memref<128x128xf32, #tpu.memory_space<vmem>>, %arg19: memref<1x128xf32, #tpu.memory_space<vmem>>, %arg20: memref<128x128xf32, #tpu.memory_space<vmem>>, %arg21: memref<1x128xf32, #tpu.memory_space<vmem>>, %arg22: memref<128x8xf32, #tpu.memory_space<vmem>>, %arg23: memref<128x8xf32, #tpu.memory_space<vmem>>, %arg24: memref<1x8xf32, #tpu.memory_space<vmem>>, %arg25: memref<128x8xf32, #tpu.memory_space<vmem>>) attributes {dimension_semantics = [#tpu.dimension_semantics<arbitrary>], iteration_bounds = array<i64: 20>, scalar_prefetch = 0 : i64, scratch_operands = 0 : i64, tpu.core_type = #tpu.core_type<tc>, window_params = [{transform_indices = @transform_0, window_bounds = array<i64: 4096, 128>}, {transform_indices = @transform_1, window_bounds = array<i64: 128, 64>}, {transform_indices = @transform_2, window_bounds = array<i64: 128, 128>}, {pipeline_mode = #tpu.pipeline_mode<synchronous>, transform_indices = @transform_3, window_bounds = array<i64: 64, 32>}, {pipeline_mode = #tpu.pipeline_mode<synchronous>, transform_indices = @transform_4, window_bounds = array<i64: 1, 32>}, {pipeline_mode = #tpu.pipeline_mode<synchronous>, transform_indices = @transform_5, window_bounds = array<i64: 32, 128>}, {pipeline_mode = #tpu.pipeline_mode<synchronous>, transform_indices = @transform_6, window_bounds = array<i64: 1, 128>}, {pipeline_mode = #tpu.pipeline_mode<synchronous>, transform_indices = @transform_7, window_bounds = array<i64: 128, 64>}, {pipeline_mode = #tpu.pipeline_mode<synchronous>, transform_indices = @transform_8, window_bounds = array<i64: 1, 64>}, {pipeline_mode = #tpu.pipeline_mode<synchronous>, transform_indices = @transform_9, window_bounds = array<i64: 64, 32>}, {pipeline_mode = #tpu.pipeline_mode<synchronous>, transform_indices = @transform_10, window_bounds = array<i64: 1, 32>}, {pipeline_mode = #tpu.pipeline_mode<synchronous>, transform_indices = @transform_11, window_bounds = array<i64: 32, 128>}, {pipeline_mode = #tpu.pipeline_mode<synchronous>, transform_indices = @transform_12, window_bounds = array<i64: 1, 128>}, {pipeline_mode = #tpu.pipeline_mode<synchronous>, transform_indices = @transform_13, window_bounds = array<i64: 128, 128>}, {pipeline_mode = #tpu.pipeline_mode<synchronous>, transform_indices = @transform_14, window_bounds = array<i64: 1, 128>}, {pipeline_mode = #tpu.pipeline_mode<synchronous>, transform_indices = @transform_15, window_bounds = array<i64: 128, 128>}, {pipeline_mode = #tpu.pipeline_mode<synchronous>, transform_indices = @transform_16, window_bounds = array<i64: 1, 128>}, {pipeline_mode = #tpu.pipeline_mode<synchronous>, transform_indices = @transform_17, window_bounds = array<i64: 128, 128>}, {pipeline_mode = #tpu.pipeline_mode<synchronous>, transform_indices = @transform_18, window_bounds = array<i64: 1, 128>}, {pipeline_mode = #tpu.pipeline_mode<synchronous>, transform_indices = @transform_19, window_bounds = array<i64: 128, 128>}, {pipeline_mode = #tpu.pipeline_mode<synchronous>, transform_indices = @transform_20, window_bounds = array<i64: 1, 128>}, {pipeline_mode = #tpu.pipeline_mode<synchronous>, transform_indices = @transform_21, window_bounds = array<i64: 128, 8>}, {pipeline_mode = #tpu.pipeline_mode<synchronous>, transform_indices = @transform_22, window_bounds = array<i64: 128, 8>}, {pipeline_mode = #tpu.pipeline_mode<synchronous>, transform_indices = @transform_23, window_bounds = array<i64: 1, 8>}, {transform_indices = @transform_24, window_bounds = array<i64: 128, 8>}]} {
    %get3A = arith.constant 0 : index
    %get3A_0 = arith.constant 0 : index
    %get3A_1 = vector.load %arg1[%get3A, %get3A_0] : memref<4096x128xf32, #tpu.memory_space<vmem>>, vector<4096x128xf32>
    %slice3A = vector.extract_strided_slice %get3A_1 {offsets = [0, 0], sizes = [4096, 64], strides = [1, 1]} : vector<4096x128xf32> to vector<4096x64xf32>
    %get3A_2 = arith.constant 0 : index
    %get3A_3 = arith.constant 0 : index
    %get3A_4 = vector.load %arg2[%get3A_2, %get3A_3] : memref<128x64xf32, #tpu.memory_space<vmem>>, vector<128x64xf32>
    %broadcast_in_dim3A = vector.shape_cast %get3A_4 : vector<128x64xf32> to vector<128x1x64xf32>
    %broadcast_in_dim3A_5 = vector.shape_cast %broadcast_in_dim3A : vector<128x1x64xf32> to vector<128x1x64xf32>
    %broadcast_in_dim3A_6 = vector.broadcast %broadcast_in_dim3A_5 : vector<128x1x64xf32> to vector<128x32x64xf32>
    %reshape3A = vector.shape_cast %broadcast_in_dim3A_6 : vector<128x32x64xf32> to vector<4096x64xf32>
    %add3A = arith.addf %slice3A, %reshape3A : vector<4096x64xf32>
    %max3A = arith.constant 0.000000e+00 : f32
    %max3A_7 = vector.broadcast %max3A : f32 to vector<4096x64xf32>
    %max3A_8 = arith.maximumf %add3A, %max3A_7 : vector<4096x64xf32>
    %get3A_9 = arith.constant 0 : index
    %get3A_10 = arith.constant 0 : index
    %get3A_11 = vector.load %arg4[%get3A_9, %get3A_10] : memref<64x32xf32, #tpu.memory_space<vmem>>, vector<64x32xf32>
    %dot_general3A = arith.constant dense<0.000000e+00> : vector<4096x32xf32>
    %dot_general3A_12 = tpu.matmul %max3A_8, %get3A_11, %dot_general3A {dimension_numbers = #tpu.dot_dimension_numbers<[1], [0], [0], [1], [0, 0, 1, 1], [], []>, transpose_lhs_hint = false} : vector<4096x64xf32>, vector<64x32xf32>, vector<4096x32xf32> -> vector<4096x32xf32>
    %get3A_13 = arith.constant 0 : index
    %get3A_14 = arith.constant 0 : index
    %get3A_15 = vector.load %arg5[%get3A_13, %get3A_14] : memref<1x32xf32, #tpu.memory_space<vmem>>, vector<1x32xf32>
    %add3A_16 = vector.broadcast %get3A_15 : vector<1x32xf32> to vector<4096x32xf32>
    %add3A_17 = arith.addf %dot_general3A_12, %add3A_16 : vector<4096x32xf32>
    %max3A_18 = arith.constant 0.000000e+00 : f32
    %max3A_19 = vector.broadcast %max3A_18 : f32 to vector<4096x32xf32>
    %max3A_20 = arith.maximumf %add3A_17, %max3A_19 : vector<4096x32xf32>
    %get3A_21 = arith.constant 0 : index
    %get3A_22 = arith.constant 0 : index
    %get3A_23 = vector.load %arg6[%get3A_21, %get3A_22] : memref<32x128xf32, #tpu.memory_space<vmem>>, vector<32x128xf32>
    %dot_general3A_24 = arith.constant dense<0.000000e+00> : vector<4096x128xf32>
    %dot_general3A_25 = tpu.matmul %max3A_20, %get3A_23, %dot_general3A_24 {dimension_numbers = #tpu.dot_dimension_numbers<[1], [0], [0], [1], [0, 0, 1, 1], [], []>, transpose_lhs_hint = false} : vector<4096x32xf32>, vector<32x128xf32>, vector<4096x128xf32> -> vector<4096x128xf32>
    %get3A_26 = arith.constant 0 : index
    %get3A_27 = arith.constant 0 : index
    %get3A_28 = vector.load %arg7[%get3A_26, %get3A_27] : memref<1x128xf32, #tpu.memory_space<vmem>>, vector<1x128xf32>
    %add3A_29 = vector.broadcast %get3A_28 : vector<1x128xf32> to vector<4096x128xf32>
    %add3A_30 = arith.addf %dot_general3A_25, %add3A_29 : vector<4096x128xf32>
    %reshape3A_31 = vector.shape_cast %add3A_30 : vector<4096x128xf32> to vector<128x32x128xf32>
    %reduce_max3A = arith.constant dense<0xFF800000> : vector<128x128xf32>
    %reduce_max3A_32 = vector.multi_reduction <maximumf>, %reshape3A_31, %reduce_max3A [1] : vector<128x32x128xf32> to vector<128x128xf32>
    %get3A_33 = arith.constant 0 : index
    %get3A_34 = arith.constant 0 : index
    %get3A_35 = vector.load %arg8[%get3A_33, %get3A_34] : memref<128x64xf32, #tpu.memory_space<vmem>>, vector<128x64xf32>
    %dot_general3A_36 = arith.constant dense<0.000000e+00> : vector<128x64xf32>
    %dot_general3A_37 = tpu.matmul %reduce_max3A_32, %get3A_35, %dot_general3A_36 {dimension_numbers = #tpu.dot_dimension_numbers<[1], [0], [0], [1], [0, 0, 1, 1], [], []>, transpose_lhs_hint = false} : vector<128x128xf32>, vector<128x64xf32>, vector<128x64xf32> -> vector<128x64xf32>
    %get3A_38 = arith.constant 0 : index
    %get3A_39 = arith.constant 0 : index
    %get3A_40 = vector.load %arg9[%get3A_38, %get3A_39] : memref<1x64xf32, #tpu.memory_space<vmem>>, vector<1x64xf32>
    %add3A_41 = vector.broadcast %get3A_40 : vector<1x64xf32> to vector<128x64xf32>
    %add3A_42 = arith.addf %dot_general3A_37, %add3A_41 : vector<128x64xf32>
    %max3A_43 = arith.constant 0.000000e+00 : f32
    %max3A_44 = vector.broadcast %max3A_43 : f32 to vector<128x64xf32>
    %max3A_45 = arith.maximumf %add3A_42, %max3A_44 : vector<128x64xf32>
    %get3A_46 = arith.constant 0 : index
    %get3A_47 = arith.constant 0 : index
    %get3A_48 = vector.load %arg10[%get3A_46, %get3A_47] : memref<64x32xf32, #tpu.memory_space<vmem>>, vector<64x32xf32>
    %dot_general3A_49 = arith.constant dense<0.000000e+00> : vector<128x32xf32>
    %dot_general3A_50 = tpu.matmul %max3A_45, %get3A_48, %dot_general3A_49 {dimension_numbers = #tpu.dot_dimension_numbers<[1], [0], [0], [1], [0, 0, 1, 1], [], []>, transpose_lhs_hint = false} : vector<128x64xf32>, vector<64x32xf32>, vector<128x32xf32> -> vector<128x32xf32>
    %get3A_51 = arith.constant 0 : index
    %get3A_52 = arith.constant 0 : index
    %get3A_53 = vector.load %arg11[%get3A_51, %get3A_52] : memref<1x32xf32, #tpu.memory_space<vmem>>, vector<1x32xf32>
    %add3A_54 = vector.broadcast %get3A_53 : vector<1x32xf32> to vector<128x32xf32>
    %add3A_55 = arith.addf %dot_general3A_50, %add3A_54 : vector<128x32xf32>
    %max3A_56 = arith.constant 0.000000e+00 : f32
    %max3A_57 = vector.broadcast %max3A_56 : f32 to vector<128x32xf32>
    %max3A_58 = arith.maximumf %add3A_55, %max3A_57 : vector<128x32xf32>
    %get3A_59 = arith.constant 0 : index
    %get3A_60 = arith.constant 0 : index
    %get3A_61 = vector.load %arg3[%get3A_59, %get3A_60] : memref<128x128xf32, #tpu.memory_space<vmem>>, vector<128x128xf32>
    %get3A_62 = arith.constant 0 : index
    %get3A_63 = arith.constant 0 : index
    %get3A_64 = vector.load %arg12[%get3A_62, %get3A_63] : memref<32x128xf32, #tpu.memory_space<vmem>>, vector<32x128xf32>
    %dot_general3A_65 = arith.constant dense<0.000000e+00> : vector<128x128xf32>
    %dot_general3A_66 = tpu.matmul %max3A_58, %get3A_64, %dot_general3A_65 {dimension_numbers = #tpu.dot_dimension_numbers<[1], [0], [0], [1], [0, 0, 1, 1], [], []>, transpose_lhs_hint = false} : vector<128x32xf32>, vector<32x128xf32>, vector<128x128xf32> -> vector<128x128xf32>
    %add3A_67 = arith.addf %get3A_61, %dot_general3A_66 : vector<128x128xf32>
    %get3A_68 = arith.constant 0 : index
    %get3A_69 = arith.constant 0 : index
    %get3A_70 = vector.load %arg13[%get3A_68, %get3A_69] : memref<1x128xf32, #tpu.memory_space<vmem>>, vector<1x128xf32>
    %add3A_71 = vector.broadcast %get3A_70 : vector<1x128xf32> to vector<128x128xf32>
    %add3A_72 = arith.addf %add3A_67, %add3A_71 : vector<128x128xf32>
    %get3A_73 = arith.constant 0 : index
    %get3A_74 = arith.constant 0 : index
    %get3A_75 = vector.load %arg14[%get3A_73, %get3A_74] : memref<128x128xf32, #tpu.memory_space<vmem>>, vector<128x128xf32>
    %dot_general3A_76 = arith.constant dense<0.000000e+00> : vector<128x128xf32>
    %dot_general3A_77 = tpu.matmul %add3A_72, %get3A_75, %dot_general3A_76 {dimension_numbers = #tpu.dot_dimension_numbers<[1], [0], [0], [1], [0, 0, 1, 1], [], []>, transpose_lhs_hint = false} : vector<128x128xf32>, vector<128x128xf32>, vector<128x128xf32> -> vector<128x128xf32>
    %get3A_78 = arith.constant 0 : index
    %get3A_79 = arith.constant 0 : index
    %get3A_80 = vector.load %arg15[%get3A_78, %get3A_79] : memref<1x128xf32, #tpu.memory_space<vmem>>, vector<1x128xf32>
    %add3A_81 = vector.broadcast %get3A_80 : vector<1x128xf32> to vector<128x128xf32>
    %add3A_82 = arith.addf %dot_general3A_77, %add3A_81 : vector<128x128xf32>
    %reduce_sum3A = arith.constant dense<0.000000e+00> : vector<128xf32>
    %reduce_sum3A_83 = vector.multi_reduction <add>, %add3A_82, %reduce_sum3A [1] : vector<128x128xf32> to vector<128xf32>
    %broadcast_in_dim3A_84 = vector.shape_cast %reduce_sum3A_83 : vector<128xf32> to vector<128x1xf32>
    %div3A = arith.constant 1.280000e+02 : f32
    %div3A_85 = vector.broadcast %div3A : f32 to vector<128x1xf32>
    %div3A_86 = arith.divf %broadcast_in_dim3A_84, %div3A_85 : vector<128x1xf32>
    %sub3A = vector.broadcast %div3A_86 : vector<128x1xf32> to vector<128x128xf32>
    %sub3A_87 = arith.subf %add3A_82, %sub3A : vector<128x128xf32>
    %sub3A_88 = vector.broadcast %div3A_86 : vector<128x1xf32> to vector<128x128xf32>
    %sub3A_89 = arith.subf %add3A_82, %sub3A_88 : vector<128x128xf32>
    %mul3A = arith.mulf %sub3A_87, %sub3A_89 : vector<128x128xf32>
    %reduce_sum3A_90 = arith.constant dense<0.000000e+00> : vector<128xf32>
    %reduce_sum3A_91 = vector.multi_reduction <add>, %mul3A, %reduce_sum3A_90 [1] : vector<128x128xf32> to vector<128xf32>
    %broadcast_in_dim3A_92 = vector.shape_cast %reduce_sum3A_91 : vector<128xf32> to vector<128x1xf32>
    %div3A_93 = arith.constant 1.280000e+02 : f32
    %div3A_94 = vector.broadcast %div3A_93 : f32 to vector<128x1xf32>
    %div3A_95 = arith.divf %broadcast_in_dim3A_92, %div3A_94 : vector<128x1xf32>
    %sub3A_96 = vector.broadcast %div3A_86 : vector<128x1xf32> to vector<128x128xf32>
    %sub3A_97 = arith.subf %add3A_82, %sub3A_96 : vector<128x128xf32>
    %add3A_98 = arith.constant 9.99999974E-6 : f32
    %add3A_99 = vector.broadcast %add3A_98 : f32 to vector<128x1xf32>
    %add3A_100 = arith.addf %div3A_95, %add3A_99 : vector<128x1xf32>
    %sqrt3A = math.sqrt %add3A_100 : vector<128x1xf32>
    %div3A_101 = vector.broadcast %sqrt3A : vector<128x1xf32> to vector<128x128xf32>
    %div3A_102 = arith.divf %sub3A_97, %div3A_101 : vector<128x128xf32>
    %max3A_103 = arith.constant 0.000000e+00 : f32
    %max3A_104 = vector.broadcast %max3A_103 : f32 to vector<128x128xf32>
    %max3A_105 = arith.maximumf %div3A_102, %max3A_104 : vector<128x128xf32>
    %get3A_106 = arith.constant 0 : index
    %get3A_107 = arith.constant 0 : index
    %get3A_108 = vector.load %arg16[%get3A_106, %get3A_107] : memref<128x128xf32, #tpu.memory_space<vmem>>, vector<128x128xf32>
    %dot_general3A_109 = arith.constant dense<0.000000e+00> : vector<128x128xf32>
    %dot_general3A_110 = tpu.matmul %max3A_105, %get3A_108, %dot_general3A_109 {dimension_numbers = #tpu.dot_dimension_numbers<[1], [0], [0], [1], [0, 0, 1, 1], [], []>, transpose_lhs_hint = false} : vector<128x128xf32>, vector<128x128xf32>, vector<128x128xf32> -> vector<128x128xf32>
    %get3A_111 = arith.constant 0 : index
    %get3A_112 = arith.constant 0 : index
    %get3A_113 = vector.load %arg17[%get3A_111, %get3A_112] : memref<1x128xf32, #tpu.memory_space<vmem>>, vector<1x128xf32>
    %add3A_114 = vector.broadcast %get3A_113 : vector<1x128xf32> to vector<128x128xf32>
    %add3A_115 = arith.addf %dot_general3A_110, %add3A_114 : vector<128x128xf32>
    %reduce_sum3A_116 = arith.constant dense<0.000000e+00> : vector<128xf32>
    %reduce_sum3A_117 = vector.multi_reduction <add>, %add3A_115, %reduce_sum3A_116 [1] : vector<128x128xf32> to vector<128xf32>
    %broadcast_in_dim3A_118 = vector.shape_cast %reduce_sum3A_117 : vector<128xf32> to vector<128x1xf32>
    %div3A_119 = arith.constant 1.280000e+02 : f32
    %div3A_120 = vector.broadcast %div3A_119 : f32 to vector<128x1xf32>
    %div3A_121 = arith.divf %broadcast_in_dim3A_118, %div3A_120 : vector<128x1xf32>
    %sub3A_122 = vector.broadcast %div3A_121 : vector<128x1xf32> to vector<128x128xf32>
    %sub3A_123 = arith.subf %add3A_115, %sub3A_122 : vector<128x128xf32>
    %sub3A_124 = vector.broadcast %div3A_121 : vector<128x1xf32> to vector<128x128xf32>
    %sub3A_125 = arith.subf %add3A_115, %sub3A_124 : vector<128x128xf32>
    %mul3A_126 = arith.mulf %sub3A_123, %sub3A_125 : vector<128x128xf32>
    %reduce_sum3A_127 = arith.constant dense<0.000000e+00> : vector<128xf32>
    %reduce_sum3A_128 = vector.multi_reduction <add>, %mul3A_126, %reduce_sum3A_127 [1] : vector<128x128xf32> to vector<128xf32>
    %broadcast_in_dim3A_129 = vector.shape_cast %reduce_sum3A_128 : vector<128xf32> to vector<128x1xf32>
    %div3A_130 = arith.constant 1.280000e+02 : f32
    %div3A_131 = vector.broadcast %div3A_130 : f32 to vector<128x1xf32>
    %div3A_132 = arith.divf %broadcast_in_dim3A_129, %div3A_131 : vector<128x1xf32>
    %sub3A_133 = vector.broadcast %div3A_121 : vector<128x1xf32> to vector<128x128xf32>
    %sub3A_134 = arith.subf %add3A_115, %sub3A_133 : vector<128x128xf32>
    %add3A_135 = arith.constant 9.99999974E-6 : f32
    %add3A_136 = vector.broadcast %add3A_135 : f32 to vector<128x1xf32>
    %add3A_137 = arith.addf %div3A_132, %add3A_136 : vector<128x1xf32>
    %sqrt3A_138 = math.sqrt %add3A_137 : vector<128x1xf32>
    %div3A_139 = vector.broadcast %sqrt3A_138 : vector<128x1xf32> to vector<128x128xf32>
    %div3A_140 = arith.divf %sub3A_134, %div3A_139 : vector<128x128xf32>
    %max3A_141 = arith.constant 0.000000e+00 : f32
    %max3A_142 = vector.broadcast %max3A_141 : f32 to vector<128x128xf32>
    %max3A_143 = arith.maximumf %div3A_140, %max3A_142 : vector<128x128xf32>
    %get3A_144 = arith.constant 0 : index
    %get3A_145 = arith.constant 0 : index
    %get3A_146 = vector.load %arg18[%get3A_144, %get3A_145] : memref<128x128xf32, #tpu.memory_space<vmem>>, vector<128x128xf32>
    %dot_general3A_147 = arith.constant dense<0.000000e+00> : vector<128x128xf32>
    %dot_general3A_148 = tpu.matmul %add3A_72, %get3A_146, %dot_general3A_147 {dimension_numbers = #tpu.dot_dimension_numbers<[1], [0], [0], [1], [0, 0, 1, 1], [], []>, transpose_lhs_hint = false} : vector<128x128xf32>, vector<128x128xf32>, vector<128x128xf32> -> vector<128x128xf32>
    %get3A_149 = arith.constant 0 : index
    %get3A_150 = arith.constant 0 : index
    %get3A_151 = vector.load %arg19[%get3A_149, %get3A_150] : memref<1x128xf32, #tpu.memory_space<vmem>>, vector<1x128xf32>
    %add3A_152 = vector.broadcast %get3A_151 : vector<1x128xf32> to vector<128x128xf32>
    %add3A_153 = arith.addf %dot_general3A_148, %add3A_152 : vector<128x128xf32>
    %reduce_sum3A_154 = arith.constant dense<0.000000e+00> : vector<128xf32>
    %reduce_sum3A_155 = vector.multi_reduction <add>, %add3A_153, %reduce_sum3A_154 [1] : vector<128x128xf32> to vector<128xf32>
    %broadcast_in_dim3A_156 = vector.shape_cast %reduce_sum3A_155 : vector<128xf32> to vector<128x1xf32>
    %div3A_157 = arith.constant 1.280000e+02 : f32
    %div3A_158 = vector.broadcast %div3A_157 : f32 to vector<128x1xf32>
    %div3A_159 = arith.divf %broadcast_in_dim3A_156, %div3A_158 : vector<128x1xf32>
    %sub3A_160 = vector.broadcast %div3A_159 : vector<128x1xf32> to vector<128x128xf32>
    %sub3A_161 = arith.subf %add3A_153, %sub3A_160 : vector<128x128xf32>
    %sub3A_162 = vector.broadcast %div3A_159 : vector<128x1xf32> to vector<128x128xf32>
    %sub3A_163 = arith.subf %add3A_153, %sub3A_162 : vector<128x128xf32>
    %mul3A_164 = arith.mulf %sub3A_161, %sub3A_163 : vector<128x128xf32>
    %reduce_sum3A_165 = arith.constant dense<0.000000e+00> : vector<128xf32>
    %reduce_sum3A_166 = vector.multi_reduction <add>, %mul3A_164, %reduce_sum3A_165 [1] : vector<128x128xf32> to vector<128xf32>
    %broadcast_in_dim3A_167 = vector.shape_cast %reduce_sum3A_166 : vector<128xf32> to vector<128x1xf32>
    %div3A_168 = arith.constant 1.280000e+02 : f32
    %div3A_169 = vector.broadcast %div3A_168 : f32 to vector<128x1xf32>
    %div3A_170 = arith.divf %broadcast_in_dim3A_167, %div3A_169 : vector<128x1xf32>
    %sub3A_171 = vector.broadcast %div3A_159 : vector<128x1xf32> to vector<128x128xf32>
    %sub3A_172 = arith.subf %add3A_153, %sub3A_171 : vector<128x128xf32>
    %add3A_173 = arith.constant 9.99999974E-6 : f32
    %add3A_174 = vector.broadcast %add3A_173 : f32 to vector<128x1xf32>
    %add3A_175 = arith.addf %div3A_170, %add3A_174 : vector<128x1xf32>
    %sqrt3A_176 = math.sqrt %add3A_175 : vector<128x1xf32>
    %div3A_177 = vector.broadcast %sqrt3A_176 : vector<128x1xf32> to vector<128x128xf32>
    %div3A_178 = arith.divf %sub3A_172, %div3A_177 : vector<128x128xf32>
    %max3A_179 = arith.constant 0.000000e+00 : f32
    %max3A_180 = vector.broadcast %max3A_179 : f32 to vector<128x128xf32>
    %max3A_181 = arith.maximumf %div3A_178, %max3A_180 : vector<128x128xf32>
    %get3A_182 = arith.constant 0 : index
    %get3A_183 = arith.constant 0 : index
    %get3A_184 = vector.load %arg20[%get3A_182, %get3A_183] : memref<128x128xf32, #tpu.memory_space<vmem>>, vector<128x128xf32>
    %dot_general3A_185 = arith.constant dense<0.000000e+00> : vector<128x128xf32>
    %dot_general3A_186 = tpu.matmul %max3A_181, %get3A_184, %dot_general3A_185 {dimension_numbers = #tpu.dot_dimension_numbers<[1], [0], [0], [1], [0, 0, 1, 1], [], []>, transpose_lhs_hint = false} : vector<128x128xf32>, vector<128x128xf32>, vector<128x128xf32> -> vector<128x128xf32>
    %get3A_187 = arith.constant 0 : index
    %get3A_188 = arith.constant 0 : index
    %get3A_189 = vector.load %arg21[%get3A_187, %get3A_188] : memref<1x128xf32, #tpu.memory_space<vmem>>, vector<1x128xf32>
    %add3A_190 = vector.broadcast %get3A_189 : vector<1x128xf32> to vector<128x128xf32>
    %add3A_191 = arith.addf %dot_general3A_186, %add3A_190 : vector<128x128xf32>
    %reduce_sum3A_192 = arith.constant dense<0.000000e+00> : vector<128xf32>
    %reduce_sum3A_193 = vector.multi_reduction <add>, %add3A_191, %reduce_sum3A_192 [1] : vector<128x128xf32> to vector<128xf32>
    %broadcast_in_dim3A_194 = vector.shape_cast %reduce_sum3A_193 : vector<128xf32> to vector<128x1xf32>
    %div3A_195 = arith.constant 1.280000e+02 : f32
    %div3A_196 = vector.broadcast %div3A_195 : f32 to vector<128x1xf32>
    %div3A_197 = arith.divf %broadcast_in_dim3A_194, %div3A_196 : vector<128x1xf32>
    %sub3A_198 = vector.broadcast %div3A_197 : vector<128x1xf32> to vector<128x128xf32>
    %sub3A_199 = arith.subf %add3A_191, %sub3A_198 : vector<128x128xf32>
    %sub3A_200 = vector.broadcast %div3A_197 : vector<128x1xf32> to vector<128x128xf32>
    %sub3A_201 = arith.subf %add3A_191, %sub3A_200 : vector<128x128xf32>
    %mul3A_202 = arith.mulf %sub3A_199, %sub3A_201 : vector<128x128xf32>
    %reduce_sum3A_203 = arith.constant dense<0.000000e+00> : vector<128xf32>
    %reduce_sum3A_204 = vector.multi_reduction <add>, %mul3A_202, %reduce_sum3A_203 [1] : vector<128x128xf32> to vector<128xf32>
    %broadcast_in_dim3A_205 = vector.shape_cast %reduce_sum3A_204 : vector<128xf32> to vector<128x1xf32>
    %div3A_206 = arith.constant 1.280000e+02 : f32
    %div3A_207 = vector.broadcast %div3A_206 : f32 to vector<128x1xf32>
    %div3A_208 = arith.divf %broadcast_in_dim3A_205, %div3A_207 : vector<128x1xf32>
    %sub3A_209 = vector.broadcast %div3A_197 : vector<128x1xf32> to vector<128x128xf32>
    %sub3A_210 = arith.subf %add3A_191, %sub3A_209 : vector<128x128xf32>
    %add3A_211 = arith.constant 9.99999974E-6 : f32
    %add3A_212 = vector.broadcast %add3A_211 : f32 to vector<128x1xf32>
    %add3A_213 = arith.addf %div3A_208, %add3A_212 : vector<128x1xf32>
    %sqrt3A_214 = math.sqrt %add3A_213 : vector<128x1xf32>
    %div3A_215 = vector.broadcast %sqrt3A_214 : vector<128x1xf32> to vector<128x128xf32>
    %div3A_216 = arith.divf %sub3A_210, %div3A_215 : vector<128x128xf32>
    %max3A_217 = arith.constant 0.000000e+00 : f32
    %max3A_218 = vector.broadcast %max3A_217 : f32 to vector<128x128xf32>
    %max3A_219 = arith.maximumf %div3A_216, %max3A_218 : vector<128x128xf32>
    %get3A_220 = arith.constant 0 : index
    %get3A_221 = arith.constant 0 : index
    %get3A_222 = vector.load %arg22[%get3A_220, %get3A_221] : memref<128x8xf32, #tpu.memory_space<vmem>>, vector<128x8xf32>
    %dot_general3A_223 = arith.constant dense<0.000000e+00> : vector<128x8xf32>
    %dot_general3A_224 = tpu.matmul %max3A_143, %get3A_222, %dot_general3A_223 {dimension_numbers = #tpu.dot_dimension_numbers<[1], [0], [0], [1], [0, 0, 1, 1], [], []>, transpose_lhs_hint = false} : vector<128x128xf32>, vector<128x8xf32>, vector<128x8xf32> -> vector<128x8xf32>
    %get3A_225 = arith.constant 0 : index
    %get3A_226 = arith.constant 0 : index
    %get3A_227 = vector.load %arg23[%get3A_225, %get3A_226] : memref<128x8xf32, #tpu.memory_space<vmem>>, vector<128x8xf32>
    %dot_general3A_228 = arith.constant dense<0.000000e+00> : vector<128x8xf32>
    %dot_general3A_229 = tpu.matmul %max3A_219, %get3A_227, %dot_general3A_228 {dimension_numbers = #tpu.dot_dimension_numbers<[1], [0], [0], [1], [0, 0, 1, 1], [], []>, transpose_lhs_hint = false} : vector<128x128xf32>, vector<128x8xf32>, vector<128x8xf32> -> vector<128x8xf32>
    %add3A_230 = arith.addf %dot_general3A_224, %dot_general3A_229 : vector<128x8xf32>
    %get3A_231 = arith.constant 0 : index
    %get3A_232 = arith.constant 0 : index
    %get3A_233 = vector.load %arg24[%get3A_231, %get3A_232] : memref<1x8xf32, #tpu.memory_space<vmem>>, vector<1x8xf32>
    %add3A_234 = vector.broadcast %get3A_233 : vector<1x8xf32> to vector<128x8xf32>
    %add3A_235 = arith.addf %add3A_230, %add3A_234 : vector<128x8xf32>
    %swap3A = arith.constant 0 : index
    %swap3A_236 = arith.constant 0 : index
    %swap3A_237 = vector.load %arg25[%swap3A, %swap3A_236] : memref<128x8xf32, #tpu.memory_space<vmem>>, vector<128x8xf32>
    tpu.vector_store %arg25[%swap3A, %swap3A_236], %add3A_235 {strides = array<i32>} : memref<128x8xf32, #tpu.memory_space<vmem>>, vector<128x8xf32>,
    return
  }
  func.func @transform_0(%arg0: i32) -> (i32, i32) {
    %c0_i32 = arith.constant 0 : i32
    %c0_i32_0 = arith.constant 0 : i32
    return %arg0, %c0_i32 : i32, i32
  }
  func.func @transform_1(%arg0: i32) -> (i32, i32) {
    %add3A = arith.constant 60 : i32
    %add3A_0 = arith.addi %arg0, %add3A : i32
    %c0_i32 = arith.constant 0 : i32
    %c0_i32_1 = arith.constant 0 : i32
    return %add3A_0, %c0_i32 : i32, i32
  }
  func.func @transform_2(%arg0: i32) -> (i32, i32) {
    %add3A = arith.constant 60 : i32
    %add3A_0 = arith.addi %arg0, %add3A : i32
    %c0_i32 = arith.constant 0 : i32
    %c0_i32_1 = arith.constant 0 : i32
    return %add3A_0, %c0_i32 : i32, i32
  }
  func.func @transform_3(%arg0: i32) -> (i32, i32) {
    %c0_i32 = arith.constant 0 : i32
    %c0_i32_0 = arith.constant 0 : i32
    %c0_i32_1 = arith.constant 0 : i32
    return %c0_i32, %c0_i32_0 : i32, i32
  }
  func.func @transform_4(%arg0: i32) -> (i32, i32) {
    %c0_i32 = arith.constant 0 : i32
    %c0_i32_0 = arith.constant 0 : i32
    %c0_i32_1 = arith.constant 0 : i32
    return %c0_i32, %c0_i32_0 : i32, i32
  }
  func.func @transform_5(%arg0: i32) -> (i32, i32) {
    %c0_i32 = arith.constant 0 : i32
    %c0_i32_0 = arith.constant 0 : i32
    %c0_i32_1 = arith.constant 0 : i32
    return %c0_i32, %c0_i32_0 : i32, i32
  }
  func.func @transform_6(%arg0: i32) -> (i32, i32) {
    %c0_i32 = arith.constant 0 : i32
    %c0_i32_0 = arith.constant 0 : i32
    %c0_i32_1 = arith.constant 0 : i32
    return %c0_i32, %c0_i32_0 : i32, i32
  }
  func.func @transform_7(%arg0: i32) -> (i32, i32) {
    %c0_i32 = arith.constant 0 : i32
    %c0_i32_0 = arith.constant 0 : i32
    %c0_i32_1 = arith.constant 0 : i32
    return %c0_i32, %c0_i32_0 : i32, i32
  }
  func.func @transform_8(%arg0: i32) -> (i32, i32) {
    %c0_i32 = arith.constant 0 : i32
    %c0_i32_0 = arith.constant 0 : i32
    %c0_i32_1 = arith.constant 0 : i32
    return %c0_i32, %c0_i32_0 : i32, i32
  }
  func.func @transform_9(%arg0: i32) -> (i32, i32) {
    %c0_i32 = arith.constant 0 : i32
    %c0_i32_0 = arith.constant 0 : i32
    %c0_i32_1 = arith.constant 0 : i32
    return %c0_i32, %c0_i32_0 : i32, i32
  }
  func.func @transform_10(%arg0: i32) -> (i32, i32) {
    %c0_i32 = arith.constant 0 : i32
    %c0_i32_0 = arith.constant 0 : i32
    %c0_i32_1 = arith.constant 0 : i32
    return %c0_i32, %c0_i32_0 : i32, i32
  }
  func.func @transform_11(%arg0: i32) -> (i32, i32) {
    %c0_i32 = arith.constant 0 : i32
    %c0_i32_0 = arith.constant 0 : i32
    %c0_i32_1 = arith.constant 0 : i32
    return %c0_i32, %c0_i32_0 : i32, i32
  }
  func.func @transform_12(%arg0: i32) -> (i32, i32) {
    %c0_i32 = arith.constant 0 : i32
    %c0_i32_0 = arith.constant 0 : i32
    %c0_i32_1 = arith.constant 0 : i32
    return %c0_i32, %c0_i32_0 : i32, i32
  }
  func.func @transform_13(%arg0: i32) -> (i32, i32) {
    %c0_i32 = arith.constant 0 : i32
    %c0_i32_0 = arith.constant 0 : i32
    %c0_i32_1 = arith.constant 0 : i32
    return %c0_i32, %c0_i32_0 : i32, i32
  }
  func.func @transform_14(%arg0: i32) -> (i32, i32) {
    %c0_i32 = arith.constant 0 : i32
    %c0_i32_0 = arith.constant 0 : i32
    %c0_i32_1 = arith.constant 0 : i32
    return %c0_i32, %c0_i32_0 : i32, i32
  }
  func.func @transform_15(%arg0: i32) -> (i32, i32) {
    %c0_i32 = arith.constant 0 : i32
    %c0_i32_0 = arith.constant 0 : i32
    %c0_i32_1 = arith.constant 0 : i32
    return %c0_i32, %c0_i32_0 : i32, i32
  }
  func.func @transform_16(%arg0: i32) -> (i32, i32) {
    %c0_i32 = arith.constant 0 : i32
    %c0_i32_0 = arith.constant 0 : i32
    %c0_i32_1 = arith.constant 0 : i32
    return %c0_i32, %c0_i32_0 : i32, i32
  }
  func.func @transform_17(%arg0: i32) -> (i32, i32) {
    %c0_i32 = arith.constant 0 : i32
    %c0_i32_0 = arith.constant 0 : i32
    %c0_i32_1 = arith.constant 0 : i32
    return %c0_i32, %c0_i32_0 : i32, i32
  }
  func.func @transform_18(%arg0: i32) -> (i32, i32) {
    %c0_i32 = arith.constant 0 : i32
    %c0_i32_0 = arith.constant 0 : i32
    %c0_i32_1 = arith.constant 0 : i32
    return %c0_i32, %c0_i32_0 : i32, i32
  }
  func.func @transform_19(%arg0: i32) -> (i32, i32) {
    %c0_i32 = arith.constant 0 : i32
    %c0_i32_0 = arith.constant 0 : i32
    %c0_i32_1 = arith.constant 0 : i32
    return %c0_i32, %c0_i32_0 : i32, i32
  }
  func.func @transform_20(%arg0: i32) -> (i32, i32) {
    %c0_i32 = arith.constant 0 : i32
    %c0_i32_0 = arith.constant 0 : i32
    %c0_i32_1 = arith.constant 0 : i32
    return %c0_i32, %c0_i32_0 : i32, i32
  }
  func.func @transform_21(%arg0: i32) -> (i32, i32) {
    %c0_i32 = arith.constant 0 : i32
    %c0_i32_0 = arith.constant 0 : i32
    %c0_i32_1 = arith.constant 0 : i32
    return %c0_i32, %c0_i32_0 : i32, i32
  }
  func.func @transform_22(%arg0: i32) -> (i32, i32) {
    %c0_i32 = arith.constant 0 : i32
    %c0_i32_0 = arith.constant 0 : i32
    %c0_i32_1 = arith.constant 0 : i32
    return %c0_i32, %c0_i32_0 : i32, i32
  }
  func.func @transform_23(%arg0: i32) -> (i32, i32) {
    %c0_i32 = arith.constant 0 : i32
    %c0_i32_0 = arith.constant 0 : i32
    %c0_i32_1 = arith.constant 0 : i32
    return %c0_i32, %c0_i32_0 : i32, i32
  }
  func.func @transform_24(%arg0: i32) -> (i32, i32) {
    %c0_i32 = arith.constant 0 : i32
    %c0_i32_0 = arith.constant 0 : i32
    return %arg0, %c0_i32 : i32, i32
  }
}

module attributes {stable_mosaic.version = 14 : i64} {
  func.func @_edge_body(%arg0: i32, %arg1: memref<4096x128xf32, #tpu.memory_space<vmem>>, %arg2: memref<128x64xf32, #tpu.memory_space<vmem>>, %arg3: memref<128x128xf32, #tpu.memory_space<vmem>>, %arg4: memref<64x32xf32, #tpu.memory_space<vmem>>, %arg5: memref<1x32xf32, #tpu.memory_space<vmem>>, %arg6: memref<32x128xf32, #tpu.memory_space<vmem>>, %arg7: memref<1x128xf32, #tpu.memory_space<vmem>>, %arg8: memref<128x64xf32, #tpu.memory_space<vmem>>, %arg9: memref<1x64xf32, #tpu.memory_space<vmem>>, %arg10: memref<64x32xf32, #tpu.memory_space<vmem>>, %arg11: memref<1x32xf32, #tpu.memory_space<vmem>>, %arg12: memref<32x128xf32, #tpu.memory_space<vmem>>, %arg13: memref<1x128xf32, #tpu.memory_space<vmem>>, %arg14: memref<128x128xf32, #tpu.memory_space<vmem>>, %arg15: memref<1x128xf32, #tpu.memory_space<vmem>>, %arg16: memref<128x128xf32, #tpu.memory_space<vmem>>, %arg17: memref<1x128xf32, #tpu.memory_space<vmem>>, %arg18: memref<128x128xf32, #tpu.memory_space<vmem>>, %arg19: memref<1x128xf32, #tpu.memory_space<vmem>>, %arg20: memref<128x128xf32, #tpu.memory_space<vmem>>, %arg21: memref<1x128xf32, #tpu.memory_space<vmem>>, %arg22: memref<128x8xf32, #tpu.memory_space<vmem>>, %arg23: memref<128x8xf32, #tpu.memory_space<vmem>>, %arg24: memref<1x8xf32, #tpu.memory_space<vmem>>, %arg25: memref<128x8xf32, #tpu.memory_space<vmem>>) attributes {dimension_semantics = [#tpu.dimension_semantics<arbitrary>], iteration_bounds = array<i64: 20>, scalar_prefetch = 0 : i64, scratch_operands = 0 : i64, tpu.core_type = #tpu.core_type<tc>, window_params = [{transform_indices = @transform_0, window_bounds = array<i64: 4096, 128>}, {transform_indices = @transform_1, window_bounds = array<i64: 128, 64>}, {transform_indices = @transform_2, window_bounds = array<i64: 128, 128>}, {pipeline_mode = #tpu.pipeline_mode<synchronous>, transform_indices = @transform_3, window_bounds = array<i64: 64, 32>}, {pipeline_mode = #tpu.pipeline_mode<synchronous>, transform_indices = @transform_4, window_bounds = array<i64: 1, 32>}, {pipeline_mode = #tpu.pipeline_mode<synchronous>, transform_indices = @transform_5, window_bounds = array<i64: 32, 128>}, {pipeline_mode = #tpu.pipeline_mode<synchronous>, transform_indices = @transform_6, window_bounds = array<i64: 1, 128>}, {pipeline_mode = #tpu.pipeline_mode<synchronous>, transform_indices = @transform_7, window_bounds = array<i64: 128, 64>}, {pipeline_mode = #tpu.pipeline_mode<synchronous>, transform_indices = @transform_8, window_bounds = array<i64: 1, 64>}, {pipeline_mode = #tpu.pipeline_mode<synchronous>, transform_indices = @transform_9, window_bounds = array<i64: 64, 32>}, {pipeline_mode = #tpu.pipeline_mode<synchronous>, transform_indices = @transform_10, window_bounds = array<i64: 1, 32>}, {pipeline_mode = #tpu.pipeline_mode<synchronous>, transform_indices = @transform_11, window_bounds = array<i64: 32, 128>}, {pipeline_mode = #tpu.pipeline_mode<synchronous>, transform_indices = @transform_12, window_bounds = array<i64: 1, 128>}, {pipeline_mode = #tpu.pipeline_mode<synchronous>, transform_indices = @transform_13, window_bounds = array<i64: 128, 128>}, {pipeline_mode = #tpu.pipeline_mode<synchronous>, transform_indices = @transform_14, window_bounds = array<i64: 1, 128>}, {pipeline_mode = #tpu.pipeline_mode<synchronous>, transform_indices = @transform_15, window_bounds = array<i64: 128, 128>}, {pipeline_mode = #tpu.pipeline_mode<synchronous>, transform_indices = @transform_16, window_bounds = array<i64: 1, 128>}, {pipeline_mode = #tpu.pipeline_mode<synchronous>, transform_indices = @transform_17, window_bounds = array<i64: 128, 128>}, {pipeline_mode = #tpu.pipeline_mode<synchronous>, transform_indices = @transform_18, window_bounds = array<i64: 1, 128>}, {pipeline_mode = #tpu.pipeline_mode<synchronous>, transform_indices = @transform_19, window_bounds = array<i64: 128, 128>}, {pipeline_mode = #tpu.pipeline_mode<synchronous>, transform_indices = @transform_20, window_bounds = array<i64: 1, 128>}, {pipeline_mode = #tpu.pipeline_mode<synchronous>, transform_indices = @transform_21, window_bounds = array<i64: 128, 8>}, {pipeline_mode = #tpu.pipeline_mode<synchronous>, transform_indices = @transform_22, window_bounds = array<i64: 128, 8>}, {pipeline_mode = #tpu.pipeline_mode<synchronous>, transform_indices = @transform_23, window_bounds = array<i64: 1, 8>}, {transform_indices = @transform_24, window_bounds = array<i64: 128, 8>}]} {
    %get3A = arith.constant 0 : index
    %get3A_0 = arith.constant 0 : index
    %get3A_1 = vector.load %arg1[%get3A, %get3A_0] : memref<4096x128xf32, #tpu.memory_space<vmem>>, vector<4096x128xf32>
    %slice3A = vector.extract_strided_slice %get3A_1 {offsets = [0, 0], sizes = [4096, 64], strides = [1, 1]} : vector<4096x128xf32> to vector<4096x64xf32>
    %get3A_2 = arith.constant 0 : index
    %get3A_3 = arith.constant 0 : index
    %get3A_4 = vector.load %arg2[%get3A_2, %get3A_3] : memref<128x64xf32, #tpu.memory_space<vmem>>, vector<128x64xf32>
    %broadcast_in_dim3A = vector.shape_cast %get3A_4 : vector<128x64xf32> to vector<128x1x64xf32>
    %broadcast_in_dim3A_5 = vector.shape_cast %broadcast_in_dim3A : vector<128x1x64xf32> to vector<128x1x64xf32>
    %broadcast_in_dim3A_6 = vector.broadcast %broadcast_in_dim3A_5 : vector<128x1x64xf32> to vector<128x32x64xf32>
    %reshape3A = vector.shape_cast %broadcast_in_dim3A_6 : vector<128x32x64xf32> to vector<4096x64xf32>
    %add3A = arith.addf %slice3A, %reshape3A : vector<4096x64xf32>
    %max3A = arith.constant 0.000000e+00 : f32
    %max3A_7 = vector.broadcast %max3A : f32 to vector<4096x64xf32>
    %max3A_8 = arith.maximumf %add3A, %max3A_7 : vector<4096x64xf32>
    %get3A_9 = arith.constant 0 : index
    %get3A_10 = arith.constant 0 : index
    %get3A_11 = vector.load %arg4[%get3A_9, %get3A_10] : memref<64x32xf32, #tpu.memory_space<vmem>>, vector<64x32xf32>
    %dot_general3A = arith.constant dense<0.000000e+00> : vector<4096x32xf32>
    %dot_general3A_12 = tpu.matmul %max3A_8, %get3A_11, %dot_general3A {dimension_numbers = #tpu.dot_dimension_numbers<[1], [0], [0], [1], [0, 0, 1, 1], [], []>, transpose_lhs_hint = false} : vector<4096x64xf32>, vector<64x32xf32>, vector<4096x32xf32> -> vector<4096x32xf32>
    %get3A_13 = arith.constant 0 : index
    %get3A_14 = arith.constant 0 : index
    %get3A_15 = vector.load %arg5[%get3A_13, %get3A_14] : memref<1x32xf32, #tpu.memory_space<vmem>>, vector<1x32xf32>
    %add3A_16 = vector.broadcast %get3A_15 : vector<1x32xf32> to vector<4096x32xf32>
    %add3A_17 = arith.addf %dot_general3A_12, %add3A_16 : vector<4096x32xf32>
    %max3A_18 = arith.constant 0.000000e+00 : f32
    %max3A_19 = vector.broadcast %max3A_18 : f32 to vector<4096x32xf32>
    %max3A_20 = arith.maximumf %add3A_17, %max3A_19 : vector<4096x32xf32>
    %get3A_21 = arith.constant 0 : index
    %get3A_22 = arith.constant 0 : index
    %get3A_23 = vector.load %arg6[%get3A_21, %get3A_22] : memref<32x128xf32, #tpu.memory_space<vmem>>, vector<32x128xf32>
    %dot_general3A_24 = arith.constant dense<0.000000e+00> : vector<4096x128xf32>
    %dot_general3A_25 = tpu.matmul %max3A_20, %get3A_23, %dot_general3A_24 {dimension_numbers = #tpu.dot_dimension_numbers<[1], [0], [0], [1], [0, 0, 1, 1], [], []>, transpose_lhs_hint = false} : vector<4096x32xf32>, vector<32x128xf32>, vector<4096x128xf32> -> vector<4096x128xf32>
    %get3A_26 = arith.constant 0 : index
    %get3A_27 = arith.constant 0 : index
    %get3A_28 = vector.load %arg7[%get3A_26, %get3A_27] : memref<1x128xf32, #tpu.memory_space<vmem>>, vector<1x128xf32>
    %add3A_29 = vector.broadcast %get3A_28 : vector<1x128xf32> to vector<4096x128xf32>
    %add3A_30 = arith.addf %dot_general3A_25, %add3A_29 : vector<4096x128xf32>
    %reshape3A_31 = vector.shape_cast %add3A_30 : vector<4096x128xf32> to vector<128x32x128xf32>
    %reduce_max3A = arith.constant dense<0xFF800000> : vector<128x128xf32>
    %reduce_max3A_32 = vector.multi_reduction <maximumf>, %reshape3A_31, %reduce_max3A [1] : vector<128x32x128xf32> to vector<128x128xf32>
    %get3A_33 = arith.constant 0 : index
    %get3A_34 = arith.constant 0 : index
    %get3A_35 = vector.load %arg8[%get3A_33, %get3A_34] : memref<128x64xf32, #tpu.memory_space<vmem>>, vector<128x64xf32>
    %dot_general3A_36 = arith.constant dense<0.000000e+00> : vector<128x64xf32>
    %dot_general3A_37 = tpu.matmul %reduce_max3A_32, %get3A_35, %dot_general3A_36 {dimension_numbers = #tpu.dot_dimension_numbers<[1], [0], [0], [1], [0, 0, 1, 1], [], []>, transpose_lhs_hint = false} : vector<128x128xf32>, vector<128x64xf32>, vector<128x64xf32> -> vector<128x64xf32>
    %get3A_38 = arith.constant 0 : index
    %get3A_39 = arith.constant 0 : index
    %get3A_40 = vector.load %arg9[%get3A_38, %get3A_39] : memref<1x64xf32, #tpu.memory_space<vmem>>, vector<1x64xf32>
    %add3A_41 = vector.broadcast %get3A_40 : vector<1x64xf32> to vector<128x64xf32>
    %add3A_42 = arith.addf %dot_general3A_37, %add3A_41 : vector<128x64xf32>
    %max3A_43 = arith.constant 0.000000e+00 : f32
    %max3A_44 = vector.broadcast %max3A_43 : f32 to vector<128x64xf32>
    %max3A_45 = arith.maximumf %add3A_42, %max3A_44 : vector<128x64xf32>
    %get3A_46 = arith.constant 0 : index
    %get3A_47 = arith.constant 0 : index
    %get3A_48 = vector.load %arg10[%get3A_46, %get3A_47] : memref<64x32xf32, #tpu.memory_space<vmem>>, vector<64x32xf32>
    %dot_general3A_49 = arith.constant dense<0.000000e+00> : vector<128x32xf32>
    %dot_general3A_50 = tpu.matmul %max3A_45, %get3A_48, %dot_general3A_49 {dimension_numbers = #tpu.dot_dimension_numbers<[1], [0], [0], [1], [0, 0, 1, 1], [], []>, transpose_lhs_hint = false} : vector<128x64xf32>, vector<64x32xf32>, vector<128x32xf32> -> vector<128x32xf32>
    %get3A_51 = arith.constant 0 : index
    %get3A_52 = arith.constant 0 : index
    %get3A_53 = vector.load %arg11[%get3A_51, %get3A_52] : memref<1x32xf32, #tpu.memory_space<vmem>>, vector<1x32xf32>
    %add3A_54 = vector.broadcast %get3A_53 : vector<1x32xf32> to vector<128x32xf32>
    %add3A_55 = arith.addf %dot_general3A_50, %add3A_54 : vector<128x32xf32>
    %max3A_56 = arith.constant 0.000000e+00 : f32
    %max3A_57 = vector.broadcast %max3A_56 : f32 to vector<128x32xf32>
    %max3A_58 = arith.maximumf %add3A_55, %max3A_57 : vector<128x32xf32>
    %get3A_59 = arith.constant 0 : index
    %get3A_60 = arith.constant 0 : index
    %get3A_61 = vector.load %arg3[%get3A_59, %get3A_60] : memref<128x128xf32, #tpu.memory_space<vmem>>, vector<128x128xf32>
    %get3A_62 = arith.constant 0 : index
    %get3A_63 = arith.constant 0 : index
    %get3A_64 = vector.load %arg12[%get3A_62, %get3A_63] : memref<32x128xf32, #tpu.memory_space<vmem>>, vector<32x128xf32>
    %dot_general3A_65 = arith.constant dense<0.000000e+00> : vector<128x128xf32>
    %dot_general3A_66 = tpu.matmul %max3A_58, %get3A_64, %dot_general3A_65 {dimension_numbers = #tpu.dot_dimension_numbers<[1], [0], [0], [1], [0, 0, 1, 1], [], []>, transpose_lhs_hint = false} : vector<128x32xf32>, vector<32x128xf32>, vector<128x128xf32> -> vector<128x128xf32>
    %add3A_67 = arith.addf %get3A_61, %dot_general3A_66 : vector<128x128xf32>
    %get3A_68 = arith.constant 0 : index
    %get3A_69 = arith.constant 0 : index
    %get3A_70 = vector.load %arg13[%get3A_68, %get3A_69] : memref<1x128xf32, #tpu.memory_space<vmem>>, vector<1x128xf32>
    %add3A_71 = vector.broadcast %get3A_70 : vector<1x128xf32> to vector<128x128xf32>
    %add3A_72 = arith.addf %add3A_67, %add3A_71 : vector<128x128xf32>
    %get3A_73 = arith.constant 0 : index
    %get3A_74 = arith.constant 0 : index
    %get3A_75 = vector.load %arg14[%get3A_73, %get3A_74] : memref<128x128xf32, #tpu.memory_space<vmem>>, vector<128x128xf32>
    %dot_general3A_76 = arith.constant dense<0.000000e+00> : vector<128x128xf32>
    %dot_general3A_77 = tpu.matmul %add3A_72, %get3A_75, %dot_general3A_76 {dimension_numbers = #tpu.dot_dimension_numbers<[1], [0], [0], [1], [0, 0, 1, 1], [], []>, transpose_lhs_hint = false} : vector<128x128xf32>, vector<128x128xf32>, vector<128x128xf32> -> vector<128x128xf32>
    %get3A_78 = arith.constant 0 : index
    %get3A_79 = arith.constant 0 : index
    %get3A_80 = vector.load %arg15[%get3A_78, %get3A_79] : memref<1x128xf32, #tpu.memory_space<vmem>>, vector<1x128xf32>
    %add3A_81 = vector.broadcast %get3A_80 : vector<1x128xf32> to vector<128x128xf32>
    %add3A_82 = arith.addf %dot_general3A_77, %add3A_81 : vector<128x128xf32>
    %reduce_sum3A = arith.constant dense<0.000000e+00> : vector<128xf32>
    %reduce_sum3A_83 = vector.multi_reduction <add>, %add3A_82, %reduce_sum3A [1] : vector<128x128xf32> to vector<128xf32>
    %broadcast_in_dim3A_84 = vector.shape_cast %reduce_sum3A_83 : vector<128xf32> to vector<128x1xf32>
    %div3A = arith.constant 1.280000e+02 : f32
    %div3A_85 = vector.broadcast %div3A : f32 to vector<128x1xf32>
    %div3A_86 = arith.divf %broadcast_in_dim3A_84, %div3A_85 : vector<128x1xf32>
    %sub3A = vector.broadcast %div3A_86 : vector<128x1xf32> to vector<128x128xf32>
    %sub3A_87 = arith.subf %add3A_82, %sub3A : vector<128x128xf32>
    %sub3A_88 = vector.broadcast %div3A_86 : vector<128x1xf32> to vector<128x128xf32>
    %sub3A_89 = arith.subf %add3A_82, %sub3A_88 : vector<128x128xf32>
    %mul3A = arith.mulf %sub3A_87, %sub3A_89 : vector<128x128xf32>
    %reduce_sum3A_90 = arith.constant dense<0.000000e+00> : vector<128xf32>
    %reduce_sum3A_91 = vector.multi_reduction <add>, %mul3A, %reduce_sum3A_90 [1] : vector<128x128xf32> to vector<128xf32>
    %broadcast_in_dim3A_92 = vector.shape_cast %reduce_sum3A_91 : vector<128xf32> to vector<128x1xf32>
    %div3A_93 = arith.constant 1.280000e+02 : f32
    %div3A_94 = vector.broadcast %div3A_93 : f32 to vector<128x1xf32>
    %div3A_95 = arith.divf %broadcast_in_dim3A_92, %div3A_94 : vector<128x1xf32>
    %sub3A_96 = vector.broadcast %div3A_86 : vector<128x1xf32> to vector<128x128xf32>
    %sub3A_97 = arith.subf %add3A_82, %sub3A_96 : vector<128x128xf32>
    %add3A_98 = arith.constant 9.99999974E-6 : f32
    %add3A_99 = vector.broadcast %add3A_98 : f32 to vector<128x1xf32>
    %add3A_100 = arith.addf %div3A_95, %add3A_99 : vector<128x1xf32>
    %sqrt3A = math.sqrt %add3A_100 : vector<128x1xf32>
    %div3A_101 = vector.broadcast %sqrt3A : vector<128x1xf32> to vector<128x128xf32>
    %div3A_102 = arith.divf %sub3A_97, %div3A_101 : vector<128x128xf32>
    %max3A_103 = arith.constant 0.000000e+00 : f32
    %max3A_104 = vector.broadcast %max3A_103 : f32 to vector<128x128xf32>
    %max3A_105 = arith.maximumf %div3A_102, %max3A_104 : vector<128x128xf32>
    %get3A_106 = arith.constant 0 : index
    %get3A_107 = arith.constant 0 : index
    %get3A_108 = vector.load %arg16[%get3A_106, %get3A_107] : memref<128x128xf32, #tpu.memory_space<vmem>>, vector<128x128xf32>
    %dot_general3A_109 = arith.constant dense<0.000000e+00> : vector<128x128xf32>
    %dot_general3A_110 = tpu.matmul %max3A_105, %get3A_108, %dot_general3A_109 {dimension_numbers = #tpu.dot_dimension_numbers<[1], [0], [0], [1], [0, 0, 1, 1], [], []>, transpose_lhs_hint = false} : vector<128x128xf32>, vector<128x128xf32>, vector<128x128xf32> -> vector<128x128xf32>
    %get3A_111 = arith.constant 0 : index
    %get3A_112 = arith.constant 0 : index
    %get3A_113 = vector.load %arg17[%get3A_111, %get3A_112] : memref<1x128xf32, #tpu.memory_space<vmem>>, vector<1x128xf32>
    %add3A_114 = vector.broadcast %get3A_113 : vector<1x128xf32> to vector<128x128xf32>
    %add3A_115 = arith.addf %dot_general3A_110, %add3A_114 : vector<128x128xf32>
    %reduce_sum3A_116 = arith.constant dense<0.000000e+00> : vector<128xf32>
    %reduce_sum3A_117 = vector.multi_reduction <add>, %add3A_115, %reduce_sum3A_116 [1] : vector<128x128xf32> to vector<128xf32>
    %broadcast_in_dim3A_118 = vector.shape_cast %reduce_sum3A_117 : vector<128xf32> to vector<128x1xf32>
    %div3A_119 = arith.constant 1.280000e+02 : f32
    %div3A_120 = vector.broadcast %div3A_119 : f32 to vector<128x1xf32>
    %div3A_121 = arith.divf %broadcast_in_dim3A_118, %div3A_120 : vector<128x1xf32>
    %sub3A_122 = vector.broadcast %div3A_121 : vector<128x1xf32> to vector<128x128xf32>
    %sub3A_123 = arith.subf %add3A_115, %sub3A_122 : vector<128x128xf32>
    %sub3A_124 = vector.broadcast %div3A_121 : vector<128x1xf32> to vector<128x128xf32>
    %sub3A_125 = arith.subf %add3A_115, %sub3A_124 : vector<128x128xf32>
    %mul3A_126 = arith.mulf %sub3A_123, %sub3A_125 : vector<128x128xf32>
    %reduce_sum3A_127 = arith.constant dense<0.000000e+00> : vector<128xf32>
    %reduce_sum3A_128 = vector.multi_reduction <add>, %mul3A_126, %reduce_sum3A_127 [1] : vector<128x128xf32> to vector<128xf32>
    %broadcast_in_dim3A_129 = vector.shape_cast %reduce_sum3A_128 : vector<128xf32> to vector<128x1xf32>
    %div3A_130 = arith.constant 1.280000e+02 : f32
    %div3A_131 = vector.broadcast %div3A_130 : f32 to vector<128x1xf32>
    %div3A_132 = arith.divf %broadcast_in_dim3A_129, %div3A_131 : vector<128x1xf32>
    %sub3A_133 = vector.broadcast %div3A_121 : vector<128x1xf32> to vector<128x128xf32>
    %sub3A_134 = arith.subf %add3A_115, %sub3A_133 : vector<128x128xf32>
    %add3A_135 = arith.constant 9.99999974E-6 : f32
    %add3A_136 = vector.broadcast %add3A_135 : f32 to vector<128x1xf32>
    %add3A_137 = arith.addf %div3A_132, %add3A_136 : vector<128x1xf32>
    %sqrt3A_138 = math.sqrt %add3A_137 : vector<128x1xf32>
    %div3A_139 = vector.broadcast %sqrt3A_138 : vector<128x1xf32> to vector<128x128xf32>
    %div3A_140 = arith.divf %sub3A_134, %div3A_139 : vector<128x128xf32>
    %max3A_141 = arith.constant 0.000000e+00 : f32
    %max3A_142 = vector.broadcast %max3A_141 : f32 to vector<128x128xf32>
    %max3A_143 = arith.maximumf %div3A_140, %max3A_142 : vector<128x128xf32>
    %get3A_144 = arith.constant 0 : index
    %get3A_145 = arith.constant 0 : index
    %get3A_146 = vector.load %arg18[%get3A_144, %get3A_145] : memref<128x128xf32, #tpu.memory_space<vmem>>, vector<128x128xf32>
    %dot_general3A_147 = arith.constant dense<0.000000e+00> : vector<128x128xf32>
    %dot_general3A_148 = tpu.matmul %add3A_72, %get3A_146, %dot_general3A_147 {dimension_numbers = #tpu.dot_dimension_numbers<[1], [0], [0], [1], [0, 0, 1, 1], [], []>, transpose_lhs_hint = false} : vector<128x128xf32>, vector<128x128xf32>, vector<128x128xf32> -> vector<128x128xf32>
    %get3A_149 = arith.constant 0 : index
    %get3A_150 = arith.constant 0 : index
    %get3A_151 = vector.load %arg19[%get3A_149, %get3A_150] : memref<1x128xf32, #tpu.memory_space<vmem>>, vector<1x128xf32>
    %add3A_152 = vector.broadcast %get3A_151 : vector<1x128xf32> to vector<128x128xf32>
    %add3A_153 = arith.addf %dot_general3A_148, %add3A_152 : vector<128x128xf32>
    %reduce_sum3A_154 = arith.constant dense<0.000000e+00> : vector<128xf32>
    %reduce_sum3A_155 = vector.multi_reduction <add>, %add3A_153, %reduce_sum3A_154 [1] : vector<128x128xf32> to vector<128xf32>
    %broadcast_in_dim3A_156 = vector.shape_cast %reduce_sum3A_155 : vector<128xf32> to vector<128x1xf32>
    %div3A_157 = arith.constant 1.280000e+02 : f32
    %div3A_158 = vector.broadcast %div3A_157 : f32 to vector<128x1xf32>
    %div3A_159 = arith.divf %broadcast_in_dim3A_156, %div3A_158 : vector<128x1xf32>
    %sub3A_160 = vector.broadcast %div3A_159 : vector<128x1xf32> to vector<128x128xf32>
    %sub3A_161 = arith.subf %add3A_153, %sub3A_160 : vector<128x128xf32>
    %sub3A_162 = vector.broadcast %div3A_159 : vector<128x1xf32> to vector<128x128xf32>
    %sub3A_163 = arith.subf %add3A_153, %sub3A_162 : vector<128x128xf32>
    %mul3A_164 = arith.mulf %sub3A_161, %sub3A_163 : vector<128x128xf32>
    %reduce_sum3A_165 = arith.constant dense<0.000000e+00> : vector<128xf32>
    %reduce_sum3A_166 = vector.multi_reduction <add>, %mul3A_164, %reduce_sum3A_165 [1] : vector<128x128xf32> to vector<128xf32>
    %broadcast_in_dim3A_167 = vector.shape_cast %reduce_sum3A_166 : vector<128xf32> to vector<128x1xf32>
    %div3A_168 = arith.constant 1.280000e+02 : f32
    %div3A_169 = vector.broadcast %div3A_168 : f32 to vector<128x1xf32>
    %div3A_170 = arith.divf %broadcast_in_dim3A_167, %div3A_169 : vector<128x1xf32>
    %sub3A_171 = vector.broadcast %div3A_159 : vector<128x1xf32> to vector<128x128xf32>
    %sub3A_172 = arith.subf %add3A_153, %sub3A_171 : vector<128x128xf32>
    %add3A_173 = arith.constant 9.99999974E-6 : f32
    %add3A_174 = vector.broadcast %add3A_173 : f32 to vector<128x1xf32>
    %add3A_175 = arith.addf %div3A_170, %add3A_174 : vector<128x1xf32>
    %sqrt3A_176 = math.sqrt %add3A_175 : vector<128x1xf32>
    %div3A_177 = vector.broadcast %sqrt3A_176 : vector<128x1xf32> to vector<128x128xf32>
    %div3A_178 = arith.divf %sub3A_172, %div3A_177 : vector<128x128xf32>
    %max3A_179 = arith.constant 0.000000e+00 : f32
    %max3A_180 = vector.broadcast %max3A_179 : f32 to vector<128x128xf32>
    %max3A_181 = arith.maximumf %div3A_178, %max3A_180 : vector<128x128xf32>
    %get3A_182 = arith.constant 0 : index
    %get3A_183 = arith.constant 0 : index
    %get3A_184 = vector.load %arg20[%get3A_182, %get3A_183] : memref<128x128xf32, #tpu.memory_space<vmem>>, vector<128x128xf32>
    %dot_general3A_185 = arith.constant dense<0.000000e+00> : vector<128x128xf32>
    %dot_general3A_186 = tpu.matmul %max3A_181, %get3A_184, %dot_general3A_185 {dimension_numbers = #tpu.dot_dimension_numbers<[1], [0], [0], [1], [0, 0, 1, 1], [], []>, transpose_lhs_hint = false} : vector<128x128xf32>, vector<128x128xf32>, vector<128x128xf32> -> vector<128x128xf32>
    %get3A_187 = arith.constant 0 : index
    %get3A_188 = arith.constant 0 : index
    %get3A_189 = vector.load %arg21[%get3A_187, %get3A_188] : memref<1x128xf32, #tpu.memory_space<vmem>>, vector<1x128xf32>
    %add3A_190 = vector.broadcast %get3A_189 : vector<1x128xf32> to vector<128x128xf32>
    %add3A_191 = arith.addf %dot_general3A_186, %add3A_190 : vector<128x128xf32>
    %reduce_sum3A_192 = arith.constant dense<0.000000e+00> : vector<128xf32>
    %reduce_sum3A_193 = vector.multi_reduction <add>, %add3A_191, %reduce_sum3A_192 [1] : vector<128x128xf32> to vector<128xf32>
    %broadcast_in_dim3A_194 = vector.shape_cast %reduce_sum3A_193 : vector<128xf32> to vector<128x1xf32>
    %div3A_195 = arith.constant 1.280000e+02 : f32
    %div3A_196 = vector.broadcast %div3A_195 : f32 to vector<128x1xf32>
    %div3A_197 = arith.divf %broadcast_in_dim3A_194, %div3A_196 : vector<128x1xf32>
    %sub3A_198 = vector.broadcast %div3A_197 : vector<128x1xf32> to vector<128x128xf32>
    %sub3A_199 = arith.subf %add3A_191, %sub3A_198 : vector<128x128xf32>
    %sub3A_200 = vector.broadcast %div3A_197 : vector<128x1xf32> to vector<128x128xf32>
    %sub3A_201 = arith.subf %add3A_191, %sub3A_200 : vector<128x128xf32>
    %mul3A_202 = arith.mulf %sub3A_199, %sub3A_201 : vector<128x128xf32>
    %reduce_sum3A_203 = arith.constant dense<0.000000e+00> : vector<128xf32>
    %reduce_sum3A_204 = vector.multi_reduction <add>, %mul3A_202, %reduce_sum3A_203 [1] : vector<128x128xf32> to vector<128xf32>
    %broadcast_in_dim3A_205 = vector.shape_cast %reduce_sum3A_204 : vector<128xf32> to vector<128x1xf32>
    %div3A_206 = arith.constant 1.280000e+02 : f32
    %div3A_207 = vector.broadcast %div3A_206 : f32 to vector<128x1xf32>
    %div3A_208 = arith.divf %broadcast_in_dim3A_205, %div3A_207 : vector<128x1xf32>
    %sub3A_209 = vector.broadcast %div3A_197 : vector<128x1xf32> to vector<128x128xf32>
    %sub3A_210 = arith.subf %add3A_191, %sub3A_209 : vector<128x128xf32>
    %add3A_211 = arith.constant 9.99999974E-6 : f32
    %add3A_212 = vector.broadcast %add3A_211 : f32 to vector<128x1xf32>
    %add3A_213 = arith.addf %div3A_208, %add3A_212 : vector<128x1xf32>
    %sqrt3A_214 = math.sqrt %add3A_213 : vector<128x1xf32>
    %div3A_215 = vector.broadcast %sqrt3A_214 : vector<128x1xf32> to vector<128x128xf32>
    %div3A_216 = arith.divf %sub3A_210, %div3A_215 : vector<128x128xf32>
    %max3A_217 = arith.constant 0.000000e+00 : f32
    %max3A_218 = vector.broadcast %max3A_217 : f32 to vector<128x128xf32>
    %max3A_219 = arith.maximumf %div3A_216, %max3A_218 : vector<128x128xf32>
    %get3A_220 = arith.constant 0 : index
    %get3A_221 = arith.constant 0 : index
    %get3A_222 = vector.load %arg22[%get3A_220, %get3A_221] : memref<128x8xf32, #tpu.memory_space<vmem>>, vector<128x8xf32>
    %dot_general3A_223 = arith.constant dense<0.000000e+00> : vector<128x8xf32>
    %dot_general3A_224 = tpu.matmul %max3A_143, %get3A_222, %dot_general3A_223 {dimension_numbers = #tpu.dot_dimension_numbers<[1], [0], [0], [1], [0, 0, 1, 1], [], []>, transpose_lhs_hint = false} : vector<128x128xf32>, vector<128x8xf32>, vector<128x8xf32> -> vector<128x8xf32>
    %get3A_225 = arith.constant 0 : index
    %get3A_226 = arith.constant 0 : index
    %get3A_227 = vector.load %arg23[%get3A_225, %get3A_226] : memref<128x8xf32, #tpu.memory_space<vmem>>, vector<128x8xf32>
    %dot_general3A_228 = arith.constant dense<0.000000e+00> : vector<128x8xf32>
    %dot_general3A_229 = tpu.matmul %max3A_219, %get3A_227, %dot_general3A_228 {dimension_numbers = #tpu.dot_dimension_numbers<[1], [0], [0], [1], [0, 0, 1, 1], [], []>, transpose_lhs_hint = false} : vector<128x128xf32>, vector<128x8xf32>, vector<128x8xf32> -> vector<128x8xf32>
    %add3A_230 = arith.addf %dot_general3A_224, %dot_general3A_229 : vector<128x8xf32>
    %get3A_231 = arith.constant 0 : index
    %get3A_232 = arith.constant 0 : index
    %get3A_233 = vector.load %arg24[%get3A_231, %get3A_232] : memref<1x8xf32, #tpu.memory_space<vmem>>, vector<1x8xf32>
    %add3A_234 = vector.broadcast %get3A_233 : vector<1x8xf32> to vector<128x8xf32>
    %add3A_235 = arith.addf %add3A_230, %add3A_234 : vector<128x8xf32>
    %swap3A = arith.constant 0 : index
    %swap3A_236 = arith.constant 0 : index
    %swap3A_237 = vector.load %arg25[%swap3A, %swap3A_236] : memref<128x8xf32, #tpu.memory_space<vmem>>, vector<128x8xf32>
    tpu.vector_store %arg25[%swap3A, %swap3A_236], %add3A_235 {strides = array<i32>} : memref<128x8xf32, #tpu.memory_space<vmem>>, vector<128x8xf32>,
    return
  }
  func.func @transform_0(%arg0: i32) -> (i32, i32) {
    %c0_i32 = arith.constant 0 : i32
    %c0_i32_0 = arith.constant 0 : i32
    return %arg0, %c0_i32 : i32, i32
  }
  func.func @transform_1(%arg0: i32) -> (i32, i32) {
    %add3A = arith.constant 40 : i32
    %add3A_0 = arith.addi %arg0, %add3A : i32
    %c0_i32 = arith.constant 0 : i32
    %c0_i32_1 = arith.constant 0 : i32
    return %add3A_0, %c0_i32 : i32, i32
  }
  func.func @transform_2(%arg0: i32) -> (i32, i32) {
    %add3A = arith.constant 40 : i32
    %add3A_0 = arith.addi %arg0, %add3A : i32
    %c0_i32 = arith.constant 0 : i32
    %c0_i32_1 = arith.constant 0 : i32
    return %add3A_0, %c0_i32 : i32, i32
  }
  func.func @transform_3(%arg0: i32) -> (i32, i32) {
    %c0_i32 = arith.constant 0 : i32
    %c0_i32_0 = arith.constant 0 : i32
    %c0_i32_1 = arith.constant 0 : i32
    return %c0_i32, %c0_i32_0 : i32, i32
  }
  func.func @transform_4(%arg0: i32) -> (i32, i32) {
    %c0_i32 = arith.constant 0 : i32
    %c0_i32_0 = arith.constant 0 : i32
    %c0_i32_1 = arith.constant 0 : i32
    return %c0_i32, %c0_i32_0 : i32, i32
  }
  func.func @transform_5(%arg0: i32) -> (i32, i32) {
    %c0_i32 = arith.constant 0 : i32
    %c0_i32_0 = arith.constant 0 : i32
    %c0_i32_1 = arith.constant 0 : i32
    return %c0_i32, %c0_i32_0 : i32, i32
  }
  func.func @transform_6(%arg0: i32) -> (i32, i32) {
    %c0_i32 = arith.constant 0 : i32
    %c0_i32_0 = arith.constant 0 : i32
    %c0_i32_1 = arith.constant 0 : i32
    return %c0_i32, %c0_i32_0 : i32, i32
  }
  func.func @transform_7(%arg0: i32) -> (i32, i32) {
    %c0_i32 = arith.constant 0 : i32
    %c0_i32_0 = arith.constant 0 : i32
    %c0_i32_1 = arith.constant 0 : i32
    return %c0_i32, %c0_i32_0 : i32, i32
  }
  func.func @transform_8(%arg0: i32) -> (i32, i32) {
    %c0_i32 = arith.constant 0 : i32
    %c0_i32_0 = arith.constant 0 : i32
    %c0_i32_1 = arith.constant 0 : i32
    return %c0_i32, %c0_i32_0 : i32, i32
  }
  func.func @transform_9(%arg0: i32) -> (i32, i32) {
    %c0_i32 = arith.constant 0 : i32
    %c0_i32_0 = arith.constant 0 : i32
    %c0_i32_1 = arith.constant 0 : i32
    return %c0_i32, %c0_i32_0 : i32, i32
  }
  func.func @transform_10(%arg0: i32) -> (i32, i32) {
    %c0_i32 = arith.constant 0 : i32
    %c0_i32_0 = arith.constant 0 : i32
    %c0_i32_1 = arith.constant 0 : i32
    return %c0_i32, %c0_i32_0 : i32, i32
  }
  func.func @transform_11(%arg0: i32) -> (i32, i32) {
    %c0_i32 = arith.constant 0 : i32
    %c0_i32_0 = arith.constant 0 : i32
    %c0_i32_1 = arith.constant 0 : i32
    return %c0_i32, %c0_i32_0 : i32, i32
  }
  func.func @transform_12(%arg0: i32) -> (i32, i32) {
    %c0_i32 = arith.constant 0 : i32
    %c0_i32_0 = arith.constant 0 : i32
    %c0_i32_1 = arith.constant 0 : i32
    return %c0_i32, %c0_i32_0 : i32, i32
  }
  func.func @transform_13(%arg0: i32) -> (i32, i32) {
    %c0_i32 = arith.constant 0 : i32
    %c0_i32_0 = arith.constant 0 : i32
    %c0_i32_1 = arith.constant 0 : i32
    return %c0_i32, %c0_i32_0 : i32, i32
  }
  func.func @transform_14(%arg0: i32) -> (i32, i32) {
    %c0_i32 = arith.constant 0 : i32
    %c0_i32_0 = arith.constant 0 : i32
    %c0_i32_1 = arith.constant 0 : i32
    return %c0_i32, %c0_i32_0 : i32, i32
  }
  func.func @transform_15(%arg0: i32) -> (i32, i32) {
    %c0_i32 = arith.constant 0 : i32
    %c0_i32_0 = arith.constant 0 : i32
    %c0_i32_1 = arith.constant 0 : i32
    return %c0_i32, %c0_i32_0 : i32, i32
  }
  func.func @transform_16(%arg0: i32) -> (i32, i32) {
    %c0_i32 = arith.constant 0 : i32
    %c0_i32_0 = arith.constant 0 : i32
    %c0_i32_1 = arith.constant 0 : i32
    return %c0_i32, %c0_i32_0 : i32, i32
  }
  func.func @transform_17(%arg0: i32) -> (i32, i32) {
    %c0_i32 = arith.constant 0 : i32
    %c0_i32_0 = arith.constant 0 : i32
    %c0_i32_1 = arith.constant 0 : i32
    return %c0_i32, %c0_i32_0 : i32, i32
  }
  func.func @transform_18(%arg0: i32) -> (i32, i32) {
    %c0_i32 = arith.constant 0 : i32
    %c0_i32_0 = arith.constant 0 : i32
    %c0_i32_1 = arith.constant 0 : i32
    return %c0_i32, %c0_i32_0 : i32, i32
  }
  func.func @transform_19(%arg0: i32) -> (i32, i32) {
    %c0_i32 = arith.constant 0 : i32
    %c0_i32_0 = arith.constant 0 : i32
    %c0_i32_1 = arith.constant 0 : i32
    return %c0_i32, %c0_i32_0 : i32, i32
  }
  func.func @transform_20(%arg0: i32) -> (i32, i32) {
    %c0_i32 = arith.constant 0 : i32
    %c0_i32_0 = arith.constant 0 : i32
    %c0_i32_1 = arith.constant 0 : i32
    return %c0_i32, %c0_i32_0 : i32, i32
  }
  func.func @transform_21(%arg0: i32) -> (i32, i32) {
    %c0_i32 = arith.constant 0 : i32
    %c0_i32_0 = arith.constant 0 : i32
    %c0_i32_1 = arith.constant 0 : i32
    return %c0_i32, %c0_i32_0 : i32, i32
  }
  func.func @transform_22(%arg0: i32) -> (i32, i32) {
    %c0_i32 = arith.constant 0 : i32
    %c0_i32_0 = arith.constant 0 : i32
    %c0_i32_1 = arith.constant 0 : i32
    return %c0_i32, %c0_i32_0 : i32, i32
  }
  func.func @transform_23(%arg0: i32) -> (i32, i32) {
    %c0_i32 = arith.constant 0 : i32
    %c0_i32_0 = arith.constant 0 : i32
    %c0_i32_1 = arith.constant 0 : i32
    return %c0_i32, %c0_i32_0 : i32, i32
  }
  func.func @transform_24(%arg0: i32) -> (i32, i32) {
    %c0_i32 = arith.constant 0 : i32
    %c0_i32_0 = arith.constant 0 : i32
    return %arg0, %c0_i32 : i32, i32
  }
}

module attributes {stable_mosaic.version = 14 : i64} {
  func.func @_edge_body(%arg0: i32, %arg1: memref<4096x128xf32, #tpu.memory_space<vmem>>, %arg2: memref<128x64xf32, #tpu.memory_space<vmem>>, %arg3: memref<128x128xf32, #tpu.memory_space<vmem>>, %arg4: memref<64x32xf32, #tpu.memory_space<vmem>>, %arg5: memref<1x32xf32, #tpu.memory_space<vmem>>, %arg6: memref<32x128xf32, #tpu.memory_space<vmem>>, %arg7: memref<1x128xf32, #tpu.memory_space<vmem>>, %arg8: memref<128x64xf32, #tpu.memory_space<vmem>>, %arg9: memref<1x64xf32, #tpu.memory_space<vmem>>, %arg10: memref<64x32xf32, #tpu.memory_space<vmem>>, %arg11: memref<1x32xf32, #tpu.memory_space<vmem>>, %arg12: memref<32x128xf32, #tpu.memory_space<vmem>>, %arg13: memref<1x128xf32, #tpu.memory_space<vmem>>, %arg14: memref<128x128xf32, #tpu.memory_space<vmem>>, %arg15: memref<1x128xf32, #tpu.memory_space<vmem>>, %arg16: memref<128x128xf32, #tpu.memory_space<vmem>>, %arg17: memref<1x128xf32, #tpu.memory_space<vmem>>, %arg18: memref<128x128xf32, #tpu.memory_space<vmem>>, %arg19: memref<1x128xf32, #tpu.memory_space<vmem>>, %arg20: memref<128x128xf32, #tpu.memory_space<vmem>>, %arg21: memref<1x128xf32, #tpu.memory_space<vmem>>, %arg22: memref<128x8xf32, #tpu.memory_space<vmem>>, %arg23: memref<128x8xf32, #tpu.memory_space<vmem>>, %arg24: memref<1x8xf32, #tpu.memory_space<vmem>>, %arg25: memref<128x8xf32, #tpu.memory_space<vmem>>) attributes {dimension_semantics = [#tpu.dimension_semantics<arbitrary>], iteration_bounds = array<i64: 20>, scalar_prefetch = 0 : i64, scratch_operands = 0 : i64, tpu.core_type = #tpu.core_type<tc>, window_params = [{transform_indices = @transform_0, window_bounds = array<i64: 4096, 128>}, {transform_indices = @transform_1, window_bounds = array<i64: 128, 64>}, {transform_indices = @transform_2, window_bounds = array<i64: 128, 128>}, {pipeline_mode = #tpu.pipeline_mode<synchronous>, transform_indices = @transform_3, window_bounds = array<i64: 64, 32>}, {pipeline_mode = #tpu.pipeline_mode<synchronous>, transform_indices = @transform_4, window_bounds = array<i64: 1, 32>}, {pipeline_mode = #tpu.pipeline_mode<synchronous>, transform_indices = @transform_5, window_bounds = array<i64: 32, 128>}, {pipeline_mode = #tpu.pipeline_mode<synchronous>, transform_indices = @transform_6, window_bounds = array<i64: 1, 128>}, {pipeline_mode = #tpu.pipeline_mode<synchronous>, transform_indices = @transform_7, window_bounds = array<i64: 128, 64>}, {pipeline_mode = #tpu.pipeline_mode<synchronous>, transform_indices = @transform_8, window_bounds = array<i64: 1, 64>}, {pipeline_mode = #tpu.pipeline_mode<synchronous>, transform_indices = @transform_9, window_bounds = array<i64: 64, 32>}, {pipeline_mode = #tpu.pipeline_mode<synchronous>, transform_indices = @transform_10, window_bounds = array<i64: 1, 32>}, {pipeline_mode = #tpu.pipeline_mode<synchronous>, transform_indices = @transform_11, window_bounds = array<i64: 32, 128>}, {pipeline_mode = #tpu.pipeline_mode<synchronous>, transform_indices = @transform_12, window_bounds = array<i64: 1, 128>}, {pipeline_mode = #tpu.pipeline_mode<synchronous>, transform_indices = @transform_13, window_bounds = array<i64: 128, 128>}, {pipeline_mode = #tpu.pipeline_mode<synchronous>, transform_indices = @transform_14, window_bounds = array<i64: 1, 128>}, {pipeline_mode = #tpu.pipeline_mode<synchronous>, transform_indices = @transform_15, window_bounds = array<i64: 128, 128>}, {pipeline_mode = #tpu.pipeline_mode<synchronous>, transform_indices = @transform_16, window_bounds = array<i64: 1, 128>}, {pipeline_mode = #tpu.pipeline_mode<synchronous>, transform_indices = @transform_17, window_bounds = array<i64: 128, 128>}, {pipeline_mode = #tpu.pipeline_mode<synchronous>, transform_indices = @transform_18, window_bounds = array<i64: 1, 128>}, {pipeline_mode = #tpu.pipeline_mode<synchronous>, transform_indices = @transform_19, window_bounds = array<i64: 128, 128>}, {pipeline_mode = #tpu.pipeline_mode<synchronous>, transform_indices = @transform_20, window_bounds = array<i64: 1, 128>}, {pipeline_mode = #tpu.pipeline_mode<synchronous>, transform_indices = @transform_21, window_bounds = array<i64: 128, 8>}, {pipeline_mode = #tpu.pipeline_mode<synchronous>, transform_indices = @transform_22, window_bounds = array<i64: 128, 8>}, {pipeline_mode = #tpu.pipeline_mode<synchronous>, transform_indices = @transform_23, window_bounds = array<i64: 1, 8>}, {transform_indices = @transform_24, window_bounds = array<i64: 128, 8>}]} {
    %get3A = arith.constant 0 : index
    %get3A_0 = arith.constant 0 : index
    %get3A_1 = vector.load %arg1[%get3A, %get3A_0] : memref<4096x128xf32, #tpu.memory_space<vmem>>, vector<4096x128xf32>
    %slice3A = vector.extract_strided_slice %get3A_1 {offsets = [0, 0], sizes = [4096, 64], strides = [1, 1]} : vector<4096x128xf32> to vector<4096x64xf32>
    %get3A_2 = arith.constant 0 : index
    %get3A_3 = arith.constant 0 : index
    %get3A_4 = vector.load %arg2[%get3A_2, %get3A_3] : memref<128x64xf32, #tpu.memory_space<vmem>>, vector<128x64xf32>
    %broadcast_in_dim3A = vector.shape_cast %get3A_4 : vector<128x64xf32> to vector<128x1x64xf32>
    %broadcast_in_dim3A_5 = vector.shape_cast %broadcast_in_dim3A : vector<128x1x64xf32> to vector<128x1x64xf32>
    %broadcast_in_dim3A_6 = vector.broadcast %broadcast_in_dim3A_5 : vector<128x1x64xf32> to vector<128x32x64xf32>
    %reshape3A = vector.shape_cast %broadcast_in_dim3A_6 : vector<128x32x64xf32> to vector<4096x64xf32>
    %add3A = arith.addf %slice3A, %reshape3A : vector<4096x64xf32>
    %max3A = arith.constant 0.000000e+00 : f32
    %max3A_7 = vector.broadcast %max3A : f32 to vector<4096x64xf32>
    %max3A_8 = arith.maximumf %add3A, %max3A_7 : vector<4096x64xf32>
    %get3A_9 = arith.constant 0 : index
    %get3A_10 = arith.constant 0 : index
    %get3A_11 = vector.load %arg4[%get3A_9, %get3A_10] : memref<64x32xf32, #tpu.memory_space<vmem>>, vector<64x32xf32>
    %dot_general3A = arith.constant dense<0.000000e+00> : vector<4096x32xf32>
    %dot_general3A_12 = tpu.matmul %max3A_8, %get3A_11, %dot_general3A {dimension_numbers = #tpu.dot_dimension_numbers<[1], [0], [0], [1], [0, 0, 1, 1], [], []>, transpose_lhs_hint = false} : vector<4096x64xf32>, vector<64x32xf32>, vector<4096x32xf32> -> vector<4096x32xf32>
    %get3A_13 = arith.constant 0 : index
    %get3A_14 = arith.constant 0 : index
    %get3A_15 = vector.load %arg5[%get3A_13, %get3A_14] : memref<1x32xf32, #tpu.memory_space<vmem>>, vector<1x32xf32>
    %add3A_16 = vector.broadcast %get3A_15 : vector<1x32xf32> to vector<4096x32xf32>
    %add3A_17 = arith.addf %dot_general3A_12, %add3A_16 : vector<4096x32xf32>
    %max3A_18 = arith.constant 0.000000e+00 : f32
    %max3A_19 = vector.broadcast %max3A_18 : f32 to vector<4096x32xf32>
    %max3A_20 = arith.maximumf %add3A_17, %max3A_19 : vector<4096x32xf32>
    %get3A_21 = arith.constant 0 : index
    %get3A_22 = arith.constant 0 : index
    %get3A_23 = vector.load %arg6[%get3A_21, %get3A_22] : memref<32x128xf32, #tpu.memory_space<vmem>>, vector<32x128xf32>
    %dot_general3A_24 = arith.constant dense<0.000000e+00> : vector<4096x128xf32>
    %dot_general3A_25 = tpu.matmul %max3A_20, %get3A_23, %dot_general3A_24 {dimension_numbers = #tpu.dot_dimension_numbers<[1], [0], [0], [1], [0, 0, 1, 1], [], []>, transpose_lhs_hint = false} : vector<4096x32xf32>, vector<32x128xf32>, vector<4096x128xf32> -> vector<4096x128xf32>
    %get3A_26 = arith.constant 0 : index
    %get3A_27 = arith.constant 0 : index
    %get3A_28 = vector.load %arg7[%get3A_26, %get3A_27] : memref<1x128xf32, #tpu.memory_space<vmem>>, vector<1x128xf32>
    %add3A_29 = vector.broadcast %get3A_28 : vector<1x128xf32> to vector<4096x128xf32>
    %add3A_30 = arith.addf %dot_general3A_25, %add3A_29 : vector<4096x128xf32>
    %reshape3A_31 = vector.shape_cast %add3A_30 : vector<4096x128xf32> to vector<128x32x128xf32>
    %reduce_max3A = arith.constant dense<0xFF800000> : vector<128x128xf32>
    %reduce_max3A_32 = vector.multi_reduction <maximumf>, %reshape3A_31, %reduce_max3A [1] : vector<128x32x128xf32> to vector<128x128xf32>
    %get3A_33 = arith.constant 0 : index
    %get3A_34 = arith.constant 0 : index
    %get3A_35 = vector.load %arg8[%get3A_33, %get3A_34] : memref<128x64xf32, #tpu.memory_space<vmem>>, vector<128x64xf32>
    %dot_general3A_36 = arith.constant dense<0.000000e+00> : vector<128x64xf32>
    %dot_general3A_37 = tpu.matmul %reduce_max3A_32, %get3A_35, %dot_general3A_36 {dimension_numbers = #tpu.dot_dimension_numbers<[1], [0], [0], [1], [0, 0, 1, 1], [], []>, transpose_lhs_hint = false} : vector<128x128xf32>, vector<128x64xf32>, vector<128x64xf32> -> vector<128x64xf32>
    %get3A_38 = arith.constant 0 : index
    %get3A_39 = arith.constant 0 : index
    %get3A_40 = vector.load %arg9[%get3A_38, %get3A_39] : memref<1x64xf32, #tpu.memory_space<vmem>>, vector<1x64xf32>
    %add3A_41 = vector.broadcast %get3A_40 : vector<1x64xf32> to vector<128x64xf32>
    %add3A_42 = arith.addf %dot_general3A_37, %add3A_41 : vector<128x64xf32>
    %max3A_43 = arith.constant 0.000000e+00 : f32
    %max3A_44 = vector.broadcast %max3A_43 : f32 to vector<128x64xf32>
    %max3A_45 = arith.maximumf %add3A_42, %max3A_44 : vector<128x64xf32>
    %get3A_46 = arith.constant 0 : index
    %get3A_47 = arith.constant 0 : index
    %get3A_48 = vector.load %arg10[%get3A_46, %get3A_47] : memref<64x32xf32, #tpu.memory_space<vmem>>, vector<64x32xf32>
    %dot_general3A_49 = arith.constant dense<0.000000e+00> : vector<128x32xf32>
    %dot_general3A_50 = tpu.matmul %max3A_45, %get3A_48, %dot_general3A_49 {dimension_numbers = #tpu.dot_dimension_numbers<[1], [0], [0], [1], [0, 0, 1, 1], [], []>, transpose_lhs_hint = false} : vector<128x64xf32>, vector<64x32xf32>, vector<128x32xf32> -> vector<128x32xf32>
    %get3A_51 = arith.constant 0 : index
    %get3A_52 = arith.constant 0 : index
    %get3A_53 = vector.load %arg11[%get3A_51, %get3A_52] : memref<1x32xf32, #tpu.memory_space<vmem>>, vector<1x32xf32>
    %add3A_54 = vector.broadcast %get3A_53 : vector<1x32xf32> to vector<128x32xf32>
    %add3A_55 = arith.addf %dot_general3A_50, %add3A_54 : vector<128x32xf32>
    %max3A_56 = arith.constant 0.000000e+00 : f32
    %max3A_57 = vector.broadcast %max3A_56 : f32 to vector<128x32xf32>
    %max3A_58 = arith.maximumf %add3A_55, %max3A_57 : vector<128x32xf32>
    %get3A_59 = arith.constant 0 : index
    %get3A_60 = arith.constant 0 : index
    %get3A_61 = vector.load %arg3[%get3A_59, %get3A_60] : memref<128x128xf32, #tpu.memory_space<vmem>>, vector<128x128xf32>
    %get3A_62 = arith.constant 0 : index
    %get3A_63 = arith.constant 0 : index
    %get3A_64 = vector.load %arg12[%get3A_62, %get3A_63] : memref<32x128xf32, #tpu.memory_space<vmem>>, vector<32x128xf32>
    %dot_general3A_65 = arith.constant dense<0.000000e+00> : vector<128x128xf32>
    %dot_general3A_66 = tpu.matmul %max3A_58, %get3A_64, %dot_general3A_65 {dimension_numbers = #tpu.dot_dimension_numbers<[1], [0], [0], [1], [0, 0, 1, 1], [], []>, transpose_lhs_hint = false} : vector<128x32xf32>, vector<32x128xf32>, vector<128x128xf32> -> vector<128x128xf32>
    %add3A_67 = arith.addf %get3A_61, %dot_general3A_66 : vector<128x128xf32>
    %get3A_68 = arith.constant 0 : index
    %get3A_69 = arith.constant 0 : index
    %get3A_70 = vector.load %arg13[%get3A_68, %get3A_69] : memref<1x128xf32, #tpu.memory_space<vmem>>, vector<1x128xf32>
    %add3A_71 = vector.broadcast %get3A_70 : vector<1x128xf32> to vector<128x128xf32>
    %add3A_72 = arith.addf %add3A_67, %add3A_71 : vector<128x128xf32>
    %get3A_73 = arith.constant 0 : index
    %get3A_74 = arith.constant 0 : index
    %get3A_75 = vector.load %arg14[%get3A_73, %get3A_74] : memref<128x128xf32, #tpu.memory_space<vmem>>, vector<128x128xf32>
    %dot_general3A_76 = arith.constant dense<0.000000e+00> : vector<128x128xf32>
    %dot_general3A_77 = tpu.matmul %add3A_72, %get3A_75, %dot_general3A_76 {dimension_numbers = #tpu.dot_dimension_numbers<[1], [0], [0], [1], [0, 0, 1, 1], [], []>, transpose_lhs_hint = false} : vector<128x128xf32>, vector<128x128xf32>, vector<128x128xf32> -> vector<128x128xf32>
    %get3A_78 = arith.constant 0 : index
    %get3A_79 = arith.constant 0 : index
    %get3A_80 = vector.load %arg15[%get3A_78, %get3A_79] : memref<1x128xf32, #tpu.memory_space<vmem>>, vector<1x128xf32>
    %add3A_81 = vector.broadcast %get3A_80 : vector<1x128xf32> to vector<128x128xf32>
    %add3A_82 = arith.addf %dot_general3A_77, %add3A_81 : vector<128x128xf32>
    %reduce_sum3A = arith.constant dense<0.000000e+00> : vector<128xf32>
    %reduce_sum3A_83 = vector.multi_reduction <add>, %add3A_82, %reduce_sum3A [1] : vector<128x128xf32> to vector<128xf32>
    %broadcast_in_dim3A_84 = vector.shape_cast %reduce_sum3A_83 : vector<128xf32> to vector<128x1xf32>
    %div3A = arith.constant 1.280000e+02 : f32
    %div3A_85 = vector.broadcast %div3A : f32 to vector<128x1xf32>
    %div3A_86 = arith.divf %broadcast_in_dim3A_84, %div3A_85 : vector<128x1xf32>
    %sub3A = vector.broadcast %div3A_86 : vector<128x1xf32> to vector<128x128xf32>
    %sub3A_87 = arith.subf %add3A_82, %sub3A : vector<128x128xf32>
    %sub3A_88 = vector.broadcast %div3A_86 : vector<128x1xf32> to vector<128x128xf32>
    %sub3A_89 = arith.subf %add3A_82, %sub3A_88 : vector<128x128xf32>
    %mul3A = arith.mulf %sub3A_87, %sub3A_89 : vector<128x128xf32>
    %reduce_sum3A_90 = arith.constant dense<0.000000e+00> : vector<128xf32>
    %reduce_sum3A_91 = vector.multi_reduction <add>, %mul3A, %reduce_sum3A_90 [1] : vector<128x128xf32> to vector<128xf32>
    %broadcast_in_dim3A_92 = vector.shape_cast %reduce_sum3A_91 : vector<128xf32> to vector<128x1xf32>
    %div3A_93 = arith.constant 1.280000e+02 : f32
    %div3A_94 = vector.broadcast %div3A_93 : f32 to vector<128x1xf32>
    %div3A_95 = arith.divf %broadcast_in_dim3A_92, %div3A_94 : vector<128x1xf32>
    %sub3A_96 = vector.broadcast %div3A_86 : vector<128x1xf32> to vector<128x128xf32>
    %sub3A_97 = arith.subf %add3A_82, %sub3A_96 : vector<128x128xf32>
    %add3A_98 = arith.constant 9.99999974E-6 : f32
    %add3A_99 = vector.broadcast %add3A_98 : f32 to vector<128x1xf32>
    %add3A_100 = arith.addf %div3A_95, %add3A_99 : vector<128x1xf32>
    %sqrt3A = math.sqrt %add3A_100 : vector<128x1xf32>
    %div3A_101 = vector.broadcast %sqrt3A : vector<128x1xf32> to vector<128x128xf32>
    %div3A_102 = arith.divf %sub3A_97, %div3A_101 : vector<128x128xf32>
    %max3A_103 = arith.constant 0.000000e+00 : f32
    %max3A_104 = vector.broadcast %max3A_103 : f32 to vector<128x128xf32>
    %max3A_105 = arith.maximumf %div3A_102, %max3A_104 : vector<128x128xf32>
    %get3A_106 = arith.constant 0 : index
    %get3A_107 = arith.constant 0 : index
    %get3A_108 = vector.load %arg16[%get3A_106, %get3A_107] : memref<128x128xf32, #tpu.memory_space<vmem>>, vector<128x128xf32>
    %dot_general3A_109 = arith.constant dense<0.000000e+00> : vector<128x128xf32>
    %dot_general3A_110 = tpu.matmul %max3A_105, %get3A_108, %dot_general3A_109 {dimension_numbers = #tpu.dot_dimension_numbers<[1], [0], [0], [1], [0, 0, 1, 1], [], []>, transpose_lhs_hint = false} : vector<128x128xf32>, vector<128x128xf32>, vector<128x128xf32> -> vector<128x128xf32>
    %get3A_111 = arith.constant 0 : index
    %get3A_112 = arith.constant 0 : index
    %get3A_113 = vector.load %arg17[%get3A_111, %get3A_112] : memref<1x128xf32, #tpu.memory_space<vmem>>, vector<1x128xf32>
    %add3A_114 = vector.broadcast %get3A_113 : vector<1x128xf32> to vector<128x128xf32>
    %add3A_115 = arith.addf %dot_general3A_110, %add3A_114 : vector<128x128xf32>
    %reduce_sum3A_116 = arith.constant dense<0.000000e+00> : vector<128xf32>
    %reduce_sum3A_117 = vector.multi_reduction <add>, %add3A_115, %reduce_sum3A_116 [1] : vector<128x128xf32> to vector<128xf32>
    %broadcast_in_dim3A_118 = vector.shape_cast %reduce_sum3A_117 : vector<128xf32> to vector<128x1xf32>
    %div3A_119 = arith.constant 1.280000e+02 : f32
    %div3A_120 = vector.broadcast %div3A_119 : f32 to vector<128x1xf32>
    %div3A_121 = arith.divf %broadcast_in_dim3A_118, %div3A_120 : vector<128x1xf32>
    %sub3A_122 = vector.broadcast %div3A_121 : vector<128x1xf32> to vector<128x128xf32>
    %sub3A_123 = arith.subf %add3A_115, %sub3A_122 : vector<128x128xf32>
    %sub3A_124 = vector.broadcast %div3A_121 : vector<128x1xf32> to vector<128x128xf32>
    %sub3A_125 = arith.subf %add3A_115, %sub3A_124 : vector<128x128xf32>
    %mul3A_126 = arith.mulf %sub3A_123, %sub3A_125 : vector<128x128xf32>
    %reduce_sum3A_127 = arith.constant dense<0.000000e+00> : vector<128xf32>
    %reduce_sum3A_128 = vector.multi_reduction <add>, %mul3A_126, %reduce_sum3A_127 [1] : vector<128x128xf32> to vector<128xf32>
    %broadcast_in_dim3A_129 = vector.shape_cast %reduce_sum3A_128 : vector<128xf32> to vector<128x1xf32>
    %div3A_130 = arith.constant 1.280000e+02 : f32
    %div3A_131 = vector.broadcast %div3A_130 : f32 to vector<128x1xf32>
    %div3A_132 = arith.divf %broadcast_in_dim3A_129, %div3A_131 : vector<128x1xf32>
    %sub3A_133 = vector.broadcast %div3A_121 : vector<128x1xf32> to vector<128x128xf32>
    %sub3A_134 = arith.subf %add3A_115, %sub3A_133 : vector<128x128xf32>
    %add3A_135 = arith.constant 9.99999974E-6 : f32
    %add3A_136 = vector.broadcast %add3A_135 : f32 to vector<128x1xf32>
    %add3A_137 = arith.addf %div3A_132, %add3A_136 : vector<128x1xf32>
    %sqrt3A_138 = math.sqrt %add3A_137 : vector<128x1xf32>
    %div3A_139 = vector.broadcast %sqrt3A_138 : vector<128x1xf32> to vector<128x128xf32>
    %div3A_140 = arith.divf %sub3A_134, %div3A_139 : vector<128x128xf32>
    %max3A_141 = arith.constant 0.000000e+00 : f32
    %max3A_142 = vector.broadcast %max3A_141 : f32 to vector<128x128xf32>
    %max3A_143 = arith.maximumf %div3A_140, %max3A_142 : vector<128x128xf32>
    %get3A_144 = arith.constant 0 : index
    %get3A_145 = arith.constant 0 : index
    %get3A_146 = vector.load %arg18[%get3A_144, %get3A_145] : memref<128x128xf32, #tpu.memory_space<vmem>>, vector<128x128xf32>
    %dot_general3A_147 = arith.constant dense<0.000000e+00> : vector<128x128xf32>
    %dot_general3A_148 = tpu.matmul %add3A_72, %get3A_146, %dot_general3A_147 {dimension_numbers = #tpu.dot_dimension_numbers<[1], [0], [0], [1], [0, 0, 1, 1], [], []>, transpose_lhs_hint = false} : vector<128x128xf32>, vector<128x128xf32>, vector<128x128xf32> -> vector<128x128xf32>
    %get3A_149 = arith.constant 0 : index
    %get3A_150 = arith.constant 0 : index
    %get3A_151 = vector.load %arg19[%get3A_149, %get3A_150] : memref<1x128xf32, #tpu.memory_space<vmem>>, vector<1x128xf32>
    %add3A_152 = vector.broadcast %get3A_151 : vector<1x128xf32> to vector<128x128xf32>
    %add3A_153 = arith.addf %dot_general3A_148, %add3A_152 : vector<128x128xf32>
    %reduce_sum3A_154 = arith.constant dense<0.000000e+00> : vector<128xf32>
    %reduce_sum3A_155 = vector.multi_reduction <add>, %add3A_153, %reduce_sum3A_154 [1] : vector<128x128xf32> to vector<128xf32>
    %broadcast_in_dim3A_156 = vector.shape_cast %reduce_sum3A_155 : vector<128xf32> to vector<128x1xf32>
    %div3A_157 = arith.constant 1.280000e+02 : f32
    %div3A_158 = vector.broadcast %div3A_157 : f32 to vector<128x1xf32>
    %div3A_159 = arith.divf %broadcast_in_dim3A_156, %div3A_158 : vector<128x1xf32>
    %sub3A_160 = vector.broadcast %div3A_159 : vector<128x1xf32> to vector<128x128xf32>
    %sub3A_161 = arith.subf %add3A_153, %sub3A_160 : vector<128x128xf32>
    %sub3A_162 = vector.broadcast %div3A_159 : vector<128x1xf32> to vector<128x128xf32>
    %sub3A_163 = arith.subf %add3A_153, %sub3A_162 : vector<128x128xf32>
    %mul3A_164 = arith.mulf %sub3A_161, %sub3A_163 : vector<128x128xf32>
    %reduce_sum3A_165 = arith.constant dense<0.000000e+00> : vector<128xf32>
    %reduce_sum3A_166 = vector.multi_reduction <add>, %mul3A_164, %reduce_sum3A_165 [1] : vector<128x128xf32> to vector<128xf32>
    %broadcast_in_dim3A_167 = vector.shape_cast %reduce_sum3A_166 : vector<128xf32> to vector<128x1xf32>
    %div3A_168 = arith.constant 1.280000e+02 : f32
    %div3A_169 = vector.broadcast %div3A_168 : f32 to vector<128x1xf32>
    %div3A_170 = arith.divf %broadcast_in_dim3A_167, %div3A_169 : vector<128x1xf32>
    %sub3A_171 = vector.broadcast %div3A_159 : vector<128x1xf32> to vector<128x128xf32>
    %sub3A_172 = arith.subf %add3A_153, %sub3A_171 : vector<128x128xf32>
    %add3A_173 = arith.constant 9.99999974E-6 : f32
    %add3A_174 = vector.broadcast %add3A_173 : f32 to vector<128x1xf32>
    %add3A_175 = arith.addf %div3A_170, %add3A_174 : vector<128x1xf32>
    %sqrt3A_176 = math.sqrt %add3A_175 : vector<128x1xf32>
    %div3A_177 = vector.broadcast %sqrt3A_176 : vector<128x1xf32> to vector<128x128xf32>
    %div3A_178 = arith.divf %sub3A_172, %div3A_177 : vector<128x128xf32>
    %max3A_179 = arith.constant 0.000000e+00 : f32
    %max3A_180 = vector.broadcast %max3A_179 : f32 to vector<128x128xf32>
    %max3A_181 = arith.maximumf %div3A_178, %max3A_180 : vector<128x128xf32>
    %get3A_182 = arith.constant 0 : index
    %get3A_183 = arith.constant 0 : index
    %get3A_184 = vector.load %arg20[%get3A_182, %get3A_183] : memref<128x128xf32, #tpu.memory_space<vmem>>, vector<128x128xf32>
    %dot_general3A_185 = arith.constant dense<0.000000e+00> : vector<128x128xf32>
    %dot_general3A_186 = tpu.matmul %max3A_181, %get3A_184, %dot_general3A_185 {dimension_numbers = #tpu.dot_dimension_numbers<[1], [0], [0], [1], [0, 0, 1, 1], [], []>, transpose_lhs_hint = false} : vector<128x128xf32>, vector<128x128xf32>, vector<128x128xf32> -> vector<128x128xf32>
    %get3A_187 = arith.constant 0 : index
    %get3A_188 = arith.constant 0 : index
    %get3A_189 = vector.load %arg21[%get3A_187, %get3A_188] : memref<1x128xf32, #tpu.memory_space<vmem>>, vector<1x128xf32>
    %add3A_190 = vector.broadcast %get3A_189 : vector<1x128xf32> to vector<128x128xf32>
    %add3A_191 = arith.addf %dot_general3A_186, %add3A_190 : vector<128x128xf32>
    %reduce_sum3A_192 = arith.constant dense<0.000000e+00> : vector<128xf32>
    %reduce_sum3A_193 = vector.multi_reduction <add>, %add3A_191, %reduce_sum3A_192 [1] : vector<128x128xf32> to vector<128xf32>
    %broadcast_in_dim3A_194 = vector.shape_cast %reduce_sum3A_193 : vector<128xf32> to vector<128x1xf32>
    %div3A_195 = arith.constant 1.280000e+02 : f32
    %div3A_196 = vector.broadcast %div3A_195 : f32 to vector<128x1xf32>
    %div3A_197 = arith.divf %broadcast_in_dim3A_194, %div3A_196 : vector<128x1xf32>
    %sub3A_198 = vector.broadcast %div3A_197 : vector<128x1xf32> to vector<128x128xf32>
    %sub3A_199 = arith.subf %add3A_191, %sub3A_198 : vector<128x128xf32>
    %sub3A_200 = vector.broadcast %div3A_197 : vector<128x1xf32> to vector<128x128xf32>
    %sub3A_201 = arith.subf %add3A_191, %sub3A_200 : vector<128x128xf32>
    %mul3A_202 = arith.mulf %sub3A_199, %sub3A_201 : vector<128x128xf32>
    %reduce_sum3A_203 = arith.constant dense<0.000000e+00> : vector<128xf32>
    %reduce_sum3A_204 = vector.multi_reduction <add>, %mul3A_202, %reduce_sum3A_203 [1] : vector<128x128xf32> to vector<128xf32>
    %broadcast_in_dim3A_205 = vector.shape_cast %reduce_sum3A_204 : vector<128xf32> to vector<128x1xf32>
    %div3A_206 = arith.constant 1.280000e+02 : f32
    %div3A_207 = vector.broadcast %div3A_206 : f32 to vector<128x1xf32>
    %div3A_208 = arith.divf %broadcast_in_dim3A_205, %div3A_207 : vector<128x1xf32>
    %sub3A_209 = vector.broadcast %div3A_197 : vector<128x1xf32> to vector<128x128xf32>
    %sub3A_210 = arith.subf %add3A_191, %sub3A_209 : vector<128x128xf32>
    %add3A_211 = arith.constant 9.99999974E-6 : f32
    %add3A_212 = vector.broadcast %add3A_211 : f32 to vector<128x1xf32>
    %add3A_213 = arith.addf %div3A_208, %add3A_212 : vector<128x1xf32>
    %sqrt3A_214 = math.sqrt %add3A_213 : vector<128x1xf32>
    %div3A_215 = vector.broadcast %sqrt3A_214 : vector<128x1xf32> to vector<128x128xf32>
    %div3A_216 = arith.divf %sub3A_210, %div3A_215 : vector<128x128xf32>
    %max3A_217 = arith.constant 0.000000e+00 : f32
    %max3A_218 = vector.broadcast %max3A_217 : f32 to vector<128x128xf32>
    %max3A_219 = arith.maximumf %div3A_216, %max3A_218 : vector<128x128xf32>
    %get3A_220 = arith.constant 0 : index
    %get3A_221 = arith.constant 0 : index
    %get3A_222 = vector.load %arg22[%get3A_220, %get3A_221] : memref<128x8xf32, #tpu.memory_space<vmem>>, vector<128x8xf32>
    %dot_general3A_223 = arith.constant dense<0.000000e+00> : vector<128x8xf32>
    %dot_general3A_224 = tpu.matmul %max3A_143, %get3A_222, %dot_general3A_223 {dimension_numbers = #tpu.dot_dimension_numbers<[1], [0], [0], [1], [0, 0, 1, 1], [], []>, transpose_lhs_hint = false} : vector<128x128xf32>, vector<128x8xf32>, vector<128x8xf32> -> vector<128x8xf32>
    %get3A_225 = arith.constant 0 : index
    %get3A_226 = arith.constant 0 : index
    %get3A_227 = vector.load %arg23[%get3A_225, %get3A_226] : memref<128x8xf32, #tpu.memory_space<vmem>>, vector<128x8xf32>
    %dot_general3A_228 = arith.constant dense<0.000000e+00> : vector<128x8xf32>
    %dot_general3A_229 = tpu.matmul %max3A_219, %get3A_227, %dot_general3A_228 {dimension_numbers = #tpu.dot_dimension_numbers<[1], [0], [0], [1], [0, 0, 1, 1], [], []>, transpose_lhs_hint = false} : vector<128x128xf32>, vector<128x8xf32>, vector<128x8xf32> -> vector<128x8xf32>
    %add3A_230 = arith.addf %dot_general3A_224, %dot_general3A_229 : vector<128x8xf32>
    %get3A_231 = arith.constant 0 : index
    %get3A_232 = arith.constant 0 : index
    %get3A_233 = vector.load %arg24[%get3A_231, %get3A_232] : memref<1x8xf32, #tpu.memory_space<vmem>>, vector<1x8xf32>
    %add3A_234 = vector.broadcast %get3A_233 : vector<1x8xf32> to vector<128x8xf32>
    %add3A_235 = arith.addf %add3A_230, %add3A_234 : vector<128x8xf32>
    %swap3A = arith.constant 0 : index
    %swap3A_236 = arith.constant 0 : index
    %swap3A_237 = vector.load %arg25[%swap3A, %swap3A_236] : memref<128x8xf32, #tpu.memory_space<vmem>>, vector<128x8xf32>
    tpu.vector_store %arg25[%swap3A, %swap3A_236], %add3A_235 {strides = array<i32>} : memref<128x8xf32, #tpu.memory_space<vmem>>, vector<128x8xf32>,
    return
  }
  func.func @transform_0(%arg0: i32) -> (i32, i32) {
    %c0_i32 = arith.constant 0 : i32
    %c0_i32_0 = arith.constant 0 : i32
    return %arg0, %c0_i32 : i32, i32
  }
  func.func @transform_1(%arg0: i32) -> (i32, i32) {
    %add3A = arith.constant 20 : i32
    %add3A_0 = arith.addi %arg0, %add3A : i32
    %c0_i32 = arith.constant 0 : i32
    %c0_i32_1 = arith.constant 0 : i32
    return %add3A_0, %c0_i32 : i32, i32
  }
  func.func @transform_2(%arg0: i32) -> (i32, i32) {
    %add3A = arith.constant 20 : i32
    %add3A_0 = arith.addi %arg0, %add3A : i32
    %c0_i32 = arith.constant 0 : i32
    %c0_i32_1 = arith.constant 0 : i32
    return %add3A_0, %c0_i32 : i32, i32
  }
  func.func @transform_3(%arg0: i32) -> (i32, i32) {
    %c0_i32 = arith.constant 0 : i32
    %c0_i32_0 = arith.constant 0 : i32
    %c0_i32_1 = arith.constant 0 : i32
    return %c0_i32, %c0_i32_0 : i32, i32
  }
  func.func @transform_4(%arg0: i32) -> (i32, i32) {
    %c0_i32 = arith.constant 0 : i32
    %c0_i32_0 = arith.constant 0 : i32
    %c0_i32_1 = arith.constant 0 : i32
    return %c0_i32, %c0_i32_0 : i32, i32
  }
  func.func @transform_5(%arg0: i32) -> (i32, i32) {
    %c0_i32 = arith.constant 0 : i32
    %c0_i32_0 = arith.constant 0 : i32
    %c0_i32_1 = arith.constant 0 : i32
    return %c0_i32, %c0_i32_0 : i32, i32
  }
  func.func @transform_6(%arg0: i32) -> (i32, i32) {
    %c0_i32 = arith.constant 0 : i32
    %c0_i32_0 = arith.constant 0 : i32
    %c0_i32_1 = arith.constant 0 : i32
    return %c0_i32, %c0_i32_0 : i32, i32
  }
  func.func @transform_7(%arg0: i32) -> (i32, i32) {
    %c0_i32 = arith.constant 0 : i32
    %c0_i32_0 = arith.constant 0 : i32
    %c0_i32_1 = arith.constant 0 : i32
    return %c0_i32, %c0_i32_0 : i32, i32
  }
  func.func @transform_8(%arg0: i32) -> (i32, i32) {
    %c0_i32 = arith.constant 0 : i32
    %c0_i32_0 = arith.constant 0 : i32
    %c0_i32_1 = arith.constant 0 : i32
    return %c0_i32, %c0_i32_0 : i32, i32
  }
  func.func @transform_9(%arg0: i32) -> (i32, i32) {
    %c0_i32 = arith.constant 0 : i32
    %c0_i32_0 = arith.constant 0 : i32
    %c0_i32_1 = arith.constant 0 : i32
    return %c0_i32, %c0_i32_0 : i32, i32
  }
  func.func @transform_10(%arg0: i32) -> (i32, i32) {
    %c0_i32 = arith.constant 0 : i32
    %c0_i32_0 = arith.constant 0 : i32
    %c0_i32_1 = arith.constant 0 : i32
    return %c0_i32, %c0_i32_0 : i32, i32
  }
  func.func @transform_11(%arg0: i32) -> (i32, i32) {
    %c0_i32 = arith.constant 0 : i32
    %c0_i32_0 = arith.constant 0 : i32
    %c0_i32_1 = arith.constant 0 : i32
    return %c0_i32, %c0_i32_0 : i32, i32
  }
  func.func @transform_12(%arg0: i32) -> (i32, i32) {
    %c0_i32 = arith.constant 0 : i32
    %c0_i32_0 = arith.constant 0 : i32
    %c0_i32_1 = arith.constant 0 : i32
    return %c0_i32, %c0_i32_0 : i32, i32
  }
  func.func @transform_13(%arg0: i32) -> (i32, i32) {
    %c0_i32 = arith.constant 0 : i32
    %c0_i32_0 = arith.constant 0 : i32
    %c0_i32_1 = arith.constant 0 : i32
    return %c0_i32, %c0_i32_0 : i32, i32
  }
  func.func @transform_14(%arg0: i32) -> (i32, i32) {
    %c0_i32 = arith.constant 0 : i32
    %c0_i32_0 = arith.constant 0 : i32
    %c0_i32_1 = arith.constant 0 : i32
    return %c0_i32, %c0_i32_0 : i32, i32
  }
  func.func @transform_15(%arg0: i32) -> (i32, i32) {
    %c0_i32 = arith.constant 0 : i32
    %c0_i32_0 = arith.constant 0 : i32
    %c0_i32_1 = arith.constant 0 : i32
    return %c0_i32, %c0_i32_0 : i32, i32
  }
  func.func @transform_16(%arg0: i32) -> (i32, i32) {
    %c0_i32 = arith.constant 0 : i32
    %c0_i32_0 = arith.constant 0 : i32
    %c0_i32_1 = arith.constant 0 : i32
    return %c0_i32, %c0_i32_0 : i32, i32
  }
  func.func @transform_17(%arg0: i32) -> (i32, i32) {
    %c0_i32 = arith.constant 0 : i32
    %c0_i32_0 = arith.constant 0 : i32
    %c0_i32_1 = arith.constant 0 : i32
    return %c0_i32, %c0_i32_0 : i32, i32
  }
  func.func @transform_18(%arg0: i32) -> (i32, i32) {
    %c0_i32 = arith.constant 0 : i32
    %c0_i32_0 = arith.constant 0 : i32
    %c0_i32_1 = arith.constant 0 : i32
    return %c0_i32, %c0_i32_0 : i32, i32
  }
  func.func @transform_19(%arg0: i32) -> (i32, i32) {
    %c0_i32 = arith.constant 0 : i32
    %c0_i32_0 = arith.constant 0 : i32
    %c0_i32_1 = arith.constant 0 : i32
    return %c0_i32, %c0_i32_0 : i32, i32
  }
  func.func @transform_20(%arg0: i32) -> (i32, i32) {
    %c0_i32 = arith.constant 0 : i32
    %c0_i32_0 = arith.constant 0 : i32
    %c0_i32_1 = arith.constant 0 : i32
    return %c0_i32, %c0_i32_0 : i32, i32
  }
  func.func @transform_21(%arg0: i32) -> (i32, i32) {
    %c0_i32 = arith.constant 0 : i32
    %c0_i32_0 = arith.constant 0 : i32
    %c0_i32_1 = arith.constant 0 : i32
    return %c0_i32, %c0_i32_0 : i32, i32
  }
  func.func @transform_22(%arg0: i32) -> (i32, i32) {
    %c0_i32 = arith.constant 0 : i32
    %c0_i32_0 = arith.constant 0 : i32
    %c0_i32_1 = arith.constant 0 : i32
    return %c0_i32, %c0_i32_0 : i32, i32
  }
  func.func @transform_23(%arg0: i32) -> (i32, i32) {
    %c0_i32 = arith.constant 0 : i32
    %c0_i32_0 = arith.constant 0 : i32
    %c0_i32_1 = arith.constant 0 : i32
    return %c0_i32, %c0_i32_0 : i32, i32
  }
  func.func @transform_24(%arg0: i32) -> (i32, i32) {
    %c0_i32 = arith.constant 0 : i32
    %c0_i32_0 = arith.constant 0 : i32
    return %arg0, %c0_i32 : i32, i32
  }
}

module attributes {stable_mosaic.version = 14 : i64} {
  func.func @_edge_body(%arg0: i32, %arg1: memref<4096x128xf32, #tpu.memory_space<vmem>>, %arg2: memref<128x64xf32, #tpu.memory_space<vmem>>, %arg3: memref<128x128xf32, #tpu.memory_space<vmem>>, %arg4: memref<64x32xf32, #tpu.memory_space<vmem>>, %arg5: memref<1x32xf32, #tpu.memory_space<vmem>>, %arg6: memref<32x128xf32, #tpu.memory_space<vmem>>, %arg7: memref<1x128xf32, #tpu.memory_space<vmem>>, %arg8: memref<128x64xf32, #tpu.memory_space<vmem>>, %arg9: memref<1x64xf32, #tpu.memory_space<vmem>>, %arg10: memref<64x32xf32, #tpu.memory_space<vmem>>, %arg11: memref<1x32xf32, #tpu.memory_space<vmem>>, %arg12: memref<32x128xf32, #tpu.memory_space<vmem>>, %arg13: memref<1x128xf32, #tpu.memory_space<vmem>>, %arg14: memref<128x128xf32, #tpu.memory_space<vmem>>, %arg15: memref<1x128xf32, #tpu.memory_space<vmem>>, %arg16: memref<128x128xf32, #tpu.memory_space<vmem>>, %arg17: memref<1x128xf32, #tpu.memory_space<vmem>>, %arg18: memref<128x128xf32, #tpu.memory_space<vmem>>, %arg19: memref<1x128xf32, #tpu.memory_space<vmem>>, %arg20: memref<128x128xf32, #tpu.memory_space<vmem>>, %arg21: memref<1x128xf32, #tpu.memory_space<vmem>>, %arg22: memref<128x8xf32, #tpu.memory_space<vmem>>, %arg23: memref<128x8xf32, #tpu.memory_space<vmem>>, %arg24: memref<1x8xf32, #tpu.memory_space<vmem>>, %arg25: memref<128x8xf32, #tpu.memory_space<vmem>>) attributes {dimension_semantics = [#tpu.dimension_semantics<arbitrary>], iteration_bounds = array<i64: 20>, scalar_prefetch = 0 : i64, scratch_operands = 0 : i64, tpu.core_type = #tpu.core_type<tc>, window_params = [{transform_indices = @transform_0, window_bounds = array<i64: 4096, 128>}, {transform_indices = @transform_1, window_bounds = array<i64: 128, 64>}, {transform_indices = @transform_2, window_bounds = array<i64: 128, 128>}, {pipeline_mode = #tpu.pipeline_mode<synchronous>, transform_indices = @transform_3, window_bounds = array<i64: 64, 32>}, {pipeline_mode = #tpu.pipeline_mode<synchronous>, transform_indices = @transform_4, window_bounds = array<i64: 1, 32>}, {pipeline_mode = #tpu.pipeline_mode<synchronous>, transform_indices = @transform_5, window_bounds = array<i64: 32, 128>}, {pipeline_mode = #tpu.pipeline_mode<synchronous>, transform_indices = @transform_6, window_bounds = array<i64: 1, 128>}, {pipeline_mode = #tpu.pipeline_mode<synchronous>, transform_indices = @transform_7, window_bounds = array<i64: 128, 64>}, {pipeline_mode = #tpu.pipeline_mode<synchronous>, transform_indices = @transform_8, window_bounds = array<i64: 1, 64>}, {pipeline_mode = #tpu.pipeline_mode<synchronous>, transform_indices = @transform_9, window_bounds = array<i64: 64, 32>}, {pipeline_mode = #tpu.pipeline_mode<synchronous>, transform_indices = @transform_10, window_bounds = array<i64: 1, 32>}, {pipeline_mode = #tpu.pipeline_mode<synchronous>, transform_indices = @transform_11, window_bounds = array<i64: 32, 128>}, {pipeline_mode = #tpu.pipeline_mode<synchronous>, transform_indices = @transform_12, window_bounds = array<i64: 1, 128>}, {pipeline_mode = #tpu.pipeline_mode<synchronous>, transform_indices = @transform_13, window_bounds = array<i64: 128, 128>}, {pipeline_mode = #tpu.pipeline_mode<synchronous>, transform_indices = @transform_14, window_bounds = array<i64: 1, 128>}, {pipeline_mode = #tpu.pipeline_mode<synchronous>, transform_indices = @transform_15, window_bounds = array<i64: 128, 128>}, {pipeline_mode = #tpu.pipeline_mode<synchronous>, transform_indices = @transform_16, window_bounds = array<i64: 1, 128>}, {pipeline_mode = #tpu.pipeline_mode<synchronous>, transform_indices = @transform_17, window_bounds = array<i64: 128, 128>}, {pipeline_mode = #tpu.pipeline_mode<synchronous>, transform_indices = @transform_18, window_bounds = array<i64: 1, 128>}, {pipeline_mode = #tpu.pipeline_mode<synchronous>, transform_indices = @transform_19, window_bounds = array<i64: 128, 128>}, {pipeline_mode = #tpu.pipeline_mode<synchronous>, transform_indices = @transform_20, window_bounds = array<i64: 1, 128>}, {pipeline_mode = #tpu.pipeline_mode<synchronous>, transform_indices = @transform_21, window_bounds = array<i64: 128, 8>}, {pipeline_mode = #tpu.pipeline_mode<synchronous>, transform_indices = @transform_22, window_bounds = array<i64: 128, 8>}, {pipeline_mode = #tpu.pipeline_mode<synchronous>, transform_indices = @transform_23, window_bounds = array<i64: 1, 8>}, {transform_indices = @transform_24, window_bounds = array<i64: 128, 8>}]} {
    %get3A = arith.constant 0 : index
    %get3A_0 = arith.constant 0 : index
    %get3A_1 = vector.load %arg1[%get3A, %get3A_0] : memref<4096x128xf32, #tpu.memory_space<vmem>>, vector<4096x128xf32>
    %slice3A = vector.extract_strided_slice %get3A_1 {offsets = [0, 0], sizes = [4096, 64], strides = [1, 1]} : vector<4096x128xf32> to vector<4096x64xf32>
    %get3A_2 = arith.constant 0 : index
    %get3A_3 = arith.constant 0 : index
    %get3A_4 = vector.load %arg2[%get3A_2, %get3A_3] : memref<128x64xf32, #tpu.memory_space<vmem>>, vector<128x64xf32>
    %broadcast_in_dim3A = vector.shape_cast %get3A_4 : vector<128x64xf32> to vector<128x1x64xf32>
    %broadcast_in_dim3A_5 = vector.shape_cast %broadcast_in_dim3A : vector<128x1x64xf32> to vector<128x1x64xf32>
    %broadcast_in_dim3A_6 = vector.broadcast %broadcast_in_dim3A_5 : vector<128x1x64xf32> to vector<128x32x64xf32>
    %reshape3A = vector.shape_cast %broadcast_in_dim3A_6 : vector<128x32x64xf32> to vector<4096x64xf32>
    %add3A = arith.addf %slice3A, %reshape3A : vector<4096x64xf32>
    %max3A = arith.constant 0.000000e+00 : f32
    %max3A_7 = vector.broadcast %max3A : f32 to vector<4096x64xf32>
    %max3A_8 = arith.maximumf %add3A, %max3A_7 : vector<4096x64xf32>
    %get3A_9 = arith.constant 0 : index
    %get3A_10 = arith.constant 0 : index
    %get3A_11 = vector.load %arg4[%get3A_9, %get3A_10] : memref<64x32xf32, #tpu.memory_space<vmem>>, vector<64x32xf32>
    %dot_general3A = arith.constant dense<0.000000e+00> : vector<4096x32xf32>
    %dot_general3A_12 = tpu.matmul %max3A_8, %get3A_11, %dot_general3A {dimension_numbers = #tpu.dot_dimension_numbers<[1], [0], [0], [1], [0, 0, 1, 1], [], []>, transpose_lhs_hint = false} : vector<4096x64xf32>, vector<64x32xf32>, vector<4096x32xf32> -> vector<4096x32xf32>
    %get3A_13 = arith.constant 0 : index
    %get3A_14 = arith.constant 0 : index
    %get3A_15 = vector.load %arg5[%get3A_13, %get3A_14] : memref<1x32xf32, #tpu.memory_space<vmem>>, vector<1x32xf32>
    %add3A_16 = vector.broadcast %get3A_15 : vector<1x32xf32> to vector<4096x32xf32>
    %add3A_17 = arith.addf %dot_general3A_12, %add3A_16 : vector<4096x32xf32>
    %max3A_18 = arith.constant 0.000000e+00 : f32
    %max3A_19 = vector.broadcast %max3A_18 : f32 to vector<4096x32xf32>
    %max3A_20 = arith.maximumf %add3A_17, %max3A_19 : vector<4096x32xf32>
    %get3A_21 = arith.constant 0 : index
    %get3A_22 = arith.constant 0 : index
    %get3A_23 = vector.load %arg6[%get3A_21, %get3A_22] : memref<32x128xf32, #tpu.memory_space<vmem>>, vector<32x128xf32>
    %dot_general3A_24 = arith.constant dense<0.000000e+00> : vector<4096x128xf32>
    %dot_general3A_25 = tpu.matmul %max3A_20, %get3A_23, %dot_general3A_24 {dimension_numbers = #tpu.dot_dimension_numbers<[1], [0], [0], [1], [0, 0, 1, 1], [], []>, transpose_lhs_hint = false} : vector<4096x32xf32>, vector<32x128xf32>, vector<4096x128xf32> -> vector<4096x128xf32>
    %get3A_26 = arith.constant 0 : index
    %get3A_27 = arith.constant 0 : index
    %get3A_28 = vector.load %arg7[%get3A_26, %get3A_27] : memref<1x128xf32, #tpu.memory_space<vmem>>, vector<1x128xf32>
    %add3A_29 = vector.broadcast %get3A_28 : vector<1x128xf32> to vector<4096x128xf32>
    %add3A_30 = arith.addf %dot_general3A_25, %add3A_29 : vector<4096x128xf32>
    %reshape3A_31 = vector.shape_cast %add3A_30 : vector<4096x128xf32> to vector<128x32x128xf32>
    %reduce_max3A = arith.constant dense<0xFF800000> : vector<128x128xf32>
    %reduce_max3A_32 = vector.multi_reduction <maximumf>, %reshape3A_31, %reduce_max3A [1] : vector<128x32x128xf32> to vector<128x128xf32>
    %get3A_33 = arith.constant 0 : index
    %get3A_34 = arith.constant 0 : index
    %get3A_35 = vector.load %arg8[%get3A_33, %get3A_34] : memref<128x64xf32, #tpu.memory_space<vmem>>, vector<128x64xf32>
    %dot_general3A_36 = arith.constant dense<0.000000e+00> : vector<128x64xf32>
    %dot_general3A_37 = tpu.matmul %reduce_max3A_32, %get3A_35, %dot_general3A_36 {dimension_numbers = #tpu.dot_dimension_numbers<[1], [0], [0], [1], [0, 0, 1, 1], [], []>, transpose_lhs_hint = false} : vector<128x128xf32>, vector<128x64xf32>, vector<128x64xf32> -> vector<128x64xf32>
    %get3A_38 = arith.constant 0 : index
    %get3A_39 = arith.constant 0 : index
    %get3A_40 = vector.load %arg9[%get3A_38, %get3A_39] : memref<1x64xf32, #tpu.memory_space<vmem>>, vector<1x64xf32>
    %add3A_41 = vector.broadcast %get3A_40 : vector<1x64xf32> to vector<128x64xf32>
    %add3A_42 = arith.addf %dot_general3A_37, %add3A_41 : vector<128x64xf32>
    %max3A_43 = arith.constant 0.000000e+00 : f32
    %max3A_44 = vector.broadcast %max3A_43 : f32 to vector<128x64xf32>
    %max3A_45 = arith.maximumf %add3A_42, %max3A_44 : vector<128x64xf32>
    %get3A_46 = arith.constant 0 : index
    %get3A_47 = arith.constant 0 : index
    %get3A_48 = vector.load %arg10[%get3A_46, %get3A_47] : memref<64x32xf32, #tpu.memory_space<vmem>>, vector<64x32xf32>
    %dot_general3A_49 = arith.constant dense<0.000000e+00> : vector<128x32xf32>
    %dot_general3A_50 = tpu.matmul %max3A_45, %get3A_48, %dot_general3A_49 {dimension_numbers = #tpu.dot_dimension_numbers<[1], [0], [0], [1], [0, 0, 1, 1], [], []>, transpose_lhs_hint = false} : vector<128x64xf32>, vector<64x32xf32>, vector<128x32xf32> -> vector<128x32xf32>
    %get3A_51 = arith.constant 0 : index
    %get3A_52 = arith.constant 0 : index
    %get3A_53 = vector.load %arg11[%get3A_51, %get3A_52] : memref<1x32xf32, #tpu.memory_space<vmem>>, vector<1x32xf32>
    %add3A_54 = vector.broadcast %get3A_53 : vector<1x32xf32> to vector<128x32xf32>
    %add3A_55 = arith.addf %dot_general3A_50, %add3A_54 : vector<128x32xf32>
    %max3A_56 = arith.constant 0.000000e+00 : f32
    %max3A_57 = vector.broadcast %max3A_56 : f32 to vector<128x32xf32>
    %max3A_58 = arith.maximumf %add3A_55, %max3A_57 : vector<128x32xf32>
    %get3A_59 = arith.constant 0 : index
    %get3A_60 = arith.constant 0 : index
    %get3A_61 = vector.load %arg3[%get3A_59, %get3A_60] : memref<128x128xf32, #tpu.memory_space<vmem>>, vector<128x128xf32>
    %get3A_62 = arith.constant 0 : index
    %get3A_63 = arith.constant 0 : index
    %get3A_64 = vector.load %arg12[%get3A_62, %get3A_63] : memref<32x128xf32, #tpu.memory_space<vmem>>, vector<32x128xf32>
    %dot_general3A_65 = arith.constant dense<0.000000e+00> : vector<128x128xf32>
    %dot_general3A_66 = tpu.matmul %max3A_58, %get3A_64, %dot_general3A_65 {dimension_numbers = #tpu.dot_dimension_numbers<[1], [0], [0], [1], [0, 0, 1, 1], [], []>, transpose_lhs_hint = false} : vector<128x32xf32>, vector<32x128xf32>, vector<128x128xf32> -> vector<128x128xf32>
    %add3A_67 = arith.addf %get3A_61, %dot_general3A_66 : vector<128x128xf32>
    %get3A_68 = arith.constant 0 : index
    %get3A_69 = arith.constant 0 : index
    %get3A_70 = vector.load %arg13[%get3A_68, %get3A_69] : memref<1x128xf32, #tpu.memory_space<vmem>>, vector<1x128xf32>
    %add3A_71 = vector.broadcast %get3A_70 : vector<1x128xf32> to vector<128x128xf32>
    %add3A_72 = arith.addf %add3A_67, %add3A_71 : vector<128x128xf32>
    %get3A_73 = arith.constant 0 : index
    %get3A_74 = arith.constant 0 : index
    %get3A_75 = vector.load %arg14[%get3A_73, %get3A_74] : memref<128x128xf32, #tpu.memory_space<vmem>>, vector<128x128xf32>
    %dot_general3A_76 = arith.constant dense<0.000000e+00> : vector<128x128xf32>
    %dot_general3A_77 = tpu.matmul %add3A_72, %get3A_75, %dot_general3A_76 {dimension_numbers = #tpu.dot_dimension_numbers<[1], [0], [0], [1], [0, 0, 1, 1], [], []>, transpose_lhs_hint = false} : vector<128x128xf32>, vector<128x128xf32>, vector<128x128xf32> -> vector<128x128xf32>
    %get3A_78 = arith.constant 0 : index
    %get3A_79 = arith.constant 0 : index
    %get3A_80 = vector.load %arg15[%get3A_78, %get3A_79] : memref<1x128xf32, #tpu.memory_space<vmem>>, vector<1x128xf32>
    %add3A_81 = vector.broadcast %get3A_80 : vector<1x128xf32> to vector<128x128xf32>
    %add3A_82 = arith.addf %dot_general3A_77, %add3A_81 : vector<128x128xf32>
    %reduce_sum3A = arith.constant dense<0.000000e+00> : vector<128xf32>
    %reduce_sum3A_83 = vector.multi_reduction <add>, %add3A_82, %reduce_sum3A [1] : vector<128x128xf32> to vector<128xf32>
    %broadcast_in_dim3A_84 = vector.shape_cast %reduce_sum3A_83 : vector<128xf32> to vector<128x1xf32>
    %div3A = arith.constant 1.280000e+02 : f32
    %div3A_85 = vector.broadcast %div3A : f32 to vector<128x1xf32>
    %div3A_86 = arith.divf %broadcast_in_dim3A_84, %div3A_85 : vector<128x1xf32>
    %sub3A = vector.broadcast %div3A_86 : vector<128x1xf32> to vector<128x128xf32>
    %sub3A_87 = arith.subf %add3A_82, %sub3A : vector<128x128xf32>
    %sub3A_88 = vector.broadcast %div3A_86 : vector<128x1xf32> to vector<128x128xf32>
    %sub3A_89 = arith.subf %add3A_82, %sub3A_88 : vector<128x128xf32>
    %mul3A = arith.mulf %sub3A_87, %sub3A_89 : vector<128x128xf32>
    %reduce_sum3A_90 = arith.constant dense<0.000000e+00> : vector<128xf32>
    %reduce_sum3A_91 = vector.multi_reduction <add>, %mul3A, %reduce_sum3A_90 [1] : vector<128x128xf32> to vector<128xf32>
    %broadcast_in_dim3A_92 = vector.shape_cast %reduce_sum3A_91 : vector<128xf32> to vector<128x1xf32>
    %div3A_93 = arith.constant 1.280000e+02 : f32
    %div3A_94 = vector.broadcast %div3A_93 : f32 to vector<128x1xf32>
    %div3A_95 = arith.divf %broadcast_in_dim3A_92, %div3A_94 : vector<128x1xf32>
    %sub3A_96 = vector.broadcast %div3A_86 : vector<128x1xf32> to vector<128x128xf32>
    %sub3A_97 = arith.subf %add3A_82, %sub3A_96 : vector<128x128xf32>
    %add3A_98 = arith.constant 9.99999974E-6 : f32
    %add3A_99 = vector.broadcast %add3A_98 : f32 to vector<128x1xf32>
    %add3A_100 = arith.addf %div3A_95, %add3A_99 : vector<128x1xf32>
    %sqrt3A = math.sqrt %add3A_100 : vector<128x1xf32>
    %div3A_101 = vector.broadcast %sqrt3A : vector<128x1xf32> to vector<128x128xf32>
    %div3A_102 = arith.divf %sub3A_97, %div3A_101 : vector<128x128xf32>
    %max3A_103 = arith.constant 0.000000e+00 : f32
    %max3A_104 = vector.broadcast %max3A_103 : f32 to vector<128x128xf32>
    %max3A_105 = arith.maximumf %div3A_102, %max3A_104 : vector<128x128xf32>
    %get3A_106 = arith.constant 0 : index
    %get3A_107 = arith.constant 0 : index
    %get3A_108 = vector.load %arg16[%get3A_106, %get3A_107] : memref<128x128xf32, #tpu.memory_space<vmem>>, vector<128x128xf32>
    %dot_general3A_109 = arith.constant dense<0.000000e+00> : vector<128x128xf32>
    %dot_general3A_110 = tpu.matmul %max3A_105, %get3A_108, %dot_general3A_109 {dimension_numbers = #tpu.dot_dimension_numbers<[1], [0], [0], [1], [0, 0, 1, 1], [], []>, transpose_lhs_hint = false} : vector<128x128xf32>, vector<128x128xf32>, vector<128x128xf32> -> vector<128x128xf32>
    %get3A_111 = arith.constant 0 : index
    %get3A_112 = arith.constant 0 : index
    %get3A_113 = vector.load %arg17[%get3A_111, %get3A_112] : memref<1x128xf32, #tpu.memory_space<vmem>>, vector<1x128xf32>
    %add3A_114 = vector.broadcast %get3A_113 : vector<1x128xf32> to vector<128x128xf32>
    %add3A_115 = arith.addf %dot_general3A_110, %add3A_114 : vector<128x128xf32>
    %reduce_sum3A_116 = arith.constant dense<0.000000e+00> : vector<128xf32>
    %reduce_sum3A_117 = vector.multi_reduction <add>, %add3A_115, %reduce_sum3A_116 [1] : vector<128x128xf32> to vector<128xf32>
    %broadcast_in_dim3A_118 = vector.shape_cast %reduce_sum3A_117 : vector<128xf32> to vector<128x1xf32>
    %div3A_119 = arith.constant 1.280000e+02 : f32
    %div3A_120 = vector.broadcast %div3A_119 : f32 to vector<128x1xf32>
    %div3A_121 = arith.divf %broadcast_in_dim3A_118, %div3A_120 : vector<128x1xf32>
    %sub3A_122 = vector.broadcast %div3A_121 : vector<128x1xf32> to vector<128x128xf32>
    %sub3A_123 = arith.subf %add3A_115, %sub3A_122 : vector<128x128xf32>
    %sub3A_124 = vector.broadcast %div3A_121 : vector<128x1xf32> to vector<128x128xf32>
    %sub3A_125 = arith.subf %add3A_115, %sub3A_124 : vector<128x128xf32>
    %mul3A_126 = arith.mulf %sub3A_123, %sub3A_125 : vector<128x128xf32>
    %reduce_sum3A_127 = arith.constant dense<0.000000e+00> : vector<128xf32>
    %reduce_sum3A_128 = vector.multi_reduction <add>, %mul3A_126, %reduce_sum3A_127 [1] : vector<128x128xf32> to vector<128xf32>
    %broadcast_in_dim3A_129 = vector.shape_cast %reduce_sum3A_128 : vector<128xf32> to vector<128x1xf32>
    %div3A_130 = arith.constant 1.280000e+02 : f32
    %div3A_131 = vector.broadcast %div3A_130 : f32 to vector<128x1xf32>
    %div3A_132 = arith.divf %broadcast_in_dim3A_129, %div3A_131 : vector<128x1xf32>
    %sub3A_133 = vector.broadcast %div3A_121 : vector<128x1xf32> to vector<128x128xf32>
    %sub3A_134 = arith.subf %add3A_115, %sub3A_133 : vector<128x128xf32>
    %add3A_135 = arith.constant 9.99999974E-6 : f32
    %add3A_136 = vector.broadcast %add3A_135 : f32 to vector<128x1xf32>
    %add3A_137 = arith.addf %div3A_132, %add3A_136 : vector<128x1xf32>
    %sqrt3A_138 = math.sqrt %add3A_137 : vector<128x1xf32>
    %div3A_139 = vector.broadcast %sqrt3A_138 : vector<128x1xf32> to vector<128x128xf32>
    %div3A_140 = arith.divf %sub3A_134, %div3A_139 : vector<128x128xf32>
    %max3A_141 = arith.constant 0.000000e+00 : f32
    %max3A_142 = vector.broadcast %max3A_141 : f32 to vector<128x128xf32>
    %max3A_143 = arith.maximumf %div3A_140, %max3A_142 : vector<128x128xf32>
    %get3A_144 = arith.constant 0 : index
    %get3A_145 = arith.constant 0 : index
    %get3A_146 = vector.load %arg18[%get3A_144, %get3A_145] : memref<128x128xf32, #tpu.memory_space<vmem>>, vector<128x128xf32>
    %dot_general3A_147 = arith.constant dense<0.000000e+00> : vector<128x128xf32>
    %dot_general3A_148 = tpu.matmul %add3A_72, %get3A_146, %dot_general3A_147 {dimension_numbers = #tpu.dot_dimension_numbers<[1], [0], [0], [1], [0, 0, 1, 1], [], []>, transpose_lhs_hint = false} : vector<128x128xf32>, vector<128x128xf32>, vector<128x128xf32> -> vector<128x128xf32>
    %get3A_149 = arith.constant 0 : index
    %get3A_150 = arith.constant 0 : index
    %get3A_151 = vector.load %arg19[%get3A_149, %get3A_150] : memref<1x128xf32, #tpu.memory_space<vmem>>, vector<1x128xf32>
    %add3A_152 = vector.broadcast %get3A_151 : vector<1x128xf32> to vector<128x128xf32>
    %add3A_153 = arith.addf %dot_general3A_148, %add3A_152 : vector<128x128xf32>
    %reduce_sum3A_154 = arith.constant dense<0.000000e+00> : vector<128xf32>
    %reduce_sum3A_155 = vector.multi_reduction <add>, %add3A_153, %reduce_sum3A_154 [1] : vector<128x128xf32> to vector<128xf32>
    %broadcast_in_dim3A_156 = vector.shape_cast %reduce_sum3A_155 : vector<128xf32> to vector<128x1xf32>
    %div3A_157 = arith.constant 1.280000e+02 : f32
    %div3A_158 = vector.broadcast %div3A_157 : f32 to vector<128x1xf32>
    %div3A_159 = arith.divf %broadcast_in_dim3A_156, %div3A_158 : vector<128x1xf32>
    %sub3A_160 = vector.broadcast %div3A_159 : vector<128x1xf32> to vector<128x128xf32>
    %sub3A_161 = arith.subf %add3A_153, %sub3A_160 : vector<128x128xf32>
    %sub3A_162 = vector.broadcast %div3A_159 : vector<128x1xf32> to vector<128x128xf32>
    %sub3A_163 = arith.subf %add3A_153, %sub3A_162 : vector<128x128xf32>
    %mul3A_164 = arith.mulf %sub3A_161, %sub3A_163 : vector<128x128xf32>
    %reduce_sum3A_165 = arith.constant dense<0.000000e+00> : vector<128xf32>
    %reduce_sum3A_166 = vector.multi_reduction <add>, %mul3A_164, %reduce_sum3A_165 [1] : vector<128x128xf32> to vector<128xf32>
    %broadcast_in_dim3A_167 = vector.shape_cast %reduce_sum3A_166 : vector<128xf32> to vector<128x1xf32>
    %div3A_168 = arith.constant 1.280000e+02 : f32
    %div3A_169 = vector.broadcast %div3A_168 : f32 to vector<128x1xf32>
    %div3A_170 = arith.divf %broadcast_in_dim3A_167, %div3A_169 : vector<128x1xf32>
    %sub3A_171 = vector.broadcast %div3A_159 : vector<128x1xf32> to vector<128x128xf32>
    %sub3A_172 = arith.subf %add3A_153, %sub3A_171 : vector<128x128xf32>
    %add3A_173 = arith.constant 9.99999974E-6 : f32
    %add3A_174 = vector.broadcast %add3A_173 : f32 to vector<128x1xf32>
    %add3A_175 = arith.addf %div3A_170, %add3A_174 : vector<128x1xf32>
    %sqrt3A_176 = math.sqrt %add3A_175 : vector<128x1xf32>
    %div3A_177 = vector.broadcast %sqrt3A_176 : vector<128x1xf32> to vector<128x128xf32>
    %div3A_178 = arith.divf %sub3A_172, %div3A_177 : vector<128x128xf32>
    %max3A_179 = arith.constant 0.000000e+00 : f32
    %max3A_180 = vector.broadcast %max3A_179 : f32 to vector<128x128xf32>
    %max3A_181 = arith.maximumf %div3A_178, %max3A_180 : vector<128x128xf32>
    %get3A_182 = arith.constant 0 : index
    %get3A_183 = arith.constant 0 : index
    %get3A_184 = vector.load %arg20[%get3A_182, %get3A_183] : memref<128x128xf32, #tpu.memory_space<vmem>>, vector<128x128xf32>
    %dot_general3A_185 = arith.constant dense<0.000000e+00> : vector<128x128xf32>
    %dot_general3A_186 = tpu.matmul %max3A_181, %get3A_184, %dot_general3A_185 {dimension_numbers = #tpu.dot_dimension_numbers<[1], [0], [0], [1], [0, 0, 1, 1], [], []>, transpose_lhs_hint = false} : vector<128x128xf32>, vector<128x128xf32>, vector<128x128xf32> -> vector<128x128xf32>
    %get3A_187 = arith.constant 0 : index
    %get3A_188 = arith.constant 0 : index
    %get3A_189 = vector.load %arg21[%get3A_187, %get3A_188] : memref<1x128xf32, #tpu.memory_space<vmem>>, vector<1x128xf32>
    %add3A_190 = vector.broadcast %get3A_189 : vector<1x128xf32> to vector<128x128xf32>
    %add3A_191 = arith.addf %dot_general3A_186, %add3A_190 : vector<128x128xf32>
    %reduce_sum3A_192 = arith.constant dense<0.000000e+00> : vector<128xf32>
    %reduce_sum3A_193 = vector.multi_reduction <add>, %add3A_191, %reduce_sum3A_192 [1] : vector<128x128xf32> to vector<128xf32>
    %broadcast_in_dim3A_194 = vector.shape_cast %reduce_sum3A_193 : vector<128xf32> to vector<128x1xf32>
    %div3A_195 = arith.constant 1.280000e+02 : f32
    %div3A_196 = vector.broadcast %div3A_195 : f32 to vector<128x1xf32>
    %div3A_197 = arith.divf %broadcast_in_dim3A_194, %div3A_196 : vector<128x1xf32>
    %sub3A_198 = vector.broadcast %div3A_197 : vector<128x1xf32> to vector<128x128xf32>
    %sub3A_199 = arith.subf %add3A_191, %sub3A_198 : vector<128x128xf32>
    %sub3A_200 = vector.broadcast %div3A_197 : vector<128x1xf32> to vector<128x128xf32>
    %sub3A_201 = arith.subf %add3A_191, %sub3A_200 : vector<128x128xf32>
    %mul3A_202 = arith.mulf %sub3A_199, %sub3A_201 : vector<128x128xf32>
    %reduce_sum3A_203 = arith.constant dense<0.000000e+00> : vector<128xf32>
    %reduce_sum3A_204 = vector.multi_reduction <add>, %mul3A_202, %reduce_sum3A_203 [1] : vector<128x128xf32> to vector<128xf32>
    %broadcast_in_dim3A_205 = vector.shape_cast %reduce_sum3A_204 : vector<128xf32> to vector<128x1xf32>
    %div3A_206 = arith.constant 1.280000e+02 : f32
    %div3A_207 = vector.broadcast %div3A_206 : f32 to vector<128x1xf32>
    %div3A_208 = arith.divf %broadcast_in_dim3A_205, %div3A_207 : vector<128x1xf32>
    %sub3A_209 = vector.broadcast %div3A_197 : vector<128x1xf32> to vector<128x128xf32>
    %sub3A_210 = arith.subf %add3A_191, %sub3A_209 : vector<128x128xf32>
    %add3A_211 = arith.constant 9.99999974E-6 : f32
    %add3A_212 = vector.broadcast %add3A_211 : f32 to vector<128x1xf32>
    %add3A_213 = arith.addf %div3A_208, %add3A_212 : vector<128x1xf32>
    %sqrt3A_214 = math.sqrt %add3A_213 : vector<128x1xf32>
    %div3A_215 = vector.broadcast %sqrt3A_214 : vector<128x1xf32> to vector<128x128xf32>
    %div3A_216 = arith.divf %sub3A_210, %div3A_215 : vector<128x128xf32>
    %max3A_217 = arith.constant 0.000000e+00 : f32
    %max3A_218 = vector.broadcast %max3A_217 : f32 to vector<128x128xf32>
    %max3A_219 = arith.maximumf %div3A_216, %max3A_218 : vector<128x128xf32>
    %get3A_220 = arith.constant 0 : index
    %get3A_221 = arith.constant 0 : index
    %get3A_222 = vector.load %arg22[%get3A_220, %get3A_221] : memref<128x8xf32, #tpu.memory_space<vmem>>, vector<128x8xf32>
    %dot_general3A_223 = arith.constant dense<0.000000e+00> : vector<128x8xf32>
    %dot_general3A_224 = tpu.matmul %max3A_143, %get3A_222, %dot_general3A_223 {dimension_numbers = #tpu.dot_dimension_numbers<[1], [0], [0], [1], [0, 0, 1, 1], [], []>, transpose_lhs_hint = false} : vector<128x128xf32>, vector<128x8xf32>, vector<128x8xf32> -> vector<128x8xf32>
    %get3A_225 = arith.constant 0 : index
    %get3A_226 = arith.constant 0 : index
    %get3A_227 = vector.load %arg23[%get3A_225, %get3A_226] : memref<128x8xf32, #tpu.memory_space<vmem>>, vector<128x8xf32>
    %dot_general3A_228 = arith.constant dense<0.000000e+00> : vector<128x8xf32>
    %dot_general3A_229 = tpu.matmul %max3A_219, %get3A_227, %dot_general3A_228 {dimension_numbers = #tpu.dot_dimension_numbers<[1], [0], [0], [1], [0, 0, 1, 1], [], []>, transpose_lhs_hint = false} : vector<128x128xf32>, vector<128x8xf32>, vector<128x8xf32> -> vector<128x8xf32>
    %add3A_230 = arith.addf %dot_general3A_224, %dot_general3A_229 : vector<128x8xf32>
    %get3A_231 = arith.constant 0 : index
    %get3A_232 = arith.constant 0 : index
    %get3A_233 = vector.load %arg24[%get3A_231, %get3A_232] : memref<1x8xf32, #tpu.memory_space<vmem>>, vector<1x8xf32>
    %add3A_234 = vector.broadcast %get3A_233 : vector<1x8xf32> to vector<128x8xf32>
    %add3A_235 = arith.addf %add3A_230, %add3A_234 : vector<128x8xf32>
    %swap3A = arith.constant 0 : index
    %swap3A_236 = arith.constant 0 : index
    %swap3A_237 = vector.load %arg25[%swap3A, %swap3A_236] : memref<128x8xf32, #tpu.memory_space<vmem>>, vector<128x8xf32>
    tpu.vector_store %arg25[%swap3A, %swap3A_236], %add3A_235 {strides = array<i32>} : memref<128x8xf32, #tpu.memory_space<vmem>>, vector<128x8xf32>,
    return
  }
  func.func @transform_0(%arg0: i32) -> (i32, i32) {
    %c0_i32 = arith.constant 0 : i32
    %c0_i32_0 = arith.constant 0 : i32
    return %arg0, %c0_i32 : i32, i32
  }
  func.func @transform_1(%arg0: i32) -> (i32, i32) {
    %add3A = arith.constant 0 : i32
    %add3A_0 = arith.addi %arg0, %add3A : i32
    %c0_i32 = arith.constant 0 : i32
    %c0_i32_1 = arith.constant 0 : i32
    return %add3A_0, %c0_i32 : i32, i32
  }
  func.func @transform_2(%arg0: i32) -> (i32, i32) {
    %add3A = arith.constant 0 : i32
    %add3A_0 = arith.addi %arg0, %add3A : i32
    %c0_i32 = arith.constant 0 : i32
    %c0_i32_1 = arith.constant 0 : i32
    return %add3A_0, %c0_i32 : i32, i32
  }
  func.func @transform_3(%arg0: i32) -> (i32, i32) {
    %c0_i32 = arith.constant 0 : i32
    %c0_i32_0 = arith.constant 0 : i32
    %c0_i32_1 = arith.constant 0 : i32
    return %c0_i32, %c0_i32_0 : i32, i32
  }
  func.func @transform_4(%arg0: i32) -> (i32, i32) {
    %c0_i32 = arith.constant 0 : i32
    %c0_i32_0 = arith.constant 0 : i32
    %c0_i32_1 = arith.constant 0 : i32
    return %c0_i32, %c0_i32_0 : i32, i32
  }
  func.func @transform_5(%arg0: i32) -> (i32, i32) {
    %c0_i32 = arith.constant 0 : i32
    %c0_i32_0 = arith.constant 0 : i32
    %c0_i32_1 = arith.constant 0 : i32
    return %c0_i32, %c0_i32_0 : i32, i32
  }
  func.func @transform_6(%arg0: i32) -> (i32, i32) {
    %c0_i32 = arith.constant 0 : i32
    %c0_i32_0 = arith.constant 0 : i32
    %c0_i32_1 = arith.constant 0 : i32
    return %c0_i32, %c0_i32_0 : i32, i32
  }
  func.func @transform_7(%arg0: i32) -> (i32, i32) {
    %c0_i32 = arith.constant 0 : i32
    %c0_i32_0 = arith.constant 0 : i32
    %c0_i32_1 = arith.constant 0 : i32
    return %c0_i32, %c0_i32_0 : i32, i32
  }
  func.func @transform_8(%arg0: i32) -> (i32, i32) {
    %c0_i32 = arith.constant 0 : i32
    %c0_i32_0 = arith.constant 0 : i32
    %c0_i32_1 = arith.constant 0 : i32
    return %c0_i32, %c0_i32_0 : i32, i32
  }
  func.func @transform_9(%arg0: i32) -> (i32, i32) {
    %c0_i32 = arith.constant 0 : i32
    %c0_i32_0 = arith.constant 0 : i32
    %c0_i32_1 = arith.constant 0 : i32
    return %c0_i32, %c0_i32_0 : i32, i32
  }
  func.func @transform_10(%arg0: i32) -> (i32, i32) {
    %c0_i32 = arith.constant 0 : i32
    %c0_i32_0 = arith.constant 0 : i32
    %c0_i32_1 = arith.constant 0 : i32
    return %c0_i32, %c0_i32_0 : i32, i32
  }
  func.func @transform_11(%arg0: i32) -> (i32, i32) {
    %c0_i32 = arith.constant 0 : i32
    %c0_i32_0 = arith.constant 0 : i32
    %c0_i32_1 = arith.constant 0 : i32
    return %c0_i32, %c0_i32_0 : i32, i32
  }
  func.func @transform_12(%arg0: i32) -> (i32, i32) {
    %c0_i32 = arith.constant 0 : i32
    %c0_i32_0 = arith.constant 0 : i32
    %c0_i32_1 = arith.constant 0 : i32
    return %c0_i32, %c0_i32_0 : i32, i32
  }
  func.func @transform_13(%arg0: i32) -> (i32, i32) {
    %c0_i32 = arith.constant 0 : i32
    %c0_i32_0 = arith.constant 0 : i32
    %c0_i32_1 = arith.constant 0 : i32
    return %c0_i32, %c0_i32_0 : i32, i32
  }
  func.func @transform_14(%arg0: i32) -> (i32, i32) {
    %c0_i32 = arith.constant 0 : i32
    %c0_i32_0 = arith.constant 0 : i32
    %c0_i32_1 = arith.constant 0 : i32
    return %c0_i32, %c0_i32_0 : i32, i32
  }
  func.func @transform_15(%arg0: i32) -> (i32, i32) {
    %c0_i32 = arith.constant 0 : i32
    %c0_i32_0 = arith.constant 0 : i32
    %c0_i32_1 = arith.constant 0 : i32
    return %c0_i32, %c0_i32_0 : i32, i32
  }
  func.func @transform_16(%arg0: i32) -> (i32, i32) {
    %c0_i32 = arith.constant 0 : i32
    %c0_i32_0 = arith.constant 0 : i32
    %c0_i32_1 = arith.constant 0 : i32
    return %c0_i32, %c0_i32_0 : i32, i32
  }
  func.func @transform_17(%arg0: i32) -> (i32, i32) {
    %c0_i32 = arith.constant 0 : i32
    %c0_i32_0 = arith.constant 0 : i32
    %c0_i32_1 = arith.constant 0 : i32
    return %c0_i32, %c0_i32_0 : i32, i32
  }
  func.func @transform_18(%arg0: i32) -> (i32, i32) {
    %c0_i32 = arith.constant 0 : i32
    %c0_i32_0 = arith.constant 0 : i32
    %c0_i32_1 = arith.constant 0 : i32
    return %c0_i32, %c0_i32_0 : i32, i32
  }
  func.func @transform_19(%arg0: i32) -> (i32, i32) {
    %c0_i32 = arith.constant 0 : i32
    %c0_i32_0 = arith.constant 0 : i32
    %c0_i32_1 = arith.constant 0 : i32
    return %c0_i32, %c0_i32_0 : i32, i32
  }
  func.func @transform_20(%arg0: i32) -> (i32, i32) {
    %c0_i32 = arith.constant 0 : i32
    %c0_i32_0 = arith.constant 0 : i32
    %c0_i32_1 = arith.constant 0 : i32
    return %c0_i32, %c0_i32_0 : i32, i32
  }
  func.func @transform_21(%arg0: i32) -> (i32, i32) {
    %c0_i32 = arith.constant 0 : i32
    %c0_i32_0 = arith.constant 0 : i32
    %c0_i32_1 = arith.constant 0 : i32
    return %c0_i32, %c0_i32_0 : i32, i32
  }
  func.func @transform_22(%arg0: i32) -> (i32, i32) {
    %c0_i32 = arith.constant 0 : i32
    %c0_i32_0 = arith.constant 0 : i32
    %c0_i32_1 = arith.constant 0 : i32
    return %c0_i32, %c0_i32_0 : i32, i32
  }
  func.func @transform_23(%arg0: i32) -> (i32, i32) {
    %c0_i32 = arith.constant 0 : i32
    %c0_i32_0 = arith.constant 0 : i32
    %c0_i32_1 = arith.constant 0 : i32
    return %c0_i32, %c0_i32_0 : i32, i32
  }
  func.func @transform_24(%arg0: i32) -> (i32, i32) {
    %c0_i32 = arith.constant 0 : i32
    %c0_i32_0 = arith.constant 0 : i32
    return %arg0, %c0_i32 : i32, i32
  }
}

</mosaic_0001>

<sc_bundles>
// kernel: kernel.15.cloned.1.call-start
scs
__scs_entry_jumppad:
0x0: {  	(pc) =	sbr.rel $0x88, $3  }
0x1: {  	(tag) =	ssettag $0x0;
	lr =	simm.s32 $0x1  }
0x2: {  	[smem:$0x3F81] =	sst lr;
	_ =	strace $0xD0000000  }
0x3: {  	_ = 	snop  }
0x4: {  	_ = 	snop  }
0x5: {  	_ = 	snop  }
0x6: {  	_ = 	snop  }
0x7: {  	_ = 	snop  }
__scs_overlays_trampoline_lowered:
0x8: {  	[smem:$0x3F90] =	sst s0  }
0x9: {  	[smem:$0x3F91] =	sst s1  }
0xa: {  	[smem:$0x3F92] =	sst s2  }
0xb: {  	[smem:$0x3F93] =	sst s3  }
0xc: {  	[smem:$0x3F94] =	sst s4  }
0xd: {  	[smem:$0x3F95] =	sst s5  }
0xe: {  	[smem:$0x3F96] =	sst s6  }
0xf: {  	[smem:$0x3F97] =	sst s7  }
0x10: {  	[smem:$0x3F98] =	sst s8  }
0x11: {  	[smem:$0x3F99] =	sst s9;
	s0 =	simm.s32 @!p0 $0x0  }
0x12: {  	s1 =	sld [smem:$0x3F7F];
	s0 =	simm.s32 @p0 $0x1  }
0x13: {  	[smem:$0x3F9A] =	sst s0;
	s0 =	simm.s32 @!p1 $0x0  }
0x14: {  	s2 =	sld [smem:$0x3F7E];
	s0 =	simm.s32 @p1 $0x1  }
0x15: {  	[smem:$0x3F9B] =	sst s0;
	s0 =	simm.s32 @!p2 $0x0  }
0x16: {  	s3 =	sld [smem:$0x3FDB];
	s0 =	simm.s32 @p2 $0x1  }
0x17: {  	s4 =	simm.s32 $0x1BF5;
	[smem:$0x3F9D] =	sst s0  }
0x18: {  	s0 =	sld [smem:$0x3F80];
	_ =	swait.ge [sflag:s4], $0x0  }
0x19: {  	s7 =	sld [smem:$0x3F81]  }
0x1a: {  	s8 =	sadd.s32 $0xFFFFE003, lr  }
0x1b: {  	s9 =	sadd.s32 $0xFFFFFEF7, lr;
	s5 =	simm.s32 $0xFFFFFFFF;
	p2 =	slt.u32 s8, $0xFFFFF086  }
0x1c: {  	p1 =	slt.u32 s9, $0xF7A;
	s5 =	simm.s32 @!p2 $0x0  }
0x1d: {  	s5 =	simm.s32 @p1 $0x1;
	p0 =	seq.s32 s7, s2  }
0x1e: {  	s7 =	smul.u32 @!p0 $0xF7A, s2;
	p2 =	seq.s32 @!p0 s5, $0x0  }
0x1f: {  	s9 =	smul.u32 $0xF7A, s1;
	s8 =	simm.s32 @!p0 $0x1BF5;
	p2 =	por !p2, p0  }
0x20: {  	[sflag:s8] =	ssyncset.s32 @!p0 $0xFFFFF086;
	s6 =	sadd.s32 @!p0 s3, s7;
	s7 =	simm.s32 @!p0 $0x108  }
0x21: {  	s3 =	sadd.s32 s3, s9;
	s6 =	sadd.s32 @!p0 $0x88, s6;
	s7 =	simm.s32 @p2 $0x1082  }
0x22: {  	[simem:s7], [sflag:s8] =	dma.local @!p0 [hbm:s6], $0xF7A  }
0x23: {  	s9 =	sor.u32 $0xD0000000, s2;
	s6 =	simm.s32 $0x108;
	_ =	swait.ge @!p0 [sflag:s8], $0x0  }
0x24: {  	s3 =	sadd.s32 $0x88, s3;
	s6 =	simm.s32 @!p1 $0x1082;
	[sflag:s4] =	ssyncset.s32 $0xFFFFF086  }
0x25: {  	[simem:s6], [sflag:s4] =	dma.local [hbm:s3], $0xF7A  }
0x26: {  	[smem:$0x3F81] =	sst s1;
	(tag) =	ssettag s2;
	_ =	strace s9  }
0x27: {  	s1 =	sld [smem:$0x3F91]  }
0x28: {  	s2 =	sld [smem:$0x3F92]  }
0x29: {  	s4 =	sld [smem:$0x3F94]  }
0x2a: {  	p0 =	seq.s32 s5, $0x0;
	s5 =	sld [smem:$0x3F95]  }
0x2b: {  	s6 =	sld [smem:$0x3F96]  }
0x2c: {  	s7 =	sld [smem:$0x3F97]  }
0x2d: {  	s3 =	simm.s32 $0x108;
	s8 =	sld [smem:$0x3F98]  }
0x2e: {  	s3 =	simm.s32 @!p0 $0x1082;
	s9 =	sld [smem:$0x3F99]  }
0x2f: {  	lr =	sadd.s32 s0, s3;
	s0 =	sld [smem:$0x3F90]  }
0x30: {  	s3 =	sld [smem:$0x3F93]  }
0x31: {  	[smem:$0x3F9C] =	sst s10  }
0x32: {  	s10 =	sld [smem:$0x3F9A];
	_ =	sdelay $0x3  }
0x33: {  	p0 =	seq.s32 s10, $0x1;
	s10 =	sld [smem:$0x3F9C];
	_ =	sdelay $0x3  }
0x34: {  	[smem:$0x3F9C] =	sst s10  }
0x35: {  	s10 =	sld [smem:$0x3F9B];
	_ =	sdelay $0x3  }
0x36: {  	p1 =	seq.s32 s10, $0x1;
	s10 =	sld [smem:$0x3F9C];
	_ =	sdelay $0x3  }
0x37: {  	[smem:$0x3F9C] =	sst s10  }
0x38: {  	s10 =	sld [smem:$0x3F9D]  }
0x39: {  	_ = 	snop;
	(pc) =	sbr.ind lr, $3  }
0x3a: {  	_ = 	snop  }
0x3b: {  	_ = 	snop  }
0x3c: {  	p2 =	seq.s32 s10, $0x1;
	s10 =	sld [smem:$0x3F9C]  }
0x3d: {  	_ =	shalt  }
0x3e: {  	_ =	shalt  }
0x3f: {  	_ =	shalt  }
0x40: {  	_ =	shalt  }
0x41: {  	_ =	shalt  }
0x42: {  	_ =	shalt  }
0x43: {  	_ =	shalt  }
0x44: {  	_ =	shalt  }
0x45: {  	_ =	shalt  }
0x46: {  	_ =	shalt  }
0x47: {  	_ =	shalt  }
0x48: {  	_ =	shalt  }
0x49: {  	_ =	shalt  }
0x4a: {  	_ =	shalt  }
0x4b: {  	_ =	shalt  }
0x4c: {  	_ =	shalt  }
0x4d: {  	_ =	shalt  }
0x4e: {  	_ =	shalt  }
0x4f: {  	_ =	shalt  }
0x50: {  	_ =	shalt  }
0x51: {  	_ =	shalt  }
0x52: {  	_ =	shalt  }
0x53: {  	_ =	shalt  }
0x54: {  	_ =	shalt  }
0x55: {  	_ =	shalt  }
0x56: {  	_ =	shalt  }
0x57: {  	_ =	shalt  }
0x58: {  	_ =	shalt  }
0x59: {  	_ =	shalt  }
0x5a: {  	_ =	shalt  }
0x5b: {  	_ =	shalt  }
0x5c: {  	_ =	shalt  }
0x5d: {  	_ =	shalt  }
0x5e: {  	_ =	shalt  }
0x5f: {  	_ =	shalt  }
0x60: {  	_ =	shalt  }
0x61: {  	_ =	shalt  }
0x62: {  	_ =	shalt  }
0x63: {  	_ =	shalt  }
0x64: {  	_ =	shalt  }
0x65: {  	_ =	shalt  }
0x66: {  	_ =	shalt  }
0x67: {  	_ =	shalt  }
0x68: {  	_ =	shalt  }
0x69: {  	_ =	shalt  }
0x6a: {  	_ =	shalt  }
0x6b: {  	_ =	shalt  }
0x6c: {  	_ =	shalt  }
0x6d: {  	_ =	shalt  }
0x6e: {  	_ =	shalt  }
0x6f: {  	_ =	shalt  }
0x70: {  	_ =	shalt  }
0x71: {  	_ =	shalt  }
0x72: {  	_ =	shalt  }
0x73: {  	_ =	shalt  }
0x74: {  	_ =	shalt  }
0x75: {  	_ =	shalt  }
0x76: {  	_ =	shalt  }
0x77: {  	_ =	shalt  }
0x78: {  	_ =	shalt  }
0x79: {  	_ =	shalt  }
0x7a: {  	_ =	shalt  }
0x7b: {  	_ =	shalt  }
0x7c: {  	_ =	shalt  }
0x7d: {  	_ =	shalt  }
0x7e: {  	_ =	shalt  }
0x7f: {  	_ =	shalt  }
0x80: {  	_ =	shalt  }
0x81: {  	_ =	shalt  }
0x82: {  	_ =	shalt  }
0x83: {  	_ =	shalt  }
0x84: {  	_ =	shalt  }
0x85: {  	_ =	shalt  }
0x86: {  	_ =	shalt  }
0x87: {  	_ =	shalt  }
.Lfunc_end0:
.L_simem_size_0:
called_computation_lowered:
.L_overlay_start_0:
0x88: {  	s2 =	sld [smem:$0x3FD9]  }
0x89: {  	s3 =	sld [smem:$0x3FFE];
	_ =	sdelay $0x1  }
0x8a: {  	s1 =	srdreg.scid  }
0x8b: {  	s0 =	sand.u32 $0x1, s1  }
0x8c: {  	s17 =	sshll.u32 s0, $0xA;
	s2 =	sadd.s32 s3, s2  }
0x8d: {  	s2 =	sadd.s32 s2, s17  }
0x8e: {  	[smem:$0x3FA8] =	sst s2  }
0x8f: {  	_ = 	snop  }
0x90: {  	(tm) =	ssettm $0x1  }
0x91: {  	s18 =	sld [smem:$0x3FFB];
	_ =	sdelay $0x3  }
0x92: {  	_ =	strace s18  }
0x93: {  	s2 =	sld [smem:$0x3FFC];
	_ =	sdelay $0x3  }
0x94: {  	_ =	strace s2  }
0x95: {  	s2 =	sld [smem:$0x3FFD];
	_ =	sdelay $0x3  }
0x96: {  	_ =	strace s2  }
0x97: {  	_ =	strace $0x8FFFFFFF  }
0x98: {  	s19 =	sld [smem:$0x3FDB];
	_ =	sdelay $0x1  }
0x99: {  	s20 =	simm.s32 $_scs_section_size  }
0x9a: {  	s4 =	simm.s32 $_size__tile_overlayer_lowered;
	s5 =	simm.s32 $_tile_overlayer_lowered  }
0x9b: {  	s6 =	simm.s32 $0x1BFF;
	s21 =	sshll.u32 s5, $0x1;
	s3 =	sadd.s32 s20, s19  }
0x9c: {  	s22 =	simm.s32 $0x0;
	s4 =	sshll.u32 s4, $0x1;
	s5 =	sadd.s32 s21, s3  }
0x9d: {  	[timem:s22], [sflag:s6] =	dma.local [hbm:s5], s4  }
0x9e: {  	_ =	swait.ge [sflag:s6], s4  }
0x9f: {  	s4 =	ssub.s32 $0x0, s4;
	[sflag:s6] =	ssyncset.done $0x0  }
0xa0: {  	[sflag:s6] =	ssyncadd.s32 s4;
	_ =	sdelay $0x1  }
0xa1: {  	s23 =	simm.s32 $0x1B8B  }
0xa2: {  	_ =	swait.ge [sflag:s23], $0x1  }
0xa3: {  	[sflag:s23] =	ssyncset.done $0x0  }
0xa4: {  	[sflag:s23] =	ssyncadd.s32 $0xFFFFFFFF  }
0xa5: {  	s4 =	sld [smem:$0x0]  }
0xa6: {  	s5 =	sand.u32 $0xFFFFFFFE, s1  }
0xa7: {  	p0 =	sne.s32 s1, s5  }
0xa8: {  	s5 =	sshll.u32 @p0 s5, $0xE  }
0xa9: {  	s5 =	sadd.s32 @p0 $0x11B8D, s5;
	s6 =	sshll.u32 @p0 s4, $0x11  }
0xaa: {  	s5 =	sor.u32 @p0 s6, s5  }
0xab: {  	[sflag:s5] =	ssyncadd.remote.s32 @p0 $0x1;
	_ =	sdelay $0x1  }
0xac: {  	s5 =	simm.s32 @p0 $0x1B8D  }
0xad: {  	_ =	swait.eq @p0 [sflag:s5], $0x1  }
0xae: {  	[sflag:s5] =	ssyncadd.s32 @p0 $0xFFFFFFFF  }
0xaf: {  	s6 =	sshll.u32 @!p0 s1, $0xE  }
0xb0: {  	s6 =	sor.u32 @!p0 $0x4000, s6;
	s5 =	simm.s32 @!p0 $0x1B8D  }
0xb1: {  	s4 =	sshll.u32 @!p0 s4, $0x11;
	s6 =	sadd.s32 @!p0 $0x11B8D, s6;
	_ =	swait.eq @!p0 [sflag:s5], $0x1  }
0xb2: {  	s4 =	sor.u32 @!p0 s4, s6;
	[sflag:s5] =	ssyncadd.s32 @!p0 $0xFFFFFFFF  }
0xb3: {  	s25 =	simm.s32 $0x1B8E;
	s24 =	sld [smem:$0x3FFE];
	[sflag:s4] =	ssyncadd.remote.s32 @!p0 $0x1  }
0xb4: {  	s26 =	simm.s32 $execute0_lowered;
	[smem:$0x3FD2] =	sst s25  }
0xb5: {  	s5 =	sshll.u32 s26, $0x1;
	_ =	strace $0x8000004F;
	[dreg:$0x1] =	wrdreg $0xFFFFFFFF  }
0xb6: {  	s28 =	simm.s32 $_size_execute0_lowered;
	s3 =	sadd.s32 s3, s5;
	[dreg:$0x0] =	wrdreg $0x0  }
0xb7: {  	s5 =	sshll.u32 s28, $0x1;
	[dreg:$0x2] =	wrdreg s3  }
0xb8: {  	[dreg:$0x3] =	wrdreg s5  }
0xb9: {  	[dreg:$0x4] =	wrdreg $0xC0  }
0xba: {  	_ =	task [dreg:s22], $0x5FFFF  }
0xbb: {  	[dreg:$0x1] =	wrdreg $0xFFFFFFFF  }
0xbc: {  	[dreg:$0x0] =	wrdreg $0x60  }
0xbd: {  	[dreg:$0x2] =	wrdreg s24  }
0xbe: {  	[dreg:$0x3] =	wrdreg $0x9  }
0xbf: {  	_ =	task.clear_ibuf [dreg:s22], $0x4FFFF;
	_ =	strace $0x9000004F  }
0xc0: {  	s29 =	simm.s32 $0x9;
	_ =	strace $0x80000051  }
0xc1: {  	_ =	swait.ge [sflag:s29], $0x1  }
0xc2: {  	[sflag:s29] =	ssyncadd.s32 $0xFFFFFFFF  }
0xc3: {  	_ =	strace $0x90000051  }
0xc4: {  	_ =	sfence  }
0xc5: {  	s30 =	sld [smem:$0x0];
	_ =	sdelay $0x2  }
0xc6: {  	s31 =	sshll.u32 s1, $0xD;
	s1 =	sshrl.u32 s1, $0x2  }
0xc7: {  	s4 =	sand.u32 $0x4000, s31;
	s1 =	sadd.s32 s1, s30  }
0xc8: {  	s0 =	sor.u32 s4, s0;
	s1 =	sshll.u32 s1, $0x11  }
0xc9: {  	s0 =	sor.u32 s1, s0  }
0xca: {  	s0 =	sadd.s32 $0x8F2B, s0  }
0xcb: {  	[sflag:s0] =	ssyncadd.remote.s32 $0x1  }
0xcc: {  	_ =	sfence.sel $0xFFFF  }
0xcd: {  	[dreg:$0x0] =	wrdreg $0xFFFFFFFF;
	(pc) =	sbr.abs _section_cstart, $3  }
0xce: {  	[dreg:$0x1] =	wrdreg $0xFFFFFFFF  }
0xcf: {  	_ =	task.clear_ibuf [dreg:s22], $0x2FFFF;
	_ =	strace $0x9FFFFFFF  }
0xd0: {  	(tm) =	ssettm $0x7FFFFFFF  }
0xd1: {  	_ =	shalt  }
tec
execute0_lowered:
.L_overlay_start_1:
0x0: {  	(tag) =	ssettag $0x1  }
0x1: {  	s4 =	rddreg [dreg:$0x0]  }
0x2: {  	s0 =	rddreg [dreg:$0x1];
	s2 =	simm.s32 $0x0;
	s1 =	stileid.u32  }
0x3: {  	s3 =	srdreg.scid;
	s10 =	simm.s32 $0x0;
	s6 =	smul.u32 $0x1400, s1  }
0x4: {  	[smem:$0x7FF] =	sst s2;
	s5 =	sand.u32 $0x1, s3;
	s8 =	smul.u32 $0x14000, s1  }
0x5: {  	s3 =	sadd.s32 $0x30400, s4;
	s7 =	smul.u32 $0xA00, s5;
	s9 =	ssub.s32 $0x2, s5  }
0x6: {  	_ =	strace $0x80000050;
	s5 =	smul.u32 $0xA000, s5;
	s31 =	sshrl.u32 s9, $0x1  }
0x7: {  	s8 =	sadd.s32 s8, s4;
	s6 =	sadd.s32 s7, s6;
	s7 =	ssub.s32 s9, s31  }
0x8: {  	s5 =	sadd.s32 s5, s8;
	s8 =	simm.s32 $0x80;
	s6 =	sshrl.u32 s6, $0x3  }
0x9: {  	s9 =	simm.s32 $0x1;
	s5 =	sadd.s32 $0x447C00, s5;
	s6 =	sadd.s32 s6, s4  }
0xa: {  	s4 =	smax.u32 s7, $0x1;
	s7 =	simm.s32 $0x2;
	s6 =	sadd.s32 $0x445400, s6  }
.LBB2_1:
0xb: {  	s11 =	sadd.s32 $0x0, s6  }
0xc: {  	[tilespmem:s2], [sflag:$0x2] =	stream.linear.gather [hbm4b:s11+s2], $0x80, $0x38;
	[tilespmem:$0x4080] =	vst v63  }
0xd: {  	_ =	swait.ge [sflag:s7], $0x80  }
0xe: {  	[sflag:s7] =	ssyncset.done $0x0  }
0xf: {  	[sflag:s7] =	ssyncadd.s32 $0xFFFFFF80  }
0x10: {  	[tilespmem:s8], [sflag:$0x1] =	stream.indirect.gather [hbm4b:s3+s8], $0x80, s2, s8, $0xb8;
	[tilespmem:$0x4080] =	vst v63  }
0x11: {  	_ =	swait.ge [sflag:s9], $0x4000  }
0x12: {  	[sflag:s9] =	ssyncset.done $0x0  }
0x13: {  	[sflag:s9] =	ssyncadd.s32 $0xFFFFC000  }
0x14: {  	[hbm4b:s5+s2] =	stream.linear.scatter [tilespmem:s8], [sflag:$0x2], $0x4000, $0x38;
	[tilespmem:$0x4080] =	vst v63  }
0x15: {  	s12 =	simm.s32 $0x10;
	_ =	swait.ge [sflag:s7], $0x4000  }
0x16: {  	s13 =	simm.s32 $0x20;
	s11 =	sadd.s32 $0x800, s5;
	[sflag:s7] =	ssyncset.done $0x0  }
.LBB2_2:
0x17: {  	s14 =	sadd.s32 s12, s6  }
0x18: {  	[sflag:s7] =	ssyncadd.s32 $0xFFFFC000;
	s12 =	smov.u32 s13;
	s15 =	sadd.s32 $0x10, s13  }
0x19: {  	[tilespmem:s2], [sflag:$0x2] =	stream.linear.gather [hbm4b:s14+s2], $0x80, $0x38;
	[tilespmem:$0x4080] =	vst v63  }
0x1a: {  	p0 =	sne.s32 s13, $0x130;
	_ =	swait.ge [sflag:s7], $0x80  }
0x1b: {  	[sflag:s7] =	ssyncset.done $0x0  }
0x1c: {  	[sflag:s7] =	ssyncadd.s32 $0xFFFFFF80  }
0x1d: {  	[tilespmem:s8], [sflag:$0x1] =	stream.indirect.gather [hbm4b:s3+s8], $0x80, s2, s8, $0xb8;
	[tilespmem:$0x4080] =	vst v63  }
0x1e: {  	_ =	swait.ge [sflag:s9], $0x4000  }
.Ltmp0:
0x1f: {  	[sflag:s9] =	ssyncset.done $0x0;
	(pc) =	sbr.rel @p0 .LBB2_2-.Ltmp0, $4  }
0x20: {  	[sflag:s9] =	ssyncadd.s32 $0xFFFFC000  }
0x21: {  	[hbm4b:s11+s2] =	stream.linear.scatter [tilespmem:s8], [sflag:$0x2], $0x4000, $0x38;
	[tilespmem:$0x4080] =	vst v63  }
0x22: {  	_ =	swait.ge [sflag:s7], $0x4000  }
0x23: {  	s13 =	smov.u32 s15;
	s11 =	sadd.s32 $0x800, s11;
	[sflag:s7] =	ssyncset.done $0x0  }
0x24: {  	s12 =	sadd.s32 s12, s6;
	[sflag:s7] =	ssyncadd.s32 $0xFFFFC000  }
0x25: {  	[tilespmem:s2], [sflag:$0x2] =	stream.linear.gather [hbm4b:s12+s2], $0x80, $0x38;
	[tilespmem:$0x4080] =	vst v63  }
0x26: {  	_ =	swait.ge [sflag:s7], $0x80  }
0x27: {  	[sflag:s7] =	ssyncset.done $0x0  }
0x28: {  	[sflag:s7] =	ssyncadd.s32 $0xFFFFFF80  }
0x29: {  	[tilespmem:s8], [sflag:$0x1] =	stream.indirect.gather [hbm4b:s3+s8], $0x80, s2, s8, $0xb8;
	[tilespmem:$0x4080] =	vst v63  }
0x2a: {  	s10 =	sadd.s32 $0x1, s10;
	_ =	swait.ge [sflag:s9], $0x4000  }
0x2b: {  	p0 =	sne.s32 s10, s4;
	[sflag:s9] =	ssyncset.done $0x0  }
.Ltmp1:
0x2c: {  	[sflag:s9] =	ssyncadd.s32 $0xFFFFC000;
	(pc) =	sbr.rel @p0 .LBB2_1-.Ltmp1, $4  }
0x2d: {  	[hbm4b:s11+s2] =	stream.linear.scatter [tilespmem:s8], [sflag:$0x2], $0x4000, $0x38;
	[tilespmem:$0x4080] =	vst v63  }
0x2e: {  	_ =	swait.ge [sflag:s7], $0x4000  }
0x2f: {  	[sflag:s7] =	ssyncset.done $0x0  }
0x30: {  	[sflag:s7] =	ssyncadd.s32 $0xFFFFC000  }
0x31: {  	_ =	sfence.sel $0x180000  }
0x32: {  	[bflag:$0x0] =	sbarrier.arrive $0xFFFF  }
0x33: {  	p0 =	sne.s32 s1, $0x0;
	_ =	strace $0x90000050  }
0x34: {  	s0 =	sadd.s32 @!p0 $0x100000, s0;
	[bflag:$0x2] =	sbarrier.arrive $0xFFFF  }
0x35: {  	[sflag:s0] =	ssyncadd.tile.s32 @!p0 $0x1;
	_ =	shalt  }
.Lfunc_end2:
_tile_overlayer_lowered:
.L_overlay_start_2:
0x36: {  	(tag) =	ssettag $0x2  }
0x37: {  	s0 =	rddreg [dreg:$0x0];
	s2 =	stileid.u32  }
0x38: {  	s1 =	rddreg [dreg:$0x1];
	p0 =	sne.s32 s2, $0x0  }
0x39: {  	s3 =	rddreg [dreg:$0x2];
	[bflag:$0x3] =	sbarrier.arrive $0xFFFF;
	s2 =	simm.s32 @!p0 $0x1C02  }
0x3a: {  	[timem:s3], [sflag:s2] =	dma.local @!p0 [hbm:s0], s1  }
0x3b: {  	s0 =	simm.s32 @!p0 $0x2  }
0x3c: {  	_ =	swait.ge @!p0 [sflag:s0], s1  }
0x3d: {  	s1 =	ssub.s32 @!p0 $0x0, s1;
	[sflag:s0] =	ssyncset.done @!p0 $0x0  }
0x3e: {  	[sflag:s0] =	ssyncadd.s32 @!p0 s1  }
0x3f: {  	[bflag:$0x3] =	sbarrier.arrive $0xFFFF  }
0x40: {  	_ =	shalt  }

// kernel: kernel.18.cloned.1.call-start
scs
__scs_entry_jumppad:
0x0: {  	(pc) =	sbr.rel $0x88, $3  }
0x1: {  	(tag) =	ssettag $0x0;
	lr =	simm.s32 $0x1  }
0x2: {  	[smem:$0x3F81] =	sst lr;
	_ =	strace $0xD0000000  }
0x3: {  	_ = 	snop  }
0x4: {  	_ = 	snop  }
0x5: {  	_ = 	snop  }
0x6: {  	_ = 	snop  }
0x7: {  	_ = 	snop  }
__scs_overlays_trampoline_lowered:
0x8: {  	[smem:$0x3F90] =	sst s0  }
0x9: {  	[smem:$0x3F91] =	sst s1  }
0xa: {  	[smem:$0x3F92] =	sst s2  }
0xb: {  	[smem:$0x3F93] =	sst s3  }
0xc: {  	[smem:$0x3F94] =	sst s4  }
0xd: {  	[smem:$0x3F95] =	sst s5  }
0xe: {  	[smem:$0x3F96] =	sst s6  }
0xf: {  	[smem:$0x3F97] =	sst s7  }
0x10: {  	[smem:$0x3F98] =	sst s8  }
0x11: {  	[smem:$0x3F99] =	sst s9;
	s0 =	simm.s32 @!p0 $0x0  }
0x12: {  	s1 =	sld [smem:$0x3F7F];
	s0 =	simm.s32 @p0 $0x1  }
0x13: {  	[smem:$0x3F9A] =	sst s0;
	s0 =	simm.s32 @!p1 $0x0  }
0x14: {  	s2 =	sld [smem:$0x3F7E];
	s0 =	simm.s32 @p1 $0x1  }
0x15: {  	[smem:$0x3F9B] =	sst s0;
	s0 =	simm.s32 @!p2 $0x0  }
0x16: {  	s3 =	sld [smem:$0x3FDB];
	s0 =	simm.s32 @p2 $0x1  }
0x17: {  	s4 =	simm.s32 $0x1BF5;
	[smem:$0x3F9D] =	sst s0  }
0x18: {  	s0 =	sld [smem:$0x3F80];
	_ =	swait.ge [sflag:s4], $0x0  }
0x19: {  	s7 =	sld [smem:$0x3F81]  }
0x1a: {  	s8 =	sadd.s32 $0xFFFFE003, lr  }
0x1b: {  	s9 =	sadd.s32 $0xFFFFFEF7, lr;
	s5 =	simm.s32 $0xFFFFFFFF;
	p2 =	slt.u32 s8, $0xFFFFF086  }
0x1c: {  	p1 =	slt.u32 s9, $0xF7A;
	s5 =	simm.s32 @!p2 $0x0  }
0x1d: {  	s5 =	simm.s32 @p1 $0x1;
	p0 =	seq.s32 s7, s2  }
0x1e: {  	s7 =	smul.u32 @!p0 $0xF7A, s2;
	p2 =	seq.s32 @!p0 s5, $0x0  }
0x1f: {  	s9 =	smul.u32 $0xF7A, s1;
	s8 =	simm.s32 @!p0 $0x1BF5;
	p2 =	por !p2, p0  }
0x20: {  	[sflag:s8] =	ssyncset.s32 @!p0 $0xFFFFF086;
	s6 =	sadd.s32 @!p0 s3, s7;
	s7 =	simm.s32 @!p0 $0x108  }
0x21: {  	s3 =	sadd.s32 s3, s9;
	s6 =	sadd.s32 @!p0 $0x88, s6;
	s7 =	simm.s32 @p2 $0x1082  }
0x22: {  	[simem:s7], [sflag:s8] =	dma.local @!p0 [hbm:s6], $0xF7A  }
0x23: {  	s9 =	sor.u32 $0xD0000000, s2;
	s6 =	simm.s32 $0x108;
	_ =	swait.ge @!p0 [sflag:s8], $0x0  }
0x24: {  	s3 =	sadd.s32 $0x88, s3;
	s6 =	simm.s32 @!p1 $0x1082;
	[sflag:s4] =	ssyncset.s32 $0xFFFFF086  }
0x25: {  	[simem:s6], [sflag:s4] =	dma.local [hbm:s3], $0xF7A  }
0x26: {  	[smem:$0x3F81] =	sst s1;
	(tag) =	ssettag s2;
	_ =	strace s9  }
0x27: {  	s1 =	sld [smem:$0x3F91]  }
0x28: {  	s2 =	sld [smem:$0x3F92]  }
0x29: {  	s4 =	sld [smem:$0x3F94]  }
0x2a: {  	p0 =	seq.s32 s5, $0x0;
	s5 =	sld [smem:$0x3F95]  }
0x2b: {  	s6 =	sld [smem:$0x3F96]  }
0x2c: {  	s7 =	sld [smem:$0x3F97]  }
0x2d: {  	s3 =	simm.s32 $0x108;
	s8 =	sld [smem:$0x3F98]  }
0x2e: {  	s3 =	simm.s32 @!p0 $0x1082;
	s9 =	sld [smem:$0x3F99]  }
0x2f: {  	lr =	sadd.s32 s0, s3;
	s0 =	sld [smem:$0x3F90]  }
0x30: {  	s3 =	sld [smem:$0x3F93]  }
0x31: {  	[smem:$0x3F9C] =	sst s10  }
0x32: {  	s10 =	sld [smem:$0x3F9A];
	_ =	sdelay $0x3  }
0x33: {  	p0 =	seq.s32 s10, $0x1;
	s10 =	sld [smem:$0x3F9C];
	_ =	sdelay $0x3  }
0x34: {  	[smem:$0x3F9C] =	sst s10  }
0x35: {  	s10 =	sld [smem:$0x3F9B];
	_ =	sdelay $0x3  }
0x36: {  	p1 =	seq.s32 s10, $0x1;
	s10 =	sld [smem:$0x3F9C];
	_ =	sdelay $0x3  }
0x37: {  	[smem:$0x3F9C] =	sst s10  }
0x38: {  	s10 =	sld [smem:$0x3F9D]  }
0x39: {  	_ = 	snop;
	(pc) =	sbr.ind lr, $3  }
0x3a: {  	_ = 	snop  }
0x3b: {  	_ = 	snop  }
0x3c: {  	p2 =	seq.s32 s10, $0x1;
	s10 =	sld [smem:$0x3F9C]  }
0x3d: {  	_ =	shalt  }
0x3e: {  	_ =	shalt  }
0x3f: {  	_ =	shalt  }
0x40: {  	_ =	shalt  }
0x41: {  	_ =	shalt  }
0x42: {  	_ =	shalt  }
0x43: {  	_ =	shalt  }
0x44: {  	_ =	shalt  }
0x45: {  	_ =	shalt  }
0x46: {  	_ =	shalt  }
0x47: {  	_ =	shalt  }
0x48: {  	_ =	shalt  }
0x49: {  	_ =	shalt  }
0x4a: {  	_ =	shalt  }
0x4b: {  	_ =	shalt  }
0x4c: {  	_ =	shalt  }
0x4d: {  	_ =	shalt  }
0x4e: {  	_ =	shalt  }
0x4f: {  	_ =	shalt  }
0x50: {  	_ =	shalt  }
0x51: {  	_ =	shalt  }
0x52: {  	_ =	shalt  }
0x53: {  	_ =	shalt  }
0x54: {  	_ =	shalt  }
0x55: {  	_ =	shalt  }
0x56: {  	_ =	shalt  }
0x57: {  	_ =	shalt  }
0x58: {  	_ =	shalt  }
0x59: {  	_ =	shalt  }
0x5a: {  	_ =	shalt  }
0x5b: {  	_ =	shalt  }
0x5c: {  	_ =	shalt  }
0x5d: {  	_ =	shalt  }
0x5e: {  	_ =	shalt  }
0x5f: {  	_ =	shalt  }
0x60: {  	_ =	shalt  }
0x61: {  	_ =	shalt  }
0x62: {  	_ =	shalt  }
0x63: {  	_ =	shalt  }
0x64: {  	_ =	shalt  }
0x65: {  	_ =	shalt  }
0x66: {  	_ =	shalt  }
0x67: {  	_ =	shalt  }
0x68: {  	_ =	shalt  }
0x69: {  	_ =	shalt  }
0x6a: {  	_ =	shalt  }
0x6b: {  	_ =	shalt  }
0x6c: {  	_ =	shalt  }
0x6d: {  	_ =	shalt  }
0x6e: {  	_ =	shalt  }
0x6f: {  	_ =	shalt  }
0x70: {  	_ =	shalt  }
0x71: {  	_ =	shalt  }
0x72: {  	_ =	shalt  }
0x73: {  	_ =	shalt  }
0x74: {  	_ =	shalt  }
0x75: {  	_ =	shalt  }
0x76: {  	_ =	shalt  }
0x77: {  	_ =	shalt  }
0x78: {  	_ =	shalt  }
0x79: {  	_ =	shalt  }
0x7a: {  	_ =	shalt  }
0x7b: {  	_ =	shalt  }
0x7c: {  	_ =	shalt  }
0x7d: {  	_ =	shalt  }
0x7e: {  	_ =	shalt  }
0x7f: {  	_ =	shalt  }
0x80: {  	_ =	shalt  }
0x81: {  	_ =	shalt  }
0x82: {  	_ =	shalt  }
0x83: {  	_ =	shalt  }
0x84: {  	_ =	shalt  }
0x85: {  	_ =	shalt  }
0x86: {  	_ =	shalt  }
0x87: {  	_ =	shalt  }
.Lfunc_end0:
.L_simem_size_0:
called_computation.1_lowered:
.L_overlay_start_0:
0x88: {  	s2 =	sld [smem:$0x3FD9]  }
0x89: {  	s3 =	sld [smem:$0x3FFE];
	_ =	sdelay $0x1  }
0x8a: {  	s1 =	srdreg.scid  }
0x8b: {  	s0 =	sand.u32 $0x1, s1  }
0x8c: {  	s17 =	sshll.u32 s0, $0xA;
	s2 =	sadd.s32 s3, s2  }
0x8d: {  	s2 =	sadd.s32 s2, s17  }
0x8e: {  	[smem:$0x3FA8] =	sst s2  }
0x8f: {  	_ = 	snop  }
0x90: {  	(tm) =	ssettm $0x1  }
0x91: {  	s18 =	sld [smem:$0x3FFB];
	_ =	sdelay $0x3  }
0x92: {  	_ =	strace s18  }
0x93: {  	s2 =	sld [smem:$0x3FFC];
	_ =	sdelay $0x3  }
0x94: {  	_ =	strace s2  }
0x95: {  	s2 =	sld [smem:$0x3FFD];
	_ =	sdelay $0x3  }
0x96: {  	_ =	strace s2  }
0x97: {  	_ =	strace $0x8FFFFFFF  }
0x98: {  	s19 =	sld [smem:$0x3FDB];
	_ =	sdelay $0x1  }
0x99: {  	s20 =	simm.s32 $_scs_section_size  }
0x9a: {  	s4 =	simm.s32 $_size__tile_overlayer_lowered;
	s5 =	simm.s32 $_tile_overlayer_lowered  }
0x9b: {  	s6 =	simm.s32 $0x1BFF;
	s21 =	sshll.u32 s5, $0x1;
	s3 =	sadd.s32 s20, s19  }
0x9c: {  	s22 =	simm.s32 $0x0;
	s4 =	sshll.u32 s4, $0x1;
	s5 =	sadd.s32 s21, s3  }
0x9d: {  	[timem:s22], [sflag:s6] =	dma.local [hbm:s5], s4  }
0x9e: {  	_ =	swait.ge [sflag:s6], s4  }
0x9f: {  	s4 =	ssub.s32 $0x0, s4;
	[sflag:s6] =	ssyncset.done $0x0  }
0xa0: {  	[sflag:s6] =	ssyncadd.s32 s4;
	_ =	sdelay $0x1  }
0xa1: {  	s23 =	simm.s32 $0x1B8B  }
0xa2: {  	_ =	swait.ge [sflag:s23], $0x1  }
0xa3: {  	[sflag:s23] =	ssyncset.done $0x0  }
0xa4: {  	[sflag:s23] =	ssyncadd.s32 $0xFFFFFFFF  }
0xa5: {  	s4 =	sld [smem:$0x0]  }
0xa6: {  	s5 =	sand.u32 $0xFFFFFFFE, s1  }
0xa7: {  	p0 =	sne.s32 s1, s5  }
0xa8: {  	s5 =	sshll.u32 @p0 s5, $0xE  }
0xa9: {  	s5 =	sadd.s32 @p0 $0x11B8D, s5;
	s6 =	sshll.u32 @p0 s4, $0x11  }
0xaa: {  	s5 =	sor.u32 @p0 s6, s5  }
0xab: {  	[sflag:s5] =	ssyncadd.remote.s32 @p0 $0x1;
	_ =	sdelay $0x1  }
0xac: {  	s5 =	simm.s32 @p0 $0x1B8D  }
0xad: {  	_ =	swait.eq @p0 [sflag:s5], $0x1  }
0xae: {  	[sflag:s5] =	ssyncadd.s32 @p0 $0xFFFFFFFF  }
0xaf: {  	s6 =	sshll.u32 @!p0 s1, $0xE  }
0xb0: {  	s6 =	sor.u32 @!p0 $0x4000, s6;
	s5 =	simm.s32 @!p0 $0x1B8D  }
0xb1: {  	s4 =	sshll.u32 @!p0 s4, $0x11;
	s6 =	sadd.s32 @!p0 $0x11B8D, s6;
	_ =	swait.eq @!p0 [sflag:s5], $0x1  }
0xb2: {  	s4 =	sor.u32 @!p0 s4, s6;
	[sflag:s5] =	ssyncadd.s32 @!p0 $0xFFFFFFFF  }
0xb3: {  	s25 =	simm.s32 $0x1B8E;
	s24 =	sld [smem:$0x3FFE];
	[sflag:s4] =	ssyncadd.remote.s32 @!p0 $0x1  }
0xb4: {  	s26 =	simm.s32 $execute0_lowered;
	[smem:$0x3FD2] =	sst s25  }
0xb5: {  	s5 =	sshll.u32 s26, $0x1;
	_ =	strace $0x8000004C;
	[dreg:$0x1] =	wrdreg $0xFFFFFFFF  }
0xb6: {  	s28 =	simm.s32 $_size_execute0_lowered;
	s3 =	sadd.s32 s3, s5;
	[dreg:$0x0] =	wrdreg $0x0  }
0xb7: {  	s5 =	sshll.u32 s28, $0x1;
	[dreg:$0x2] =	wrdreg s3  }
0xb8: {  	[dreg:$0x3] =	wrdreg s5  }
0xb9: {  	[dreg:$0x4] =	wrdreg $0xC0  }
0xba: {  	_ =	task [dreg:s22], $0x5FFFF  }
0xbb: {  	[dreg:$0x1] =	wrdreg $0xFFFFFFFF  }
0xbc: {  	[dreg:$0x0] =	wrdreg $0x60  }
0xbd: {  	[dreg:$0x2] =	wrdreg s24  }
0xbe: {  	[dreg:$0x3] =	wrdreg $0xA  }
0xbf: {  	_ =	task.clear_ibuf [dreg:s22], $0x4FFFF;
	_ =	strace $0x9000004C  }
0xc0: {  	s29 =	simm.s32 $0xA;
	_ =	strace $0x8000004E  }
0xc1: {  	_ =	swait.ge [sflag:s29], $0x1  }
0xc2: {  	[sflag:s29] =	ssyncadd.s32 $0xFFFFFFFF  }
0xc3: {  	_ =	strace $0x9000004E  }
0xc4: {  	_ =	sfence  }
0xc5: {  	s30 =	sld [smem:$0x0];
	_ =	sdelay $0x2  }
0xc6: {  	s31 =	sshll.u32 s1, $0xD;
	s1 =	sshrl.u32 s1, $0x2  }
0xc7: {  	s4 =	sand.u32 $0x4000, s31;
	s1 =	sadd.s32 s1, s30  }
0xc8: {  	s0 =	sor.u32 s4, s0;
	s1 =	sshll.u32 s1, $0x11  }
0xc9: {  	s0 =	sor.u32 s1, s0  }
0xca: {  	s0 =	sadd.s32 $0x8F2B, s0  }
0xcb: {  	[sflag:s0] =	ssyncadd.remote.s32 $0x1  }
0xcc: {  	_ =	sfence.sel $0xFFFF  }
0xcd: {  	[dreg:$0x0] =	wrdreg $0xFFFFFFFF;
	(pc) =	sbr.abs _section_cstart, $3  }
0xce: {  	[dreg:$0x1] =	wrdreg $0xFFFFFFFF  }
0xcf: {  	_ =	task.clear_ibuf [dreg:s22], $0x2FFFF;
	_ =	strace $0x9FFFFFFF  }
0xd0: {  	(tm) =	ssettm $0x7FFFFFFF  }
0xd1: {  	_ =	shalt  }
tec
execute0_lowered:
.L_overlay_start_1:
0x0: {  	(tag) =	ssettag $0x1  }
0x1: {  	s4 =	rddreg [dreg:$0x0]  }
0x2: {  	s0 =	rddreg [dreg:$0x1];
	s2 =	simm.s32 $0x0;
	s1 =	stileid.u32  }
0x3: {  	s3 =	srdreg.scid;
	s10 =	simm.s32 $0x0;
	s6 =	smul.u32 $0x1400, s1  }
0x4: {  	[smem:$0x7FF] =	sst s2;
	s5 =	sand.u32 $0x1, s3;
	s8 =	smul.u32 $0x14000, s1  }
0x5: {  	s3 =	sadd.s32 $0x30400, s4;
	s7 =	smul.u32 $0xA00, s5;
	s9 =	ssub.s32 $0x2, s5  }
0x6: {  	_ =	strace $0x8000004D;
	s5 =	smul.u32 $0xA000, s5;
	s31 =	sshrl.u32 s9, $0x1  }
0x7: {  	s8 =	sadd.s32 s8, s4;
	s6 =	sadd.s32 s7, s6;
	s7 =	ssub.s32 s9, s31  }
0x8: {  	s5 =	sadd.s32 s5, s8;
	s8 =	simm.s32 $0x80;
	s6 =	sshrl.u32 s6, $0x3  }
0x9: {  	s9 =	simm.s32 $0x1;
	s5 =	sadd.s32 $0x305400, s5;
	s6 =	sadd.s32 s6, s4  }
0xa: {  	s4 =	smax.u32 s7, $0x1;
	s7 =	simm.s32 $0x2;
	s6 =	sadd.s32 $0x302C00, s6  }
.LBB2_1:
0xb: {  	s11 =	sadd.s32 $0x0, s6  }
0xc: {  	[tilespmem:s2], [sflag:$0x2] =	stream.linear.gather [hbm4b:s11+s2], $0x80, $0x38;
	[tilespmem:$0x4080] =	vst v63  }
0xd: {  	_ =	swait.ge [sflag:s7], $0x80  }
0xe: {  	[sflag:s7] =	ssyncset.done $0x0  }
0xf: {  	[sflag:s7] =	ssyncadd.s32 $0xFFFFFF80  }
0x10: {  	[tilespmem:s8], [sflag:$0x1] =	stream.indirect.gather [hbm4b:s3+s8], $0x80, s2, s8, $0xb8;
	[tilespmem:$0x4080] =	vst v63  }
0x11: {  	_ =	swait.ge [sflag:s9], $0x4000  }
0x12: {  	[sflag:s9] =	ssyncset.done $0x0  }
0x13: {  	[sflag:s9] =	ssyncadd.s32 $0xFFFFC000  }
0x14: {  	[hbm4b:s5+s2] =	stream.linear.scatter [tilespmem:s8], [sflag:$0x2], $0x4000, $0x38;
	[tilespmem:$0x4080] =	vst v63  }
0x15: {  	s12 =	simm.s32 $0x10;
	_ =	swait.ge [sflag:s7], $0x4000  }
0x16: {  	s13 =	simm.s32 $0x20;
	s11 =	sadd.s32 $0x800, s5;
	[sflag:s7] =	ssyncset.done $0x0  }
.LBB2_2:
0x17: {  	s14 =	sadd.s32 s12, s6  }
0x18: {  	[sflag:s7] =	ssyncadd.s32 $0xFFFFC000;
	s12 =	smov.u32 s13;
	s15 =	sadd.s32 $0x10, s13  }
0x19: {  	[tilespmem:s2], [sflag:$0x2] =	stream.linear.gather [hbm4b:s14+s2], $0x80, $0x38;
	[tilespmem:$0x4080] =	vst v63  }
0x1a: {  	p0 =	sne.s32 s13, $0x130;
	_ =	swait.ge [sflag:s7], $0x80  }
0x1b: {  	[sflag:s7] =	ssyncset.done $0x0  }
0x1c: {  	[sflag:s7] =	ssyncadd.s32 $0xFFFFFF80  }
0x1d: {  	[tilespmem:s8], [sflag:$0x1] =	stream.indirect.gather [hbm4b:s3+s8], $0x80, s2, s8, $0xb8;
	[tilespmem:$0x4080] =	vst v63  }
0x1e: {  	_ =	swait.ge [sflag:s9], $0x4000  }
.Ltmp0:
0x1f: {  	[sflag:s9] =	ssyncset.done $0x0;
	(pc) =	sbr.rel @p0 .LBB2_2-.Ltmp0, $4  }
0x20: {  	[sflag:s9] =	ssyncadd.s32 $0xFFFFC000  }
0x21: {  	[hbm4b:s11+s2] =	stream.linear.scatter [tilespmem:s8], [sflag:$0x2], $0x4000, $0x38;
	[tilespmem:$0x4080] =	vst v63  }
0x22: {  	_ =	swait.ge [sflag:s7], $0x4000  }
0x23: {  	s13 =	smov.u32 s15;
	s11 =	sadd.s32 $0x800, s11;
	[sflag:s7] =	ssyncset.done $0x0  }
0x24: {  	s12 =	sadd.s32 s12, s6;
	[sflag:s7] =	ssyncadd.s32 $0xFFFFC000  }
0x25: {  	[tilespmem:s2], [sflag:$0x2] =	stream.linear.gather [hbm4b:s12+s2], $0x80, $0x38;
	[tilespmem:$0x4080] =	vst v63  }
0x26: {  	_ =	swait.ge [sflag:s7], $0x80  }
0x27: {  	[sflag:s7] =	ssyncset.done $0x0  }
0x28: {  	[sflag:s7] =	ssyncadd.s32 $0xFFFFFF80  }
0x29: {  	[tilespmem:s8], [sflag:$0x1] =	stream.indirect.gather [hbm4b:s3+s8], $0x80, s2, s8, $0xb8;
	[tilespmem:$0x4080] =	vst v63  }
0x2a: {  	s10 =	sadd.s32 $0x1, s10;
	_ =	swait.ge [sflag:s9], $0x4000  }
0x2b: {  	p0 =	sne.s32 s10, s4;
	[sflag:s9] =	ssyncset.done $0x0  }
.Ltmp1:
0x2c: {  	[sflag:s9] =	ssyncadd.s32 $0xFFFFC000;
	(pc) =	sbr.rel @p0 .LBB2_1-.Ltmp1, $4  }
0x2d: {  	[hbm4b:s11+s2] =	stream.linear.scatter [tilespmem:s8], [sflag:$0x2], $0x4000, $0x38;
	[tilespmem:$0x4080] =	vst v63  }
0x2e: {  	_ =	swait.ge [sflag:s7], $0x4000  }
0x2f: {  	[sflag:s7] =	ssyncset.done $0x0  }
0x30: {  	[sflag:s7] =	ssyncadd.s32 $0xFFFFC000  }
0x31: {  	_ =	sfence.sel $0x180000  }
0x32: {  	[bflag:$0x0] =	sbarrier.arrive $0xFFFF  }
0x33: {  	p0 =	sne.s32 s1, $0x0;
	_ =	strace $0x9000004D  }
0x34: {  	s0 =	sadd.s32 @!p0 $0x100000, s0;
	[bflag:$0x2] =	sbarrier.arrive $0xFFFF  }
0x35: {  	[sflag:s0] =	ssyncadd.tile.s32 @!p0 $0x1;
	_ =	shalt  }
.Lfunc_end2:
_tile_overlayer_lowered:
.L_overlay_start_2:
0x36: {  	(tag) =	ssettag $0x2  }
0x37: {  	s0 =	rddreg [dreg:$0x0];
	s2 =	stileid.u32  }
0x38: {  	s1 =	rddreg [dreg:$0x1];
	p0 =	sne.s32 s2, $0x0  }
0x39: {  	s3 =	rddreg [dreg:$0x2];
	[bflag:$0x3] =	sbarrier.arrive $0xFFFF;
	s2 =	simm.s32 @!p0 $0x1C02  }
0x3a: {  	[timem:s3], [sflag:s2] =	dma.local @!p0 [hbm:s0], s1  }
0x3b: {  	s0 =	simm.s32 @!p0 $0x2  }
0x3c: {  	_ =	swait.ge @!p0 [sflag:s0], s1  }
0x3d: {  	s1 =	ssub.s32 @!p0 $0x0, s1;
	[sflag:s0] =	ssyncset.done @!p0 $0x0  }
0x3e: {  	[sflag:s0] =	ssyncadd.s32 @!p0 s1  }
0x3f: {  	[bflag:$0x3] =	sbarrier.arrive $0xFFFF  }
0x40: {  	_ =	shalt  }

// kernel: kernel.21.cloned.1.call-start
scs
__scs_entry_jumppad:
0x0: {  	(pc) =	sbr.rel $0x88, $3  }
0x1: {  	(tag) =	ssettag $0x0;
	lr =	simm.s32 $0x1  }
0x2: {  	[smem:$0x3F81] =	sst lr;
	_ =	strace $0xD0000000  }
0x3: {  	_ = 	snop  }
0x4: {  	_ = 	snop  }
0x5: {  	_ = 	snop  }
0x6: {  	_ = 	snop  }
0x7: {  	_ = 	snop  }
__scs_overlays_trampoline_lowered:
0x8: {  	[smem:$0x3F90] =	sst s0  }
0x9: {  	[smem:$0x3F91] =	sst s1  }
0xa: {  	[smem:$0x3F92] =	sst s2  }
0xb: {  	[smem:$0x3F93] =	sst s3  }
0xc: {  	[smem:$0x3F94] =	sst s4  }
0xd: {  	[smem:$0x3F95] =	sst s5  }
0xe: {  	[smem:$0x3F96] =	sst s6  }
0xf: {  	[smem:$0x3F97] =	sst s7  }
0x10: {  	[smem:$0x3F98] =	sst s8  }
0x11: {  	[smem:$0x3F99] =	sst s9;
	s0 =	simm.s32 @!p0 $0x0  }
0x12: {  	s1 =	sld [smem:$0x3F7F];
	s0 =	simm.s32 @p0 $0x1  }
0x13: {  	[smem:$0x3F9A] =	sst s0;
	s0 =	simm.s32 @!p1 $0x0  }
0x14: {  	s2 =	sld [smem:$0x3F7E];
	s0 =	simm.s32 @p1 $0x1  }
0x15: {  	[smem:$0x3F9B] =	sst s0;
	s0 =	simm.s32 @!p2 $0x0  }
0x16: {  	s3 =	sld [smem:$0x3FDB];
	s0 =	simm.s32 @p2 $0x1  }
0x17: {  	s4 =	simm.s32 $0x1BF5;
	[smem:$0x3F9D] =	sst s0  }
0x18: {  	s0 =	sld [smem:$0x3F80];
	_ =	swait.ge [sflag:s4], $0x0  }
0x19: {  	s7 =	sld [smem:$0x3F81]  }
0x1a: {  	s8 =	sadd.s32 $0xFFFFE003, lr  }
0x1b: {  	s9 =	sadd.s32 $0xFFFFFEF7, lr;
	s5 =	simm.s32 $0xFFFFFFFF;
	p2 =	slt.u32 s8, $0xFFFFF086  }
0x1c: {  	p1 =	slt.u32 s9, $0xF7A;
	s5 =	simm.s32 @!p2 $0x0  }
0x1d: {  	s5 =	simm.s32 @p1 $0x1;
	p0 =	seq.s32 s7, s2  }
0x1e: {  	s7 =	smul.u32 @!p0 $0xF7A, s2;
	p2 =	seq.s32 @!p0 s5, $0x0  }
0x1f: {  	s9 =	smul.u32 $0xF7A, s1;
	s8 =	simm.s32 @!p0 $0x1BF5;
	p2 =	por !p2, p0  }
0x20: {  	[sflag:s8] =	ssyncset.s32 @!p0 $0xFFFFF086;
	s6 =	sadd.s32 @!p0 s3, s7;
	s7 =	simm.s32 @!p0 $0x108  }
0x21: {  	s3 =	sadd.s32 s3, s9;
	s6 =	sadd.s32 @!p0 $0x88, s6;
	s7 =	simm.s32 @p2 $0x1082  }
0x22: {  	[simem:s7], [sflag:s8] =	dma.local @!p0 [hbm:s6], $0xF7A  }
0x23: {  	s9 =	sor.u32 $0xD0000000, s2;
	s6 =	simm.s32 $0x108;
	_ =	swait.ge @!p0 [sflag:s8], $0x0  }
0x24: {  	s3 =	sadd.s32 $0x88, s3;
	s6 =	simm.s32 @!p1 $0x1082;
	[sflag:s4] =	ssyncset.s32 $0xFFFFF086  }
0x25: {  	[simem:s6], [sflag:s4] =	dma.local [hbm:s3], $0xF7A  }
0x26: {  	[smem:$0x3F81] =	sst s1;
	(tag) =	ssettag s2;
	_ =	strace s9  }
0x27: {  	s1 =	sld [smem:$0x3F91]  }
0x28: {  	s2 =	sld [smem:$0x3F92]  }
0x29: {  	s4 =	sld [smem:$0x3F94]  }
0x2a: {  	p0 =	seq.s32 s5, $0x0;
	s5 =	sld [smem:$0x3F95]  }
0x2b: {  	s6 =	sld [smem:$0x3F96]  }
0x2c: {  	s7 =	sld [smem:$0x3F97]  }
0x2d: {  	s3 =	simm.s32 $0x108;
	s8 =	sld [smem:$0x3F98]  }
0x2e: {  	s3 =	simm.s32 @!p0 $0x1082;
	s9 =	sld [smem:$0x3F99]  }
0x2f: {  	lr =	sadd.s32 s0, s3;
	s0 =	sld [smem:$0x3F90]  }
0x30: {  	s3 =	sld [smem:$0x3F93]  }
0x31: {  	[smem:$0x3F9C] =	sst s10  }
0x32: {  	s10 =	sld [smem:$0x3F9A];
	_ =	sdelay $0x3  }
0x33: {  	p0 =	seq.s32 s10, $0x1;
	s10 =	sld [smem:$0x3F9C];
	_ =	sdelay $0x3  }
0x34: {  	[smem:$0x3F9C] =	sst s10  }
0x35: {  	s10 =	sld [smem:$0x3F9B];
	_ =	sdelay $0x3  }
0x36: {  	p1 =	seq.s32 s10, $0x1;
	s10 =	sld [smem:$0x3F9C];
	_ =	sdelay $0x3  }
0x37: {  	[smem:$0x3F9C] =	sst s10  }
0x38: {  	s10 =	sld [smem:$0x3F9D]  }
0x39: {  	_ = 	snop;
	(pc) =	sbr.ind lr, $3  }
0x3a: {  	_ = 	snop  }
0x3b: {  	_ = 	snop  }
0x3c: {  	p2 =	seq.s32 s10, $0x1;
	s10 =	sld [smem:$0x3F9C]  }
0x3d: {  	_ =	shalt  }
0x3e: {  	_ =	shalt  }
0x3f: {  	_ =	shalt  }
0x40: {  	_ =	shalt  }
0x41: {  	_ =	shalt  }
0x42: {  	_ =	shalt  }
0x43: {  	_ =	shalt  }
0x44: {  	_ =	shalt  }
0x45: {  	_ =	shalt  }
0x46: {  	_ =	shalt  }
0x47: {  	_ =	shalt  }
0x48: {  	_ =	shalt  }
0x49: {  	_ =	shalt  }
0x4a: {  	_ =	shalt  }
0x4b: {  	_ =	shalt  }
0x4c: {  	_ =	shalt  }
0x4d: {  	_ =	shalt  }
0x4e: {  	_ =	shalt  }
0x4f: {  	_ =	shalt  }
0x50: {  	_ =	shalt  }
0x51: {  	_ =	shalt  }
0x52: {  	_ =	shalt  }
0x53: {  	_ =	shalt  }
0x54: {  	_ =	shalt  }
0x55: {  	_ =	shalt  }
0x56: {  	_ =	shalt  }
0x57: {  	_ =	shalt  }
0x58: {  	_ =	shalt  }
0x59: {  	_ =	shalt  }
0x5a: {  	_ =	shalt  }
0x5b: {  	_ =	shalt  }
0x5c: {  	_ =	shalt  }
0x5d: {  	_ =	shalt  }
0x5e: {  	_ =	shalt  }
0x5f: {  	_ =	shalt  }
0x60: {  	_ =	shalt  }
0x61: {  	_ =	shalt  }
0x62: {  	_ =	shalt  }
0x63: {  	_ =	shalt  }
0x64: {  	_ =	shalt  }
0x65: {  	_ =	shalt  }
0x66: {  	_ =	shalt  }
0x67: {  	_ =	shalt  }
0x68: {  	_ =	shalt  }
0x69: {  	_ =	shalt  }
0x6a: {  	_ =	shalt  }
0x6b: {  	_ =	shalt  }
0x6c: {  	_ =	shalt  }
0x6d: {  	_ =	shalt  }
0x6e: {  	_ =	shalt  }
0x6f: {  	_ =	shalt  }
0x70: {  	_ =	shalt  }
0x71: {  	_ =	shalt  }
0x72: {  	_ =	shalt  }
0x73: {  	_ =	shalt  }
0x74: {  	_ =	shalt  }
0x75: {  	_ =	shalt  }
0x76: {  	_ =	shalt  }
0x77: {  	_ =	shalt  }
0x78: {  	_ =	shalt  }
0x79: {  	_ =	shalt  }
0x7a: {  	_ =	shalt  }
0x7b: {  	_ =	shalt  }
0x7c: {  	_ =	shalt  }
0x7d: {  	_ =	shalt  }
0x7e: {  	_ =	shalt  }
0x7f: {  	_ =	shalt  }
0x80: {  	_ =	shalt  }
0x81: {  	_ =	shalt  }
0x82: {  	_ =	shalt  }
0x83: {  	_ =	shalt  }
0x84: {  	_ =	shalt  }
0x85: {  	_ =	shalt  }
0x86: {  	_ =	shalt  }
0x87: {  	_ =	shalt  }
.Lfunc_end0:
.L_simem_size_0:
called_computation.2_lowered:
.L_overlay_start_0:
0x88: {  	s2 =	sld [smem:$0x3FD9]  }
0x89: {  	s3 =	sld [smem:$0x3FFE];
	_ =	sdelay $0x1  }
0x8a: {  	s1 =	srdreg.scid  }
0x8b: {  	s0 =	sand.u32 $0x1, s1  }
0x8c: {  	s17 =	sshll.u32 s0, $0xA;
	s2 =	sadd.s32 s3, s2  }
0x8d: {  	s2 =	sadd.s32 s2, s17  }
0x8e: {  	[smem:$0x3FA8] =	sst s2  }
0x8f: {  	_ = 	snop  }
0x90: {  	(tm) =	ssettm $0x1  }
0x91: {  	s18 =	sld [smem:$0x3FFB];
	_ =	sdelay $0x3  }
0x92: {  	_ =	strace s18  }
0x93: {  	s2 =	sld [smem:$0x3FFC];
	_ =	sdelay $0x3  }
0x94: {  	_ =	strace s2  }
0x95: {  	s2 =	sld [smem:$0x3FFD];
	_ =	sdelay $0x3  }
0x96: {  	_ =	strace s2  }
0x97: {  	_ =	strace $0x8FFFFFFF  }
0x98: {  	s19 =	sld [smem:$0x3FDB];
	_ =	sdelay $0x1  }
0x99: {  	s20 =	simm.s32 $_scs_section_size  }
0x9a: {  	s4 =	simm.s32 $_size__tile_overlayer_lowered;
	s5 =	simm.s32 $_tile_overlayer_lowered  }
0x9b: {  	s6 =	simm.s32 $0x1BFF;
	s21 =	sshll.u32 s5, $0x1;
	s3 =	sadd.s32 s20, s19  }
0x9c: {  	s22 =	simm.s32 $0x0;
	s4 =	sshll.u32 s4, $0x1;
	s5 =	sadd.s32 s21, s3  }
0x9d: {  	[timem:s22], [sflag:s6] =	dma.local [hbm:s5], s4  }
0x9e: {  	_ =	swait.ge [sflag:s6], s4  }
0x9f: {  	s4 =	ssub.s32 $0x0, s4;
	[sflag:s6] =	ssyncset.done $0x0  }
0xa0: {  	[sflag:s6] =	ssyncadd.s32 s4;
	_ =	sdelay $0x1  }
0xa1: {  	s23 =	simm.s32 $0x1B8B  }
0xa2: {  	_ =	swait.ge [sflag:s23], $0x1  }
0xa3: {  	[sflag:s23] =	ssyncset.done $0x0  }
0xa4: {  	[sflag:s23] =	ssyncadd.s32 $0xFFFFFFFF  }
0xa5: {  	s4 =	sld [smem:$0x0]  }
0xa6: {  	s5 =	sand.u32 $0xFFFFFFFE, s1  }
0xa7: {  	p0 =	sne.s32 s1, s5  }
0xa8: {  	s5 =	sshll.u32 @p0 s5, $0xE  }
0xa9: {  	s5 =	sadd.s32 @p0 $0x11B8D, s5;
	s6 =	sshll.u32 @p0 s4, $0x11  }
0xaa: {  	s5 =	sor.u32 @p0 s6, s5  }
0xab: {  	[sflag:s5] =	ssyncadd.remote.s32 @p0 $0x1;
	_ =	sdelay $0x1  }
0xac: {  	s5 =	simm.s32 @p0 $0x1B8D  }
0xad: {  	_ =	swait.eq @p0 [sflag:s5], $0x1  }
0xae: {  	[sflag:s5] =	ssyncadd.s32 @p0 $0xFFFFFFFF  }
0xaf: {  	s6 =	sshll.u32 @!p0 s1, $0xE  }
0xb0: {  	s6 =	sor.u32 @!p0 $0x4000, s6;
	s5 =	simm.s32 @!p0 $0x1B8D  }
0xb1: {  	s4 =	sshll.u32 @!p0 s4, $0x11;
	s6 =	sadd.s32 @!p0 $0x11B8D, s6;
	_ =	swait.eq @!p0 [sflag:s5], $0x1  }
0xb2: {  	s4 =	sor.u32 @!p0 s4, s6;
	[sflag:s5] =	ssyncadd.s32 @!p0 $0xFFFFFFFF  }
0xb3: {  	s25 =	simm.s32 $0x1B8E;
	s24 =	sld [smem:$0x3FFE];
	[sflag:s4] =	ssyncadd.remote.s32 @!p0 $0x1  }
0xb4: {  	s26 =	simm.s32 $execute0_lowered;
	[smem:$0x3FD2] =	sst s25  }
0xb5: {  	s5 =	sshll.u32 s26, $0x1;
	_ =	strace $0x80000049;
	[dreg:$0x1] =	wrdreg $0xFFFFFFFF  }
0xb6: {  	s28 =	simm.s32 $_size_execute0_lowered;
	s3 =	sadd.s32 s3, s5;
	[dreg:$0x0] =	wrdreg $0x0  }
0xb7: {  	s5 =	sshll.u32 s28, $0x1;
	[dreg:$0x2] =	wrdreg s3  }
0xb8: {  	[dreg:$0x3] =	wrdreg s5  }
0xb9: {  	[dreg:$0x4] =	wrdreg $0xC0  }
0xba: {  	_ =	task [dreg:s22], $0x5FFFF  }
0xbb: {  	[dreg:$0x1] =	wrdreg $0xFFFFFFFF  }
0xbc: {  	[dreg:$0x0] =	wrdreg $0x60  }
0xbd: {  	[dreg:$0x2] =	wrdreg s24  }
0xbe: {  	[dreg:$0x3] =	wrdreg $0xB  }
0xbf: {  	_ =	task.clear_ibuf [dreg:s22], $0x4FFFF;
	_ =	strace $0x90000049  }
0xc0: {  	s29 =	simm.s32 $0xB;
	_ =	strace $0x8000004B  }
0xc1: {  	_ =	swait.ge [sflag:s29], $0x1  }
0xc2: {  	[sflag:s29] =	ssyncadd.s32 $0xFFFFFFFF  }
0xc3: {  	_ =	strace $0x9000004B  }
0xc4: {  	_ =	sfence  }
0xc5: {  	s30 =	sld [smem:$0x0];
	_ =	sdelay $0x2  }
0xc6: {  	s31 =	sshll.u32 s1, $0xD;
	s1 =	sshrl.u32 s1, $0x2  }
0xc7: {  	s4 =	sand.u32 $0x4000, s31;
	s1 =	sadd.s32 s1, s30  }
0xc8: {  	s0 =	sor.u32 s4, s0;
	s1 =	sshll.u32 s1, $0x11  }
0xc9: {  	s0 =	sor.u32 s1, s0  }
0xca: {  	s0 =	sadd.s32 $0x8F2B, s0  }
0xcb: {  	[sflag:s0] =	ssyncadd.remote.s32 $0x1  }
0xcc: {  	_ =	sfence.sel $0xFFFF  }
0xcd: {  	[dreg:$0x0] =	wrdreg $0xFFFFFFFF;
	(pc) =	sbr.abs _section_cstart, $3  }
0xce: {  	[dreg:$0x1] =	wrdreg $0xFFFFFFFF  }
0xcf: {  	_ =	task.clear_ibuf [dreg:s22], $0x2FFFF;
	_ =	strace $0x9FFFFFFF  }
0xd0: {  	(tm) =	ssettm $0x7FFFFFFF  }
0xd1: {  	_ =	shalt  }
tec
execute0_lowered:
.L_overlay_start_1:
0x0: {  	(tag) =	ssettag $0x1  }
0x1: {  	s4 =	rddreg [dreg:$0x0]  }
0x2: {  	s0 =	rddreg [dreg:$0x1];
	s2 =	simm.s32 $0x0;
	s1 =	stileid.u32  }
0x3: {  	s3 =	srdreg.scid;
	s10 =	simm.s32 $0x0;
	s6 =	smul.u32 $0x1400, s1  }
0x4: {  	[smem:$0x7FF] =	sst s2;
	s5 =	sand.u32 $0x1, s3;
	s8 =	smul.u32 $0x14000, s1  }
0x5: {  	s3 =	sadd.s32 $0x30400, s4;
	s7 =	smul.u32 $0xA00, s5;
	s9 =	ssub.s32 $0x2, s5  }
0x6: {  	_ =	strace $0x8000004A;
	s5 =	smul.u32 $0xA000, s5;
	s31 =	sshrl.u32 s9, $0x1  }
0x7: {  	s8 =	sadd.s32 s8, s4;
	s6 =	sadd.s32 s7, s6;
	s7 =	ssub.s32 s9, s31  }
0x8: {  	s5 =	sadd.s32 s5, s8;
	s8 =	simm.s32 $0x80;
	s6 =	sshrl.u32 s6, $0x3  }
0x9: {  	s9 =	simm.s32 $0x1;
	s5 =	sadd.s32 $0x1C2C00, s5;
	s6 =	sadd.s32 s6, s4  }
0xa: {  	s4 =	smax.u32 s7, $0x1;
	s7 =	simm.s32 $0x2;
	s6 =	sadd.s32 $0x1C0400, s6  }
.LBB2_1:
0xb: {  	s11 =	sadd.s32 $0x0, s6  }
0xc: {  	[tilespmem:s2], [sflag:$0x2] =	stream.linear.gather [hbm4b:s11+s2], $0x80, $0x38;
	[tilespmem:$0x4080] =	vst v63  }
0xd: {  	_ =	swait.ge [sflag:s7], $0x80  }
0xe: {  	[sflag:s7] =	ssyncset.done $0x0  }
0xf: {  	[sflag:s7] =	ssyncadd.s32 $0xFFFFFF80  }
0x10: {  	[tilespmem:s8], [sflag:$0x1] =	stream.indirect.gather [hbm4b:s3+s8], $0x80, s2, s8, $0xb8;
	[tilespmem:$0x4080] =	vst v63  }
0x11: {  	_ =	swait.ge [sflag:s9], $0x4000  }
0x12: {  	[sflag:s9] =	ssyncset.done $0x0  }
0x13: {  	[sflag:s9] =	ssyncadd.s32 $0xFFFFC000  }
0x14: {  	[hbm4b:s5+s2] =	stream.linear.scatter [tilespmem:s8], [sflag:$0x2], $0x4000, $0x38;
	[tilespmem:$0x4080] =	vst v63  }
0x15: {  	s12 =	simm.s32 $0x10;
	_ =	swait.ge [sflag:s7], $0x4000  }
0x16: {  	s13 =	simm.s32 $0x20;
	s11 =	sadd.s32 $0x800, s5;
	[sflag:s7] =	ssyncset.done $0x0  }
.LBB2_2:
0x17: {  	s14 =	sadd.s32 s12, s6  }
0x18: {  	[sflag:s7] =	ssyncadd.s32 $0xFFFFC000;
	s12 =	smov.u32 s13;
	s15 =	sadd.s32 $0x10, s13  }
0x19: {  	[tilespmem:s2], [sflag:$0x2] =	stream.linear.gather [hbm4b:s14+s2], $0x80, $0x38;
	[tilespmem:$0x4080] =	vst v63  }
0x1a: {  	p0 =	sne.s32 s13, $0x130;
	_ =	swait.ge [sflag:s7], $0x80  }
0x1b: {  	[sflag:s7] =	ssyncset.done $0x0  }
0x1c: {  	[sflag:s7] =	ssyncadd.s32 $0xFFFFFF80  }
0x1d: {  	[tilespmem:s8], [sflag:$0x1] =	stream.indirect.gather [hbm4b:s3+s8], $0x80, s2, s8, $0xb8;
	[tilespmem:$0x4080] =	vst v63  }
0x1e: {  	_ =	swait.ge [sflag:s9], $0x4000  }
.Ltmp0:
0x1f: {  	[sflag:s9] =	ssyncset.done $0x0;
	(pc) =	sbr.rel @p0 .LBB2_2-.Ltmp0, $4  }
0x20: {  	[sflag:s9] =	ssyncadd.s32 $0xFFFFC000  }
0x21: {  	[hbm4b:s11+s2] =	stream.linear.scatter [tilespmem:s8], [sflag:$0x2], $0x4000, $0x38;
	[tilespmem:$0x4080] =	vst v63  }
0x22: {  	_ =	swait.ge [sflag:s7], $0x4000  }
0x23: {  	s13 =	smov.u32 s15;
	s11 =	sadd.s32 $0x800, s11;
	[sflag:s7] =	ssyncset.done $0x0  }
0x24: {  	s12 =	sadd.s32 s12, s6;
	[sflag:s7] =	ssyncadd.s32 $0xFFFFC000  }
0x25: {  	[tilespmem:s2], [sflag:$0x2] =	stream.linear.gather [hbm4b:s12+s2], $0x80, $0x38;
	[tilespmem:$0x4080] =	vst v63  }
0x26: {  	_ =	swait.ge [sflag:s7], $0x80  }
0x27: {  	[sflag:s7] =	ssyncset.done $0x0  }
0x28: {  	[sflag:s7] =	ssyncadd.s32 $0xFFFFFF80  }
0x29: {  	[tilespmem:s8], [sflag:$0x1] =	stream.indirect.gather [hbm4b:s3+s8], $0x80, s2, s8, $0xb8;
	[tilespmem:$0x4080] =	vst v63  }
0x2a: {  	s10 =	sadd.s32 $0x1, s10;
	_ =	swait.ge [sflag:s9], $0x4000  }
0x2b: {  	p0 =	sne.s32 s10, s4;
	[sflag:s9] =	ssyncset.done $0x0  }
.Ltmp1:
0x2c: {  	[sflag:s9] =	ssyncadd.s32 $0xFFFFC000;
	(pc) =	sbr.rel @p0 .LBB2_1-.Ltmp1, $4  }
0x2d: {  	[hbm4b:s11+s2] =	stream.linear.scatter [tilespmem:s8], [sflag:$0x2], $0x4000, $0x38;
	[tilespmem:$0x4080] =	vst v63  }
0x2e: {  	_ =	swait.ge [sflag:s7], $0x4000  }
0x2f: {  	[sflag:s7] =	ssyncset.done $0x0  }
0x30: {  	[sflag:s7] =	ssyncadd.s32 $0xFFFFC000  }
0x31: {  	_ =	sfence.sel $0x180000  }
0x32: {  	[bflag:$0x0] =	sbarrier.arrive $0xFFFF  }
0x33: {  	p0 =	sne.s32 s1, $0x0;
	_ =	strace $0x9000004A  }
0x34: {  	s0 =	sadd.s32 @!p0 $0x100000, s0;
	[bflag:$0x2] =	sbarrier.arrive $0xFFFF  }
0x35: {  	[sflag:s0] =	ssyncadd.tile.s32 @!p0 $0x1;
	_ =	shalt  }
.Lfunc_end2:
_tile_overlayer_lowered:
.L_overlay_start_2:
0x36: {  	(tag) =	ssettag $0x2  }
0x37: {  	s0 =	rddreg [dreg:$0x0];
	s2 =	stileid.u32  }
0x38: {  	s1 =	rddreg [dreg:$0x1];
	p0 =	sne.s32 s2, $0x0  }
0x39: {  	s3 =	rddreg [dreg:$0x2];
	[bflag:$0x3] =	sbarrier.arrive $0xFFFF;
	s2 =	simm.s32 @!p0 $0x1C02  }
0x3a: {  	[timem:s3], [sflag:s2] =	dma.local @!p0 [hbm:s0], s1  }
0x3b: {  	s0 =	simm.s32 @!p0 $0x2  }
0x3c: {  	_ =	swait.ge @!p0 [sflag:s0], s1  }
0x3d: {  	s1 =	ssub.s32 @!p0 $0x0, s1;
	[sflag:s0] =	ssyncset.done @!p0 $0x0  }
0x3e: {  	[sflag:s0] =	ssyncadd.s32 @!p0 s1  }
0x3f: {  	[bflag:$0x3] =	sbarrier.arrive $0xFFFF  }
0x40: {  	_ =	shalt  }

// kernel: kernel.24.cloned.1.call-start
scs
__scs_entry_jumppad:
0x0: {  	(pc) =	sbr.rel $0x88, $3  }
0x1: {  	(tag) =	ssettag $0x0;
	lr =	simm.s32 $0x1  }
0x2: {  	[smem:$0x3F81] =	sst lr;
	_ =	strace $0xD0000000  }
0x3: {  	_ = 	snop  }
0x4: {  	_ = 	snop  }
0x5: {  	_ = 	snop  }
0x6: {  	_ = 	snop  }
0x7: {  	_ = 	snop  }
__scs_overlays_trampoline_lowered:
0x8: {  	[smem:$0x3F90] =	sst s0  }
0x9: {  	[smem:$0x3F91] =	sst s1  }
0xa: {  	[smem:$0x3F92] =	sst s2  }
0xb: {  	[smem:$0x3F93] =	sst s3  }
0xc: {  	[smem:$0x3F94] =	sst s4  }
0xd: {  	[smem:$0x3F95] =	sst s5  }
0xe: {  	[smem:$0x3F96] =	sst s6  }
0xf: {  	[smem:$0x3F97] =	sst s7  }
0x10: {  	[smem:$0x3F98] =	sst s8  }
0x11: {  	[smem:$0x3F99] =	sst s9;
	s0 =	simm.s32 @!p0 $0x0  }
0x12: {  	s1 =	sld [smem:$0x3F7F];
	s0 =	simm.s32 @p0 $0x1  }
0x13: {  	[smem:$0x3F9A] =	sst s0;
	s0 =	simm.s32 @!p1 $0x0  }
0x14: {  	s2 =	sld [smem:$0x3F7E];
	s0 =	simm.s32 @p1 $0x1  }
0x15: {  	[smem:$0x3F9B] =	sst s0;
	s0 =	simm.s32 @!p2 $0x0  }
0x16: {  	s3 =	sld [smem:$0x3FDB];
	s0 =	simm.s32 @p2 $0x1  }
0x17: {  	s4 =	simm.s32 $0x1BF5;
	[smem:$0x3F9D] =	sst s0  }
0x18: {  	s0 =	sld [smem:$0x3F80];
	_ =	swait.ge [sflag:s4], $0x0  }
0x19: {  	s7 =	sld [smem:$0x3F81]  }
0x1a: {  	s8 =	sadd.s32 $0xFFFFE003, lr  }
0x1b: {  	s9 =	sadd.s32 $0xFFFFFEF7, lr;
	s5 =	simm.s32 $0xFFFFFFFF;
	p2 =	slt.u32 s8, $0xFFFFF086  }
0x1c: {  	p1 =	slt.u32 s9, $0xF7A;
	s5 =	simm.s32 @!p2 $0x0  }
0x1d: {  	s5 =	simm.s32 @p1 $0x1;
	p0 =	seq.s32 s7, s2  }
0x1e: {  	s7 =	smul.u32 @!p0 $0xF7A, s2;
	p2 =	seq.s32 @!p0 s5, $0x0  }
0x1f: {  	s9 =	smul.u32 $0xF7A, s1;
	s8 =	simm.s32 @!p0 $0x1BF5;
	p2 =	por !p2, p0  }
0x20: {  	[sflag:s8] =	ssyncset.s32 @!p0 $0xFFFFF086;
	s6 =	sadd.s32 @!p0 s3, s7;
	s7 =	simm.s32 @!p0 $0x108  }
0x21: {  	s3 =	sadd.s32 s3, s9;
	s6 =	sadd.s32 @!p0 $0x88, s6;
	s7 =	simm.s32 @p2 $0x1082  }
0x22: {  	[simem:s7], [sflag:s8] =	dma.local @!p0 [hbm:s6], $0xF7A  }
0x23: {  	s9 =	sor.u32 $0xD0000000, s2;
	s6 =	simm.s32 $0x108;
	_ =	swait.ge @!p0 [sflag:s8], $0x0  }
0x24: {  	s3 =	sadd.s32 $0x88, s3;
	s6 =	simm.s32 @!p1 $0x1082;
	[sflag:s4] =	ssyncset.s32 $0xFFFFF086  }
0x25: {  	[simem:s6], [sflag:s4] =	dma.local [hbm:s3], $0xF7A  }
0x26: {  	[smem:$0x3F81] =	sst s1;
	(tag) =	ssettag s2;
	_ =	strace s9  }
0x27: {  	s1 =	sld [smem:$0x3F91]  }
0x28: {  	s2 =	sld [smem:$0x3F92]  }
0x29: {  	s4 =	sld [smem:$0x3F94]  }
0x2a: {  	p0 =	seq.s32 s5, $0x0;
	s5 =	sld [smem:$0x3F95]  }
0x2b: {  	s6 =	sld [smem:$0x3F96]  }
0x2c: {  	s7 =	sld [smem:$0x3F97]  }
0x2d: {  	s3 =	simm.s32 $0x108;
	s8 =	sld [smem:$0x3F98]  }
0x2e: {  	s3 =	simm.s32 @!p0 $0x1082;
	s9 =	sld [smem:$0x3F99]  }
0x2f: {  	lr =	sadd.s32 s0, s3;
	s0 =	sld [smem:$0x3F90]  }
0x30: {  	s3 =	sld [smem:$0x3F93]  }
0x31: {  	[smem:$0x3F9C] =	sst s10  }
0x32: {  	s10 =	sld [smem:$0x3F9A];
	_ =	sdelay $0x3  }
0x33: {  	p0 =	seq.s32 s10, $0x1;
	s10 =	sld [smem:$0x3F9C];
	_ =	sdelay $0x3  }
0x34: {  	[smem:$0x3F9C] =	sst s10  }
0x35: {  	s10 =	sld [smem:$0x3F9B];
	_ =	sdelay $0x3  }
0x36: {  	p1 =	seq.s32 s10, $0x1;
	s10 =	sld [smem:$0x3F9C];
	_ =	sdelay $0x3  }
0x37: {  	[smem:$0x3F9C] =	sst s10  }
0x38: {  	s10 =	sld [smem:$0x3F9D]  }
0x39: {  	_ = 	snop;
	(pc) =	sbr.ind lr, $3  }
0x3a: {  	_ = 	snop  }
0x3b: {  	_ = 	snop  }
0x3c: {  	p2 =	seq.s32 s10, $0x1;
	s10 =	sld [smem:$0x3F9C]  }
0x3d: {  	_ =	shalt  }
0x3e: {  	_ =	shalt  }
0x3f: {  	_ =	shalt  }
0x40: {  	_ =	shalt  }
0x41: {  	_ =	shalt  }
0x42: {  	_ =	shalt  }
0x43: {  	_ =	shalt  }
0x44: {  	_ =	shalt  }
0x45: {  	_ =	shalt  }
0x46: {  	_ =	shalt  }
0x47: {  	_ =	shalt  }
0x48: {  	_ =	shalt  }
0x49: {  	_ =	shalt  }
0x4a: {  	_ =	shalt  }
0x4b: {  	_ =	shalt  }
0x4c: {  	_ =	shalt  }
0x4d: {  	_ =	shalt  }
0x4e: {  	_ =	shalt  }
0x4f: {  	_ =	shalt  }
0x50: {  	_ =	shalt  }
0x51: {  	_ =	shalt  }
0x52: {  	_ =	shalt  }
0x53: {  	_ =	shalt  }
0x54: {  	_ =	shalt  }
0x55: {  	_ =	shalt  }
0x56: {  	_ =	shalt  }
0x57: {  	_ =	shalt  }
0x58: {  	_ =	shalt  }
0x59: {  	_ =	shalt  }
0x5a: {  	_ =	shalt  }
0x5b: {  	_ =	shalt  }
0x5c: {  	_ =	shalt  }
0x5d: {  	_ =	shalt  }
0x5e: {  	_ =	shalt  }
0x5f: {  	_ =	shalt  }
0x60: {  	_ =	shalt  }
0x61: {  	_ =	shalt  }
0x62: {  	_ =	shalt  }
0x63: {  	_ =	shalt  }
0x64: {  	_ =	shalt  }
0x65: {  	_ =	shalt  }
0x66: {  	_ =	shalt  }
0x67: {  	_ =	shalt  }
0x68: {  	_ =	shalt  }
0x69: {  	_ =	shalt  }
0x6a: {  	_ =	shalt  }
0x6b: {  	_ =	shalt  }
0x6c: {  	_ =	shalt  }
0x6d: {  	_ =	shalt  }
0x6e: {  	_ =	shalt  }
0x6f: {  	_ =	shalt  }
0x70: {  	_ =	shalt  }
0x71: {  	_ =	shalt  }
0x72: {  	_ =	shalt  }
0x73: {  	_ =	shalt  }
0x74: {  	_ =	shalt  }
0x75: {  	_ =	shalt  }
0x76: {  	_ =	shalt  }
0x77: {  	_ =	shalt  }
0x78: {  	_ =	shalt  }
0x79: {  	_ =	shalt  }
0x7a: {  	_ =	shalt  }
0x7b: {  	_ =	shalt  }
0x7c: {  	_ =	shalt  }
0x7d: {  	_ =	shalt  }
0x7e: {  	_ =	shalt  }
0x7f: {  	_ =	shalt  }
0x80: {  	_ =	shalt  }
0x81: {  	_ =	shalt  }
0x82: {  	_ =	shalt  }
0x83: {  	_ =	shalt  }
0x84: {  	_ =	shalt  }
0x85: {  	_ =	shalt  }
0x86: {  	_ =	shalt  }
0x87: {  	_ =	shalt  }
.Lfunc_end0:
.L_simem_size_0:
called_computation.3_lowered:
.L_overlay_start_0:
0x88: {  	s2 =	sld [smem:$0x3FD9]  }
0x89: {  	s3 =	sld [smem:$0x3FFE];
	_ =	sdelay $0x1  }
0x8a: {  	s1 =	srdreg.scid  }
0x8b: {  	s0 =	sand.u32 $0x1, s1  }
0x8c: {  	s16 =	sshll.u32 s0, $0xA;
	s2 =	sadd.s32 s3, s2  }
0x8d: {  	s2 =	sadd.s32 s2, s16  }
0x8e: {  	[smem:$0x3FA8] =	sst s2  }
0x8f: {  	_ = 	snop  }
0x90: {  	(tm) =	ssettm $0x1  }
0x91: {  	s17 =	sld [smem:$0x3FFB];
	_ =	sdelay $0x3  }
0x92: {  	_ =	strace s17  }
0x93: {  	s2 =	sld [smem:$0x3FFC];
	_ =	sdelay $0x3  }
0x94: {  	_ =	strace s2  }
0x95: {  	s2 =	sld [smem:$0x3FFD];
	_ =	sdelay $0x3  }
0x96: {  	_ =	strace s2  }
0x97: {  	_ =	strace $0x8FFFFFFF  }
0x98: {  	s18 =	sld [smem:$0x3FDB];
	_ =	sdelay $0x1  }
0x99: {  	s19 =	simm.s32 $_scs_section_size  }
0x9a: {  	s4 =	simm.s32 $_size__tile_overlayer_lowered;
	s5 =	simm.s32 $_tile_overlayer_lowered  }
0x9b: {  	s22 =	simm.s32 $0x1BFF;
	s21 =	sshll.u32 s5, $0x1;
	s2 =	sadd.s32 s19, s18  }
0x9c: {  	s6 =	simm.s32 $0x0;
	s20 =	sshll.u32 s4, $0x1;
	s4 =	sadd.s32 s21, s2  }
0x9d: {  	[timem:s6], [sflag:s22] =	dma.local [hbm:s4], s20  }
0x9e: {  	_ =	swait.ge [sflag:s22], s20  }
0x9f: {  	s3 =	ssub.s32 $0x0, s20;
	[sflag:s22] =	ssyncset.done $0x0  }
0xa0: {  	[sflag:s22] =	ssyncadd.s32 s3;
	_ =	sdelay $0x1  }
0xa1: {  	s23 =	simm.s32 $0x1B8B  }
0xa2: {  	_ =	swait.ge [sflag:s23], $0x1  }
0xa3: {  	[sflag:s23] =	ssyncset.done $0x0  }
0xa4: {  	s25 =	simm.s32 $0x1B8E;
	s24 =	sld [smem:$0x3FFE];
	[sflag:s23] =	ssyncadd.s32 $0xFFFFFFFF  }
0xa5: {  	s26 =	simm.s32 $execute0_lowered;
	[smem:$0x3FD2] =	sst s25  }
0xa6: {  	s4 =	sshll.u32 s26, $0x1;
	_ =	strace $0x80000046;
	[dreg:$0x1] =	wrdreg $0xFFFFFFFF  }
0xa7: {  	s28 =	simm.s32 $_size_execute0_lowered;
	s2 =	sadd.s32 s2, s4;
	[dreg:$0x0] =	wrdreg $0x0  }
0xa8: {  	s4 =	sshll.u32 s28, $0x1;
	[dreg:$0x2] =	wrdreg s2  }
0xa9: {  	[dreg:$0x3] =	wrdreg s4  }
0xaa: {  	[dreg:$0x4] =	wrdreg $0xC0  }
0xab: {  	_ =	task [dreg:s6], $0x5FFFF  }
0xac: {  	[dreg:$0x1] =	wrdreg $0xFFFFFFFF  }
0xad: {  	[dreg:$0x0] =	wrdreg $0x60  }
0xae: {  	[dreg:$0x2] =	wrdreg s24  }
0xaf: {  	[dreg:$0x3] =	wrdreg $0xC  }
0xb0: {  	_ =	task.clear_ibuf [dreg:s6], $0x4FFFF;
	_ =	strace $0x90000046  }
0xb1: {  	s29 =	simm.s32 $0xC;
	_ =	strace $0x80000048  }
0xb2: {  	_ =	swait.ge [sflag:s29], $0x1  }
0xb3: {  	[sflag:s29] =	ssyncadd.s32 $0xFFFFFFFF  }
0xb4: {  	_ =	strace $0x90000048  }
0xb5: {  	_ =	sfence  }
0xb6: {  	s30 =	sld [smem:$0x0];
	_ =	sdelay $0x2  }
0xb7: {  	s31 =	sshll.u32 s1, $0xD;
	s1 =	sshrl.u32 s1, $0x2  }
0xb8: {  	s3 =	sand.u32 $0x4000, s31;
	s1 =	sadd.s32 s1, s30  }
0xb9: {  	s0 =	sor.u32 s3, s0;
	s1 =	sshll.u32 s1, $0x11  }
0xba: {  	s0 =	sor.u32 s1, s0  }
0xbb: {  	s0 =	sadd.s32 $0x8F2B, s0  }
0xbc: {  	[sflag:s0] =	ssyncadd.remote.s32 $0x1  }
0xbd: {  	_ =	sfence.sel $0xFFFF  }
0xbe: {  	[dreg:$0x0] =	wrdreg $0xFFFFFFFF;
	(pc) =	sbr.abs _section_cstart, $3  }
0xbf: {  	[dreg:$0x1] =	wrdreg $0xFFFFFFFF  }
0xc0: {  	_ =	task.clear_ibuf [dreg:s6], $0x2FFFF;
	_ =	strace $0x9FFFFFFF  }
0xc1: {  	(tm) =	ssettm $0x7FFFFFFF  }
tec
execute0_lowered:
.L_overlay_start_1:
0x0: {  	(tag) =	ssettag $0x1  }
0x1: {  	s4 =	rddreg [dreg:$0x0]  }
0x2: {  	s0 =	rddreg [dreg:$0x1];
	s2 =	simm.s32 $0x0;
	s1 =	stileid.u32  }
0x3: {  	s3 =	srdreg.scid;
	s10 =	simm.s32 $0x0;
	s6 =	smul.u32 $0x1400, s1  }
0x4: {  	[smem:$0x7FF] =	sst s2;
	s5 =	sand.u32 $0x1, s3;
	s8 =	smul.u32 $0x14000, s1  }
0x5: {  	s3 =	sadd.s32 $0x30400, s4;
	s7 =	smul.u32 $0xA00, s5;
	s9 =	ssub.s32 $0x2, s5  }
0x6: {  	_ =	strace $0x80000047;
	s5 =	smul.u32 $0xA000, s5;
	s31 =	sshrl.u32 s9, $0x1  }
0x7: {  	s8 =	sadd.s32 s8, s4;
	s6 =	sadd.s32 s7, s6;
	s7 =	ssub.s32 s9, s31  }
0x8: {  	s5 =	sadd.s32 s5, s8;
	s8 =	simm.s32 $0x80;
	s6 =	sshrl.u32 s6, $0x3  }
0x9: {  	s9 =	simm.s32 $0x1;
	s5 =	sadd.s32 $0x80400, s5;
	s6 =	sadd.s32 s6, s4  }
0xa: {  	s4 =	smax.u32 s7, $0x1;
	s7 =	simm.s32 $0x2;
	s6 =	sadd.s32 $0x5C00, s6  }
.LBB2_1:
0xb: {  	s11 =	sadd.s32 $0x0, s6  }
0xc: {  	[tilespmem:s2], [sflag:$0x2] =	stream.linear.gather [hbm4b:s11+s2], $0x80, $0x38;
	[tilespmem:$0x4080] =	vst v63  }
0xd: {  	_ =	swait.ge [sflag:s7], $0x80  }
0xe: {  	[sflag:s7] =	ssyncset.done $0x0  }
0xf: {  	[sflag:s7] =	ssyncadd.s32 $0xFFFFFF80  }
0x10: {  	[tilespmem:s8], [sflag:$0x1] =	stream.indirect.gather [hbm4b:s3+s8], $0x80, s2, s8, $0xb8;
	[tilespmem:$0x4080] =	vst v63  }
0x11: {  	_ =	swait.ge [sflag:s9], $0x4000  }
0x12: {  	[sflag:s9] =	ssyncset.done $0x0  }
0x13: {  	[sflag:s9] =	ssyncadd.s32 $0xFFFFC000  }
0x14: {  	[hbm4b:s5+s2] =	stream.linear.scatter [tilespmem:s8], [sflag:$0x2], $0x4000, $0x38;
	[tilespmem:$0x4080] =	vst v63  }
0x15: {  	s12 =	simm.s32 $0x10;
	_ =	swait.ge [sflag:s7], $0x4000  }
0x16: {  	s13 =	simm.s32 $0x20;
	s11 =	sadd.s32 $0x800, s5;
	[sflag:s7] =	ssyncset.done $0x0  }
.LBB2_2:
0x17: {  	s14 =	sadd.s32 s12, s6  }
0x18: {  	[sflag:s7] =	ssyncadd.s32 $0xFFFFC000;
	s12 =	smov.u32 s13;
	s15 =	sadd.s32 $0x10, s13  }
0x19: {  	[tilespmem:s2], [sflag:$0x2] =	stream.linear.gather [hbm4b:s14+s2], $0x80, $0x38;
	[tilespmem:$0x4080] =	vst v63  }
0x1a: {  	p0 =	sne.s32 s13, $0x130;
	_ =	swait.ge [sflag:s7], $0x80  }
0x1b: {  	[sflag:s7] =	ssyncset.done $0x0  }
0x1c: {  	[sflag:s7] =	ssyncadd.s32 $0xFFFFFF80  }
0x1d: {  	[tilespmem:s8], [sflag:$0x1] =	stream.indirect.gather [hbm4b:s3+s8], $0x80, s2, s8, $0xb8;
	[tilespmem:$0x4080] =	vst v63  }
0x1e: {  	_ =	swait.ge [sflag:s9], $0x4000  }
.Ltmp0:
0x1f: {  	[sflag:s9] =	ssyncset.done $0x0;
	(pc) =	sbr.rel @p0 .LBB2_2-.Ltmp0, $4  }
0x20: {  	[sflag:s9] =	ssyncadd.s32 $0xFFFFC000  }
0x21: {  	[hbm4b:s11+s2] =	stream.linear.scatter [tilespmem:s8], [sflag:$0x2], $0x4000, $0x38;
	[tilespmem:$0x4080] =	vst v63  }
0x22: {  	_ =	swait.ge [sflag:s7], $0x4000  }
0x23: {  	s13 =	smov.u32 s15;
	s11 =	sadd.s32 $0x800, s11;
	[sflag:s7] =	ssyncset.done $0x0  }
0x24: {  	s12 =	sadd.s32 s12, s6;
	[sflag:s7] =	ssyncadd.s32 $0xFFFFC000  }
0x25: {  	[tilespmem:s2], [sflag:$0x2] =	stream.linear.gather [hbm4b:s12+s2], $0x80, $0x38;
	[tilespmem:$0x4080] =	vst v63  }
0x26: {  	_ =	swait.ge [sflag:s7], $0x80  }
0x27: {  	[sflag:s7] =	ssyncset.done $0x0  }
0x28: {  	[sflag:s7] =	ssyncadd.s32 $0xFFFFFF80  }
0x29: {  	[tilespmem:s8], [sflag:$0x1] =	stream.indirect.gather [hbm4b:s3+s8], $0x80, s2, s8, $0xb8;
	[tilespmem:$0x4080] =	vst v63  }
0x2a: {  	s10 =	sadd.s32 $0x1, s10;
	_ =	swait.ge [sflag:s9], $0x4000  }
0x2b: {  	p0 =	sne.s32 s10, s4;
	[sflag:s9] =	ssyncset.done $0x0  }
.Ltmp1:
0x2c: {  	[sflag:s9] =	ssyncadd.s32 $0xFFFFC000;
	(pc) =	sbr.rel @p0 .LBB2_1-.Ltmp1, $4  }
0x2d: {  	[hbm4b:s11+s2] =	stream.linear.scatter [tilespmem:s8], [sflag:$0x2], $0x4000, $0x38;
	[tilespmem:$0x4080] =	vst v63  }
0x2e: {  	_ =	swait.ge [sflag:s7], $0x4000  }
0x2f: {  	[sflag:s7] =	ssyncset.done $0x0  }
0x30: {  	[sflag:s7] =	ssyncadd.s32 $0xFFFFC000  }
0x31: {  	_ =	sfence.sel $0x180000  }
0x32: {  	[bflag:$0x0] =	sbarrier.arrive $0xFFFF  }
0x33: {  	p0 =	sne.s32 s1, $0x0;
	_ =	strace $0x90000047  }
0x34: {  	s0 =	sadd.s32 @!p0 $0x100000, s0;
	[bflag:$0x2] =	sbarrier.arrive $0xFFFF  }
0x35: {  	[sflag:s0] =	ssyncadd.tile.s32 @!p0 $0x1;
	_ =	shalt  }
.Lfunc_end2:
_tile_overlayer_lowered:
.L_overlay_start_2:
0x36: {  	(tag) =	ssettag $0x2  }
0x37: {  	s0 =	rddreg [dreg:$0x0];
	s2 =	stileid.u32  }
0x38: {  	s1 =	rddreg [dreg:$0x1];
	p0 =	sne.s32 s2, $0x0  }
0x39: {  	s3 =	rddreg [dreg:$0x2];
	[bflag:$0x3] =	sbarrier.arrive $0xFFFF;
	s2 =	simm.s32 @!p0 $0x1C02  }
0x3a: {  	[timem:s3], [sflag:s2] =	dma.local @!p0 [hbm:s0], s1  }
0x3b: {  	s0 =	simm.s32 @!p0 $0x2  }
0x3c: {  	_ =	swait.ge @!p0 [sflag:s0], s1  }
0x3d: {  	s1 =	ssub.s32 @!p0 $0x0, s1;
	[sflag:s0] =	ssyncset.done @!p0 $0x0  }
0x3e: {  	[sflag:s0] =	ssyncadd.s32 @!p0 s1  }
0x3f: {  	[bflag:$0x3] =	sbarrier.arrive $0xFFFF  }
0x40: {  	_ =	shalt  }

</sc_bundles>
